<compile_context>
chip_gen: v7x
topology: tpu7x:2x2x1
jax: 0.10.2.dev20260603
libtpu: 0.0.44.dev20260713+nightly
codegen_flags: <defaults>
</compile_context>

<pallas_src>
import functools

import jax
import jax.numpy as jnp
from jax import lax
from jax.experimental import pallas as pl
from jax.experimental.pallas import tpu as pltpu
from jax.experimental.pallas import tpu_sc as plsc

NUM_ITEMS = 20000
NUM_USERS = 2048
D = 64
BATCH = 512
S = 20
C_IMP = 0.5

NC = 2
NS = 16
NW = NC * NS
RPW = BATCH // NW
P2 = 32

ROWS = 64
RBLKS = BATCH // ROWS

_sc_mesh = functools.partial(
    plsc.VectorSubcoreMesh, core_axis_name="c", subcore_axis_name="s"
)
_sc_params = pltpu.CompilerParams(needs_layout_passes=False)


NBUF = 6


@functools.partial(
    pl.kernel,
    out_type=(
        jax.ShapeDtypeStruct((BATCH, NUM_ITEMS), jnp.float32),
        jax.ShapeDtypeStruct((BATCH, P2), jnp.float32),
    ),
    mesh=_sc_mesh(),
    scratch_types=[
        pltpu.VMEM((RPW,), jnp.int32),
        pltpu.VMEM((RPW, P2), jnp.int32),
    ] + [pltpu.VMEM((NUM_ITEMS,), jnp.float32) for _ in range(NBUF)] + [
        pltpu.VMEM((RPW, P2), jnp.float32),
    ] + [pltpu.SemaphoreType.DMA for _ in range(2 * NBUF)],
    compiler_params=_sc_params,
)
def _gather_rows(table_hbm, uid_hbm, ids_hbm, beta_hbm, bsel_hbm,
                 uid_s, ids_v, *scratch):
    rows_b = scratch[:NBUF]
    bsel_v = scratch[NBUF]
    isems = scratch[NBUF + 1:NBUF + 1 + NBUF]
    osems = scratch[NBUF + 1 + NBUF:]
    wid = lax.axis_index("s") * NC + lax.axis_index("c")
    base = wid * RPW
    pltpu.sync_copy(uid_hbm.at[pl.ds(base, RPW)], uid_s)
    pltpu.sync_copy(ids_hbm.at[pl.ds(base, RPW)], ids_v)
    uids = uid_s[...]

    def start_in(i):
        pltpu.make_async_copy(
            table_hbm.at[uids[i]], rows_b[i % NBUF], isems[i % NBUF]
        ).start()

    def wait_in(i):
        pltpu.make_async_copy(
            table_hbm.at[uids[i]], rows_b[i % NBUF], isems[i % NBUF]
        ).wait()

    def start_out(i):
        pltpu.make_async_copy(
            rows_b[i % NBUF], beta_hbm.at[base + i], osems[i % NBUF]
        ).start()

    def wait_out(i):
        pltpu.make_async_copy(
            rows_b[i % NBUF], beta_hbm.at[base + i], osems[i % NBUF]
        ).wait()

    for j in range(NBUF - 1):
        start_in(j)
    for i in range(RPW):
        row = rows_b[i % NBUF]
        wait_in(i)
        for k in range(P2 // 16):
            sl = pl.ds(k * 16, 16)
            bsel_v[i, sl] = plsc.load_gather(row, [ids_v[i, sl]])
        for k in range(P2 // 16):
            sl = pl.ds(k * 16, 16)
            plsc.store_scatter(row, [ids_v[i, sl]],
                               jnp.zeros((16,), jnp.float32))
        start_out(i)
        nxt = i + NBUF - 1
        if nxt < RPW:
            if nxt >= NBUF:
                wait_out(nxt - NBUF)
            start_in(nxt)
    for i in range(RPW - NBUF, RPW):
        wait_out(i)
    pltpu.sync_copy(bsel_v, bsel_hbm.at[pl.ds(base, RPW)])


@functools.partial(
    pl.kernel,
    out_type=(),
    mesh=_sc_mesh(),
    scratch_types=[
        pltpu.VMEM((RPW, P2), jnp.int32),
        pltpu.VMEM((RPW, P2), jnp.float32),
        pltpu.VMEM((RPW, P2), jnp.float32),
    ] + [pltpu.VMEM((NUM_ITEMS,), jnp.float32) for _ in range(NBUF)]
      + [pltpu.SemaphoreType.DMA for _ in range(2 * NBUF)],
    compiler_params=_sc_params,
)
def _scatter_fix(ids_hbm, bsel_hbm, dots_hbm, dense_ref,
                 ids_v, bsel_v, dots_v, *scratch):
    rows_b = scratch[:NBUF]
    isems = scratch[NBUF:2 * NBUF]
    osems = scratch[2 * NBUF:]
    wid = lax.axis_index("s") * NC + lax.axis_index("c")
    base = wid * RPW
    pltpu.sync_copy(ids_hbm.at[pl.ds(base, RPW)], ids_v)
    pltpu.sync_copy(bsel_hbm.at[pl.ds(base, RPW)], bsel_v)
    pltpu.sync_copy(dots_hbm.at[pl.ds(base, RPW)], dots_v)

    def start_in(i):
        pltpu.make_async_copy(
            dense_ref.at[base + i], rows_b[i % NBUF], isems[i % NBUF]
        ).start()

    def wait_in(i):
        pltpu.make_async_copy(
            dense_ref.at[base + i], rows_b[i % NBUF], isems[i % NBUF]
        ).wait()

    def start_out(i):
        pltpu.make_async_copy(
            rows_b[i % NBUF], dense_ref.at[base + i], osems[i % NBUF]
        ).start()

    def wait_out(i):
        pltpu.make_async_copy(
            rows_b[i % NBUF], dense_ref.at[base + i], osems[i % NBUF]
        ).wait()

    for j in range(NBUF - 1):
        start_in(j)
    for i in range(RPW):
        row = rows_b[i % NBUF]
        wait_in(i)
        pgs = [
            plsc.load_gather(row, [ids_v[i, pl.ds(k * 16, 16)]])
            for k in range(P2 // 16)
        ]
        for k in range(P2 // 16):
            sl = pl.ds(k * 16, 16)
            v = (1.0 - C_IMP * bsel_v[i, sl]) * pgs[k] + C_IMP * dots_v[i, sl]
            plsc.store_scatter(row, [ids_v[i, sl]], v)
        start_out(i)
        nxt = i + NBUF - 1
        if nxt < RPW:
            if nxt >= NBUF:
                wait_out(nxt - NBUF)
            start_in(nxt)
    for i in range(RPW - NBUF, RPW):
        wait_out(i)


def _dense_body(
    beta_ref, p_ref, im_ref, u_ref, w_ref, bvec_ref, bim_ref, validf_ref,
    out_ref, dots_ref,
):
    u = u_ref[...]
    uw = jnp.dot(u, w_ref[...], preferred_element_type=jnp.float32)
    ub = lax.dot_general(
        u, bvec_ref[...], (((1,), (1,)), ((), ())),
        preferred_element_type=jnp.float32,
    )
    hist = lax.dot_general(
        uw.astype(jnp.bfloat16), im_ref[...], (((1,), (0,)), ((), ())),
        preferred_element_type=jnp.float32,
    ) + ub
    beta = beta_ref[...]
    cb = C_IMP * beta
    out_ref[...] = (1.0 - cb) * p_ref[...] + cb * hist
    dots = jnp.sum(bim_ref[...] * u[:, None, :], axis=2)
    vf = validf_ref[...]
    dots_ref[...] = vf * dots + (1.0 - vf) * dots[:, 0:1]


_dense_call = pl.pallas_call(
    _dense_body,
    grid=(RBLKS,),
    in_specs=[
        pl.BlockSpec((ROWS, NUM_ITEMS), lambda r: (r, 0)),
        pl.BlockSpec((ROWS, NUM_ITEMS), lambda r: (r, 0)),
        pl.BlockSpec((D, NUM_ITEMS), lambda r: (0, 0)),
        pl.BlockSpec((ROWS, D), lambda r: (r, 0)),
        pl.BlockSpec((D, D), lambda r: (0, 0)),
        pl.BlockSpec((1, D), lambda r: (0, 0)),
        pl.BlockSpec((ROWS, S, D), lambda r: (r, 0, 0)),
        pl.BlockSpec((ROWS, S), lambda r: (r, 0)),
    ],
    out_specs=[
        pl.BlockSpec((ROWS, NUM_ITEMS), lambda r: (r, 0)),
        pl.BlockSpec((ROWS, S), lambda r: (r, 0)),
    ],
    out_shape=[
        jax.ShapeDtypeStruct((BATCH, NUM_ITEMS), jnp.float32),
        jax.ShapeDtypeStruct((BATCH, S), jnp.float32),
    ],
)


def kernel(items_memory, batch_length, batch_user_id, batch_items_id,
           users_history_items, batch_user_memory, batch_items_memory,
           batch_items_personalized_probability, W, b):
    p = batch_items_personalized_probability
    uid = batch_user_id.astype(jnp.int32)

    valid = jnp.arange(S, dtype=jnp.int32)[None, :] < batch_length[:, None]
    validf = valid.astype(jnp.float32)
    ids_sel = jnp.where(valid, batch_items_id, batch_items_id[:, 0:1])
    ids_pad = jnp.concatenate(
        [ids_sel, jnp.broadcast_to(ids_sel[:, 0:1], (BATCH, P2 - S))], axis=1
    )

    beta, bsel = _gather_rows(users_history_items, uid, ids_pad)

    dense, dots_sel = _dense_call(
        beta, p, items_memory.T.astype(jnp.bfloat16),
        batch_user_memory, W, b.reshape(1, D),
        batch_items_memory, validf,
    )

    dots_pad = jnp.concatenate(
        [dots_sel, jnp.broadcast_to(dots_sel[:, 0:1], (BATCH, P2 - S))],
        axis=1,
    )
    dense_ref = jax.new_ref(dense)
    _scatter_fix(ids_pad, bsel, dots_pad, dense_ref)
    return dense_ref[...]

# --- scband reference (transcript-rebuilt; emitter-appended) ---
"""Pipeline reference for scband-prediction-layer-89507118449343 (READ-ONLY COPY).

The authoritative reference and input builder live on the scoring server;
editing this copy changes nothing except your own understanding.
"""

import jax, jax.numpy as jnp
import numpy as np

NUM_ITEMS = 20000
NUM_USERS = 2048
D = 64
B = 512
S = 20
C_IMP = 0.5


def setup_inputs(seed: int = 0) -> dict:
    key = jax.random.key(seed)
    ks = jax.random.split(key, 10)
    items_memory = jax.random.normal(ks[0], (NUM_ITEMS, D), dtype=jnp.float32)
    batch_length = jax.random.randint(ks[1], (B,), 1, S + 1, dtype=jnp.int32)
    batch_user_id = jax.random.randint(ks[2], (B,), 0, NUM_USERS, dtype=jnp.int32)
    # unique item ids per row (torch code assumes set semantics): top-k of random scores
    r = jax.random.uniform(ks[3], (B, NUM_ITEMS))
    batch_items_id = jax.lax.top_k(r, S)[1].astype(jnp.int32)
    users_history_items = (jax.random.uniform(ks[4], (NUM_USERS, NUM_ITEMS)) < 0.05).astype(jnp.float32)
    batch_user_memory = jax.random.normal(ks[5], (B, D), dtype=jnp.float32)
    batch_items_memory = jax.random.normal(ks[6], (B, S, D), dtype=jnp.float32)
    batch_items_personalized_probability = jax.random.uniform(ks[7], (B, NUM_ITEMS), dtype=jnp.float32)
    W = jax.random.normal(ks[8], (D, D), dtype=jnp.float32) * (1.0 / np.sqrt(D))
    b = jnp.zeros((D,), jnp.float32)
    return {
        'items_memory': items_memory,
        'batch_length': batch_length,
        'batch_user_id': batch_user_id,
        'batch_items_id': batch_items_id,
        'users_history_items': users_history_items,
        'batch_user_memory': batch_user_memory,
        'batch_items_memory': batch_items_memory,
        'batch_items_personalized_probability': batch_items_personalized_probability,
        'W': W,
        'b': b,
    }


def reference(items_memory, batch_length, batch_user_id, batch_items_id,
              users_history_items, batch_user_memory, batch_items_memory,
              batch_items_personalized_probability, W, b):
    # Dropout is identity in eval mode.
    c = C_IMP
    # gather per-user history rows (memory-bound gather over big table)
    user_hist = jnp.take(users_history_items, batch_user_id, axis=0)  # (B, NUM_ITEMS)
    interacted = (user_hist != 0)
    beta = interacted.astype(jnp.float32)
    # validity mask for ragged set lengths
    valid = (jnp.arange(S)[None, :] < batch_length[:, None]).astype(jnp.float32)  # (B, S)
    row = jnp.arange(B)[:, None]
    # which items are in the current set (scatter-add of validity)
    in_set_cnt = jnp.zeros((B, NUM_ITEMS), jnp.int32).at[row, batch_items_id].add(valid.astype(jnp.int32))
    in_set = in_set_cnt > 0
    # base prediction with beta down-weighting of interacted items
    set_predict = (1.0 - beta * c) * batch_items_personalized_probability  # (B, NUM_ITEMS)
    # continuous-time probability for set items: dot(user_mem, item_mem)
    dots = jnp.sum(batch_user_memory[:, None, :] * batch_items_memory, axis=-1)  # (B, S)
    set_predict = set_predict.at[row, batch_items_id].add(c * dots * valid)
    # history items (interacted minus current set): project memory and score
    all_proj = items_memory @ W.T + b  # (NUM_ITEMS, D); linearity lets us project once
    hist_prob = batch_user_memory @ all_proj.T  # (B, NUM_ITEMS)
    hist_mask = jnp.logical_and(interacted, jnp.logical_not(in_set)).astype(jnp.float32)
    set_predict = set_predict + c * hist_prob * hist_mask
    return set_predict

if __name__ == "__main__":
    import jax
    _d = setup_inputs()
    print(jax.jit(kernel)(*tuple(_d.values())))

</pallas_src>

<mosaic_0001>
#map = affine_map<(d0, d1) -> (0, 0)>
module attributes {stable_mosaic.version = 14 : i64} {
  func.func @new_body(%arg0: i32, %arg1: i32, %arg2: memref<512x32xi32, #tpu.memory_space<hbm>>, %arg3: memref<512x32xf32, #tpu.memory_space<hbm>>, %arg4: memref<512x32xf32, #tpu.memory_space<hbm>>, %arg5: memref<512x20000xf32, #tpu.memory_space<hbm>>, %arg6: memref<512x20000xf32, #tpu.memory_space<hbm>>, %arg7: memref<16x32xi32, #tpu.memory_space<vmem>>, %arg8: memref<16x32xf32, #tpu.memory_space<vmem>>, %arg9: memref<16x32xf32, #tpu.memory_space<vmem>>, %arg10: memref<20000xf32, #tpu.memory_space<vmem>>, %arg11: memref<20000xf32, #tpu.memory_space<vmem>>, %arg12: memref<20000xf32, #tpu.memory_space<vmem>>, %arg13: memref<20000xf32, #tpu.memory_space<vmem>>, %arg14: memref<20000xf32, #tpu.memory_space<vmem>>, %arg15: memref<20000xf32, #tpu.memory_space<vmem>>, %arg16: memref<!tpu.dma_semaphore, #tpu.memory_space<semaphore_mem>>, %arg17: memref<!tpu.dma_semaphore, #tpu.memory_space<semaphore_mem>>, %arg18: memref<!tpu.dma_semaphore, #tpu.memory_space<semaphore_mem>>, %arg19: memref<!tpu.dma_semaphore, #tpu.memory_space<semaphore_mem>>, %arg20: memref<!tpu.dma_semaphore, #tpu.memory_space<semaphore_mem>>, %arg21: memref<!tpu.dma_semaphore, #tpu.memory_space<semaphore_mem>>, %arg22: memref<!tpu.dma_semaphore, #tpu.memory_space<semaphore_mem>>, %arg23: memref<!tpu.dma_semaphore, #tpu.memory_space<semaphore_mem>>, %arg24: memref<!tpu.dma_semaphore, #tpu.memory_space<semaphore_mem>>, %arg25: memref<!tpu.dma_semaphore, #tpu.memory_space<semaphore_mem>>, %arg26: memref<!tpu.dma_semaphore, #tpu.memory_space<semaphore_mem>>, %arg27: memref<!tpu.dma_semaphore, #tpu.memory_space<semaphore_mem>>) attributes {dimension_semantics = [#tpu.dimension_semantics<core_parallel>, #tpu.dimension_semantics<subcore_parallel>], iteration_bounds = array<i64: 2, 16>, scalar_prefetch = 0 : i64, scratch_operands = 21 : i64, tpu.core_type = #tpu.core_type<sc_vector_subcore>, window_params = [{transform_indices = #map}, {transform_indices = #map}, {transform_indices = #map}, {transform_indices = #map}, {transform_indices = #map}]} {
    %mul3A = arith.constant 2 : i32
    %mul3A_0 = arith.muli %arg1, %mul3A : i32
    %add3A = arith.addi %mul3A_0, %arg0 : i32
    %mul3A_1 = arith.constant 16 : i32
    %mul3A_2 = arith.muli %add3A, %mul3A_1 : i32
    "tpu.region"() ({
      %run_scoped3A = tpu.sem_alloc : memref<!tpu.dma_semaphore, #tpu.memory_space<semaphore_mem>>
      %dma_start3A_1406 = arith.constant 0 : i32
      %dma_start3A_1407 = tpu.memref_slice %arg2[%mul3A_2, %dma_start3A_1406] : memref<512x32xi32, #tpu.memory_space<hbm>> -> memref<16x32xi32, #tpu.memory_space<hbm>>
      %dma_start3A_1408 = arith.constant 0 : i32
      %dma_start3A_1409 = tpu.memref_slice %arg2[%mul3A_2, %dma_start3A_1408] : memref<512x32xi32, #tpu.memory_space<hbm>> -> memref<16x32xi32, #tpu.memory_space<hbm>>
      tpu.enqueue_dma source(%dma_start3A_1409 : memref<16x32xi32, #tpu.memory_space<hbm>>) target(%arg7 : memref<16x32xi32, #tpu.memory_space<vmem>>) target_semaphore(%run_scoped3A : memref<!tpu.dma_semaphore, #tpu.memory_space<semaphore_mem>>)
      %dma_wait3A_1410 = arith.constant 0 : i32
      %dma_wait3A_1411 = tpu.memref_slice %arg2[%mul3A_2, %dma_wait3A_1410] : memref<512x32xi32, #tpu.memory_space<hbm>> -> memref<16x32xi32, #tpu.memory_space<hbm>>
      %dma_wait3A_1412 = arith.constant 0 : i32
      %dma_wait3A_1413 = tpu.memref_slice %arg2[%mul3A_2, %dma_wait3A_1412] : memref<512x32xi32, #tpu.memory_space<hbm>> -> memref<16x32xi32, #tpu.memory_space<hbm>>
      tpu.wait_dma2 semaphore(%run_scoped3A : memref<!tpu.dma_semaphore, #tpu.memory_space<semaphore_mem>>) src(%dma_wait3A_1413 : memref<16x32xi32, #tpu.memory_space<hbm>>) dst(%arg7 : memref<16x32xi32, #tpu.memory_space<vmem>>)
      tpu.yield
    }) : () -> ()
    "tpu.region"() ({
      %run_scoped3A = tpu.sem_alloc : memref<!tpu.dma_semaphore, #tpu.memory_space<semaphore_mem>>
      %dma_start3A_1406 = arith.constant 0 : i32
      %dma_start3A_1407 = tpu.memref_slice %arg3[%mul3A_2, %dma_start3A_1406] : memref<512x32xf32, #tpu.memory_space<hbm>> -> memref<16x32xf32, #tpu.memory_space<hbm>>
      %dma_start3A_1408 = arith.constant 0 : i32
      %dma_start3A_1409 = tpu.memref_slice %arg3[%mul3A_2, %dma_start3A_1408] : memref<512x32xf32, #tpu.memory_space<hbm>> -> memref<16x32xf32, #tpu.memory_space<hbm>>
      tpu.enqueue_dma source(%dma_start3A_1409 : memref<16x32xf32, #tpu.memory_space<hbm>>) target(%arg8 : memref<16x32xf32, #tpu.memory_space<vmem>>) target_semaphore(%run_scoped3A : memref<!tpu.dma_semaphore, #tpu.memory_space<semaphore_mem>>)
      %dma_wait3A_1410 = arith.constant 0 : i32
      %dma_wait3A_1411 = tpu.memref_slice %arg3[%mul3A_2, %dma_wait3A_1410] : memref<512x32xf32, #tpu.memory_space<hbm>> -> memref<16x32xf32, #tpu.memory_space<hbm>>
      %dma_wait3A_1412 = arith.constant 0 : i32
      %dma_wait3A_1413 = tpu.memref_slice %arg3[%mul3A_2, %dma_wait3A_1412] : memref<512x32xf32, #tpu.memory_space<hbm>> -> memref<16x32xf32, #tpu.memory_space<hbm>>
      tpu.wait_dma2 semaphore(%run_scoped3A : memref<!tpu.dma_semaphore, #tpu.memory_space<semaphore_mem>>) src(%dma_wait3A_1413 : memref<16x32xf32, #tpu.memory_space<hbm>>) dst(%arg8 : memref<16x32xf32, #tpu.memory_space<vmem>>)
      tpu.yield
    }) : () -> ()
    "tpu.region"() ({
      %run_scoped3A = tpu.sem_alloc : memref<!tpu.dma_semaphore, #tpu.memory_space<semaphore_mem>>
      %dma_start3A_1406 = arith.constant 0 : i32
      %dma_start3A_1407 = tpu.memref_slice %arg4[%mul3A_2, %dma_start3A_1406] : memref<512x32xf32, #tpu.memory_space<hbm>> -> memref<16x32xf32, #tpu.memory_space<hbm>>
      %dma_start3A_1408 = arith.constant 0 : i32
      %dma_start3A_1409 = tpu.memref_slice %arg4[%mul3A_2, %dma_start3A_1408] : memref<512x32xf32, #tpu.memory_space<hbm>> -> memref<16x32xf32, #tpu.memory_space<hbm>>
      tpu.enqueue_dma source(%dma_start3A_1409 : memref<16x32xf32, #tpu.memory_space<hbm>>) target(%arg9 : memref<16x32xf32, #tpu.memory_space<vmem>>) target_semaphore(%run_scoped3A : memref<!tpu.dma_semaphore, #tpu.memory_space<semaphore_mem>>)
      %dma_wait3A_1410 = arith.constant 0 : i32
      %dma_wait3A_1411 = tpu.memref_slice %arg4[%mul3A_2, %dma_wait3A_1410] : memref<512x32xf32, #tpu.memory_space<hbm>> -> memref<16x32xf32, #tpu.memory_space<hbm>>
      %dma_wait3A_1412 = arith.constant 0 : i32
      %dma_wait3A_1413 = tpu.memref_slice %arg4[%mul3A_2, %dma_wait3A_1412] : memref<512x32xf32, #tpu.memory_space<hbm>> -> memref<16x32xf32, #tpu.memory_space<hbm>>
      tpu.wait_dma2 semaphore(%run_scoped3A : memref<!tpu.dma_semaphore, #tpu.memory_space<semaphore_mem>>) src(%dma_wait3A_1413 : memref<16x32xf32, #tpu.memory_space<hbm>>) dst(%arg9 : memref<16x32xf32, #tpu.memory_space<vmem>>)
      tpu.yield
    }) : () -> ()
    %add3A_3 = arith.constant 0 : i32
    %add3A_4 = arith.addi %mul3A_2, %add3A_3 : i32
    %dma_start3A = arith.constant 0 : i32
    %dma_start3A_5 = tpu.memref_slice %arg5[%add3A_4, %dma_start3A] : memref<512x20000xf32, #tpu.memory_space<hbm>> -> memref<1x20000xf32, #tpu.memory_space<hbm>>
    %dma_start3A_6 = tpu.memref_squeeze %dma_start3A_5 : memref<1x20000xf32, #tpu.memory_space<hbm>> -> memref<20000xf32, #tpu.memory_space<hbm>>
    %dma_start3A_7 = arith.constant 0 : i32
    %dma_start3A_8 = tpu.memref_slice %arg5[%add3A_4, %dma_start3A_7] : memref<512x20000xf32, #tpu.memory_space<hbm>> -> memref<1x20000xf32, #tpu.memory_space<hbm>>
    %dma_start3A_9 = tpu.memref_squeeze %dma_start3A_8 : memref<1x20000xf32, #tpu.memory_space<hbm>> -> memref<20000xf32, #tpu.memory_space<hbm>>
    tpu.enqueue_dma source(%dma_start3A_9 : memref<20000xf32, #tpu.memory_space<hbm>>) target(%arg10 : memref<20000xf32, #tpu.memory_space<vmem>>) target_semaphore(%arg16 : memref<!tpu.dma_semaphore, #tpu.memory_space<semaphore_mem>>)
    %add3A_10 = arith.constant 1 : i32
    %add3A_11 = arith.addi %mul3A_2, %add3A_10 : i32
    %dma_start3A_12 = arith.constant 0 : i32
    %dma_start3A_13 = tpu.memref_slice %arg5[%add3A_11, %dma_start3A_12] : memref<512x20000xf32, #tpu.memory_space<hbm>> -> memref<1x20000xf32, #tpu.memory_space<hbm>>
    %dma_start3A_14 = tpu.memref_squeeze %dma_start3A_13 : memref<1x20000xf32, #tpu.memory_space<hbm>> -> memref<20000xf32, #tpu.memory_space<hbm>>
    %dma_start3A_15 = arith.constant 0 : i32
    %dma_start3A_16 = tpu.memref_slice %arg5[%add3A_11, %dma_start3A_15] : memref<512x20000xf32, #tpu.memory_space<hbm>> -> memref<1x20000xf32, #tpu.memory_space<hbm>>
    %dma_start3A_17 = tpu.memref_squeeze %dma_start3A_16 : memref<1x20000xf32, #tpu.memory_space<hbm>> -> memref<20000xf32, #tpu.memory_space<hbm>>
    tpu.enqueue_dma source(%dma_start3A_17 : memref<20000xf32, #tpu.memory_space<hbm>>) target(%arg11 : memref<20000xf32, #tpu.memory_space<vmem>>) target_semaphore(%arg17 : memref<!tpu.dma_semaphore, #tpu.memory_space<semaphore_mem>>)
    %add3A_18 = arith.constant 2 : i32
    %add3A_19 = arith.addi %mul3A_2, %add3A_18 : i32
    %dma_start3A_20 = arith.constant 0 : i32
    %dma_start3A_21 = tpu.memref_slice %arg5[%add3A_19, %dma_start3A_20] : memref<512x20000xf32, #tpu.memory_space<hbm>> -> memref<1x20000xf32, #tpu.memory_space<hbm>>
    %dma_start3A_22 = tpu.memref_squeeze %dma_start3A_21 : memref<1x20000xf32, #tpu.memory_space<hbm>> -> memref<20000xf32, #tpu.memory_space<hbm>>
    %dma_start3A_23 = arith.constant 0 : i32
    %dma_start3A_24 = tpu.memref_slice %arg5[%add3A_19, %dma_start3A_23] : memref<512x20000xf32, #tpu.memory_space<hbm>> -> memref<1x20000xf32, #tpu.memory_space<hbm>>
    %dma_start3A_25 = tpu.memref_squeeze %dma_start3A_24 : memref<1x20000xf32, #tpu.memory_space<hbm>> -> memref<20000xf32, #tpu.memory_space<hbm>>
    tpu.enqueue_dma source(%dma_start3A_25 : memref<20000xf32, #tpu.memory_space<hbm>>) target(%arg12 : memref<20000xf32, #tpu.memory_space<vmem>>) target_semaphore(%arg18 : memref<!tpu.dma_semaphore, #tpu.memory_space<semaphore_mem>>)
    %add3A_26 = arith.constant 3 : i32
    %add3A_27 = arith.addi %mul3A_2, %add3A_26 : i32
    %dma_start3A_28 = arith.constant 0 : i32
    %dma_start3A_29 = tpu.memref_slice %arg5[%add3A_27, %dma_start3A_28] : memref<512x20000xf32, #tpu.memory_space<hbm>> -> memref<1x20000xf32, #tpu.memory_space<hbm>>
    %dma_start3A_30 = tpu.memref_squeeze %dma_start3A_29 : memref<1x20000xf32, #tpu.memory_space<hbm>> -> memref<20000xf32, #tpu.memory_space<hbm>>
    %dma_start3A_31 = arith.constant 0 : i32
    %dma_start3A_32 = tpu.memref_slice %arg5[%add3A_27, %dma_start3A_31] : memref<512x20000xf32, #tpu.memory_space<hbm>> -> memref<1x20000xf32, #tpu.memory_space<hbm>>
    %dma_start3A_33 = tpu.memref_squeeze %dma_start3A_32 : memref<1x20000xf32, #tpu.memory_space<hbm>> -> memref<20000xf32, #tpu.memory_space<hbm>>
    tpu.enqueue_dma source(%dma_start3A_33 : memref<20000xf32, #tpu.memory_space<hbm>>) target(%arg13 : memref<20000xf32, #tpu.memory_space<vmem>>) target_semaphore(%arg19 : memref<!tpu.dma_semaphore, #tpu.memory_space<semaphore_mem>>)
    %add3A_34 = arith.constant 4 : i32
    %add3A_35 = arith.addi %mul3A_2, %add3A_34 : i32
    %dma_start3A_36 = arith.constant 0 : i32
    %dma_start3A_37 = tpu.memref_slice %arg5[%add3A_35, %dma_start3A_36] : memref<512x20000xf32, #tpu.memory_space<hbm>> -> memref<1x20000xf32, #tpu.memory_space<hbm>>
    %dma_start3A_38 = tpu.memref_squeeze %dma_start3A_37 : memref<1x20000xf32, #tpu.memory_space<hbm>> -> memref<20000xf32, #tpu.memory_space<hbm>>
    %dma_start3A_39 = arith.constant 0 : i32
    %dma_start3A_40 = tpu.memref_slice %arg5[%add3A_35, %dma_start3A_39] : memref<512x20000xf32, #tpu.memory_space<hbm>> -> memref<1x20000xf32, #tpu.memory_space<hbm>>
    %dma_start3A_41 = tpu.memref_squeeze %dma_start3A_40 : memref<1x20000xf32, #tpu.memory_space<hbm>> -> memref<20000xf32, #tpu.memory_space<hbm>>
    tpu.enqueue_dma source(%dma_start3A_41 : memref<20000xf32, #tpu.memory_space<hbm>>) target(%arg14 : memref<20000xf32, #tpu.memory_space<vmem>>) target_semaphore(%arg20 : memref<!tpu.dma_semaphore, #tpu.memory_space<semaphore_mem>>)
    %add3A_42 = arith.constant 0 : i32
    %add3A_43 = arith.addi %mul3A_2, %add3A_42 : i32
    %dma_wait3A = arith.constant 0 : i32
    %dma_wait3A_44 = tpu.memref_slice %arg5[%add3A_43, %dma_wait3A] : memref<512x20000xf32, #tpu.memory_space<hbm>> -> memref<1x20000xf32, #tpu.memory_space<hbm>>
    %dma_wait3A_45 = tpu.memref_squeeze %dma_wait3A_44 : memref<1x20000xf32, #tpu.memory_space<hbm>> -> memref<20000xf32, #tpu.memory_space<hbm>>
    %dma_wait3A_46 = arith.constant 0 : i32
    %dma_wait3A_47 = tpu.memref_slice %arg5[%add3A_43, %dma_wait3A_46] : memref<512x20000xf32, #tpu.memory_space<hbm>> -> memref<1x20000xf32, #tpu.memory_space<hbm>>
    %dma_wait3A_48 = tpu.memref_squeeze %dma_wait3A_47 : memref<1x20000xf32, #tpu.memory_space<hbm>> -> memref<20000xf32, #tpu.memory_space<hbm>>
    tpu.wait_dma2 semaphore(%arg16 : memref<!tpu.dma_semaphore, #tpu.memory_space<semaphore_mem>>) src(%dma_wait3A_48 : memref<20000xf32, #tpu.memory_space<hbm>>) dst(%arg10 : memref<20000xf32, #tpu.memory_space<vmem>>)
    %get3A = arith.constant 0 : i32
    %get3A_49 = arith.index_cast %get3A : i32 to index
    %get3A_50 = arith.constant 0 : index
    %get3A_51 = tpu.vector_load %arg7[%get3A_49, %get3A_50] {strides = array<i32>} : memref<16x32xi32, #tpu.memory_space<vmem>>, vector<16xi32>,
    %gather3A = tpu.vector_load_idx %arg10[%get3A_51] : memref<20000xf32, #tpu.memory_space<vmem>>[vector<16xi32>], vector<16xf32>,
    %get3A_52 = arith.constant 0 : i32
    %get3A_53 = arith.index_cast %get3A_52 : i32 to index
    %get3A_54 = arith.constant 16 : index
    %get3A_55 = tpu.vector_load %arg7[%get3A_53, %get3A_54] {strides = array<i32>} : memref<16x32xi32, #tpu.memory_space<vmem>>, vector<16xi32>,
    %gather3A_56 = tpu.vector_load_idx %arg10[%get3A_55] : memref<20000xf32, #tpu.memory_space<vmem>>[vector<16xi32>], vector<16xf32>,
    %get3A_57 = arith.constant 0 : i32
    %get3A_58 = arith.index_cast %get3A_57 : i32 to index
    %get3A_59 = arith.constant 0 : index
    %get3A_60 = tpu.vector_load %arg8[%get3A_58, %get3A_59] {strides = array<i32>} : memref<16x32xf32, #tpu.memory_space<vmem>>, vector<16xf32>,
    %mul3A_61 = arith.constant 5.000000e-01 : f32
    %mul3A_62 = vector.broadcast %mul3A_61 : f32 to vector<16xf32>
    %mul3A_63 = arith.mulf %mul3A_62, %get3A_60 : vector<16xf32>
    %sub3A = arith.constant 1.000000e+00 : f32
    %sub3A_64 = vector.broadcast %sub3A : f32 to vector<16xf32>
    %sub3A_65 = arith.subf %sub3A_64, %mul3A_63 : vector<16xf32>
    %mul3A_66 = arith.mulf %sub3A_65, %gather3A : vector<16xf32>
    %get3A_67 = arith.constant 0 : i32
    %get3A_68 = arith.index_cast %get3A_67 : i32 to index
    %get3A_69 = arith.constant 0 : index
    %get3A_70 = tpu.vector_load %arg9[%get3A_68, %get3A_69] {strides = array<i32>} : memref<16x32xf32, #tpu.memory_space<vmem>>, vector<16xf32>,
    %mul3A_71 = arith.constant 5.000000e-01 : f32
    %mul3A_72 = vector.broadcast %mul3A_71 : f32 to vector<16xf32>
    %mul3A_73 = arith.mulf %mul3A_72, %get3A_70 : vector<16xf32>
    %add3A_74 = arith.addf %mul3A_66, %mul3A_73 : vector<16xf32>
    %get3A_75 = arith.constant 0 : i32
    %get3A_76 = arith.index_cast %get3A_75 : i32 to index
    %get3A_77 = arith.constant 0 : index
    %get3A_78 = tpu.vector_load %arg7[%get3A_76, %get3A_77] {strides = array<i32>} : memref<16x32xi32, #tpu.memory_space<vmem>>, vector<16xi32>,
    tpu.vector_store_idx %arg10[%get3A_78], %add3A_74 : memref<20000xf32, #tpu.memory_space<vmem>>[vector<16xi32>], vector<16xf32>,
    %get3A_79 = arith.constant 0 : i32
    %get3A_80 = arith.index_cast %get3A_79 : i32 to index
    %get3A_81 = arith.constant 16 : index
    %get3A_82 = tpu.vector_load %arg8[%get3A_80, %get3A_81] {strides = array<i32>} : memref<16x32xf32, #tpu.memory_space<vmem>>, vector<16xf32>,
    %mul3A_83 = arith.constant 5.000000e-01 : f32
    %mul3A_84 = vector.broadcast %mul3A_83 : f32 to vector<16xf32>
    %mul3A_85 = arith.mulf %mul3A_84, %get3A_82 : vector<16xf32>
    %sub3A_86 = arith.constant 1.000000e+00 : f32
    %sub3A_87 = vector.broadcast %sub3A_86 : f32 to vector<16xf32>
    %sub3A_88 = arith.subf %sub3A_87, %mul3A_85 : vector<16xf32>
    %mul3A_89 = arith.mulf %sub3A_88, %gather3A_56 : vector<16xf32>
    %get3A_90 = arith.constant 0 : i32
    %get3A_91 = arith.index_cast %get3A_90 : i32 to index
    %get3A_92 = arith.constant 16 : index
    %get3A_93 = tpu.vector_load %arg9[%get3A_91, %get3A_92] {strides = array<i32>} : memref<16x32xf32, #tpu.memory_space<vmem>>, vector<16xf32>,
    %mul3A_94 = arith.constant 5.000000e-01 : f32
    %mul3A_95 = vector.broadcast %mul3A_94 : f32 to vector<16xf32>
    %mul3A_96 = arith.mulf %mul3A_95, %get3A_93 : vector<16xf32>
    %add3A_97 = arith.addf %mul3A_89, %mul3A_96 : vector<16xf32>
    %get3A_98 = arith.constant 0 : i32
    %get3A_99 = arith.index_cast %get3A_98 : i32 to index
    %get3A_100 = arith.constant 16 : index
    %get3A_101 = tpu.vector_load %arg7[%get3A_99, %get3A_100] {strides = array<i32>} : memref<16x32xi32, #tpu.memory_space<vmem>>, vector<16xi32>,
    tpu.vector_store_idx %arg10[%get3A_101], %add3A_97 : memref<20000xf32, #tpu.memory_space<vmem>>[vector<16xi32>], vector<16xf32>,
    %add3A_102 = arith.constant 0 : i32
    %add3A_103 = arith.addi %mul3A_2, %add3A_102 : i32
    %dma_start3A_104 = arith.constant 0 : i32
    %dma_start3A_105 = tpu.memref_slice %arg5[%add3A_103, %dma_start3A_104] : memref<512x20000xf32, #tpu.memory_space<hbm>> -> memref<1x20000xf32, #tpu.memory_space<hbm>>
    %dma_start3A_106 = tpu.memref_squeeze %dma_start3A_105 : memref<1x20000xf32, #tpu.memory_space<hbm>> -> memref<20000xf32, #tpu.memory_space<hbm>>
    %dma_start3A_107 = arith.constant 0 : i32
    %dma_start3A_108 = tpu.memref_slice %arg5[%add3A_103, %dma_start3A_107] : memref<512x20000xf32, #tpu.memory_space<hbm>> -> memref<1x20000xf32, #tpu.memory_space<hbm>>
    %dma_start3A_109 = tpu.memref_squeeze %dma_start3A_108 : memref<1x20000xf32, #tpu.memory_space<hbm>> -> memref<20000xf32, #tpu.memory_space<hbm>>
    tpu.enqueue_dma source(%arg10 : memref<20000xf32, #tpu.memory_space<vmem>>) target(%dma_start3A_109 : memref<20000xf32, #tpu.memory_space<hbm>>) target_semaphore(%arg22 : memref<!tpu.dma_semaphore, #tpu.memory_space<semaphore_mem>>)
    %add3A_110 = arith.constant 5 : i32
    %add3A_111 = arith.addi %mul3A_2, %add3A_110 : i32
    %dma_start3A_112 = arith.constant 0 : i32
    %dma_start3A_113 = tpu.memref_slice %arg5[%add3A_111, %dma_start3A_112] : memref<512x20000xf32, #tpu.memory_space<hbm>> -> memref<1x20000xf32, #tpu.memory_space<hbm>>
    %dma_start3A_114 = tpu.memref_squeeze %dma_start3A_113 : memref<1x20000xf32, #tpu.memory_space<hbm>> -> memref<20000xf32, #tpu.memory_space<hbm>>
    %dma_start3A_115 = arith.constant 0 : i32
    %dma_start3A_116 = tpu.memref_slice %arg5[%add3A_111, %dma_start3A_115] : memref<512x20000xf32, #tpu.memory_space<hbm>> -> memref<1x20000xf32, #tpu.memory_space<hbm>>
    %dma_start3A_117 = tpu.memref_squeeze %dma_start3A_116 : memref<1x20000xf32, #tpu.memory_space<hbm>> -> memref<20000xf32, #tpu.memory_space<hbm>>
    tpu.enqueue_dma source(%dma_start3A_117 : memref<20000xf32, #tpu.memory_space<hbm>>) target(%arg15 : memref<20000xf32, #tpu.memory_space<vmem>>) target_semaphore(%arg21 : memref<!tpu.dma_semaphore, #tpu.memory_space<semaphore_mem>>)
    %add3A_118 = arith.constant 1 : i32
    %add3A_119 = arith.addi %mul3A_2, %add3A_118 : i32
    %dma_wait3A_120 = arith.constant 0 : i32
    %dma_wait3A_121 = tpu.memref_slice %arg5[%add3A_119, %dma_wait3A_120] : memref<512x20000xf32, #tpu.memory_space<hbm>> -> memref<1x20000xf32, #tpu.memory_space<hbm>>
    %dma_wait3A_122 = tpu.memref_squeeze %dma_wait3A_121 : memref<1x20000xf32, #tpu.memory_space<hbm>> -> memref<20000xf32, #tpu.memory_space<hbm>>
    %dma_wait3A_123 = arith.constant 0 : i32
    %dma_wait3A_124 = tpu.memref_slice %arg5[%add3A_119, %dma_wait3A_123] : memref<512x20000xf32, #tpu.memory_space<hbm>> -> memref<1x20000xf32, #tpu.memory_space<hbm>>
    %dma_wait3A_125 = tpu.memref_squeeze %dma_wait3A_124 : memref<1x20000xf32, #tpu.memory_space<hbm>> -> memref<20000xf32, #tpu.memory_space<hbm>>
    tpu.wait_dma2 semaphore(%arg17 : memref<!tpu.dma_semaphore, #tpu.memory_space<semaphore_mem>>) src(%dma_wait3A_125 : memref<20000xf32, #tpu.memory_space<hbm>>) dst(%arg11 : memref<20000xf32, #tpu.memory_space<vmem>>)
    %get3A_126 = arith.constant 1 : i32
    %get3A_127 = arith.index_cast %get3A_126 : i32 to index
    %get3A_128 = arith.constant 0 : index
    %get3A_129 = tpu.vector_load %arg7[%get3A_127, %get3A_128] {strides = array<i32>} : memref<16x32xi32, #tpu.memory_space<vmem>>, vector<16xi32>,
    %gather3A_130 = tpu.vector_load_idx %arg11[%get3A_129] : memref<20000xf32, #tpu.memory_space<vmem>>[vector<16xi32>], vector<16xf32>,
    %get3A_131 = arith.constant 1 : i32
    %get3A_132 = arith.index_cast %get3A_131 : i32 to index
    %get3A_133 = arith.constant 16 : index
    %get3A_134 = tpu.vector_load %arg7[%get3A_132, %get3A_133] {strides = array<i32>} : memref<16x32xi32, #tpu.memory_space<vmem>>, vector<16xi32>,
    %gather3A_135 = tpu.vector_load_idx %arg11[%get3A_134] : memref<20000xf32, #tpu.memory_space<vmem>>[vector<16xi32>], vector<16xf32>,
    %get3A_136 = arith.constant 1 : i32
    %get3A_137 = arith.index_cast %get3A_136 : i32 to index
    %get3A_138 = arith.constant 0 : index
    %get3A_139 = tpu.vector_load %arg8[%get3A_137, %get3A_138] {strides = array<i32>} : memref<16x32xf32, #tpu.memory_space<vmem>>, vector<16xf32>,
    %mul3A_140 = arith.constant 5.000000e-01 : f32
    %mul3A_141 = vector.broadcast %mul3A_140 : f32 to vector<16xf32>
    %mul3A_142 = arith.mulf %mul3A_141, %get3A_139 : vector<16xf32>
    %sub3A_143 = arith.constant 1.000000e+00 : f32
    %sub3A_144 = vector.broadcast %sub3A_143 : f32 to vector<16xf32>
    %sub3A_145 = arith.subf %sub3A_144, %mul3A_142 : vector<16xf32>
    %mul3A_146 = arith.mulf %sub3A_145, %gather3A_130 : vector<16xf32>
    %get3A_147 = arith.constant 1 : i32
    %get3A_148 = arith.index_cast %get3A_147 : i32 to index
    %get3A_149 = arith.constant 0 : index
    %get3A_150 = tpu.vector_load %arg9[%get3A_148, %get3A_149] {strides = array<i32>} : memref<16x32xf32, #tpu.memory_space<vmem>>, vector<16xf32>,
    %mul3A_151 = arith.constant 5.000000e-01 : f32
    %mul3A_152 = vector.broadcast %mul3A_151 : f32 to vector<16xf32>
    %mul3A_153 = arith.mulf %mul3A_152, %get3A_150 : vector<16xf32>
    %add3A_154 = arith.addf %mul3A_146, %mul3A_153 : vector<16xf32>
    %get3A_155 = arith.constant 1 : i32
    %get3A_156 = arith.index_cast %get3A_155 : i32 to index
    %get3A_157 = arith.constant 0 : index
    %get3A_158 = tpu.vector_load %arg7[%get3A_156, %get3A_157] {strides = array<i32>} : memref<16x32xi32, #tpu.memory_space<vmem>>, vector<16xi32>,
    tpu.vector_store_idx %arg11[%get3A_158], %add3A_154 : memref<20000xf32, #tpu.memory_space<vmem>>[vector<16xi32>], vector<16xf32>,
    %get3A_159 = arith.constant 1 : i32
    %get3A_160 = arith.index_cast %get3A_159 : i32 to index
    %get3A_161 = arith.constant 16 : index
    %get3A_162 = tpu.vector_load %arg8[%get3A_160, %get3A_161] {strides = array<i32>} : memref<16x32xf32, #tpu.memory_space<vmem>>, vector<16xf32>,
    %mul3A_163 = arith.constant 5.000000e-01 : f32
    %mul3A_164 = vector.broadcast %mul3A_163 : f32 to vector<16xf32>
    %mul3A_165 = arith.mulf %mul3A_164, %get3A_162 : vector<16xf32>
    %sub3A_166 = arith.constant 1.000000e+00 : f32
    %sub3A_167 = vector.broadcast %sub3A_166 : f32 to vector<16xf32>
    %sub3A_168 = arith.subf %sub3A_167, %mul3A_165 : vector<16xf32>
    %mul3A_169 = arith.mulf %sub3A_168, %gather3A_135 : vector<16xf32>
    %get3A_170 = arith.constant 1 : i32
    %get3A_171 = arith.index_cast %get3A_170 : i32 to index
    %get3A_172 = arith.constant 16 : index
    %get3A_173 = tpu.vector_load %arg9[%get3A_171, %get3A_172] {strides = array<i32>} : memref<16x32xf32, #tpu.memory_space<vmem>>, vector<16xf32>,
    %mul3A_174 = arith.constant 5.000000e-01 : f32
    %mul3A_175 = vector.broadcast %mul3A_174 : f32 to vector<16xf32>
    %mul3A_176 = arith.mulf %mul3A_175, %get3A_173 : vector<16xf32>
    %add3A_177 = arith.addf %mul3A_169, %mul3A_176 : vector<16xf32>
    %get3A_178 = arith.constant 1 : i32
    %get3A_179 = arith.index_cast %get3A_178 : i32 to index
    %get3A_180 = arith.constant 16 : index
    %get3A_181 = tpu.vector_load %arg7[%get3A_179, %get3A_180] {strides = array<i32>} : memref<16x32xi32, #tpu.memory_space<vmem>>, vector<16xi32>,
    tpu.vector_store_idx %arg11[%get3A_181], %add3A_177 : memref<20000xf32, #tpu.memory_space<vmem>>[vector<16xi32>], vector<16xf32>,
    %add3A_182 = arith.constant 1 : i32
    %add3A_183 = arith.addi %mul3A_2, %add3A_182 : i32
    %dma_start3A_184 = arith.constant 0 : i32
    %dma_start3A_185 = tpu.memref_slice %arg5[%add3A_183, %dma_start3A_184] : memref<512x20000xf32, #tpu.memory_space<hbm>> -> memref<1x20000xf32, #tpu.memory_space<hbm>>
    %dma_start3A_186 = tpu.memref_squeeze %dma_start3A_185 : memref<1x20000xf32, #tpu.memory_space<hbm>> -> memref<20000xf32, #tpu.memory_space<hbm>>
    %dma_start3A_187 = arith.constant 0 : i32
    %dma_start3A_188 = tpu.memref_slice %arg5[%add3A_183, %dma_start3A_187] : memref<512x20000xf32, #tpu.memory_space<hbm>> -> memref<1x20000xf32, #tpu.memory_space<hbm>>
    %dma_start3A_189 = tpu.memref_squeeze %dma_start3A_188 : memref<1x20000xf32, #tpu.memory_space<hbm>> -> memref<20000xf32, #tpu.memory_space<hbm>>
    tpu.enqueue_dma source(%arg11 : memref<20000xf32, #tpu.memory_space<vmem>>) target(%dma_start3A_189 : memref<20000xf32, #tpu.memory_space<hbm>>) target_semaphore(%arg23 : memref<!tpu.dma_semaphore, #tpu.memory_space<semaphore_mem>>)
    %add3A_190 = arith.constant 0 : i32
    %add3A_191 = arith.addi %mul3A_2, %add3A_190 : i32
    %dma_wait3A_192 = arith.constant 0 : i32
    %dma_wait3A_193 = tpu.memref_slice %arg5[%add3A_191, %dma_wait3A_192] : memref<512x20000xf32, #tpu.memory_space<hbm>> -> memref<1x20000xf32, #tpu.memory_space<hbm>>
    %dma_wait3A_194 = tpu.memref_squeeze %dma_wait3A_193 : memref<1x20000xf32, #tpu.memory_space<hbm>> -> memref<20000xf32, #tpu.memory_space<hbm>>
    %dma_wait3A_195 = arith.constant 0 : i32
    %dma_wait3A_196 = tpu.memref_slice %arg5[%add3A_191, %dma_wait3A_195] : memref<512x20000xf32, #tpu.memory_space<hbm>> -> memref<1x20000xf32, #tpu.memory_space<hbm>>
    %dma_wait3A_197 = tpu.memref_squeeze %dma_wait3A_196 : memref<1x20000xf32, #tpu.memory_space<hbm>> -> memref<20000xf32, #tpu.memory_space<hbm>>
    tpu.wait_dma2 semaphore(%arg22 : memref<!tpu.dma_semaphore, #tpu.memory_space<semaphore_mem>>) src(%arg10 : memref<20000xf32, #tpu.memory_space<vmem>>) dst(%dma_wait3A_197 : memref<20000xf32, #tpu.memory_space<hbm>>)
    %add3A_198 = arith.constant 6 : i32
    %add3A_199 = arith.addi %mul3A_2, %add3A_198 : i32
    %dma_start3A_200 = arith.constant 0 : i32
    %dma_start3A_201 = tpu.memref_slice %arg5[%add3A_199, %dma_start3A_200] : memref<512x20000xf32, #tpu.memory_space<hbm>> -> memref<1x20000xf32, #tpu.memory_space<hbm>>
    %dma_start3A_202 = tpu.memref_squeeze %dma_start3A_201 : memref<1x20000xf32, #tpu.memory_space<hbm>> -> memref<20000xf32, #tpu.memory_space<hbm>>
    %dma_start3A_203 = arith.constant 0 : i32
    %dma_start3A_204 = tpu.memref_slice %arg5[%add3A_199, %dma_start3A_203] : memref<512x20000xf32, #tpu.memory_space<hbm>> -> memref<1x20000xf32, #tpu.memory_space<hbm>>
    %dma_start3A_205 = tpu.memref_squeeze %dma_start3A_204 : memref<1x20000xf32, #tpu.memory_space<hbm>> -> memref<20000xf32, #tpu.memory_space<hbm>>
    tpu.enqueue_dma source(%dma_start3A_205 : memref<20000xf32, #tpu.memory_space<hbm>>) target(%arg10 : memref<20000xf32, #tpu.memory_space<vmem>>) target_semaphore(%arg16 : memref<!tpu.dma_semaphore, #tpu.memory_space<semaphore_mem>>)
    %add3A_206 = arith.constant 2 : i32
    %add3A_207 = arith.addi %mul3A_2, %add3A_206 : i32
    %dma_wait3A_208 = arith.constant 0 : i32
    %dma_wait3A_209 = tpu.memref_slice %arg5[%add3A_207, %dma_wait3A_208] : memref<512x20000xf32, #tpu.memory_space<hbm>> -> memref<1x20000xf32, #tpu.memory_space<hbm>>
    %dma_wait3A_210 = tpu.memref_squeeze %dma_wait3A_209 : memref<1x20000xf32, #tpu.memory_space<hbm>> -> memref<20000xf32, #tpu.memory_space<hbm>>
    %dma_wait3A_211 = arith.constant 0 : i32
    %dma_wait3A_212 = tpu.memref_slice %arg5[%add3A_207, %dma_wait3A_211] : memref<512x20000xf32, #tpu.memory_space<hbm>> -> memref<1x20000xf32, #tpu.memory_space<hbm>>
    %dma_wait3A_213 = tpu.memref_squeeze %dma_wait3A_212 : memref<1x20000xf32, #tpu.memory_space<hbm>> -> memref<20000xf32, #tpu.memory_space<hbm>>
    tpu.wait_dma2 semaphore(%arg18 : memref<!tpu.dma_semaphore, #tpu.memory_space<semaphore_mem>>) src(%dma_wait3A_213 : memref<20000xf32, #tpu.memory_space<hbm>>) dst(%arg12 : memref<20000xf32, #tpu.memory_space<vmem>>)
    %get3A_214 = arith.constant 2 : i32
    %get3A_215 = arith.index_cast %get3A_214 : i32 to index
    %get3A_216 = arith.constant 0 : index
    %get3A_217 = tpu.vector_load %arg7[%get3A_215, %get3A_216] {strides = array<i32>} : memref<16x32xi32, #tpu.memory_space<vmem>>, vector<16xi32>,
    %gather3A_218 = tpu.vector_load_idx %arg12[%get3A_217] : memref<20000xf32, #tpu.memory_space<vmem>>[vector<16xi32>], vector<16xf32>,
    %get3A_219 = arith.constant 2 : i32
    %get3A_220 = arith.index_cast %get3A_219 : i32 to index
    %get3A_221 = arith.constant 16 : index
    %get3A_222 = tpu.vector_load %arg7[%get3A_220, %get3A_221] {strides = array<i32>} : memref<16x32xi32, #tpu.memory_space<vmem>>, vector<16xi32>,
    %gather3A_223 = tpu.vector_load_idx %arg12[%get3A_222] : memref<20000xf32, #tpu.memory_space<vmem>>[vector<16xi32>], vector<16xf32>,
    %get3A_224 = arith.constant 2 : i32
    %get3A_225 = arith.index_cast %get3A_224 : i32 to index
    %get3A_226 = arith.constant 0 : index
    %get3A_227 = tpu.vector_load %arg8[%get3A_225, %get3A_226] {strides = array<i32>} : memref<16x32xf32, #tpu.memory_space<vmem>>, vector<16xf32>,
    %mul3A_228 = arith.constant 5.000000e-01 : f32
    %mul3A_229 = vector.broadcast %mul3A_228 : f32 to vector<16xf32>
    %mul3A_230 = arith.mulf %mul3A_229, %get3A_227 : vector<16xf32>
    %sub3A_231 = arith.constant 1.000000e+00 : f32
    %sub3A_232 = vector.broadcast %sub3A_231 : f32 to vector<16xf32>
    %sub3A_233 = arith.subf %sub3A_232, %mul3A_230 : vector<16xf32>
    %mul3A_234 = arith.mulf %sub3A_233, %gather3A_218 : vector<16xf32>
    %get3A_235 = arith.constant 2 : i32
    %get3A_236 = arith.index_cast %get3A_235 : i32 to index
    %get3A_237 = arith.constant 0 : index
    %get3A_238 = tpu.vector_load %arg9[%get3A_236, %get3A_237] {strides = array<i32>} : memref<16x32xf32, #tpu.memory_space<vmem>>, vector<16xf32>,
    %mul3A_239 = arith.constant 5.000000e-01 : f32
    %mul3A_240 = vector.broadcast %mul3A_239 : f32 to vector<16xf32>
    %mul3A_241 = arith.mulf %mul3A_240, %get3A_238 : vector<16xf32>
    %add3A_242 = arith.addf %mul3A_234, %mul3A_241 : vector<16xf32>
    %get3A_243 = arith.constant 2 : i32
    %get3A_244 = arith.index_cast %get3A_243 : i32 to index
    %get3A_245 = arith.constant 0 : index
    %get3A_246 = tpu.vector_load %arg7[%get3A_244, %get3A_245] {strides = array<i32>} : memref<16x32xi32, #tpu.memory_space<vmem>>, vector<16xi32>,
    tpu.vector_store_idx %arg12[%get3A_246], %add3A_242 : memref<20000xf32, #tpu.memory_space<vmem>>[vector<16xi32>], vector<16xf32>,
    %get3A_247 = arith.constant 2 : i32
    %get3A_248 = arith.index_cast %get3A_247 : i32 to index
    %get3A_249 = arith.constant 16 : index
    %get3A_250 = tpu.vector_load %arg8[%get3A_248, %get3A_249] {strides = array<i32>} : memref<16x32xf32, #tpu.memory_space<vmem>>, vector<16xf32>,
    %mul3A_251 = arith.constant 5.000000e-01 : f32
    %mul3A_252 = vector.broadcast %mul3A_251 : f32 to vector<16xf32>
    %mul3A_253 = arith.mulf %mul3A_252, %get3A_250 : vector<16xf32>
    %sub3A_254 = arith.constant 1.000000e+00 : f32
    %sub3A_255 = vector.broadcast %sub3A_254 : f32 to vector<16xf32>
    %sub3A_256 = arith.subf %sub3A_255, %mul3A_253 : vector<16xf32>
    %mul3A_257 = arith.mulf %sub3A_256, %gather3A_223 : vector<16xf32>
    %get3A_258 = arith.constant 2 : i32
    %get3A_259 = arith.index_cast %get3A_258 : i32 to index
    %get3A_260 = arith.constant 16 : index
    %get3A_261 = tpu.vector_load %arg9[%get3A_259, %get3A_260] {strides = array<i32>} : memref<16x32xf32, #tpu.memory_space<vmem>>, vector<16xf32>,
    %mul3A_262 = arith.constant 5.000000e-01 : f32
    %mul3A_263 = vector.broadcast %mul3A_262 : f32 to vector<16xf32>
    %mul3A_264 = arith.mulf %mul3A_263, %get3A_261 : vector<16xf32>
    %add3A_265 = arith.addf %mul3A_257, %mul3A_264 : vector<16xf32>
    %get3A_266 = arith.constant 2 : i32
    %get3A_267 = arith.index_cast %get3A_266 : i32 to index
    %get3A_268 = arith.constant 16 : index
    %get3A_269 = tpu.vector_load %arg7[%get3A_267, %get3A_268] {strides = array<i32>} : memref<16x32xi32, #tpu.memory_space<vmem>>, vector<16xi32>,
    tpu.vector_store_idx %arg12[%get3A_269], %add3A_265 : memref<20000xf32, #tpu.memory_space<vmem>>[vector<16xi32>], vector<16xf32>,
    %add3A_270 = arith.constant 2 : i32
    %add3A_271 = arith.addi %mul3A_2, %add3A_270 : i32
    %dma_start3A_272 = arith.constant 0 : i32
    %dma_start3A_273 = tpu.memref_slice %arg5[%add3A_271, %dma_start3A_272] : memref<512x20000xf32, #tpu.memory_space<hbm>> -> memref<1x20000xf32, #tpu.memory_space<hbm>>
    %dma_start3A_274 = tpu.memref_squeeze %dma_start3A_273 : memref<1x20000xf32, #tpu.memory_space<hbm>> -> memref<20000xf32, #tpu.memory_space<hbm>>
    %dma_start3A_275 = arith.constant 0 : i32
    %dma_start3A_276 = tpu.memref_slice %arg5[%add3A_271, %dma_start3A_275] : memref<512x20000xf32, #tpu.memory_space<hbm>> -> memref<1x20000xf32, #tpu.memory_space<hbm>>
    %dma_start3A_277 = tpu.memref_squeeze %dma_start3A_276 : memref<1x20000xf32, #tpu.memory_space<hbm>> -> memref<20000xf32, #tpu.memory_space<hbm>>
    tpu.enqueue_dma source(%arg12 : memref<20000xf32, #tpu.memory_space<vmem>>) target(%dma_start3A_277 : memref<20000xf32, #tpu.memory_space<hbm>>) target_semaphore(%arg24 : memref<!tpu.dma_semaphore, #tpu.memory_space<semaphore_mem>>)
    %add3A_278 = arith.constant 1 : i32
    %add3A_279 = arith.addi %mul3A_2, %add3A_278 : i32
    %dma_wait3A_280 = arith.constant 0 : i32
    %dma_wait3A_281 = tpu.memref_slice %arg5[%add3A_279, %dma_wait3A_280] : memref<512x20000xf32, #tpu.memory_space<hbm>> -> memref<1x20000xf32, #tpu.memory_space<hbm>>
    %dma_wait3A_282 = tpu.memref_squeeze %dma_wait3A_281 : memref<1x20000xf32, #tpu.memory_space<hbm>> -> memref<20000xf32, #tpu.memory_space<hbm>>
    %dma_wait3A_283 = arith.constant 0 : i32
    %dma_wait3A_284 = tpu.memref_slice %arg5[%add3A_279, %dma_wait3A_283] : memref<512x20000xf32, #tpu.memory_space<hbm>> -> memref<1x20000xf32, #tpu.memory_space<hbm>>
    %dma_wait3A_285 = tpu.memref_squeeze %dma_wait3A_284 : memref<1x20000xf32, #tpu.memory_space<hbm>> -> memref<20000xf32, #tpu.memory_space<hbm>>
    tpu.wait_dma2 semaphore(%arg23 : memref<!tpu.dma_semaphore, #tpu.memory_space<semaphore_mem>>) src(%arg11 : memref<20000xf32, #tpu.memory_space<vmem>>) dst(%dma_wait3A_285 : memref<20000xf32, #tpu.memory_space<hbm>>)
    %add3A_286 = arith.constant 7 : i32
    %add3A_287 = arith.addi %mul3A_2, %add3A_286 : i32
    %dma_start3A_288 = arith.constant 0 : i32
    %dma_start3A_289 = tpu.memref_slice %arg5[%add3A_287, %dma_start3A_288] : memref<512x20000xf32, #tpu.memory_space<hbm>> -> memref<1x20000xf32, #tpu.memory_space<hbm>>
    %dma_start3A_290 = tpu.memref_squeeze %dma_start3A_289 : memref<1x20000xf32, #tpu.memory_space<hbm>> -> memref<20000xf32, #tpu.memory_space<hbm>>
    %dma_start3A_291 = arith.constant 0 : i32
    %dma_start3A_292 = tpu.memref_slice %arg5[%add3A_287, %dma_start3A_291] : memref<512x20000xf32, #tpu.memory_space<hbm>> -> memref<1x20000xf32, #tpu.memory_space<hbm>>
    %dma_start3A_293 = tpu.memref_squeeze %dma_start3A_292 : memref<1x20000xf32, #tpu.memory_space<hbm>> -> memref<20000xf32, #tpu.memory_space<hbm>>
    tpu.enqueue_dma source(%dma_start3A_293 : memref<20000xf32, #tpu.memory_space<hbm>>) target(%arg11 : memref<20000xf32, #tpu.memory_space<vmem>>) target_semaphore(%arg17 : memref<!tpu.dma_semaphore, #tpu.memory_space<semaphore_mem>>)
    %add3A_294 = arith.constant 3 : i32
    %add3A_295 = arith.addi %mul3A_2, %add3A_294 : i32
    %dma_wait3A_296 = arith.constant 0 : i32
    %dma_wait3A_297 = tpu.memref_slice %arg5[%add3A_295, %dma_wait3A_296] : memref<512x20000xf32, #tpu.memory_space<hbm>> -> memref<1x20000xf32, #tpu.memory_space<hbm>>
    %dma_wait3A_298 = tpu.memref_squeeze %dma_wait3A_297 : memref<1x20000xf32, #tpu.memory_space<hbm>> -> memref<20000xf32, #tpu.memory_space<hbm>>
    %dma_wait3A_299 = arith.constant 0 : i32
    %dma_wait3A_300 = tpu.memref_slice %arg5[%add3A_295, %dma_wait3A_299] : memref<512x20000xf32, #tpu.memory_space<hbm>> -> memref<1x20000xf32, #tpu.memory_space<hbm>>
    %dma_wait3A_301 = tpu.memref_squeeze %dma_wait3A_300 : memref<1x20000xf32, #tpu.memory_space<hbm>> -> memref<20000xf32, #tpu.memory_space<hbm>>
    tpu.wait_dma2 semaphore(%arg19 : memref<!tpu.dma_semaphore, #tpu.memory_space<semaphore_mem>>) src(%dma_wait3A_301 : memref<20000xf32, #tpu.memory_space<hbm>>) dst(%arg13 : memref<20000xf32, #tpu.memory_space<vmem>>)
    %get3A_302 = arith.constant 3 : i32
    %get3A_303 = arith.index_cast %get3A_302 : i32 to index
    %get3A_304 = arith.constant 0 : index
    %get3A_305 = tpu.vector_load %arg7[%get3A_303, %get3A_304] {strides = array<i32>} : memref<16x32xi32, #tpu.memory_space<vmem>>, vector<16xi32>,
    %gather3A_306 = tpu.vector_load_idx %arg13[%get3A_305] : memref<20000xf32, #tpu.memory_space<vmem>>[vector<16xi32>], vector<16xf32>,
    %get3A_307 = arith.constant 3 : i32
    %get3A_308 = arith.index_cast %get3A_307 : i32 to index
    %get3A_309 = arith.constant 16 : index
    %get3A_310 = tpu.vector_load %arg7[%get3A_308, %get3A_309] {strides = array<i32>} : memref<16x32xi32, #tpu.memory_space<vmem>>, vector<16xi32>,
    %gather3A_311 = tpu.vector_load_idx %arg13[%get3A_310] : memref<20000xf32, #tpu.memory_space<vmem>>[vector<16xi32>], vector<16xf32>,
    %get3A_312 = arith.constant 3 : i32
    %get3A_313 = arith.index_cast %get3A_312 : i32 to index
    %get3A_314 = arith.constant 0 : index
    %get3A_315 = tpu.vector_load %arg8[%get3A_313, %get3A_314] {strides = array<i32>} : memref<16x32xf32, #tpu.memory_space<vmem>>, vector<16xf32>,
    %mul3A_316 = arith.constant 5.000000e-01 : f32
    %mul3A_317 = vector.broadcast %mul3A_316 : f32 to vector<16xf32>
    %mul3A_318 = arith.mulf %mul3A_317, %get3A_315 : vector<16xf32>
    %sub3A_319 = arith.constant 1.000000e+00 : f32
    %sub3A_320 = vector.broadcast %sub3A_319 : f32 to vector<16xf32>
    %sub3A_321 = arith.subf %sub3A_320, %mul3A_318 : vector<16xf32>
    %mul3A_322 = arith.mulf %sub3A_321, %gather3A_306 : vector<16xf32>
    %get3A_323 = arith.constant 3 : i32
    %get3A_324 = arith.index_cast %get3A_323 : i32 to index
    %get3A_325 = arith.constant 0 : index
    %get3A_326 = tpu.vector_load %arg9[%get3A_324, %get3A_325] {strides = array<i32>} : memref<16x32xf32, #tpu.memory_space<vmem>>, vector<16xf32>,
    %mul3A_327 = arith.constant 5.000000e-01 : f32
    %mul3A_328 = vector.broadcast %mul3A_327 : f32 to vector<16xf32>
    %mul3A_329 = arith.mulf %mul3A_328, %get3A_326 : vector<16xf32>
    %add3A_330 = arith.addf %mul3A_322, %mul3A_329 : vector<16xf32>
    %get3A_331 = arith.constant 3 : i32
    %get3A_332 = arith.index_cast %get3A_331 : i32 to index
    %get3A_333 = arith.constant 0 : index
    %get3A_334 = tpu.vector_load %arg7[%get3A_332, %get3A_333] {strides = array<i32>} : memref<16x32xi32, #tpu.memory_space<vmem>>, vector<16xi32>,
    tpu.vector_store_idx %arg13[%get3A_334], %add3A_330 : memref<20000xf32, #tpu.memory_space<vmem>>[vector<16xi32>], vector<16xf32>,
    %get3A_335 = arith.constant 3 : i32
    %get3A_336 = arith.index_cast %get3A_335 : i32 to index
    %get3A_337 = arith.constant 16 : index
    %get3A_338 = tpu.vector_load %arg8[%get3A_336, %get3A_337] {strides = array<i32>} : memref<16x32xf32, #tpu.memory_space<vmem>>, vector<16xf32>,
    %mul3A_339 = arith.constant 5.000000e-01 : f32
    %mul3A_340 = vector.broadcast %mul3A_339 : f32 to vector<16xf32>
    %mul3A_341 = arith.mulf %mul3A_340, %get3A_338 : vector<16xf32>
    %sub3A_342 = arith.constant 1.000000e+00 : f32
    %sub3A_343 = vector.broadcast %sub3A_342 : f32 to vector<16xf32>
    %sub3A_344 = arith.subf %sub3A_343, %mul3A_341 : vector<16xf32>
    %mul3A_345 = arith.mulf %sub3A_344, %gather3A_311 : vector<16xf32>
    %get3A_346 = arith.constant 3 : i32
    %get3A_347 = arith.index_cast %get3A_346 : i32 to index
    %get3A_348 = arith.constant 16 : index
    %get3A_349 = tpu.vector_load %arg9[%get3A_347, %get3A_348] {strides = array<i32>} : memref<16x32xf32, #tpu.memory_space<vmem>>, vector<16xf32>,
    %mul3A_350 = arith.constant 5.000000e-01 : f32
    %mul3A_351 = vector.broadcast %mul3A_350 : f32 to vector<16xf32>
    %mul3A_352 = arith.mulf %mul3A_351, %get3A_349 : vector<16xf32>
    %add3A_353 = arith.addf %mul3A_345, %mul3A_352 : vector<16xf32>
    %get3A_354 = arith.constant 3 : i32
    %get3A_355 = arith.index_cast %get3A_354 : i32 to index
    %get3A_356 = arith.constant 16 : index
    %get3A_357 = tpu.vector_load %arg7[%get3A_355, %get3A_356] {strides = array<i32>} : memref<16x32xi32, #tpu.memory_space<vmem>>, vector<16xi32>,
    tpu.vector_store_idx %arg13[%get3A_357], %add3A_353 : memref<20000xf32, #tpu.memory_space<vmem>>[vector<16xi32>], vector<16xf32>,
    %add3A_358 = arith.constant 3 : i32
    %add3A_359 = arith.addi %mul3A_2, %add3A_358 : i32
    %dma_start3A_360 = arith.constant 0 : i32
    %dma_start3A_361 = tpu.memref_slice %arg5[%add3A_359, %dma_start3A_360] : memref<512x20000xf32, #tpu.memory_space<hbm>> -> memref<1x20000xf32, #tpu.memory_space<hbm>>
    %dma_start3A_362 = tpu.memref_squeeze %dma_start3A_361 : memref<1x20000xf32, #tpu.memory_space<hbm>> -> memref<20000xf32, #tpu.memory_space<hbm>>
    %dma_start3A_363 = arith.constant 0 : i32
    %dma_start3A_364 = tpu.memref_slice %arg5[%add3A_359, %dma_start3A_363] : memref<512x20000xf32, #tpu.memory_space<hbm>> -> memref<1x20000xf32, #tpu.memory_space<hbm>>
    %dma_start3A_365 = tpu.memref_squeeze %dma_start3A_364 : memref<1x20000xf32, #tpu.memory_space<hbm>> -> memref<20000xf32, #tpu.memory_space<hbm>>
    tpu.enqueue_dma source(%arg13 : memref<20000xf32, #tpu.memory_space<vmem>>) target(%dma_start3A_365 : memref<20000xf32, #tpu.memory_space<hbm>>) target_semaphore(%arg25 : memref<!tpu.dma_semaphore, #tpu.memory_space<semaphore_mem>>)
    %add3A_366 = arith.constant 2 : i32
    %add3A_367 = arith.addi %mul3A_2, %add3A_366 : i32
    %dma_wait3A_368 = arith.constant 0 : i32
    %dma_wait3A_369 = tpu.memref_slice %arg5[%add3A_367, %dma_wait3A_368] : memref<512x20000xf32, #tpu.memory_space<hbm>> -> memref<1x20000xf32, #tpu.memory_space<hbm>>
    %dma_wait3A_370 = tpu.memref_squeeze %dma_wait3A_369 : memref<1x20000xf32, #tpu.memory_space<hbm>> -> memref<20000xf32, #tpu.memory_space<hbm>>
    %dma_wait3A_371 = arith.constant 0 : i32
    %dma_wait3A_372 = tpu.memref_slice %arg5[%add3A_367, %dma_wait3A_371] : memref<512x20000xf32, #tpu.memory_space<hbm>> -> memref<1x20000xf32, #tpu.memory_space<hbm>>
    %dma_wait3A_373 = tpu.memref_squeeze %dma_wait3A_372 : memref<1x20000xf32, #tpu.memory_space<hbm>> -> memref<20000xf32, #tpu.memory_space<hbm>>
    tpu.wait_dma2 semaphore(%arg24 : memref<!tpu.dma_semaphore, #tpu.memory_space<semaphore_mem>>) src(%arg12 : memref<20000xf32, #tpu.memory_space<vmem>>) dst(%dma_wait3A_373 : memref<20000xf32, #tpu.memory_space<hbm>>)
    %add3A_374 = arith.constant 8 : i32
    %add3A_375 = arith.addi %mul3A_2, %add3A_374 : i32
    %dma_start3A_376 = arith.constant 0 : i32
    %dma_start3A_377 = tpu.memref_slice %arg5[%add3A_375, %dma_start3A_376] : memref<512x20000xf32, #tpu.memory_space<hbm>> -> memref<1x20000xf32, #tpu.memory_space<hbm>>
    %dma_start3A_378 = tpu.memref_squeeze %dma_start3A_377 : memref<1x20000xf32, #tpu.memory_space<hbm>> -> memref<20000xf32, #tpu.memory_space<hbm>>
    %dma_start3A_379 = arith.constant 0 : i32
    %dma_start3A_380 = tpu.memref_slice %arg5[%add3A_375, %dma_start3A_379] : memref<512x20000xf32, #tpu.memory_space<hbm>> -> memref<1x20000xf32, #tpu.memory_space<hbm>>
    %dma_start3A_381 = tpu.memref_squeeze %dma_start3A_380 : memref<1x20000xf32, #tpu.memory_space<hbm>> -> memref<20000xf32, #tpu.memory_space<hbm>>
    tpu.enqueue_dma source(%dma_start3A_381 : memref<20000xf32, #tpu.memory_space<hbm>>) target(%arg12 : memref<20000xf32, #tpu.memory_space<vmem>>) target_semaphore(%arg18 : memref<!tpu.dma_semaphore, #tpu.memory_space<semaphore_mem>>)
    %add3A_382 = arith.constant 4 : i32
    %add3A_383 = arith.addi %mul3A_2, %add3A_382 : i32
    %dma_wait3A_384 = arith.constant 0 : i32
    %dma_wait3A_385 = tpu.memref_slice %arg5[%add3A_383, %dma_wait3A_384] : memref<512x20000xf32, #tpu.memory_space<hbm>> -> memref<1x20000xf32, #tpu.memory_space<hbm>>
    %dma_wait3A_386 = tpu.memref_squeeze %dma_wait3A_385 : memref<1x20000xf32, #tpu.memory_space<hbm>> -> memref<20000xf32, #tpu.memory_space<hbm>>
    %dma_wait3A_387 = arith.constant 0 : i32
    %dma_wait3A_388 = tpu.memref_slice %arg5[%add3A_383, %dma_wait3A_387] : memref<512x20000xf32, #tpu.memory_space<hbm>> -> memref<1x20000xf32, #tpu.memory_space<hbm>>
    %dma_wait3A_389 = tpu.memref_squeeze %dma_wait3A_388 : memref<1x20000xf32, #tpu.memory_space<hbm>> -> memref<20000xf32, #tpu.memory_space<hbm>>
    tpu.wait_dma2 semaphore(%arg20 : memref<!tpu.dma_semaphore, #tpu.memory_space<semaphore_mem>>) src(%dma_wait3A_389 : memref<20000xf32, #tpu.memory_space<hbm>>) dst(%arg14 : memref<20000xf32, #tpu.memory_space<vmem>>)
    %get3A_390 = arith.constant 4 : i32
    %get3A_391 = arith.index_cast %get3A_390 : i32 to index
    %get3A_392 = arith.constant 0 : index
    %get3A_393 = tpu.vector_load %arg7[%get3A_391, %get3A_392] {strides = array<i32>} : memref<16x32xi32, #tpu.memory_space<vmem>>, vector<16xi32>,
    %gather3A_394 = tpu.vector_load_idx %arg14[%get3A_393] : memref<20000xf32, #tpu.memory_space<vmem>>[vector<16xi32>], vector<16xf32>,
    %get3A_395 = arith.constant 4 : i32
    %get3A_396 = arith.index_cast %get3A_395 : i32 to index
    %get3A_397 = arith.constant 16 : index
    %get3A_398 = tpu.vector_load %arg7[%get3A_396, %get3A_397] {strides = array<i32>} : memref<16x32xi32, #tpu.memory_space<vmem>>, vector<16xi32>,
    %gather3A_399 = tpu.vector_load_idx %arg14[%get3A_398] : memref<20000xf32, #tpu.memory_space<vmem>>[vector<16xi32>], vector<16xf32>,
    %get3A_400 = arith.constant 4 : i32
    %get3A_401 = arith.index_cast %get3A_400 : i32 to index
    %get3A_402 = arith.constant 0 : index
    %get3A_403 = tpu.vector_load %arg8[%get3A_401, %get3A_402] {strides = array<i32>} : memref<16x32xf32, #tpu.memory_space<vmem>>, vector<16xf32>,
    %mul3A_404 = arith.constant 5.000000e-01 : f32
    %mul3A_405 = vector.broadcast %mul3A_404 : f32 to vector<16xf32>
    %mul3A_406 = arith.mulf %mul3A_405, %get3A_403 : vector<16xf32>
    %sub3A_407 = arith.constant 1.000000e+00 : f32
    %sub3A_408 = vector.broadcast %sub3A_407 : f32 to vector<16xf32>
    %sub3A_409 = arith.subf %sub3A_408, %mul3A_406 : vector<16xf32>
    %mul3A_410 = arith.mulf %sub3A_409, %gather3A_394 : vector<16xf32>
    %get3A_411 = arith.constant 4 : i32
    %get3A_412 = arith.index_cast %get3A_411 : i32 to index
    %get3A_413 = arith.constant 0 : index
    %get3A_414 = tpu.vector_load %arg9[%get3A_412, %get3A_413] {strides = array<i32>} : memref<16x32xf32, #tpu.memory_space<vmem>>, vector<16xf32>,
    %mul3A_415 = arith.constant 5.000000e-01 : f32
    %mul3A_416 = vector.broadcast %mul3A_415 : f32 to vector<16xf32>
    %mul3A_417 = arith.mulf %mul3A_416, %get3A_414 : vector<16xf32>
    %add3A_418 = arith.addf %mul3A_410, %mul3A_417 : vector<16xf32>
    %get3A_419 = arith.constant 4 : i32
    %get3A_420 = arith.index_cast %get3A_419 : i32 to index
    %get3A_421 = arith.constant 0 : index
    %get3A_422 = tpu.vector_load %arg7[%get3A_420, %get3A_421] {strides = array<i32>} : memref<16x32xi32, #tpu.memory_space<vmem>>, vector<16xi32>,
    tpu.vector_store_idx %arg14[%get3A_422], %add3A_418 : memref<20000xf32, #tpu.memory_space<vmem>>[vector<16xi32>], vector<16xf32>,
    %get3A_423 = arith.constant 4 : i32
    %get3A_424 = arith.index_cast %get3A_423 : i32 to index
    %get3A_425 = arith.constant 16 : index
    %get3A_426 = tpu.vector_load %arg8[%get3A_424, %get3A_425] {strides = array<i32>} : memref<16x32xf32, #tpu.memory_space<vmem>>, vector<16xf32>,
    %mul3A_427 = arith.constant 5.000000e-01 : f32
    %mul3A_428 = vector.broadcast %mul3A_427 : f32 to vector<16xf32>
    %mul3A_429 = arith.mulf %mul3A_428, %get3A_426 : vector<16xf32>
    %sub3A_430 = arith.constant 1.000000e+00 : f32
    %sub3A_431 = vector.broadcast %sub3A_430 : f32 to vector<16xf32>
    %sub3A_432 = arith.subf %sub3A_431, %mul3A_429 : vector<16xf32>
    %mul3A_433 = arith.mulf %sub3A_432, %gather3A_399 : vector<16xf32>
    %get3A_434 = arith.constant 4 : i32
    %get3A_435 = arith.index_cast %get3A_434 : i32 to index
    %get3A_436 = arith.constant 16 : index
    %get3A_437 = tpu.vector_load %arg9[%get3A_435, %get3A_436] {strides = array<i32>} : memref<16x32xf32, #tpu.memory_space<vmem>>, vector<16xf32>,
    %mul3A_438 = arith.constant 5.000000e-01 : f32
    %mul3A_439 = vector.broadcast %mul3A_438 : f32 to vector<16xf32>
    %mul3A_440 = arith.mulf %mul3A_439, %get3A_437 : vector<16xf32>
    %add3A_441 = arith.addf %mul3A_433, %mul3A_440 : vector<16xf32>
    %get3A_442 = arith.constant 4 : i32
    %get3A_443 = arith.index_cast %get3A_442 : i32 to index
    %get3A_444 = arith.constant 16 : index
    %get3A_445 = tpu.vector_load %arg7[%get3A_443, %get3A_444] {strides = array<i32>} : memref<16x32xi32, #tpu.memory_space<vmem>>, vector<16xi32>,
    tpu.vector_store_idx %arg14[%get3A_445], %add3A_441 : memref<20000xf32, #tpu.memory_space<vmem>>[vector<16xi32>], vector<16xf32>,
    %add3A_446 = arith.constant 4 : i32
    %add3A_447 = arith.addi %mul3A_2, %add3A_446 : i32
    %dma_start3A_448 = arith.constant 0 : i32
    %dma_start3A_449 = tpu.memref_slice %arg5[%add3A_447, %dma_start3A_448] : memref<512x20000xf32, #tpu.memory_space<hbm>> -> memref<1x20000xf32, #tpu.memory_space<hbm>>
    %dma_start3A_450 = tpu.memref_squeeze %dma_start3A_449 : memref<1x20000xf32, #tpu.memory_space<hbm>> -> memref<20000xf32, #tpu.memory_space<hbm>>
    %dma_start3A_451 = arith.constant 0 : i32
    %dma_start3A_452 = tpu.memref_slice %arg5[%add3A_447, %dma_start3A_451] : memref<512x20000xf32, #tpu.memory_space<hbm>> -> memref<1x20000xf32, #tpu.memory_space<hbm>>
    %dma_start3A_453 = tpu.memref_squeeze %dma_start3A_452 : memref<1x20000xf32, #tpu.memory_space<hbm>> -> memref<20000xf32, #tpu.memory_space<hbm>>
    tpu.enqueue_dma source(%arg14 : memref<20000xf32, #tpu.memory_space<vmem>>) target(%dma_start3A_453 : memref<20000xf32, #tpu.memory_space<hbm>>) target_semaphore(%arg26 : memref<!tpu.dma_semaphore, #tpu.memory_space<semaphore_mem>>)
    %add3A_454 = arith.constant 3 : i32
    %add3A_455 = arith.addi %mul3A_2, %add3A_454 : i32
    %dma_wait3A_456 = arith.constant 0 : i32
    %dma_wait3A_457 = tpu.memref_slice %arg5[%add3A_455, %dma_wait3A_456] : memref<512x20000xf32, #tpu.memory_space<hbm>> -> memref<1x20000xf32, #tpu.memory_space<hbm>>
    %dma_wait3A_458 = tpu.memref_squeeze %dma_wait3A_457 : memref<1x20000xf32, #tpu.memory_space<hbm>> -> memref<20000xf32, #tpu.memory_space<hbm>>
    %dma_wait3A_459 = arith.constant 0 : i32
    %dma_wait3A_460 = tpu.memref_slice %arg5[%add3A_455, %dma_wait3A_459] : memref<512x20000xf32, #tpu.memory_space<hbm>> -> memref<1x20000xf32, #tpu.memory_space<hbm>>
    %dma_wait3A_461 = tpu.memref_squeeze %dma_wait3A_460 : memref<1x20000xf32, #tpu.memory_space<hbm>> -> memref<20000xf32, #tpu.memory_space<hbm>>
    tpu.wait_dma2 semaphore(%arg25 : memref<!tpu.dma_semaphore, #tpu.memory_space<semaphore_mem>>) src(%arg13 : memref<20000xf32, #tpu.memory_space<vmem>>) dst(%dma_wait3A_461 : memref<20000xf32, #tpu.memory_space<hbm>>)
    %add3A_462 = arith.constant 9 : i32
    %add3A_463 = arith.addi %mul3A_2, %add3A_462 : i32
    %dma_start3A_464 = arith.constant 0 : i32
    %dma_start3A_465 = tpu.memref_slice %arg5[%add3A_463, %dma_start3A_464] : memref<512x20000xf32, #tpu.memory_space<hbm>> -> memref<1x20000xf32, #tpu.memory_space<hbm>>
    %dma_start3A_466 = tpu.memref_squeeze %dma_start3A_465 : memref<1x20000xf32, #tpu.memory_space<hbm>> -> memref<20000xf32, #tpu.memory_space<hbm>>
    %dma_start3A_467 = arith.constant 0 : i32
    %dma_start3A_468 = tpu.memref_slice %arg5[%add3A_463, %dma_start3A_467] : memref<512x20000xf32, #tpu.memory_space<hbm>> -> memref<1x20000xf32, #tpu.memory_space<hbm>>
    %dma_start3A_469 = tpu.memref_squeeze %dma_start3A_468 : memref<1x20000xf32, #tpu.memory_space<hbm>> -> memref<20000xf32, #tpu.memory_space<hbm>>
    tpu.enqueue_dma source(%dma_start3A_469 : memref<20000xf32, #tpu.memory_space<hbm>>) target(%arg13 : memref<20000xf32, #tpu.memory_space<vmem>>) target_semaphore(%arg19 : memref<!tpu.dma_semaphore, #tpu.memory_space<semaphore_mem>>)
    %add3A_470 = arith.constant 5 : i32
    %add3A_471 = arith.addi %mul3A_2, %add3A_470 : i32
    %dma_wait3A_472 = arith.constant 0 : i32
    %dma_wait3A_473 = tpu.memref_slice %arg5[%add3A_471, %dma_wait3A_472] : memref<512x20000xf32, #tpu.memory_space<hbm>> -> memref<1x20000xf32, #tpu.memory_space<hbm>>
    %dma_wait3A_474 = tpu.memref_squeeze %dma_wait3A_473 : memref<1x20000xf32, #tpu.memory_space<hbm>> -> memref<20000xf32, #tpu.memory_space<hbm>>
    %dma_wait3A_475 = arith.constant 0 : i32
    %dma_wait3A_476 = tpu.memref_slice %arg5[%add3A_471, %dma_wait3A_475] : memref<512x20000xf32, #tpu.memory_space<hbm>> -> memref<1x20000xf32, #tpu.memory_space<hbm>>
    %dma_wait3A_477 = tpu.memref_squeeze %dma_wait3A_476 : memref<1x20000xf32, #tpu.memory_space<hbm>> -> memref<20000xf32, #tpu.memory_space<hbm>>
    tpu.wait_dma2 semaphore(%arg21 : memref<!tpu.dma_semaphore, #tpu.memory_space<semaphore_mem>>) src(%dma_wait3A_477 : memref<20000xf32, #tpu.memory_space<hbm>>) dst(%arg15 : memref<20000xf32, #tpu.memory_space<vmem>>)
    %get3A_478 = arith.constant 5 : i32
    %get3A_479 = arith.index_cast %get3A_478 : i32 to index
    %get3A_480 = arith.constant 0 : index
    %get3A_481 = tpu.vector_load %arg7[%get3A_479, %get3A_480] {strides = array<i32>} : memref<16x32xi32, #tpu.memory_space<vmem>>, vector<16xi32>,
    %gather3A_482 = tpu.vector_load_idx %arg15[%get3A_481] : memref<20000xf32, #tpu.memory_space<vmem>>[vector<16xi32>], vector<16xf32>,
    %get3A_483 = arith.constant 5 : i32
    %get3A_484 = arith.index_cast %get3A_483 : i32 to index
    %get3A_485 = arith.constant 16 : index
    %get3A_486 = tpu.vector_load %arg7[%get3A_484, %get3A_485] {strides = array<i32>} : memref<16x32xi32, #tpu.memory_space<vmem>>, vector<16xi32>,
    %gather3A_487 = tpu.vector_load_idx %arg15[%get3A_486] : memref<20000xf32, #tpu.memory_space<vmem>>[vector<16xi32>], vector<16xf32>,
    %get3A_488 = arith.constant 5 : i32
    %get3A_489 = arith.index_cast %get3A_488 : i32 to index
    %get3A_490 = arith.constant 0 : index
    %get3A_491 = tpu.vector_load %arg8[%get3A_489, %get3A_490] {strides = array<i32>} : memref<16x32xf32, #tpu.memory_space<vmem>>, vector<16xf32>,
    %mul3A_492 = arith.constant 5.000000e-01 : f32
    %mul3A_493 = vector.broadcast %mul3A_492 : f32 to vector<16xf32>
    %mul3A_494 = arith.mulf %mul3A_493, %get3A_491 : vector<16xf32>
    %sub3A_495 = arith.constant 1.000000e+00 : f32
    %sub3A_496 = vector.broadcast %sub3A_495 : f32 to vector<16xf32>
    %sub3A_497 = arith.subf %sub3A_496, %mul3A_494 : vector<16xf32>
    %mul3A_498 = arith.mulf %sub3A_497, %gather3A_482 : vector<16xf32>
    %get3A_499 = arith.constant 5 : i32
    %get3A_500 = arith.index_cast %get3A_499 : i32 to index
    %get3A_501 = arith.constant 0 : index
    %get3A_502 = tpu.vector_load %arg9[%get3A_500, %get3A_501] {strides = array<i32>} : memref<16x32xf32, #tpu.memory_space<vmem>>, vector<16xf32>,
    %mul3A_503 = arith.constant 5.000000e-01 : f32
    %mul3A_504 = vector.broadcast %mul3A_503 : f32 to vector<16xf32>
    %mul3A_505 = arith.mulf %mul3A_504, %get3A_502 : vector<16xf32>
    %add3A_506 = arith.addf %mul3A_498, %mul3A_505 : vector<16xf32>
    %get3A_507 = arith.constant 5 : i32
    %get3A_508 = arith.index_cast %get3A_507 : i32 to index
    %get3A_509 = arith.constant 0 : index
    %get3A_510 = tpu.vector_load %arg7[%get3A_508, %get3A_509] {strides = array<i32>} : memref<16x32xi32, #tpu.memory_space<vmem>>, vector<16xi32>,
    tpu.vector_store_idx %arg15[%get3A_510], %add3A_506 : memref<20000xf32, #tpu.memory_space<vmem>>[vector<16xi32>], vector<16xf32>,
    %get3A_511 = arith.constant 5 : i32
    %get3A_512 = arith.index_cast %get3A_511 : i32 to index
    %get3A_513 = arith.constant 16 : index
    %get3A_514 = tpu.vector_load %arg8[%get3A_512, %get3A_513] {strides = array<i32>} : memref<16x32xf32, #tpu.memory_space<vmem>>, vector<16xf32>,
    %mul3A_515 = arith.constant 5.000000e-01 : f32
    %mul3A_516 = vector.broadcast %mul3A_515 : f32 to vector<16xf32>
    %mul3A_517 = arith.mulf %mul3A_516, %get3A_514 : vector<16xf32>
    %sub3A_518 = arith.constant 1.000000e+00 : f32
    %sub3A_519 = vector.broadcast %sub3A_518 : f32 to vector<16xf32>
    %sub3A_520 = arith.subf %sub3A_519, %mul3A_517 : vector<16xf32>
    %mul3A_521 = arith.mulf %sub3A_520, %gather3A_487 : vector<16xf32>
    %get3A_522 = arith.constant 5 : i32
    %get3A_523 = arith.index_cast %get3A_522 : i32 to index
    %get3A_524 = arith.constant 16 : index
    %get3A_525 = tpu.vector_load %arg9[%get3A_523, %get3A_524] {strides = array<i32>} : memref<16x32xf32, #tpu.memory_space<vmem>>, vector<16xf32>,
    %mul3A_526 = arith.constant 5.000000e-01 : f32
    %mul3A_527 = vector.broadcast %mul3A_526 : f32 to vector<16xf32>
    %mul3A_528 = arith.mulf %mul3A_527, %get3A_525 : vector<16xf32>
    %add3A_529 = arith.addf %mul3A_521, %mul3A_528 : vector<16xf32>
    %get3A_530 = arith.constant 5 : i32
    %get3A_531 = arith.index_cast %get3A_530 : i32 to index
    %get3A_532 = arith.constant 16 : index
    %get3A_533 = tpu.vector_load %arg7[%get3A_531, %get3A_532] {strides = array<i32>} : memref<16x32xi32, #tpu.memory_space<vmem>>, vector<16xi32>,
    tpu.vector_store_idx %arg15[%get3A_533], %add3A_529 : memref<20000xf32, #tpu.memory_space<vmem>>[vector<16xi32>], vector<16xf32>,
    %add3A_534 = arith.constant 5 : i32
    %add3A_535 = arith.addi %mul3A_2, %add3A_534 : i32
    %dma_start3A_536 = arith.constant 0 : i32
    %dma_start3A_537 = tpu.memref_slice %arg5[%add3A_535, %dma_start3A_536] : memref<512x20000xf32, #tpu.memory_space<hbm>> -> memref<1x20000xf32, #tpu.memory_space<hbm>>
    %dma_start3A_538 = tpu.memref_squeeze %dma_start3A_537 : memref<1x20000xf32, #tpu.memory_space<hbm>> -> memref<20000xf32, #tpu.memory_space<hbm>>
    %dma_start3A_539 = arith.constant 0 : i32
    %dma_start3A_540 = tpu.memref_slice %arg5[%add3A_535, %dma_start3A_539] : memref<512x20000xf32, #tpu.memory_space<hbm>> -> memref<1x20000xf32, #tpu.memory_space<hbm>>
    %dma_start3A_541 = tpu.memref_squeeze %dma_start3A_540 : memref<1x20000xf32, #tpu.memory_space<hbm>> -> memref<20000xf32, #tpu.memory_space<hbm>>
    tpu.enqueue_dma source(%arg15 : memref<20000xf32, #tpu.memory_space<vmem>>) target(%dma_start3A_541 : memref<20000xf32, #tpu.memory_space<hbm>>) target_semaphore(%arg27 : memref<!tpu.dma_semaphore, #tpu.memory_space<semaphore_mem>>)
    %add3A_542 = arith.constant 4 : i32
    %add3A_543 = arith.addi %mul3A_2, %add3A_542 : i32
    %dma_wait3A_544 = arith.constant 0 : i32
    %dma_wait3A_545 = tpu.memref_slice %arg5[%add3A_543, %dma_wait3A_544] : memref<512x20000xf32, #tpu.memory_space<hbm>> -> memref<1x20000xf32, #tpu.memory_space<hbm>>
    %dma_wait3A_546 = tpu.memref_squeeze %dma_wait3A_545 : memref<1x20000xf32, #tpu.memory_space<hbm>> -> memref<20000xf32, #tpu.memory_space<hbm>>
    %dma_wait3A_547 = arith.constant 0 : i32
    %dma_wait3A_548 = tpu.memref_slice %arg5[%add3A_543, %dma_wait3A_547] : memref<512x20000xf32, #tpu.memory_space<hbm>> -> memref<1x20000xf32, #tpu.memory_space<hbm>>
    %dma_wait3A_549 = tpu.memref_squeeze %dma_wait3A_548 : memref<1x20000xf32, #tpu.memory_space<hbm>> -> memref<20000xf32, #tpu.memory_space<hbm>>
    tpu.wait_dma2 semaphore(%arg26 : memref<!tpu.dma_semaphore, #tpu.memory_space<semaphore_mem>>) src(%arg14 : memref<20000xf32, #tpu.memory_space<vmem>>) dst(%dma_wait3A_549 : memref<20000xf32, #tpu.memory_space<hbm>>)
    %add3A_550 = arith.constant 10 : i32
    %add3A_551 = arith.addi %mul3A_2, %add3A_550 : i32
    %dma_start3A_552 = arith.constant 0 : i32
    %dma_start3A_553 = tpu.memref_slice %arg5[%add3A_551, %dma_start3A_552] : memref<512x20000xf32, #tpu.memory_space<hbm>> -> memref<1x20000xf32, #tpu.memory_space<hbm>>
    %dma_start3A_554 = tpu.memref_squeeze %dma_start3A_553 : memref<1x20000xf32, #tpu.memory_space<hbm>> -> memref<20000xf32, #tpu.memory_space<hbm>>
    %dma_start3A_555 = arith.constant 0 : i32
    %dma_start3A_556 = tpu.memref_slice %arg5[%add3A_551, %dma_start3A_555] : memref<512x20000xf32, #tpu.memory_space<hbm>> -> memref<1x20000xf32, #tpu.memory_space<hbm>>
    %dma_start3A_557 = tpu.memref_squeeze %dma_start3A_556 : memref<1x20000xf32, #tpu.memory_space<hbm>> -> memref<20000xf32, #tpu.memory_space<hbm>>
    tpu.enqueue_dma source(%dma_start3A_557 : memref<20000xf32, #tpu.memory_space<hbm>>) target(%arg14 : memref<20000xf32, #tpu.memory_space<vmem>>) target_semaphore(%arg20 : memref<!tpu.dma_semaphore, #tpu.memory_space<semaphore_mem>>)
    %add3A_558 = arith.constant 6 : i32
    %add3A_559 = arith.addi %mul3A_2, %add3A_558 : i32
    %dma_wait3A_560 = arith.constant 0 : i32
    %dma_wait3A_561 = tpu.memref_slice %arg5[%add3A_559, %dma_wait3A_560] : memref<512x20000xf32, #tpu.memory_space<hbm>> -> memref<1x20000xf32, #tpu.memory_space<hbm>>
    %dma_wait3A_562 = tpu.memref_squeeze %dma_wait3A_561 : memref<1x20000xf32, #tpu.memory_space<hbm>> -> memref<20000xf32, #tpu.memory_space<hbm>>
    %dma_wait3A_563 = arith.constant 0 : i32
    %dma_wait3A_564 = tpu.memref_slice %arg5[%add3A_559, %dma_wait3A_563] : memref<512x20000xf32, #tpu.memory_space<hbm>> -> memref<1x20000xf32, #tpu.memory_space<hbm>>
    %dma_wait3A_565 = tpu.memref_squeeze %dma_wait3A_564 : memref<1x20000xf32, #tpu.memory_space<hbm>> -> memref<20000xf32, #tpu.memory_space<hbm>>
    tpu.wait_dma2 semaphore(%arg16 : memref<!tpu.dma_semaphore, #tpu.memory_space<semaphore_mem>>) src(%dma_wait3A_565 : memref<20000xf32, #tpu.memory_space<hbm>>) dst(%arg10 : memref<20000xf32, #tpu.memory_space<vmem>>)
    %get3A_566 = arith.constant 6 : i32
    %get3A_567 = arith.index_cast %get3A_566 : i32 to index
    %get3A_568 = arith.constant 0 : index
    %get3A_569 = tpu.vector_load %arg7[%get3A_567, %get3A_568] {strides = array<i32>} : memref<16x32xi32, #tpu.memory_space<vmem>>, vector<16xi32>,
    %gather3A_570 = tpu.vector_load_idx %arg10[%get3A_569] : memref<20000xf32, #tpu.memory_space<vmem>>[vector<16xi32>], vector<16xf32>,
    %get3A_571 = arith.constant 6 : i32
    %get3A_572 = arith.index_cast %get3A_571 : i32 to index
    %get3A_573 = arith.constant 16 : index
    %get3A_574 = tpu.vector_load %arg7[%get3A_572, %get3A_573] {strides = array<i32>} : memref<16x32xi32, #tpu.memory_space<vmem>>, vector<16xi32>,
    %gather3A_575 = tpu.vector_load_idx %arg10[%get3A_574] : memref<20000xf32, #tpu.memory_space<vmem>>[vector<16xi32>], vector<16xf32>,
    %get3A_576 = arith.constant 6 : i32
    %get3A_577 = arith.index_cast %get3A_576 : i32 to index
    %get3A_578 = arith.constant 0 : index
    %get3A_579 = tpu.vector_load %arg8[%get3A_577, %get3A_578] {strides = array<i32>} : memref<16x32xf32, #tpu.memory_space<vmem>>, vector<16xf32>,
    %mul3A_580 = arith.constant 5.000000e-01 : f32
    %mul3A_581 = vector.broadcast %mul3A_580 : f32 to vector<16xf32>
    %mul3A_582 = arith.mulf %mul3A_581, %get3A_579 : vector<16xf32>
    %sub3A_583 = arith.constant 1.000000e+00 : f32
    %sub3A_584 = vector.broadcast %sub3A_583 : f32 to vector<16xf32>
    %sub3A_585 = arith.subf %sub3A_584, %mul3A_582 : vector<16xf32>
    %mul3A_586 = arith.mulf %sub3A_585, %gather3A_570 : vector<16xf32>
    %get3A_587 = arith.constant 6 : i32
    %get3A_588 = arith.index_cast %get3A_587 : i32 to index
    %get3A_589 = arith.constant 0 : index
    %get3A_590 = tpu.vector_load %arg9[%get3A_588, %get3A_589] {strides = array<i32>} : memref<16x32xf32, #tpu.memory_space<vmem>>, vector<16xf32>,
    %mul3A_591 = arith.constant 5.000000e-01 : f32
    %mul3A_592 = vector.broadcast %mul3A_591 : f32 to vector<16xf32>
    %mul3A_593 = arith.mulf %mul3A_592, %get3A_590 : vector<16xf32>
    %add3A_594 = arith.addf %mul3A_586, %mul3A_593 : vector<16xf32>
    %get3A_595 = arith.constant 6 : i32
    %get3A_596 = arith.index_cast %get3A_595 : i32 to index
    %get3A_597 = arith.constant 0 : index
    %get3A_598 = tpu.vector_load %arg7[%get3A_596, %get3A_597] {strides = array<i32>} : memref<16x32xi32, #tpu.memory_space<vmem>>, vector<16xi32>,
    tpu.vector_store_idx %arg10[%get3A_598], %add3A_594 : memref<20000xf32, #tpu.memory_space<vmem>>[vector<16xi32>], vector<16xf32>,
    %get3A_599 = arith.constant 6 : i32
    %get3A_600 = arith.index_cast %get3A_599 : i32 to index
    %get3A_601 = arith.constant 16 : index
    %get3A_602 = tpu.vector_load %arg8[%get3A_600, %get3A_601] {strides = array<i32>} : memref<16x32xf32, #tpu.memory_space<vmem>>, vector<16xf32>,
    %mul3A_603 = arith.constant 5.000000e-01 : f32
    %mul3A_604 = vector.broadcast %mul3A_603 : f32 to vector<16xf32>
    %mul3A_605 = arith.mulf %mul3A_604, %get3A_602 : vector<16xf32>
    %sub3A_606 = arith.constant 1.000000e+00 : f32
    %sub3A_607 = vector.broadcast %sub3A_606 : f32 to vector<16xf32>
    %sub3A_608 = arith.subf %sub3A_607, %mul3A_605 : vector<16xf32>
    %mul3A_609 = arith.mulf %sub3A_608, %gather3A_575 : vector<16xf32>
    %get3A_610 = arith.constant 6 : i32
    %get3A_611 = arith.index_cast %get3A_610 : i32 to index
    %get3A_612 = arith.constant 16 : index
    %get3A_613 = tpu.vector_load %arg9[%get3A_611, %get3A_612] {strides = array<i32>} : memref<16x32xf32, #tpu.memory_space<vmem>>, vector<16xf32>,
    %mul3A_614 = arith.constant 5.000000e-01 : f32
    %mul3A_615 = vector.broadcast %mul3A_614 : f32 to vector<16xf32>
    %mul3A_616 = arith.mulf %mul3A_615, %get3A_613 : vector<16xf32>
    %add3A_617 = arith.addf %mul3A_609, %mul3A_616 : vector<16xf32>
    %get3A_618 = arith.constant 6 : i32
    %get3A_619 = arith.index_cast %get3A_618 : i32 to index
    %get3A_620 = arith.constant 16 : index
    %get3A_621 = tpu.vector_load %arg7[%get3A_619, %get3A_620] {strides = array<i32>} : memref<16x32xi32, #tpu.memory_space<vmem>>, vector<16xi32>,
    tpu.vector_store_idx %arg10[%get3A_621], %add3A_617 : memref<20000xf32, #tpu.memory_space<vmem>>[vector<16xi32>], vector<16xf32>,
    %add3A_622 = arith.constant 6 : i32
    %add3A_623 = arith.addi %mul3A_2, %add3A_622 : i32
    %dma_start3A_624 = arith.constant 0 : i32
    %dma_start3A_625 = tpu.memref_slice %arg5[%add3A_623, %dma_start3A_624] : memref<512x20000xf32, #tpu.memory_space<hbm>> -> memref<1x20000xf32, #tpu.memory_space<hbm>>
    %dma_start3A_626 = tpu.memref_squeeze %dma_start3A_625 : memref<1x20000xf32, #tpu.memory_space<hbm>> -> memref<20000xf32, #tpu.memory_space<hbm>>
    %dma_start3A_627 = arith.constant 0 : i32
    %dma_start3A_628 = tpu.memref_slice %arg5[%add3A_623, %dma_start3A_627] : memref<512x20000xf32, #tpu.memory_space<hbm>> -> memref<1x20000xf32, #tpu.memory_space<hbm>>
    %dma_start3A_629 = tpu.memref_squeeze %dma_start3A_628 : memref<1x20000xf32, #tpu.memory_space<hbm>> -> memref<20000xf32, #tpu.memory_space<hbm>>
    tpu.enqueue_dma source(%arg10 : memref<20000xf32, #tpu.memory_space<vmem>>) target(%dma_start3A_629 : memref<20000xf32, #tpu.memory_space<hbm>>) target_semaphore(%arg22 : memref<!tpu.dma_semaphore, #tpu.memory_space<semaphore_mem>>)
    %add3A_630 = arith.constant 5 : i32
    %add3A_631 = arith.addi %mul3A_2, %add3A_630 : i32
    %dma_wait3A_632 = arith.constant 0 : i32
    %dma_wait3A_633 = tpu.memref_slice %arg5[%add3A_631, %dma_wait3A_632] : memref<512x20000xf32, #tpu.memory_space<hbm>> -> memref<1x20000xf32, #tpu.memory_space<hbm>>
    %dma_wait3A_634 = tpu.memref_squeeze %dma_wait3A_633 : memref<1x20000xf32, #tpu.memory_space<hbm>> -> memref<20000xf32, #tpu.memory_space<hbm>>
    %dma_wait3A_635 = arith.constant 0 : i32
    %dma_wait3A_636 = tpu.memref_slice %arg5[%add3A_631, %dma_wait3A_635] : memref<512x20000xf32, #tpu.memory_space<hbm>> -> memref<1x20000xf32, #tpu.memory_space<hbm>>
    %dma_wait3A_637 = tpu.memref_squeeze %dma_wait3A_636 : memref<1x20000xf32, #tpu.memory_space<hbm>> -> memref<20000xf32, #tpu.memory_space<hbm>>
    tpu.wait_dma2 semaphore(%arg27 : memref<!tpu.dma_semaphore, #tpu.memory_space<semaphore_mem>>) src(%arg15 : memref<20000xf32, #tpu.memory_space<vmem>>) dst(%dma_wait3A_637 : memref<20000xf32, #tpu.memory_space<hbm>>)
    %add3A_638 = arith.constant 11 : i32
    %add3A_639 = arith.addi %mul3A_2, %add3A_638 : i32
    %dma_start3A_640 = arith.constant 0 : i32
    %dma_start3A_641 = tpu.memref_slice %arg5[%add3A_639, %dma_start3A_640] : memref<512x20000xf32, #tpu.memory_space<hbm>> -> memref<1x20000xf32, #tpu.memory_space<hbm>>
    %dma_start3A_642 = tpu.memref_squeeze %dma_start3A_641 : memref<1x20000xf32, #tpu.memory_space<hbm>> -> memref<20000xf32, #tpu.memory_space<hbm>>
    %dma_start3A_643 = arith.constant 0 : i32
    %dma_start3A_644 = tpu.memref_slice %arg5[%add3A_639, %dma_start3A_643] : memref<512x20000xf32, #tpu.memory_space<hbm>> -> memref<1x20000xf32, #tpu.memory_space<hbm>>
    %dma_start3A_645 = tpu.memref_squeeze %dma_start3A_644 : memref<1x20000xf32, #tpu.memory_space<hbm>> -> memref<20000xf32, #tpu.memory_space<hbm>>
    tpu.enqueue_dma source(%dma_start3A_645 : memref<20000xf32, #tpu.memory_space<hbm>>) target(%arg15 : memref<20000xf32, #tpu.memory_space<vmem>>) target_semaphore(%arg21 : memref<!tpu.dma_semaphore, #tpu.memory_space<semaphore_mem>>)
    %add3A_646 = arith.constant 7 : i32
    %add3A_647 = arith.addi %mul3A_2, %add3A_646 : i32
    %dma_wait3A_648 = arith.constant 0 : i32
    %dma_wait3A_649 = tpu.memref_slice %arg5[%add3A_647, %dma_wait3A_648] : memref<512x20000xf32, #tpu.memory_space<hbm>> -> memref<1x20000xf32, #tpu.memory_space<hbm>>
    %dma_wait3A_650 = tpu.memref_squeeze %dma_wait3A_649 : memref<1x20000xf32, #tpu.memory_space<hbm>> -> memref<20000xf32, #tpu.memory_space<hbm>>
    %dma_wait3A_651 = arith.constant 0 : i32
    %dma_wait3A_652 = tpu.memref_slice %arg5[%add3A_647, %dma_wait3A_651] : memref<512x20000xf32, #tpu.memory_space<hbm>> -> memref<1x20000xf32, #tpu.memory_space<hbm>>
    %dma_wait3A_653 = tpu.memref_squeeze %dma_wait3A_652 : memref<1x20000xf32, #tpu.memory_space<hbm>> -> memref<20000xf32, #tpu.memory_space<hbm>>
    tpu.wait_dma2 semaphore(%arg17 : memref<!tpu.dma_semaphore, #tpu.memory_space<semaphore_mem>>) src(%dma_wait3A_653 : memref<20000xf32, #tpu.memory_space<hbm>>) dst(%arg11 : memref<20000xf32, #tpu.memory_space<vmem>>)
    %get3A_654 = arith.constant 7 : i32
    %get3A_655 = arith.index_cast %get3A_654 : i32 to index
    %get3A_656 = arith.constant 0 : index
    %get3A_657 = tpu.vector_load %arg7[%get3A_655, %get3A_656] {strides = array<i32>} : memref<16x32xi32, #tpu.memory_space<vmem>>, vector<16xi32>,
    %gather3A_658 = tpu.vector_load_idx %arg11[%get3A_657] : memref<20000xf32, #tpu.memory_space<vmem>>[vector<16xi32>], vector<16xf32>,
    %get3A_659 = arith.constant 7 : i32
    %get3A_660 = arith.index_cast %get3A_659 : i32 to index
    %get3A_661 = arith.constant 16 : index
    %get3A_662 = tpu.vector_load %arg7[%get3A_660, %get3A_661] {strides = array<i32>} : memref<16x32xi32, #tpu.memory_space<vmem>>, vector<16xi32>,
    %gather3A_663 = tpu.vector_load_idx %arg11[%get3A_662] : memref<20000xf32, #tpu.memory_space<vmem>>[vector<16xi32>], vector<16xf32>,
    %get3A_664 = arith.constant 7 : i32
    %get3A_665 = arith.index_cast %get3A_664 : i32 to index
    %get3A_666 = arith.constant 0 : index
    %get3A_667 = tpu.vector_load %arg8[%get3A_665, %get3A_666] {strides = array<i32>} : memref<16x32xf32, #tpu.memory_space<vmem>>, vector<16xf32>,
    %mul3A_668 = arith.constant 5.000000e-01 : f32
    %mul3A_669 = vector.broadcast %mul3A_668 : f32 to vector<16xf32>
    %mul3A_670 = arith.mulf %mul3A_669, %get3A_667 : vector<16xf32>
    %sub3A_671 = arith.constant 1.000000e+00 : f32
    %sub3A_672 = vector.broadcast %sub3A_671 : f32 to vector<16xf32>
    %sub3A_673 = arith.subf %sub3A_672, %mul3A_670 : vector<16xf32>
    %mul3A_674 = arith.mulf %sub3A_673, %gather3A_658 : vector<16xf32>
    %get3A_675 = arith.constant 7 : i32
    %get3A_676 = arith.index_cast %get3A_675 : i32 to index
    %get3A_677 = arith.constant 0 : index
    %get3A_678 = tpu.vector_load %arg9[%get3A_676, %get3A_677] {strides = array<i32>} : memref<16x32xf32, #tpu.memory_space<vmem>>, vector<16xf32>,
    %mul3A_679 = arith.constant 5.000000e-01 : f32
    %mul3A_680 = vector.broadcast %mul3A_679 : f32 to vector<16xf32>
    %mul3A_681 = arith.mulf %mul3A_680, %get3A_678 : vector<16xf32>
    %add3A_682 = arith.addf %mul3A_674, %mul3A_681 : vector<16xf32>
    %get3A_683 = arith.constant 7 : i32
    %get3A_684 = arith.index_cast %get3A_683 : i32 to index
    %get3A_685 = arith.constant 0 : index
    %get3A_686 = tpu.vector_load %arg7[%get3A_684, %get3A_685] {strides = array<i32>} : memref<16x32xi32, #tpu.memory_space<vmem>>, vector<16xi32>,
    tpu.vector_store_idx %arg11[%get3A_686], %add3A_682 : memref<20000xf32, #tpu.memory_space<vmem>>[vector<16xi32>], vector<16xf32>,
    %get3A_687 = arith.constant 7 : i32
    %get3A_688 = arith.index_cast %get3A_687 : i32 to index
    %get3A_689 = arith.constant 16 : index
    %get3A_690 = tpu.vector_load %arg8[%get3A_688, %get3A_689] {strides = array<i32>} : memref<16x32xf32, #tpu.memory_space<vmem>>, vector<16xf32>,
    %mul3A_691 = arith.constant 5.000000e-01 : f32
    %mul3A_692 = vector.broadcast %mul3A_691 : f32 to vector<16xf32>
    %mul3A_693 = arith.mulf %mul3A_692, %get3A_690 : vector<16xf32>
    %sub3A_694 = arith.constant 1.000000e+00 : f32
    %sub3A_695 = vector.broadcast %sub3A_694 : f32 to vector<16xf32>
    %sub3A_696 = arith.subf %sub3A_695, %mul3A_693 : vector<16xf32>
    %mul3A_697 = arith.mulf %sub3A_696, %gather3A_663 : vector<16xf32>
    %get3A_698 = arith.constant 7 : i32
    %get3A_699 = arith.index_cast %get3A_698 : i32 to index
    %get3A_700 = arith.constant 16 : index
    %get3A_701 = tpu.vector_load %arg9[%get3A_699, %get3A_700] {strides = array<i32>} : memref<16x32xf32, #tpu.memory_space<vmem>>, vector<16xf32>,
    %mul3A_702 = arith.constant 5.000000e-01 : f32
    %mul3A_703 = vector.broadcast %mul3A_702 : f32 to vector<16xf32>
    %mul3A_704 = arith.mulf %mul3A_703, %get3A_701 : vector<16xf32>
    %add3A_705 = arith.addf %mul3A_697, %mul3A_704 : vector<16xf32>
    %get3A_706 = arith.constant 7 : i32
    %get3A_707 = arith.index_cast %get3A_706 : i32 to index
    %get3A_708 = arith.constant 16 : index
    %get3A_709 = tpu.vector_load %arg7[%get3A_707, %get3A_708] {strides = array<i32>} : memref<16x32xi32, #tpu.memory_space<vmem>>, vector<16xi32>,
    tpu.vector_store_idx %arg11[%get3A_709], %add3A_705 : memref<20000xf32, #tpu.memory_space<vmem>>[vector<16xi32>], vector<16xf32>,
    %add3A_710 = arith.constant 7 : i32
    %add3A_711 = arith.addi %mul3A_2, %add3A_710 : i32
    %dma_start3A_712 = arith.constant 0 : i32
    %dma_start3A_713 = tpu.memref_slice %arg5[%add3A_711, %dma_start3A_712] : memref<512x20000xf32, #tpu.memory_space<hbm>> -> memref<1x20000xf32, #tpu.memory_space<hbm>>
    %dma_start3A_714 = tpu.memref_squeeze %dma_start3A_713 : memref<1x20000xf32, #tpu.memory_space<hbm>> -> memref<20000xf32, #tpu.memory_space<hbm>>
    %dma_start3A_715 = arith.constant 0 : i32
    %dma_start3A_716 = tpu.memref_slice %arg5[%add3A_711, %dma_start3A_715] : memref<512x20000xf32, #tpu.memory_space<hbm>> -> memref<1x20000xf32, #tpu.memory_space<hbm>>
    %dma_start3A_717 = tpu.memref_squeeze %dma_start3A_716 : memref<1x20000xf32, #tpu.memory_space<hbm>> -> memref<20000xf32, #tpu.memory_space<hbm>>
    tpu.enqueue_dma source(%arg11 : memref<20000xf32, #tpu.memory_space<vmem>>) target(%dma_start3A_717 : memref<20000xf32, #tpu.memory_space<hbm>>) target_semaphore(%arg23 : memref<!tpu.dma_semaphore, #tpu.memory_space<semaphore_mem>>)
    %add3A_718 = arith.constant 6 : i32
    %add3A_719 = arith.addi %mul3A_2, %add3A_718 : i32
    %dma_wait3A_720 = arith.constant 0 : i32
    %dma_wait3A_721 = tpu.memref_slice %arg5[%add3A_719, %dma_wait3A_720] : memref<512x20000xf32, #tpu.memory_space<hbm>> -> memref<1x20000xf32, #tpu.memory_space<hbm>>
    %dma_wait3A_722 = tpu.memref_squeeze %dma_wait3A_721 : memref<1x20000xf32, #tpu.memory_space<hbm>> -> memref<20000xf32, #tpu.memory_space<hbm>>
    %dma_wait3A_723 = arith.constant 0 : i32
    %dma_wait3A_724 = tpu.memref_slice %arg5[%add3A_719, %dma_wait3A_723] : memref<512x20000xf32, #tpu.memory_space<hbm>> -> memref<1x20000xf32, #tpu.memory_space<hbm>>
    %dma_wait3A_725 = tpu.memref_squeeze %dma_wait3A_724 : memref<1x20000xf32, #tpu.memory_space<hbm>> -> memref<20000xf32, #tpu.memory_space<hbm>>
    tpu.wait_dma2 semaphore(%arg22 : memref<!tpu.dma_semaphore, #tpu.memory_space<semaphore_mem>>) src(%arg10 : memref<20000xf32, #tpu.memory_space<vmem>>) dst(%dma_wait3A_725 : memref<20000xf32, #tpu.memory_space<hbm>>)
    %add3A_726 = arith.constant 12 : i32
    %add3A_727 = arith.addi %mul3A_2, %add3A_726 : i32
    %dma_start3A_728 = arith.constant 0 : i32
    %dma_start3A_729 = tpu.memref_slice %arg5[%add3A_727, %dma_start3A_728] : memref<512x20000xf32, #tpu.memory_space<hbm>> -> memref<1x20000xf32, #tpu.memory_space<hbm>>
    %dma_start3A_730 = tpu.memref_squeeze %dma_start3A_729 : memref<1x20000xf32, #tpu.memory_space<hbm>> -> memref<20000xf32, #tpu.memory_space<hbm>>
    %dma_start3A_731 = arith.constant 0 : i32
    %dma_start3A_732 = tpu.memref_slice %arg5[%add3A_727, %dma_start3A_731] : memref<512x20000xf32, #tpu.memory_space<hbm>> -> memref<1x20000xf32, #tpu.memory_space<hbm>>
    %dma_start3A_733 = tpu.memref_squeeze %dma_start3A_732 : memref<1x20000xf32, #tpu.memory_space<hbm>> -> memref<20000xf32, #tpu.memory_space<hbm>>
    tpu.enqueue_dma source(%dma_start3A_733 : memref<20000xf32, #tpu.memory_space<hbm>>) target(%arg10 : memref<20000xf32, #tpu.memory_space<vmem>>) target_semaphore(%arg16 : memref<!tpu.dma_semaphore, #tpu.memory_space<semaphore_mem>>)
    %add3A_734 = arith.constant 8 : i32
    %add3A_735 = arith.addi %mul3A_2, %add3A_734 : i32
    %dma_wait3A_736 = arith.constant 0 : i32
    %dma_wait3A_737 = tpu.memref_slice %arg5[%add3A_735, %dma_wait3A_736] : memref<512x20000xf32, #tpu.memory_space<hbm>> -> memref<1x20000xf32, #tpu.memory_space<hbm>>
    %dma_wait3A_738 = tpu.memref_squeeze %dma_wait3A_737 : memref<1x20000xf32, #tpu.memory_space<hbm>> -> memref<20000xf32, #tpu.memory_space<hbm>>
    %dma_wait3A_739 = arith.constant 0 : i32
    %dma_wait3A_740 = tpu.memref_slice %arg5[%add3A_735, %dma_wait3A_739] : memref<512x20000xf32, #tpu.memory_space<hbm>> -> memref<1x20000xf32, #tpu.memory_space<hbm>>
    %dma_wait3A_741 = tpu.memref_squeeze %dma_wait3A_740 : memref<1x20000xf32, #tpu.memory_space<hbm>> -> memref<20000xf32, #tpu.memory_space<hbm>>
    tpu.wait_dma2 semaphore(%arg18 : memref<!tpu.dma_semaphore, #tpu.memory_space<semaphore_mem>>) src(%dma_wait3A_741 : memref<20000xf32, #tpu.memory_space<hbm>>) dst(%arg12 : memref<20000xf32, #tpu.memory_space<vmem>>)
    %get3A_742 = arith.constant 8 : i32
    %get3A_743 = arith.index_cast %get3A_742 : i32 to index
    %get3A_744 = arith.constant 0 : index
    %get3A_745 = tpu.vector_load %arg7[%get3A_743, %get3A_744] {strides = array<i32>} : memref<16x32xi32, #tpu.memory_space<vmem>>, vector<16xi32>,
    %gather3A_746 = tpu.vector_load_idx %arg12[%get3A_745] : memref<20000xf32, #tpu.memory_space<vmem>>[vector<16xi32>], vector<16xf32>,
    %get3A_747 = arith.constant 8 : i32
    %get3A_748 = arith.index_cast %get3A_747 : i32 to index
    %get3A_749 = arith.constant 16 : index
    %get3A_750 = tpu.vector_load %arg7[%get3A_748, %get3A_749] {strides = array<i32>} : memref<16x32xi32, #tpu.memory_space<vmem>>, vector<16xi32>,
    %gather3A_751 = tpu.vector_load_idx %arg12[%get3A_750] : memref<20000xf32, #tpu.memory_space<vmem>>[vector<16xi32>], vector<16xf32>,
    %get3A_752 = arith.constant 8 : i32
    %get3A_753 = arith.index_cast %get3A_752 : i32 to index
    %get3A_754 = arith.constant 0 : index
    %get3A_755 = tpu.vector_load %arg8[%get3A_753, %get3A_754] {strides = array<i32>} : memref<16x32xf32, #tpu.memory_space<vmem>>, vector<16xf32>,
    %mul3A_756 = arith.constant 5.000000e-01 : f32
    %mul3A_757 = vector.broadcast %mul3A_756 : f32 to vector<16xf32>
    %mul3A_758 = arith.mulf %mul3A_757, %get3A_755 : vector<16xf32>
    %sub3A_759 = arith.constant 1.000000e+00 : f32
    %sub3A_760 = vector.broadcast %sub3A_759 : f32 to vector<16xf32>
    %sub3A_761 = arith.subf %sub3A_760, %mul3A_758 : vector<16xf32>
    %mul3A_762 = arith.mulf %sub3A_761, %gather3A_746 : vector<16xf32>
    %get3A_763 = arith.constant 8 : i32
    %get3A_764 = arith.index_cast %get3A_763 : i32 to index
    %get3A_765 = arith.constant 0 : index
    %get3A_766 = tpu.vector_load %arg9[%get3A_764, %get3A_765] {strides = array<i32>} : memref<16x32xf32, #tpu.memory_space<vmem>>, vector<16xf32>,
    %mul3A_767 = arith.constant 5.000000e-01 : f32
    %mul3A_768 = vector.broadcast %mul3A_767 : f32 to vector<16xf32>
    %mul3A_769 = arith.mulf %mul3A_768, %get3A_766 : vector<16xf32>
    %add3A_770 = arith.addf %mul3A_762, %mul3A_769 : vector<16xf32>
    %get3A_771 = arith.constant 8 : i32
    %get3A_772 = arith.index_cast %get3A_771 : i32 to index
    %get3A_773 = arith.constant 0 : index
    %get3A_774 = tpu.vector_load %arg7[%get3A_772, %get3A_773] {strides = array<i32>} : memref<16x32xi32, #tpu.memory_space<vmem>>, vector<16xi32>,
    tpu.vector_store_idx %arg12[%get3A_774], %add3A_770 : memref<20000xf32, #tpu.memory_space<vmem>>[vector<16xi32>], vector<16xf32>,
    %get3A_775 = arith.constant 8 : i32
    %get3A_776 = arith.index_cast %get3A_775 : i32 to index
    %get3A_777 = arith.constant 16 : index
    %get3A_778 = tpu.vector_load %arg8[%get3A_776, %get3A_777] {strides = array<i32>} : memref<16x32xf32, #tpu.memory_space<vmem>>, vector<16xf32>,
    %mul3A_779 = arith.constant 5.000000e-01 : f32
    %mul3A_780 = vector.broadcast %mul3A_779 : f32 to vector<16xf32>
    %mul3A_781 = arith.mulf %mul3A_780, %get3A_778 : vector<16xf32>
    %sub3A_782 = arith.constant 1.000000e+00 : f32
    %sub3A_783 = vector.broadcast %sub3A_782 : f32 to vector<16xf32>
    %sub3A_784 = arith.subf %sub3A_783, %mul3A_781 : vector<16xf32>
    %mul3A_785 = arith.mulf %sub3A_784, %gather3A_751 : vector<16xf32>
    %get3A_786 = arith.constant 8 : i32
    %get3A_787 = arith.index_cast %get3A_786 : i32 to index
    %get3A_788 = arith.constant 16 : index
    %get3A_789 = tpu.vector_load %arg9[%get3A_787, %get3A_788] {strides = array<i32>} : memref<16x32xf32, #tpu.memory_space<vmem>>, vector<16xf32>,
    %mul3A_790 = arith.constant 5.000000e-01 : f32
    %mul3A_791 = vector.broadcast %mul3A_790 : f32 to vector<16xf32>
    %mul3A_792 = arith.mulf %mul3A_791, %get3A_789 : vector<16xf32>
    %add3A_793 = arith.addf %mul3A_785, %mul3A_792 : vector<16xf32>
    %get3A_794 = arith.constant 8 : i32
    %get3A_795 = arith.index_cast %get3A_794 : i32 to index
    %get3A_796 = arith.constant 16 : index
    %get3A_797 = tpu.vector_load %arg7[%get3A_795, %get3A_796] {strides = array<i32>} : memref<16x32xi32, #tpu.memory_space<vmem>>, vector<16xi32>,
    tpu.vector_store_idx %arg12[%get3A_797], %add3A_793 : memref<20000xf32, #tpu.memory_space<vmem>>[vector<16xi32>], vector<16xf32>,
    %add3A_798 = arith.constant 8 : i32
    %add3A_799 = arith.addi %mul3A_2, %add3A_798 : i32
    %dma_start3A_800 = arith.constant 0 : i32
    %dma_start3A_801 = tpu.memref_slice %arg5[%add3A_799, %dma_start3A_800] : memref<512x20000xf32, #tpu.memory_space<hbm>> -> memref<1x20000xf32, #tpu.memory_space<hbm>>
    %dma_start3A_802 = tpu.memref_squeeze %dma_start3A_801 : memref<1x20000xf32, #tpu.memory_space<hbm>> -> memref<20000xf32, #tpu.memory_space<hbm>>
    %dma_start3A_803 = arith.constant 0 : i32
    %dma_start3A_804 = tpu.memref_slice %arg5[%add3A_799, %dma_start3A_803] : memref<512x20000xf32, #tpu.memory_space<hbm>> -> memref<1x20000xf32, #tpu.memory_space<hbm>>
    %dma_start3A_805 = tpu.memref_squeeze %dma_start3A_804 : memref<1x20000xf32, #tpu.memory_space<hbm>> -> memref<20000xf32, #tpu.memory_space<hbm>>
    tpu.enqueue_dma source(%arg12 : memref<20000xf32, #tpu.memory_space<vmem>>) target(%dma_start3A_805 : memref<20000xf32, #tpu.memory_space<hbm>>) target_semaphore(%arg24 : memref<!tpu.dma_semaphore, #tpu.memory_space<semaphore_mem>>)
    %add3A_806 = arith.constant 7 : i32
    %add3A_807 = arith.addi %mul3A_2, %add3A_806 : i32
    %dma_wait3A_808 = arith.constant 0 : i32
    %dma_wait3A_809 = tpu.memref_slice %arg5[%add3A_807, %dma_wait3A_808] : memref<512x20000xf32, #tpu.memory_space<hbm>> -> memref<1x20000xf32, #tpu.memory_space<hbm>>
    %dma_wait3A_810 = tpu.memref_squeeze %dma_wait3A_809 : memref<1x20000xf32, #tpu.memory_space<hbm>> -> memref<20000xf32, #tpu.memory_space<hbm>>
    %dma_wait3A_811 = arith.constant 0 : i32
    %dma_wait3A_812 = tpu.memref_slice %arg5[%add3A_807, %dma_wait3A_811] : memref<512x20000xf32, #tpu.memory_space<hbm>> -> memref<1x20000xf32, #tpu.memory_space<hbm>>
    %dma_wait3A_813 = tpu.memref_squeeze %dma_wait3A_812 : memref<1x20000xf32, #tpu.memory_space<hbm>> -> memref<20000xf32, #tpu.memory_space<hbm>>
    tpu.wait_dma2 semaphore(%arg23 : memref<!tpu.dma_semaphore, #tpu.memory_space<semaphore_mem>>) src(%arg11 : memref<20000xf32, #tpu.memory_space<vmem>>) dst(%dma_wait3A_813 : memref<20000xf32, #tpu.memory_space<hbm>>)
    %add3A_814 = arith.constant 13 : i32
    %add3A_815 = arith.addi %mul3A_2, %add3A_814 : i32
    %dma_start3A_816 = arith.constant 0 : i32
    %dma_start3A_817 = tpu.memref_slice %arg5[%add3A_815, %dma_start3A_816] : memref<512x20000xf32, #tpu.memory_space<hbm>> -> memref<1x20000xf32, #tpu.memory_space<hbm>>
    %dma_start3A_818 = tpu.memref_squeeze %dma_start3A_817 : memref<1x20000xf32, #tpu.memory_space<hbm>> -> memref<20000xf32, #tpu.memory_space<hbm>>
    %dma_start3A_819 = arith.constant 0 : i32
    %dma_start3A_820 = tpu.memref_slice %arg5[%add3A_815, %dma_start3A_819] : memref<512x20000xf32, #tpu.memory_space<hbm>> -> memref<1x20000xf32, #tpu.memory_space<hbm>>
    %dma_start3A_821 = tpu.memref_squeeze %dma_start3A_820 : memref<1x20000xf32, #tpu.memory_space<hbm>> -> memref<20000xf32, #tpu.memory_space<hbm>>
    tpu.enqueue_dma source(%dma_start3A_821 : memref<20000xf32, #tpu.memory_space<hbm>>) target(%arg11 : memref<20000xf32, #tpu.memory_space<vmem>>) target_semaphore(%arg17 : memref<!tpu.dma_semaphore, #tpu.memory_space<semaphore_mem>>)
    %add3A_822 = arith.constant 9 : i32
    %add3A_823 = arith.addi %mul3A_2, %add3A_822 : i32
    %dma_wait3A_824 = arith.constant 0 : i32
    %dma_wait3A_825 = tpu.memref_slice %arg5[%add3A_823, %dma_wait3A_824] : memref<512x20000xf32, #tpu.memory_space<hbm>> -> memref<1x20000xf32, #tpu.memory_space<hbm>>
    %dma_wait3A_826 = tpu.memref_squeeze %dma_wait3A_825 : memref<1x20000xf32, #tpu.memory_space<hbm>> -> memref<20000xf32, #tpu.memory_space<hbm>>
    %dma_wait3A_827 = arith.constant 0 : i32
    %dma_wait3A_828 = tpu.memref_slice %arg5[%add3A_823, %dma_wait3A_827] : memref<512x20000xf32, #tpu.memory_space<hbm>> -> memref<1x20000xf32, #tpu.memory_space<hbm>>
    %dma_wait3A_829 = tpu.memref_squeeze %dma_wait3A_828 : memref<1x20000xf32, #tpu.memory_space<hbm>> -> memref<20000xf32, #tpu.memory_space<hbm>>
    tpu.wait_dma2 semaphore(%arg19 : memref<!tpu.dma_semaphore, #tpu.memory_space<semaphore_mem>>) src(%dma_wait3A_829 : memref<20000xf32, #tpu.memory_space<hbm>>) dst(%arg13 : memref<20000xf32, #tpu.memory_space<vmem>>)
    %get3A_830 = arith.constant 9 : i32
    %get3A_831 = arith.index_cast %get3A_830 : i32 to index
    %get3A_832 = arith.constant 0 : index
    %get3A_833 = tpu.vector_load %arg7[%get3A_831, %get3A_832] {strides = array<i32>} : memref<16x32xi32, #tpu.memory_space<vmem>>, vector<16xi32>,
    %gather3A_834 = tpu.vector_load_idx %arg13[%get3A_833] : memref<20000xf32, #tpu.memory_space<vmem>>[vector<16xi32>], vector<16xf32>,
    %get3A_835 = arith.constant 9 : i32
    %get3A_836 = arith.index_cast %get3A_835 : i32 to index
    %get3A_837 = arith.constant 16 : index
    %get3A_838 = tpu.vector_load %arg7[%get3A_836, %get3A_837] {strides = array<i32>} : memref<16x32xi32, #tpu.memory_space<vmem>>, vector<16xi32>,
    %gather3A_839 = tpu.vector_load_idx %arg13[%get3A_838] : memref<20000xf32, #tpu.memory_space<vmem>>[vector<16xi32>], vector<16xf32>,
    %get3A_840 = arith.constant 9 : i32
    %get3A_841 = arith.index_cast %get3A_840 : i32 to index
    %get3A_842 = arith.constant 0 : index
    %get3A_843 = tpu.vector_load %arg8[%get3A_841, %get3A_842] {strides = array<i32>} : memref<16x32xf32, #tpu.memory_space<vmem>>, vector<16xf32>,
    %mul3A_844 = arith.constant 5.000000e-01 : f32
    %mul3A_845 = vector.broadcast %mul3A_844 : f32 to vector<16xf32>
    %mul3A_846 = arith.mulf %mul3A_845, %get3A_843 : vector<16xf32>
    %sub3A_847 = arith.constant 1.000000e+00 : f32
    %sub3A_848 = vector.broadcast %sub3A_847 : f32 to vector<16xf32>
    %sub3A_849 = arith.subf %sub3A_848, %mul3A_846 : vector<16xf32>
    %mul3A_850 = arith.mulf %sub3A_849, %gather3A_834 : vector<16xf32>
    %get3A_851 = arith.constant 9 : i32
    %get3A_852 = arith.index_cast %get3A_851 : i32 to index
    %get3A_853 = arith.constant 0 : index
    %get3A_854 = tpu.vector_load %arg9[%get3A_852, %get3A_853] {strides = array<i32>} : memref<16x32xf32, #tpu.memory_space<vmem>>, vector<16xf32>,
    %mul3A_855 = arith.constant 5.000000e-01 : f32
    %mul3A_856 = vector.broadcast %mul3A_855 : f32 to vector<16xf32>
    %mul3A_857 = arith.mulf %mul3A_856, %get3A_854 : vector<16xf32>
    %add3A_858 = arith.addf %mul3A_850, %mul3A_857 : vector<16xf32>
    %get3A_859 = arith.constant 9 : i32
    %get3A_860 = arith.index_cast %get3A_859 : i32 to index
    %get3A_861 = arith.constant 0 : index
    %get3A_862 = tpu.vector_load %arg7[%get3A_860, %get3A_861] {strides = array<i32>} : memref<16x32xi32, #tpu.memory_space<vmem>>, vector<16xi32>,
    tpu.vector_store_idx %arg13[%get3A_862], %add3A_858 : memref<20000xf32, #tpu.memory_space<vmem>>[vector<16xi32>], vector<16xf32>,
    %get3A_863 = arith.constant 9 : i32
    %get3A_864 = arith.index_cast %get3A_863 : i32 to index
    %get3A_865 = arith.constant 16 : index
    %get3A_866 = tpu.vector_load %arg8[%get3A_864, %get3A_865] {strides = array<i32>} : memref<16x32xf32, #tpu.memory_space<vmem>>, vector<16xf32>,
    %mul3A_867 = arith.constant 5.000000e-01 : f32
    %mul3A_868 = vector.broadcast %mul3A_867 : f32 to vector<16xf32>
    %mul3A_869 = arith.mulf %mul3A_868, %get3A_866 : vector<16xf32>
    %sub3A_870 = arith.constant 1.000000e+00 : f32
    %sub3A_871 = vector.broadcast %sub3A_870 : f32 to vector<16xf32>
    %sub3A_872 = arith.subf %sub3A_871, %mul3A_869 : vector<16xf32>
    %mul3A_873 = arith.mulf %sub3A_872, %gather3A_839 : vector<16xf32>
    %get3A_874 = arith.constant 9 : i32
    %get3A_875 = arith.index_cast %get3A_874 : i32 to index
    %get3A_876 = arith.constant 16 : index
    %get3A_877 = tpu.vector_load %arg9[%get3A_875, %get3A_876] {strides = array<i32>} : memref<16x32xf32, #tpu.memory_space<vmem>>, vector<16xf32>,
    %mul3A_878 = arith.constant 5.000000e-01 : f32
    %mul3A_879 = vector.broadcast %mul3A_878 : f32 to vector<16xf32>
    %mul3A_880 = arith.mulf %mul3A_879, %get3A_877 : vector<16xf32>
    %add3A_881 = arith.addf %mul3A_873, %mul3A_880 : vector<16xf32>
    %get3A_882 = arith.constant 9 : i32
    %get3A_883 = arith.index_cast %get3A_882 : i32 to index
    %get3A_884 = arith.constant 16 : index
    %get3A_885 = tpu.vector_load %arg7[%get3A_883, %get3A_884] {strides = array<i32>} : memref<16x32xi32, #tpu.memory_space<vmem>>, vector<16xi32>,
    tpu.vector_store_idx %arg13[%get3A_885], %add3A_881 : memref<20000xf32, #tpu.memory_space<vmem>>[vector<16xi32>], vector<16xf32>,
    %add3A_886 = arith.constant 9 : i32
    %add3A_887 = arith.addi %mul3A_2, %add3A_886 : i32
    %dma_start3A_888 = arith.constant 0 : i32
    %dma_start3A_889 = tpu.memref_slice %arg5[%add3A_887, %dma_start3A_888] : memref<512x20000xf32, #tpu.memory_space<hbm>> -> memref<1x20000xf32, #tpu.memory_space<hbm>>
    %dma_start3A_890 = tpu.memref_squeeze %dma_start3A_889 : memref<1x20000xf32, #tpu.memory_space<hbm>> -> memref<20000xf32, #tpu.memory_space<hbm>>
    %dma_start3A_891 = arith.constant 0 : i32
    %dma_start3A_892 = tpu.memref_slice %arg5[%add3A_887, %dma_start3A_891] : memref<512x20000xf32, #tpu.memory_space<hbm>> -> memref<1x20000xf32, #tpu.memory_space<hbm>>
    %dma_start3A_893 = tpu.memref_squeeze %dma_start3A_892 : memref<1x20000xf32, #tpu.memory_space<hbm>> -> memref<20000xf32, #tpu.memory_space<hbm>>
    tpu.enqueue_dma source(%arg13 : memref<20000xf32, #tpu.memory_space<vmem>>) target(%dma_start3A_893 : memref<20000xf32, #tpu.memory_space<hbm>>) target_semaphore(%arg25 : memref<!tpu.dma_semaphore, #tpu.memory_space<semaphore_mem>>)
    %add3A_894 = arith.constant 8 : i32
    %add3A_895 = arith.addi %mul3A_2, %add3A_894 : i32
    %dma_wait3A_896 = arith.constant 0 : i32
    %dma_wait3A_897 = tpu.memref_slice %arg5[%add3A_895, %dma_wait3A_896] : memref<512x20000xf32, #tpu.memory_space<hbm>> -> memref<1x20000xf32, #tpu.memory_space<hbm>>
    %dma_wait3A_898 = tpu.memref_squeeze %dma_wait3A_897 : memref<1x20000xf32, #tpu.memory_space<hbm>> -> memref<20000xf32, #tpu.memory_space<hbm>>
    %dma_wait3A_899 = arith.constant 0 : i32
    %dma_wait3A_900 = tpu.memref_slice %arg5[%add3A_895, %dma_wait3A_899] : memref<512x20000xf32, #tpu.memory_space<hbm>> -> memref<1x20000xf32, #tpu.memory_space<hbm>>
    %dma_wait3A_901 = tpu.memref_squeeze %dma_wait3A_900 : memref<1x20000xf32, #tpu.memory_space<hbm>> -> memref<20000xf32, #tpu.memory_space<hbm>>
    tpu.wait_dma2 semaphore(%arg24 : memref<!tpu.dma_semaphore, #tpu.memory_space<semaphore_mem>>) src(%arg12 : memref<20000xf32, #tpu.memory_space<vmem>>) dst(%dma_wait3A_901 : memref<20000xf32, #tpu.memory_space<hbm>>)
    %add3A_902 = arith.constant 14 : i32
    %add3A_903 = arith.addi %mul3A_2, %add3A_902 : i32
    %dma_start3A_904 = arith.constant 0 : i32
    %dma_start3A_905 = tpu.memref_slice %arg5[%add3A_903, %dma_start3A_904] : memref<512x20000xf32, #tpu.memory_space<hbm>> -> memref<1x20000xf32, #tpu.memory_space<hbm>>
    %dma_start3A_906 = tpu.memref_squeeze %dma_start3A_905 : memref<1x20000xf32, #tpu.memory_space<hbm>> -> memref<20000xf32, #tpu.memory_space<hbm>>
    %dma_start3A_907 = arith.constant 0 : i32
    %dma_start3A_908 = tpu.memref_slice %arg5[%add3A_903, %dma_start3A_907] : memref<512x20000xf32, #tpu.memory_space<hbm>> -> memref<1x20000xf32, #tpu.memory_space<hbm>>
    %dma_start3A_909 = tpu.memref_squeeze %dma_start3A_908 : memref<1x20000xf32, #tpu.memory_space<hbm>> -> memref<20000xf32, #tpu.memory_space<hbm>>
    tpu.enqueue_dma source(%dma_start3A_909 : memref<20000xf32, #tpu.memory_space<hbm>>) target(%arg12 : memref<20000xf32, #tpu.memory_space<vmem>>) target_semaphore(%arg18 : memref<!tpu.dma_semaphore, #tpu.memory_space<semaphore_mem>>)
    %add3A_910 = arith.constant 10 : i32
    %add3A_911 = arith.addi %mul3A_2, %add3A_910 : i32
    %dma_wait3A_912 = arith.constant 0 : i32
    %dma_wait3A_913 = tpu.memref_slice %arg5[%add3A_911, %dma_wait3A_912] : memref<512x20000xf32, #tpu.memory_space<hbm>> -> memref<1x20000xf32, #tpu.memory_space<hbm>>
    %dma_wait3A_914 = tpu.memref_squeeze %dma_wait3A_913 : memref<1x20000xf32, #tpu.memory_space<hbm>> -> memref<20000xf32, #tpu.memory_space<hbm>>
    %dma_wait3A_915 = arith.constant 0 : i32
    %dma_wait3A_916 = tpu.memref_slice %arg5[%add3A_911, %dma_wait3A_915] : memref<512x20000xf32, #tpu.memory_space<hbm>> -> memref<1x20000xf32, #tpu.memory_space<hbm>>
    %dma_wait3A_917 = tpu.memref_squeeze %dma_wait3A_916 : memref<1x20000xf32, #tpu.memory_space<hbm>> -> memref<20000xf32, #tpu.memory_space<hbm>>
    tpu.wait_dma2 semaphore(%arg20 : memref<!tpu.dma_semaphore, #tpu.memory_space<semaphore_mem>>) src(%dma_wait3A_917 : memref<20000xf32, #tpu.memory_space<hbm>>) dst(%arg14 : memref<20000xf32, #tpu.memory_space<vmem>>)
    %get3A_918 = arith.constant 10 : i32
    %get3A_919 = arith.index_cast %get3A_918 : i32 to index
    %get3A_920 = arith.constant 0 : index
    %get3A_921 = tpu.vector_load %arg7[%get3A_919, %get3A_920] {strides = array<i32>} : memref<16x32xi32, #tpu.memory_space<vmem>>, vector<16xi32>,
    %gather3A_922 = tpu.vector_load_idx %arg14[%get3A_921] : memref<20000xf32, #tpu.memory_space<vmem>>[vector<16xi32>], vector<16xf32>,
    %get3A_923 = arith.constant 10 : i32
    %get3A_924 = arith.index_cast %get3A_923 : i32 to index
    %get3A_925 = arith.constant 16 : index
    %get3A_926 = tpu.vector_load %arg7[%get3A_924, %get3A_925] {strides = array<i32>} : memref<16x32xi32, #tpu.memory_space<vmem>>, vector<16xi32>,
    %gather3A_927 = tpu.vector_load_idx %arg14[%get3A_926] : memref<20000xf32, #tpu.memory_space<vmem>>[vector<16xi32>], vector<16xf32>,
    %get3A_928 = arith.constant 10 : i32
    %get3A_929 = arith.index_cast %get3A_928 : i32 to index
    %get3A_930 = arith.constant 0 : index
    %get3A_931 = tpu.vector_load %arg8[%get3A_929, %get3A_930] {strides = array<i32>} : memref<16x32xf32, #tpu.memory_space<vmem>>, vector<16xf32>,
    %mul3A_932 = arith.constant 5.000000e-01 : f32
    %mul3A_933 = vector.broadcast %mul3A_932 : f32 to vector<16xf32>
    %mul3A_934 = arith.mulf %mul3A_933, %get3A_931 : vector<16xf32>
    %sub3A_935 = arith.constant 1.000000e+00 : f32
    %sub3A_936 = vector.broadcast %sub3A_935 : f32 to vector<16xf32>
    %sub3A_937 = arith.subf %sub3A_936, %mul3A_934 : vector<16xf32>
    %mul3A_938 = arith.mulf %sub3A_937, %gather3A_922 : vector<16xf32>
    %get3A_939 = arith.constant 10 : i32
    %get3A_940 = arith.index_cast %get3A_939 : i32 to index
    %get3A_941 = arith.constant 0 : index
    %get3A_942 = tpu.vector_load %arg9[%get3A_940, %get3A_941] {strides = array<i32>} : memref<16x32xf32, #tpu.memory_space<vmem>>, vector<16xf32>,
    %mul3A_943 = arith.constant 5.000000e-01 : f32
    %mul3A_944 = vector.broadcast %mul3A_943 : f32 to vector<16xf32>
    %mul3A_945 = arith.mulf %mul3A_944, %get3A_942 : vector<16xf32>
    %add3A_946 = arith.addf %mul3A_938, %mul3A_945 : vector<16xf32>
    %get3A_947 = arith.constant 10 : i32
    %get3A_948 = arith.index_cast %get3A_947 : i32 to index
    %get3A_949 = arith.constant 0 : index
    %get3A_950 = tpu.vector_load %arg7[%get3A_948, %get3A_949] {strides = array<i32>} : memref<16x32xi32, #tpu.memory_space<vmem>>, vector<16xi32>,
    tpu.vector_store_idx %arg14[%get3A_950], %add3A_946 : memref<20000xf32, #tpu.memory_space<vmem>>[vector<16xi32>], vector<16xf32>,
    %get3A_951 = arith.constant 10 : i32
    %get3A_952 = arith.index_cast %get3A_951 : i32 to index
    %get3A_953 = arith.constant 16 : index
    %get3A_954 = tpu.vector_load %arg8[%get3A_952, %get3A_953] {strides = array<i32>} : memref<16x32xf32, #tpu.memory_space<vmem>>, vector<16xf32>,
    %mul3A_955 = arith.constant 5.000000e-01 : f32
    %mul3A_956 = vector.broadcast %mul3A_955 : f32 to vector<16xf32>
    %mul3A_957 = arith.mulf %mul3A_956, %get3A_954 : vector<16xf32>
    %sub3A_958 = arith.constant 1.000000e+00 : f32
    %sub3A_959 = vector.broadcast %sub3A_958 : f32 to vector<16xf32>
    %sub3A_960 = arith.subf %sub3A_959, %mul3A_957 : vector<16xf32>
    %mul3A_961 = arith.mulf %sub3A_960, %gather3A_927 : vector<16xf32>
    %get3A_962 = arith.constant 10 : i32
    %get3A_963 = arith.index_cast %get3A_962 : i32 to index
    %get3A_964 = arith.constant 16 : index
    %get3A_965 = tpu.vector_load %arg9[%get3A_963, %get3A_964] {strides = array<i32>} : memref<16x32xf32, #tpu.memory_space<vmem>>, vector<16xf32>,
    %mul3A_966 = arith.constant 5.000000e-01 : f32
    %mul3A_967 = vector.broadcast %mul3A_966 : f32 to vector<16xf32>
    %mul3A_968 = arith.mulf %mul3A_967, %get3A_965 : vector<16xf32>
    %add3A_969 = arith.addf %mul3A_961, %mul3A_968 : vector<16xf32>
    %get3A_970 = arith.constant 10 : i32
    %get3A_971 = arith.index_cast %get3A_970 : i32 to index
    %get3A_972 = arith.constant 16 : index
    %get3A_973 = tpu.vector_load %arg7[%get3A_971, %get3A_972] {strides = array<i32>} : memref<16x32xi32, #tpu.memory_space<vmem>>, vector<16xi32>,
    tpu.vector_store_idx %arg14[%get3A_973], %add3A_969 : memref<20000xf32, #tpu.memory_space<vmem>>[vector<16xi32>], vector<16xf32>,
    %add3A_974 = arith.constant 10 : i32
    %add3A_975 = arith.addi %mul3A_2, %add3A_974 : i32
    %dma_start3A_976 = arith.constant 0 : i32
    %dma_start3A_977 = tpu.memref_slice %arg5[%add3A_975, %dma_start3A_976] : memref<512x20000xf32, #tpu.memory_space<hbm>> -> memref<1x20000xf32, #tpu.memory_space<hbm>>
    %dma_start3A_978 = tpu.memref_squeeze %dma_start3A_977 : memref<1x20000xf32, #tpu.memory_space<hbm>> -> memref<20000xf32, #tpu.memory_space<hbm>>
    %dma_start3A_979 = arith.constant 0 : i32
    %dma_start3A_980 = tpu.memref_slice %arg5[%add3A_975, %dma_start3A_979] : memref<512x20000xf32, #tpu.memory_space<hbm>> -> memref<1x20000xf32, #tpu.memory_space<hbm>>
    %dma_start3A_981 = tpu.memref_squeeze %dma_start3A_980 : memref<1x20000xf32, #tpu.memory_space<hbm>> -> memref<20000xf32, #tpu.memory_space<hbm>>
    tpu.enqueue_dma source(%arg14 : memref<20000xf32, #tpu.memory_space<vmem>>) target(%dma_start3A_981 : memref<20000xf32, #tpu.memory_space<hbm>>) target_semaphore(%arg26 : memref<!tpu.dma_semaphore, #tpu.memory_space<semaphore_mem>>)
    %add3A_982 = arith.constant 9 : i32
    %add3A_983 = arith.addi %mul3A_2, %add3A_982 : i32
    %dma_wait3A_984 = arith.constant 0 : i32
    %dma_wait3A_985 = tpu.memref_slice %arg5[%add3A_983, %dma_wait3A_984] : memref<512x20000xf32, #tpu.memory_space<hbm>> -> memref<1x20000xf32, #tpu.memory_space<hbm>>
    %dma_wait3A_986 = tpu.memref_squeeze %dma_wait3A_985 : memref<1x20000xf32, #tpu.memory_space<hbm>> -> memref<20000xf32, #tpu.memory_space<hbm>>
    %dma_wait3A_987 = arith.constant 0 : i32
    %dma_wait3A_988 = tpu.memref_slice %arg5[%add3A_983, %dma_wait3A_987] : memref<512x20000xf32, #tpu.memory_space<hbm>> -> memref<1x20000xf32, #tpu.memory_space<hbm>>
    %dma_wait3A_989 = tpu.memref_squeeze %dma_wait3A_988 : memref<1x20000xf32, #tpu.memory_space<hbm>> -> memref<20000xf32, #tpu.memory_space<hbm>>
    tpu.wait_dma2 semaphore(%arg25 : memref<!tpu.dma_semaphore, #tpu.memory_space<semaphore_mem>>) src(%arg13 : memref<20000xf32, #tpu.memory_space<vmem>>) dst(%dma_wait3A_989 : memref<20000xf32, #tpu.memory_space<hbm>>)
    %add3A_990 = arith.constant 15 : i32
    %add3A_991 = arith.addi %mul3A_2, %add3A_990 : i32
    %dma_start3A_992 = arith.constant 0 : i32
    %dma_start3A_993 = tpu.memref_slice %arg5[%add3A_991, %dma_start3A_992] : memref<512x20000xf32, #tpu.memory_space<hbm>> -> memref<1x20000xf32, #tpu.memory_space<hbm>>
    %dma_start3A_994 = tpu.memref_squeeze %dma_start3A_993 : memref<1x20000xf32, #tpu.memory_space<hbm>> -> memref<20000xf32, #tpu.memory_space<hbm>>
    %dma_start3A_995 = arith.constant 0 : i32
    %dma_start3A_996 = tpu.memref_slice %arg5[%add3A_991, %dma_start3A_995] : memref<512x20000xf32, #tpu.memory_space<hbm>> -> memref<1x20000xf32, #tpu.memory_space<hbm>>
    %dma_start3A_997 = tpu.memref_squeeze %dma_start3A_996 : memref<1x20000xf32, #tpu.memory_space<hbm>> -> memref<20000xf32, #tpu.memory_space<hbm>>
    tpu.enqueue_dma source(%dma_start3A_997 : memref<20000xf32, #tpu.memory_space<hbm>>) target(%arg13 : memref<20000xf32, #tpu.memory_space<vmem>>) target_semaphore(%arg19 : memref<!tpu.dma_semaphore, #tpu.memory_space<semaphore_mem>>)
    %add3A_998 = arith.constant 11 : i32
    %add3A_999 = arith.addi %mul3A_2, %add3A_998 : i32
    %dma_wait3A_1000 = arith.constant 0 : i32
    %dma_wait3A_1001 = tpu.memref_slice %arg5[%add3A_999, %dma_wait3A_1000] : memref<512x20000xf32, #tpu.memory_space<hbm>> -> memref<1x20000xf32, #tpu.memory_space<hbm>>
    %dma_wait3A_1002 = tpu.memref_squeeze %dma_wait3A_1001 : memref<1x20000xf32, #tpu.memory_space<hbm>> -> memref<20000xf32, #tpu.memory_space<hbm>>
    %dma_wait3A_1003 = arith.constant 0 : i32
    %dma_wait3A_1004 = tpu.memref_slice %arg5[%add3A_999, %dma_wait3A_1003] : memref<512x20000xf32, #tpu.memory_space<hbm>> -> memref<1x20000xf32, #tpu.memory_space<hbm>>
    %dma_wait3A_1005 = tpu.memref_squeeze %dma_wait3A_1004 : memref<1x20000xf32, #tpu.memory_space<hbm>> -> memref<20000xf32, #tpu.memory_space<hbm>>
    tpu.wait_dma2 semaphore(%arg21 : memref<!tpu.dma_semaphore, #tpu.memory_space<semaphore_mem>>) src(%dma_wait3A_1005 : memref<20000xf32, #tpu.memory_space<hbm>>) dst(%arg15 : memref<20000xf32, #tpu.memory_space<vmem>>)
    %get3A_1006 = arith.constant 11 : i32
    %get3A_1007 = arith.index_cast %get3A_1006 : i32 to index
    %get3A_1008 = arith.constant 0 : index
    %get3A_1009 = tpu.vector_load %arg7[%get3A_1007, %get3A_1008] {strides = array<i32>} : memref<16x32xi32, #tpu.memory_space<vmem>>, vector<16xi32>,
    %gather3A_1010 = tpu.vector_load_idx %arg15[%get3A_1009] : memref<20000xf32, #tpu.memory_space<vmem>>[vector<16xi32>], vector<16xf32>,
    %get3A_1011 = arith.constant 11 : i32
    %get3A_1012 = arith.index_cast %get3A_1011 : i32 to index
    %get3A_1013 = arith.constant 16 : index
    %get3A_1014 = tpu.vector_load %arg7[%get3A_1012, %get3A_1013] {strides = array<i32>} : memref<16x32xi32, #tpu.memory_space<vmem>>, vector<16xi32>,
    %gather3A_1015 = tpu.vector_load_idx %arg15[%get3A_1014] : memref<20000xf32, #tpu.memory_space<vmem>>[vector<16xi32>], vector<16xf32>,
    %get3A_1016 = arith.constant 11 : i32
    %get3A_1017 = arith.index_cast %get3A_1016 : i32 to index
    %get3A_1018 = arith.constant 0 : index
    %get3A_1019 = tpu.vector_load %arg8[%get3A_1017, %get3A_1018] {strides = array<i32>} : memref<16x32xf32, #tpu.memory_space<vmem>>, vector<16xf32>,
    %mul3A_1020 = arith.constant 5.000000e-01 : f32
    %mul3A_1021 = vector.broadcast %mul3A_1020 : f32 to vector<16xf32>
    %mul3A_1022 = arith.mulf %mul3A_1021, %get3A_1019 : vector<16xf32>
    %sub3A_1023 = arith.constant 1.000000e+00 : f32
    %sub3A_1024 = vector.broadcast %sub3A_1023 : f32 to vector<16xf32>
    %sub3A_1025 = arith.subf %sub3A_1024, %mul3A_1022 : vector<16xf32>
    %mul3A_1026 = arith.mulf %sub3A_1025, %gather3A_1010 : vector<16xf32>
    %get3A_1027 = arith.constant 11 : i32
    %get3A_1028 = arith.index_cast %get3A_1027 : i32 to index
    %get3A_1029 = arith.constant 0 : index
    %get3A_1030 = tpu.vector_load %arg9[%get3A_1028, %get3A_1029] {strides = array<i32>} : memref<16x32xf32, #tpu.memory_space<vmem>>, vector<16xf32>,
    %mul3A_1031 = arith.constant 5.000000e-01 : f32
    %mul3A_1032 = vector.broadcast %mul3A_1031 : f32 to vector<16xf32>
    %mul3A_1033 = arith.mulf %mul3A_1032, %get3A_1030 : vector<16xf32>
    %add3A_1034 = arith.addf %mul3A_1026, %mul3A_1033 : vector<16xf32>
    %get3A_1035 = arith.constant 11 : i32
    %get3A_1036 = arith.index_cast %get3A_1035 : i32 to index
    %get3A_1037 = arith.constant 0 : index
    %get3A_1038 = tpu.vector_load %arg7[%get3A_1036, %get3A_1037] {strides = array<i32>} : memref<16x32xi32, #tpu.memory_space<vmem>>, vector<16xi32>,
    tpu.vector_store_idx %arg15[%get3A_1038], %add3A_1034 : memref<20000xf32, #tpu.memory_space<vmem>>[vector<16xi32>], vector<16xf32>,
    %get3A_1039 = arith.constant 11 : i32
    %get3A_1040 = arith.index_cast %get3A_1039 : i32 to index
    %get3A_1041 = arith.constant 16 : index
    %get3A_1042 = tpu.vector_load %arg8[%get3A_1040, %get3A_1041] {strides = array<i32>} : memref<16x32xf32, #tpu.memory_space<vmem>>, vector<16xf32>,
    %mul3A_1043 = arith.constant 5.000000e-01 : f32
    %mul3A_1044 = vector.broadcast %mul3A_1043 : f32 to vector<16xf32>
    %mul3A_1045 = arith.mulf %mul3A_1044, %get3A_1042 : vector<16xf32>
    %sub3A_1046 = arith.constant 1.000000e+00 : f32
    %sub3A_1047 = vector.broadcast %sub3A_1046 : f32 to vector<16xf32>
    %sub3A_1048 = arith.subf %sub3A_1047, %mul3A_1045 : vector<16xf32>
    %mul3A_1049 = arith.mulf %sub3A_1048, %gather3A_1015 : vector<16xf32>
    %get3A_1050 = arith.constant 11 : i32
    %get3A_1051 = arith.index_cast %get3A_1050 : i32 to index
    %get3A_1052 = arith.constant 16 : index
    %get3A_1053 = tpu.vector_load %arg9[%get3A_1051, %get3A_1052] {strides = array<i32>} : memref<16x32xf32, #tpu.memory_space<vmem>>, vector<16xf32>,
    %mul3A_1054 = arith.constant 5.000000e-01 : f32
    %mul3A_1055 = vector.broadcast %mul3A_1054 : f32 to vector<16xf32>
    %mul3A_1056 = arith.mulf %mul3A_1055, %get3A_1053 : vector<16xf32>
    %add3A_1057 = arith.addf %mul3A_1049, %mul3A_1056 : vector<16xf32>
    %get3A_1058 = arith.constant 11 : i32
    %get3A_1059 = arith.index_cast %get3A_1058 : i32 to index
    %get3A_1060 = arith.constant 16 : index
    %get3A_1061 = tpu.vector_load %arg7[%get3A_1059, %get3A_1060] {strides = array<i32>} : memref<16x32xi32, #tpu.memory_space<vmem>>, vector<16xi32>,
    tpu.vector_store_idx %arg15[%get3A_1061], %add3A_1057 : memref<20000xf32, #tpu.memory_space<vmem>>[vector<16xi32>], vector<16xf32>,
    %add3A_1062 = arith.constant 11 : i32
    %add3A_1063 = arith.addi %mul3A_2, %add3A_1062 : i32
    %dma_start3A_1064 = arith.constant 0 : i32
    %dma_start3A_1065 = tpu.memref_slice %arg5[%add3A_1063, %dma_start3A_1064] : memref<512x20000xf32, #tpu.memory_space<hbm>> -> memref<1x20000xf32, #tpu.memory_space<hbm>>
    %dma_start3A_1066 = tpu.memref_squeeze %dma_start3A_1065 : memref<1x20000xf32, #tpu.memory_space<hbm>> -> memref<20000xf32, #tpu.memory_space<hbm>>
    %dma_start3A_1067 = arith.constant 0 : i32
    %dma_start3A_1068 = tpu.memref_slice %arg5[%add3A_1063, %dma_start3A_1067] : memref<512x20000xf32, #tpu.memory_space<hbm>> -> memref<1x20000xf32, #tpu.memory_space<hbm>>
    %dma_start3A_1069 = tpu.memref_squeeze %dma_start3A_1068 : memref<1x20000xf32, #tpu.memory_space<hbm>> -> memref<20000xf32, #tpu.memory_space<hbm>>
    tpu.enqueue_dma source(%arg15 : memref<20000xf32, #tpu.memory_space<vmem>>) target(%dma_start3A_1069 : memref<20000xf32, #tpu.memory_space<hbm>>) target_semaphore(%arg27 : memref<!tpu.dma_semaphore, #tpu.memory_space<semaphore_mem>>)
    %add3A_1070 = arith.constant 12 : i32
    %add3A_1071 = arith.addi %mul3A_2, %add3A_1070 : i32
    %dma_wait3A_1072 = arith.constant 0 : i32
    %dma_wait3A_1073 = tpu.memref_slice %arg5[%add3A_1071, %dma_wait3A_1072] : memref<512x20000xf32, #tpu.memory_space<hbm>> -> memref<1x20000xf32, #tpu.memory_space<hbm>>
    %dma_wait3A_1074 = tpu.memref_squeeze %dma_wait3A_1073 : memref<1x20000xf32, #tpu.memory_space<hbm>> -> memref<20000xf32, #tpu.memory_space<hbm>>
    %dma_wait3A_1075 = arith.constant 0 : i32
    %dma_wait3A_1076 = tpu.memref_slice %arg5[%add3A_1071, %dma_wait3A_1075] : memref<512x20000xf32, #tpu.memory_space<hbm>> -> memref<1x20000xf32, #tpu.memory_space<hbm>>
    %dma_wait3A_1077 = tpu.memref_squeeze %dma_wait3A_1076 : memref<1x20000xf32, #tpu.memory_space<hbm>> -> memref<20000xf32, #tpu.memory_space<hbm>>
    tpu.wait_dma2 semaphore(%arg16 : memref<!tpu.dma_semaphore, #tpu.memory_space<semaphore_mem>>) src(%dma_wait3A_1077 : memref<20000xf32, #tpu.memory_space<hbm>>) dst(%arg10 : memref<20000xf32, #tpu.memory_space<vmem>>)
    %get3A_1078 = arith.constant 12 : i32
    %get3A_1079 = arith.index_cast %get3A_1078 : i32 to index
    %get3A_1080 = arith.constant 0 : index
    %get3A_1081 = tpu.vector_load %arg7[%get3A_1079, %get3A_1080] {strides = array<i32>} : memref<16x32xi32, #tpu.memory_space<vmem>>, vector<16xi32>,
    %gather3A_1082 = tpu.vector_load_idx %arg10[%get3A_1081] : memref<20000xf32, #tpu.memory_space<vmem>>[vector<16xi32>], vector<16xf32>,
    %get3A_1083 = arith.constant 12 : i32
    %get3A_1084 = arith.index_cast %get3A_1083 : i32 to index
    %get3A_1085 = arith.constant 16 : index
    %get3A_1086 = tpu.vector_load %arg7[%get3A_1084, %get3A_1085] {strides = array<i32>} : memref<16x32xi32, #tpu.memory_space<vmem>>, vector<16xi32>,
    %gather3A_1087 = tpu.vector_load_idx %arg10[%get3A_1086] : memref<20000xf32, #tpu.memory_space<vmem>>[vector<16xi32>], vector<16xf32>,
    %get3A_1088 = arith.constant 12 : i32
    %get3A_1089 = arith.index_cast %get3A_1088 : i32 to index
    %get3A_1090 = arith.constant 0 : index
    %get3A_1091 = tpu.vector_load %arg8[%get3A_1089, %get3A_1090] {strides = array<i32>} : memref<16x32xf32, #tpu.memory_space<vmem>>, vector<16xf32>,
    %mul3A_1092 = arith.constant 5.000000e-01 : f32
    %mul3A_1093 = vector.broadcast %mul3A_1092 : f32 to vector<16xf32>
    %mul3A_1094 = arith.mulf %mul3A_1093, %get3A_1091 : vector<16xf32>
    %sub3A_1095 = arith.constant 1.000000e+00 : f32
    %sub3A_1096 = vector.broadcast %sub3A_1095 : f32 to vector<16xf32>
    %sub3A_1097 = arith.subf %sub3A_1096, %mul3A_1094 : vector<16xf32>
    %mul3A_1098 = arith.mulf %sub3A_1097, %gather3A_1082 : vector<16xf32>
    %get3A_1099 = arith.constant 12 : i32
    %get3A_1100 = arith.index_cast %get3A_1099 : i32 to index
    %get3A_1101 = arith.constant 0 : index
    %get3A_1102 = tpu.vector_load %arg9[%get3A_1100, %get3A_1101] {strides = array<i32>} : memref<16x32xf32, #tpu.memory_space<vmem>>, vector<16xf32>,
    %mul3A_1103 = arith.constant 5.000000e-01 : f32
    %mul3A_1104 = vector.broadcast %mul3A_1103 : f32 to vector<16xf32>
    %mul3A_1105 = arith.mulf %mul3A_1104, %get3A_1102 : vector<16xf32>
    %add3A_1106 = arith.addf %mul3A_1098, %mul3A_1105 : vector<16xf32>
    %get3A_1107 = arith.constant 12 : i32
    %get3A_1108 = arith.index_cast %get3A_1107 : i32 to index
    %get3A_1109 = arith.constant 0 : index
    %get3A_1110 = tpu.vector_load %arg7[%get3A_1108, %get3A_1109] {strides = array<i32>} : memref<16x32xi32, #tpu.memory_space<vmem>>, vector<16xi32>,
    tpu.vector_store_idx %arg10[%get3A_1110], %add3A_1106 : memref<20000xf32, #tpu.memory_space<vmem>>[vector<16xi32>], vector<16xf32>,
    %get3A_1111 = arith.constant 12 : i32
    %get3A_1112 = arith.index_cast %get3A_1111 : i32 to index
    %get3A_1113 = arith.constant 16 : index
    %get3A_1114 = tpu.vector_load %arg8[%get3A_1112, %get3A_1113] {strides = array<i32>} : memref<16x32xf32, #tpu.memory_space<vmem>>, vector<16xf32>,
    %mul3A_1115 = arith.constant 5.000000e-01 : f32
    %mul3A_1116 = vector.broadcast %mul3A_1115 : f32 to vector<16xf32>
    %mul3A_1117 = arith.mulf %mul3A_1116, %get3A_1114 : vector<16xf32>
    %sub3A_1118 = arith.constant 1.000000e+00 : f32
    %sub3A_1119 = vector.broadcast %sub3A_1118 : f32 to vector<16xf32>
    %sub3A_1120 = arith.subf %sub3A_1119, %mul3A_1117 : vector<16xf32>
    %mul3A_1121 = arith.mulf %sub3A_1120, %gather3A_1087 : vector<16xf32>
    %get3A_1122 = arith.constant 12 : i32
    %get3A_1123 = arith.index_cast %get3A_1122 : i32 to index
    %get3A_1124 = arith.constant 16 : index
    %get3A_1125 = tpu.vector_load %arg9[%get3A_1123, %get3A_1124] {strides = array<i32>} : memref<16x32xf32, #tpu.memory_space<vmem>>, vector<16xf32>,
    %mul3A_1126 = arith.constant 5.000000e-01 : f32
    %mul3A_1127 = vector.broadcast %mul3A_1126 : f32 to vector<16xf32>
    %mul3A_1128 = arith.mulf %mul3A_1127, %get3A_1125 : vector<16xf32>
    %add3A_1129 = arith.addf %mul3A_1121, %mul3A_1128 : vector<16xf32>
    %get3A_1130 = arith.constant 12 : i32
    %get3A_1131 = arith.index_cast %get3A_1130 : i32 to index
    %get3A_1132 = arith.constant 16 : index
    %get3A_1133 = tpu.vector_load %arg7[%get3A_1131, %get3A_1132] {strides = array<i32>} : memref<16x32xi32, #tpu.memory_space<vmem>>, vector<16xi32>,
    tpu.vector_store_idx %arg10[%get3A_1133], %add3A_1129 : memref<20000xf32, #tpu.memory_space<vmem>>[vector<16xi32>], vector<16xf32>,
    %add3A_1134 = arith.constant 12 : i32
    %add3A_1135 = arith.addi %mul3A_2, %add3A_1134 : i32
    %dma_start3A_1136 = arith.constant 0 : i32
    %dma_start3A_1137 = tpu.memref_slice %arg5[%add3A_1135, %dma_start3A_1136] : memref<512x20000xf32, #tpu.memory_space<hbm>> -> memref<1x20000xf32, #tpu.memory_space<hbm>>
    %dma_start3A_1138 = tpu.memref_squeeze %dma_start3A_1137 : memref<1x20000xf32, #tpu.memory_space<hbm>> -> memref<20000xf32, #tpu.memory_space<hbm>>
    %dma_start3A_1139 = arith.constant 0 : i32
    %dma_start3A_1140 = tpu.memref_slice %arg5[%add3A_1135, %dma_start3A_1139] : memref<512x20000xf32, #tpu.memory_space<hbm>> -> memref<1x20000xf32, #tpu.memory_space<hbm>>
    %dma_start3A_1141 = tpu.memref_squeeze %dma_start3A_1140 : memref<1x20000xf32, #tpu.memory_space<hbm>> -> memref<20000xf32, #tpu.memory_space<hbm>>
    tpu.enqueue_dma source(%arg10 : memref<20000xf32, #tpu.memory_space<vmem>>) target(%dma_start3A_1141 : memref<20000xf32, #tpu.memory_space<hbm>>) target_semaphore(%arg22 : memref<!tpu.dma_semaphore, #tpu.memory_space<semaphore_mem>>)
    %add3A_1142 = arith.constant 13 : i32
    %add3A_1143 = arith.addi %mul3A_2, %add3A_1142 : i32
    %dma_wait3A_1144 = arith.constant 0 : i32
    %dma_wait3A_1145 = tpu.memref_slice %arg5[%add3A_1143, %dma_wait3A_1144] : memref<512x20000xf32, #tpu.memory_space<hbm>> -> memref<1x20000xf32, #tpu.memory_space<hbm>>
    %dma_wait3A_1146 = tpu.memref_squeeze %dma_wait3A_1145 : memref<1x20000xf32, #tpu.memory_space<hbm>> -> memref<20000xf32, #tpu.memory_space<hbm>>
    %dma_wait3A_1147 = arith.constant 0 : i32
    %dma_wait3A_1148 = tpu.memref_slice %arg5[%add3A_1143, %dma_wait3A_1147] : memref<512x20000xf32, #tpu.memory_space<hbm>> -> memref<1x20000xf32, #tpu.memory_space<hbm>>
    %dma_wait3A_1149 = tpu.memref_squeeze %dma_wait3A_1148 : memref<1x20000xf32, #tpu.memory_space<hbm>> -> memref<20000xf32, #tpu.memory_space<hbm>>
    tpu.wait_dma2 semaphore(%arg17 : memref<!tpu.dma_semaphore, #tpu.memory_space<semaphore_mem>>) src(%dma_wait3A_1149 : memref<20000xf32, #tpu.memory_space<hbm>>) dst(%arg11 : memref<20000xf32, #tpu.memory_space<vmem>>)
    %get3A_1150 = arith.constant 13 : i32
    %get3A_1151 = arith.index_cast %get3A_1150 : i32 to index
    %get3A_1152 = arith.constant 0 : index
    %get3A_1153 = tpu.vector_load %arg7[%get3A_1151, %get3A_1152] {strides = array<i32>} : memref<16x32xi32, #tpu.memory_space<vmem>>, vector<16xi32>,
    %gather3A_1154 = tpu.vector_load_idx %arg11[%get3A_1153] : memref<20000xf32, #tpu.memory_space<vmem>>[vector<16xi32>], vector<16xf32>,
    %get3A_1155 = arith.constant 13 : i32
    %get3A_1156 = arith.index_cast %get3A_1155 : i32 to index
    %get3A_1157 = arith.constant 16 : index
    %get3A_1158 = tpu.vector_load %arg7[%get3A_1156, %get3A_1157] {strides = array<i32>} : memref<16x32xi32, #tpu.memory_space<vmem>>, vector<16xi32>,
    %gather3A_1159 = tpu.vector_load_idx %arg11[%get3A_1158] : memref<20000xf32, #tpu.memory_space<vmem>>[vector<16xi32>], vector<16xf32>,
    %get3A_1160 = arith.constant 13 : i32
    %get3A_1161 = arith.index_cast %get3A_1160 : i32 to index
    %get3A_1162 = arith.constant 0 : index
    %get3A_1163 = tpu.vector_load %arg8[%get3A_1161, %get3A_1162] {strides = array<i32>} : memref<16x32xf32, #tpu.memory_space<vmem>>, vector<16xf32>,
    %mul3A_1164 = arith.constant 5.000000e-01 : f32
    %mul3A_1165 = vector.broadcast %mul3A_1164 : f32 to vector<16xf32>
    %mul3A_1166 = arith.mulf %mul3A_1165, %get3A_1163 : vector<16xf32>
    %sub3A_1167 = arith.constant 1.000000e+00 : f32
    %sub3A_1168 = vector.broadcast %sub3A_1167 : f32 to vector<16xf32>
    %sub3A_1169 = arith.subf %sub3A_1168, %mul3A_1166 : vector<16xf32>
    %mul3A_1170 = arith.mulf %sub3A_1169, %gather3A_1154 : vector<16xf32>
    %get3A_1171 = arith.constant 13 : i32
    %get3A_1172 = arith.index_cast %get3A_1171 : i32 to index
    %get3A_1173 = arith.constant 0 : index
    %get3A_1174 = tpu.vector_load %arg9[%get3A_1172, %get3A_1173] {strides = array<i32>} : memref<16x32xf32, #tpu.memory_space<vmem>>, vector<16xf32>,
    %mul3A_1175 = arith.constant 5.000000e-01 : f32
    %mul3A_1176 = vector.broadcast %mul3A_1175 : f32 to vector<16xf32>
    %mul3A_1177 = arith.mulf %mul3A_1176, %get3A_1174 : vector<16xf32>
    %add3A_1178 = arith.addf %mul3A_1170, %mul3A_1177 : vector<16xf32>
    %get3A_1179 = arith.constant 13 : i32
    %get3A_1180 = arith.index_cast %get3A_1179 : i32 to index
    %get3A_1181 = arith.constant 0 : index
    %get3A_1182 = tpu.vector_load %arg7[%get3A_1180, %get3A_1181] {strides = array<i32>} : memref<16x32xi32, #tpu.memory_space<vmem>>, vector<16xi32>,
    tpu.vector_store_idx %arg11[%get3A_1182], %add3A_1178 : memref<20000xf32, #tpu.memory_space<vmem>>[vector<16xi32>], vector<16xf32>,
    %get3A_1183 = arith.constant 13 : i32
    %get3A_1184 = arith.index_cast %get3A_1183 : i32 to index
    %get3A_1185 = arith.constant 16 : index
    %get3A_1186 = tpu.vector_load %arg8[%get3A_1184, %get3A_1185] {strides = array<i32>} : memref<16x32xf32, #tpu.memory_space<vmem>>, vector<16xf32>,
    %mul3A_1187 = arith.constant 5.000000e-01 : f32
    %mul3A_1188 = vector.broadcast %mul3A_1187 : f32 to vector<16xf32>
    %mul3A_1189 = arith.mulf %mul3A_1188, %get3A_1186 : vector<16xf32>
    %sub3A_1190 = arith.constant 1.000000e+00 : f32
    %sub3A_1191 = vector.broadcast %sub3A_1190 : f32 to vector<16xf32>
    %sub3A_1192 = arith.subf %sub3A_1191, %mul3A_1189 : vector<16xf32>
    %mul3A_1193 = arith.mulf %sub3A_1192, %gather3A_1159 : vector<16xf32>
    %get3A_1194 = arith.constant 13 : i32
    %get3A_1195 = arith.index_cast %get3A_1194 : i32 to index
    %get3A_1196 = arith.constant 16 : index
    %get3A_1197 = tpu.vector_load %arg9[%get3A_1195, %get3A_1196] {strides = array<i32>} : memref<16x32xf32, #tpu.memory_space<vmem>>, vector<16xf32>,
    %mul3A_1198 = arith.constant 5.000000e-01 : f32
    %mul3A_1199 = vector.broadcast %mul3A_1198 : f32 to vector<16xf32>
    %mul3A_1200 = arith.mulf %mul3A_1199, %get3A_1197 : vector<16xf32>
    %add3A_1201 = arith.addf %mul3A_1193, %mul3A_1200 : vector<16xf32>
    %get3A_1202 = arith.constant 13 : i32
    %get3A_1203 = arith.index_cast %get3A_1202 : i32 to index
    %get3A_1204 = arith.constant 16 : index
    %get3A_1205 = tpu.vector_load %arg7[%get3A_1203, %get3A_1204] {strides = array<i32>} : memref<16x32xi32, #tpu.memory_space<vmem>>, vector<16xi32>,
    tpu.vector_store_idx %arg11[%get3A_1205], %add3A_1201 : memref<20000xf32, #tpu.memory_space<vmem>>[vector<16xi32>], vector<16xf32>,
    %add3A_1206 = arith.constant 13 : i32
    %add3A_1207 = arith.addi %mul3A_2, %add3A_1206 : i32
    %dma_start3A_1208 = arith.constant 0 : i32
    %dma_start3A_1209 = tpu.memref_slice %arg5[%add3A_1207, %dma_start3A_1208] : memref<512x20000xf32, #tpu.memory_space<hbm>> -> memref<1x20000xf32, #tpu.memory_space<hbm>>
    %dma_start3A_1210 = tpu.memref_squeeze %dma_start3A_1209 : memref<1x20000xf32, #tpu.memory_space<hbm>> -> memref<20000xf32, #tpu.memory_space<hbm>>
    %dma_start3A_1211 = arith.constant 0 : i32
    %dma_start3A_1212 = tpu.memref_slice %arg5[%add3A_1207, %dma_start3A_1211] : memref<512x20000xf32, #tpu.memory_space<hbm>> -> memref<1x20000xf32, #tpu.memory_space<hbm>>
    %dma_start3A_1213 = tpu.memref_squeeze %dma_start3A_1212 : memref<1x20000xf32, #tpu.memory_space<hbm>> -> memref<20000xf32, #tpu.memory_space<hbm>>
    tpu.enqueue_dma source(%arg11 : memref<20000xf32, #tpu.memory_space<vmem>>) target(%dma_start3A_1213 : memref<20000xf32, #tpu.memory_space<hbm>>) target_semaphore(%arg23 : memref<!tpu.dma_semaphore, #tpu.memory_space<semaphore_mem>>)
    %add3A_1214 = arith.constant 14 : i32
    %add3A_1215 = arith.addi %mul3A_2, %add3A_1214 : i32
    %dma_wait3A_1216 = arith.constant 0 : i32
    %dma_wait3A_1217 = tpu.memref_slice %arg5[%add3A_1215, %dma_wait3A_1216] : memref<512x20000xf32, #tpu.memory_space<hbm>> -> memref<1x20000xf32, #tpu.memory_space<hbm>>
    %dma_wait3A_1218 = tpu.memref_squeeze %dma_wait3A_1217 : memref<1x20000xf32, #tpu.memory_space<hbm>> -> memref<20000xf32, #tpu.memory_space<hbm>>
    %dma_wait3A_1219 = arith.constant 0 : i32
    %dma_wait3A_1220 = tpu.memref_slice %arg5[%add3A_1215, %dma_wait3A_1219] : memref<512x20000xf32, #tpu.memory_space<hbm>> -> memref<1x20000xf32, #tpu.memory_space<hbm>>
    %dma_wait3A_1221 = tpu.memref_squeeze %dma_wait3A_1220 : memref<1x20000xf32, #tpu.memory_space<hbm>> -> memref<20000xf32, #tpu.memory_space<hbm>>
    tpu.wait_dma2 semaphore(%arg18 : memref<!tpu.dma_semaphore, #tpu.memory_space<semaphore_mem>>) src(%dma_wait3A_1221 : memref<20000xf32, #tpu.memory_space<hbm>>) dst(%arg12 : memref<20000xf32, #tpu.memory_space<vmem>>)
    %get3A_1222 = arith.constant 14 : i32
    %get3A_1223 = arith.index_cast %get3A_1222 : i32 to index
    %get3A_1224 = arith.constant 0 : index
    %get3A_1225 = tpu.vector_load %arg7[%get3A_1223, %get3A_1224] {strides = array<i32>} : memref<16x32xi32, #tpu.memory_space<vmem>>, vector<16xi32>,
    %gather3A_1226 = tpu.vector_load_idx %arg12[%get3A_1225] : memref<20000xf32, #tpu.memory_space<vmem>>[vector<16xi32>], vector<16xf32>,
    %get3A_1227 = arith.constant 14 : i32
    %get3A_1228 = arith.index_cast %get3A_1227 : i32 to index
    %get3A_1229 = arith.constant 16 : index
    %get3A_1230 = tpu.vector_load %arg7[%get3A_1228, %get3A_1229] {strides = array<i32>} : memref<16x32xi32, #tpu.memory_space<vmem>>, vector<16xi32>,
    %gather3A_1231 = tpu.vector_load_idx %arg12[%get3A_1230] : memref<20000xf32, #tpu.memory_space<vmem>>[vector<16xi32>], vector<16xf32>,
    %get3A_1232 = arith.constant 14 : i32
    %get3A_1233 = arith.index_cast %get3A_1232 : i32 to index
    %get3A_1234 = arith.constant 0 : index
    %get3A_1235 = tpu.vector_load %arg8[%get3A_1233, %get3A_1234] {strides = array<i32>} : memref<16x32xf32, #tpu.memory_space<vmem>>, vector<16xf32>,
    %mul3A_1236 = arith.constant 5.000000e-01 : f32
    %mul3A_1237 = vector.broadcast %mul3A_1236 : f32 to vector<16xf32>
    %mul3A_1238 = arith.mulf %mul3A_1237, %get3A_1235 : vector<16xf32>
    %sub3A_1239 = arith.constant 1.000000e+00 : f32
    %sub3A_1240 = vector.broadcast %sub3A_1239 : f32 to vector<16xf32>
    %sub3A_1241 = arith.subf %sub3A_1240, %mul3A_1238 : vector<16xf32>
    %mul3A_1242 = arith.mulf %sub3A_1241, %gather3A_1226 : vector<16xf32>
    %get3A_1243 = arith.constant 14 : i32
    %get3A_1244 = arith.index_cast %get3A_1243 : i32 to index
    %get3A_1245 = arith.constant 0 : index
    %get3A_1246 = tpu.vector_load %arg9[%get3A_1244, %get3A_1245] {strides = array<i32>} : memref<16x32xf32, #tpu.memory_space<vmem>>, vector<16xf32>,
    %mul3A_1247 = arith.constant 5.000000e-01 : f32
    %mul3A_1248 = vector.broadcast %mul3A_1247 : f32 to vector<16xf32>
    %mul3A_1249 = arith.mulf %mul3A_1248, %get3A_1246 : vector<16xf32>
    %add3A_1250 = arith.addf %mul3A_1242, %mul3A_1249 : vector<16xf32>
    %get3A_1251 = arith.constant 14 : i32
    %get3A_1252 = arith.index_cast %get3A_1251 : i32 to index
    %get3A_1253 = arith.constant 0 : index
    %get3A_1254 = tpu.vector_load %arg7[%get3A_1252, %get3A_1253] {strides = array<i32>} : memref<16x32xi32, #tpu.memory_space<vmem>>, vector<16xi32>,
    tpu.vector_store_idx %arg12[%get3A_1254], %add3A_1250 : memref<20000xf32, #tpu.memory_space<vmem>>[vector<16xi32>], vector<16xf32>,
    %get3A_1255 = arith.constant 14 : i32
    %get3A_1256 = arith.index_cast %get3A_1255 : i32 to index
    %get3A_1257 = arith.constant 16 : index
    %get3A_1258 = tpu.vector_load %arg8[%get3A_1256, %get3A_1257] {strides = array<i32>} : memref<16x32xf32, #tpu.memory_space<vmem>>, vector<16xf32>,
    %mul3A_1259 = arith.constant 5.000000e-01 : f32
    %mul3A_1260 = vector.broadcast %mul3A_1259 : f32 to vector<16xf32>
    %mul3A_1261 = arith.mulf %mul3A_1260, %get3A_1258 : vector<16xf32>
    %sub3A_1262 = arith.constant 1.000000e+00 : f32
    %sub3A_1263 = vector.broadcast %sub3A_1262 : f32 to vector<16xf32>
    %sub3A_1264 = arith.subf %sub3A_1263, %mul3A_1261 : vector<16xf32>
    %mul3A_1265 = arith.mulf %sub3A_1264, %gather3A_1231 : vector<16xf32>
    %get3A_1266 = arith.constant 14 : i32
    %get3A_1267 = arith.index_cast %get3A_1266 : i32 to index
    %get3A_1268 = arith.constant 16 : index
    %get3A_1269 = tpu.vector_load %arg9[%get3A_1267, %get3A_1268] {strides = array<i32>} : memref<16x32xf32, #tpu.memory_space<vmem>>, vector<16xf32>,
    %mul3A_1270 = arith.constant 5.000000e-01 : f32
    %mul3A_1271 = vector.broadcast %mul3A_1270 : f32 to vector<16xf32>
    %mul3A_1272 = arith.mulf %mul3A_1271, %get3A_1269 : vector<16xf32>
    %add3A_1273 = arith.addf %mul3A_1265, %mul3A_1272 : vector<16xf32>
    %get3A_1274 = arith.constant 14 : i32
    %get3A_1275 = arith.index_cast %get3A_1274 : i32 to index
    %get3A_1276 = arith.constant 16 : index
    %get3A_1277 = tpu.vector_load %arg7[%get3A_1275, %get3A_1276] {strides = array<i32>} : memref<16x32xi32, #tpu.memory_space<vmem>>, vector<16xi32>,
    tpu.vector_store_idx %arg12[%get3A_1277], %add3A_1273 : memref<20000xf32, #tpu.memory_space<vmem>>[vector<16xi32>], vector<16xf32>,
    %add3A_1278 = arith.constant 14 : i32
    %add3A_1279 = arith.addi %mul3A_2, %add3A_1278 : i32
    %dma_start3A_1280 = arith.constant 0 : i32
    %dma_start3A_1281 = tpu.memref_slice %arg5[%add3A_1279, %dma_start3A_1280] : memref<512x20000xf32, #tpu.memory_space<hbm>> -> memref<1x20000xf32, #tpu.memory_space<hbm>>
    %dma_start3A_1282 = tpu.memref_squeeze %dma_start3A_1281 : memref<1x20000xf32, #tpu.memory_space<hbm>> -> memref<20000xf32, #tpu.memory_space<hbm>>
    %dma_start3A_1283 = arith.constant 0 : i32
    %dma_start3A_1284 = tpu.memref_slice %arg5[%add3A_1279, %dma_start3A_1283] : memref<512x20000xf32, #tpu.memory_space<hbm>> -> memref<1x20000xf32, #tpu.memory_space<hbm>>
    %dma_start3A_1285 = tpu.memref_squeeze %dma_start3A_1284 : memref<1x20000xf32, #tpu.memory_space<hbm>> -> memref<20000xf32, #tpu.memory_space<hbm>>
    tpu.enqueue_dma source(%arg12 : memref<20000xf32, #tpu.memory_space<vmem>>) target(%dma_start3A_1285 : memref<20000xf32, #tpu.memory_space<hbm>>) target_semaphore(%arg24 : memref<!tpu.dma_semaphore, #tpu.memory_space<semaphore_mem>>)
    %add3A_1286 = arith.constant 15 : i32
    %add3A_1287 = arith.addi %mul3A_2, %add3A_1286 : i32
    %dma_wait3A_1288 = arith.constant 0 : i32
    %dma_wait3A_1289 = tpu.memref_slice %arg5[%add3A_1287, %dma_wait3A_1288] : memref<512x20000xf32, #tpu.memory_space<hbm>> -> memref<1x20000xf32, #tpu.memory_space<hbm>>
    %dma_wait3A_1290 = tpu.memref_squeeze %dma_wait3A_1289 : memref<1x20000xf32, #tpu.memory_space<hbm>> -> memref<20000xf32, #tpu.memory_space<hbm>>
    %dma_wait3A_1291 = arith.constant 0 : i32
    %dma_wait3A_1292 = tpu.memref_slice %arg5[%add3A_1287, %dma_wait3A_1291] : memref<512x20000xf32, #tpu.memory_space<hbm>> -> memref<1x20000xf32, #tpu.memory_space<hbm>>
    %dma_wait3A_1293 = tpu.memref_squeeze %dma_wait3A_1292 : memref<1x20000xf32, #tpu.memory_space<hbm>> -> memref<20000xf32, #tpu.memory_space<hbm>>
    tpu.wait_dma2 semaphore(%arg19 : memref<!tpu.dma_semaphore, #tpu.memory_space<semaphore_mem>>) src(%dma_wait3A_1293 : memref<20000xf32, #tpu.memory_space<hbm>>) dst(%arg13 : memref<20000xf32, #tpu.memory_space<vmem>>)
    %get3A_1294 = arith.constant 15 : i32
    %get3A_1295 = arith.index_cast %get3A_1294 : i32 to index
    %get3A_1296 = arith.constant 0 : index
    %get3A_1297 = tpu.vector_load %arg7[%get3A_1295, %get3A_1296] {strides = array<i32>} : memref<16x32xi32, #tpu.memory_space<vmem>>, vector<16xi32>,
    %gather3A_1298 = tpu.vector_load_idx %arg13[%get3A_1297] : memref<20000xf32, #tpu.memory_space<vmem>>[vector<16xi32>], vector<16xf32>,
    %get3A_1299 = arith.constant 15 : i32
    %get3A_1300 = arith.index_cast %get3A_1299 : i32 to index
    %get3A_1301 = arith.constant 16 : index
    %get3A_1302 = tpu.vector_load %arg7[%get3A_1300, %get3A_1301] {strides = array<i32>} : memref<16x32xi32, #tpu.memory_space<vmem>>, vector<16xi32>,
    %gather3A_1303 = tpu.vector_load_idx %arg13[%get3A_1302] : memref<20000xf32, #tpu.memory_space<vmem>>[vector<16xi32>], vector<16xf32>,
    %get3A_1304 = arith.constant 15 : i32
    %get3A_1305 = arith.index_cast %get3A_1304 : i32 to index
    %get3A_1306 = arith.constant 0 : index
    %get3A_1307 = tpu.vector_load %arg8[%get3A_1305, %get3A_1306] {strides = array<i32>} : memref<16x32xf32, #tpu.memory_space<vmem>>, vector<16xf32>,
    %mul3A_1308 = arith.constant 5.000000e-01 : f32
    %mul3A_1309 = vector.broadcast %mul3A_1308 : f32 to vector<16xf32>
    %mul3A_1310 = arith.mulf %mul3A_1309, %get3A_1307 : vector<16xf32>
    %sub3A_1311 = arith.constant 1.000000e+00 : f32
    %sub3A_1312 = vector.broadcast %sub3A_1311 : f32 to vector<16xf32>
    %sub3A_1313 = arith.subf %sub3A_1312, %mul3A_1310 : vector<16xf32>
    %mul3A_1314 = arith.mulf %sub3A_1313, %gather3A_1298 : vector<16xf32>
    %get3A_1315 = arith.constant 15 : i32
    %get3A_1316 = arith.index_cast %get3A_1315 : i32 to index
    %get3A_1317 = arith.constant 0 : index
    %get3A_1318 = tpu.vector_load %arg9[%get3A_1316, %get3A_1317] {strides = array<i32>} : memref<16x32xf32, #tpu.memory_space<vmem>>, vector<16xf32>,
    %mul3A_1319 = arith.constant 5.000000e-01 : f32
    %mul3A_1320 = vector.broadcast %mul3A_1319 : f32 to vector<16xf32>
    %mul3A_1321 = arith.mulf %mul3A_1320, %get3A_1318 : vector<16xf32>
    %add3A_1322 = arith.addf %mul3A_1314, %mul3A_1321 : vector<16xf32>
    %get3A_1323 = arith.constant 15 : i32
    %get3A_1324 = arith.index_cast %get3A_1323 : i32 to index
    %get3A_1325 = arith.constant 0 : index
    %get3A_1326 = tpu.vector_load %arg7[%get3A_1324, %get3A_1325] {strides = array<i32>} : memref<16x32xi32, #tpu.memory_space<vmem>>, vector<16xi32>,
    tpu.vector_store_idx %arg13[%get3A_1326], %add3A_1322 : memref<20000xf32, #tpu.memory_space<vmem>>[vector<16xi32>], vector<16xf32>,
    %get3A_1327 = arith.constant 15 : i32
    %get3A_1328 = arith.index_cast %get3A_1327 : i32 to index
    %get3A_1329 = arith.constant 16 : index
    %get3A_1330 = tpu.vector_load %arg8[%get3A_1328, %get3A_1329] {strides = array<i32>} : memref<16x32xf32, #tpu.memory_space<vmem>>, vector<16xf32>,
    %mul3A_1331 = arith.constant 5.000000e-01 : f32
    %mul3A_1332 = vector.broadcast %mul3A_1331 : f32 to vector<16xf32>
    %mul3A_1333 = arith.mulf %mul3A_1332, %get3A_1330 : vector<16xf32>
    %sub3A_1334 = arith.constant 1.000000e+00 : f32
    %sub3A_1335 = vector.broadcast %sub3A_1334 : f32 to vector<16xf32>
    %sub3A_1336 = arith.subf %sub3A_1335, %mul3A_1333 : vector<16xf32>
    %mul3A_1337 = arith.mulf %sub3A_1336, %gather3A_1303 : vector<16xf32>
    %get3A_1338 = arith.constant 15 : i32
    %get3A_1339 = arith.index_cast %get3A_1338 : i32 to index
    %get3A_1340 = arith.constant 16 : index
    %get3A_1341 = tpu.vector_load %arg9[%get3A_1339, %get3A_1340] {strides = array<i32>} : memref<16x32xf32, #tpu.memory_space<vmem>>, vector<16xf32>,
    %mul3A_1342 = arith.constant 5.000000e-01 : f32
    %mul3A_1343 = vector.broadcast %mul3A_1342 : f32 to vector<16xf32>
    %mul3A_1344 = arith.mulf %mul3A_1343, %get3A_1341 : vector<16xf32>
    %add3A_1345 = arith.addf %mul3A_1337, %mul3A_1344 : vector<16xf32>
    %get3A_1346 = arith.constant 15 : i32
    %get3A_1347 = arith.index_cast %get3A_1346 : i32 to index
    %get3A_1348 = arith.constant 16 : index
    %get3A_1349 = tpu.vector_load %arg7[%get3A_1347, %get3A_1348] {strides = array<i32>} : memref<16x32xi32, #tpu.memory_space<vmem>>, vector<16xi32>,
    tpu.vector_store_idx %arg13[%get3A_1349], %add3A_1345 : memref<20000xf32, #tpu.memory_space<vmem>>[vector<16xi32>], vector<16xf32>,
    %add3A_1350 = arith.constant 15 : i32
    %add3A_1351 = arith.addi %mul3A_2, %add3A_1350 : i32
    %dma_start3A_1352 = arith.constant 0 : i32
    %dma_start3A_1353 = tpu.memref_slice %arg5[%add3A_1351, %dma_start3A_1352] : memref<512x20000xf32, #tpu.memory_space<hbm>> -> memref<1x20000xf32, #tpu.memory_space<hbm>>
    %dma_start3A_1354 = tpu.memref_squeeze %dma_start3A_1353 : memref<1x20000xf32, #tpu.memory_space<hbm>> -> memref<20000xf32, #tpu.memory_space<hbm>>
    %dma_start3A_1355 = arith.constant 0 : i32
    %dma_start3A_1356 = tpu.memref_slice %arg5[%add3A_1351, %dma_start3A_1355] : memref<512x20000xf32, #tpu.memory_space<hbm>> -> memref<1x20000xf32, #tpu.memory_space<hbm>>
    %dma_start3A_1357 = tpu.memref_squeeze %dma_start3A_1356 : memref<1x20000xf32, #tpu.memory_space<hbm>> -> memref<20000xf32, #tpu.memory_space<hbm>>
    tpu.enqueue_dma source(%arg13 : memref<20000xf32, #tpu.memory_space<vmem>>) target(%dma_start3A_1357 : memref<20000xf32, #tpu.memory_space<hbm>>) target_semaphore(%arg25 : memref<!tpu.dma_semaphore, #tpu.memory_space<semaphore_mem>>)
    %add3A_1358 = arith.constant 10 : i32
    %add3A_1359 = arith.addi %mul3A_2, %add3A_1358 : i32
    %dma_wait3A_1360 = arith.constant 0 : i32
    %dma_wait3A_1361 = tpu.memref_slice %arg5[%add3A_1359, %dma_wait3A_1360] : memref<512x20000xf32, #tpu.memory_space<hbm>> -> memref<1x20000xf32, #tpu.memory_space<hbm>>
    %dma_wait3A_1362 = tpu.memref_squeeze %dma_wait3A_1361 : memref<1x20000xf32, #tpu.memory_space<hbm>> -> memref<20000xf32, #tpu.memory_space<hbm>>
    %dma_wait3A_1363 = arith.constant 0 : i32
    %dma_wait3A_1364 = tpu.memref_slice %arg5[%add3A_1359, %dma_wait3A_1363] : memref<512x20000xf32, #tpu.memory_space<hbm>> -> memref<1x20000xf32, #tpu.memory_space<hbm>>
    %dma_wait3A_1365 = tpu.memref_squeeze %dma_wait3A_1364 : memref<1x20000xf32, #tpu.memory_space<hbm>> -> memref<20000xf32, #tpu.memory_space<hbm>>
    tpu.wait_dma2 semaphore(%arg26 : memref<!tpu.dma_semaphore, #tpu.memory_space<semaphore_mem>>) src(%arg14 : memref<20000xf32, #tpu.memory_space<vmem>>) dst(%dma_wait3A_1365 : memref<20000xf32, #tpu.memory_space<hbm>>)
    %add3A_1366 = arith.constant 11 : i32
    %add3A_1367 = arith.addi %mul3A_2, %add3A_1366 : i32
    %dma_wait3A_1368 = arith.constant 0 : i32
    %dma_wait3A_1369 = tpu.memref_slice %arg5[%add3A_1367, %dma_wait3A_1368] : memref<512x20000xf32, #tpu.memory_space<hbm>> -> memref<1x20000xf32, #tpu.memory_space<hbm>>
    %dma_wait3A_1370 = tpu.memref_squeeze %dma_wait3A_1369 : memref<1x20000xf32, #tpu.memory_space<hbm>> -> memref<20000xf32, #tpu.memory_space<hbm>>
    %dma_wait3A_1371 = arith.constant 0 : i32
    %dma_wait3A_1372 = tpu.memref_slice %arg5[%add3A_1367, %dma_wait3A_1371] : memref<512x20000xf32, #tpu.memory_space<hbm>> -> memref<1x20000xf32, #tpu.memory_space<hbm>>
    %dma_wait3A_1373 = tpu.memref_squeeze %dma_wait3A_1372 : memref<1x20000xf32, #tpu.memory_space<hbm>> -> memref<20000xf32, #tpu.memory_space<hbm>>
    tpu.wait_dma2 semaphore(%arg27 : memref<!tpu.dma_semaphore, #tpu.memory_space<semaphore_mem>>) src(%arg15 : memref<20000xf32, #tpu.memory_space<vmem>>) dst(%dma_wait3A_1373 : memref<20000xf32, #tpu.memory_space<hbm>>)
    %add3A_1374 = arith.constant 12 : i32
    %add3A_1375 = arith.addi %mul3A_2, %add3A_1374 : i32
    %dma_wait3A_1376 = arith.constant 0 : i32
    %dma_wait3A_1377 = tpu.memref_slice %arg5[%add3A_1375, %dma_wait3A_1376] : memref<512x20000xf32, #tpu.memory_space<hbm>> -> memref<1x20000xf32, #tpu.memory_space<hbm>>
    %dma_wait3A_1378 = tpu.memref_squeeze %dma_wait3A_1377 : memref<1x20000xf32, #tpu.memory_space<hbm>> -> memref<20000xf32, #tpu.memory_space<hbm>>
    %dma_wait3A_1379 = arith.constant 0 : i32
    %dma_wait3A_1380 = tpu.memref_slice %arg5[%add3A_1375, %dma_wait3A_1379] : memref<512x20000xf32, #tpu.memory_space<hbm>> -> memref<1x20000xf32, #tpu.memory_space<hbm>>
    %dma_wait3A_1381 = tpu.memref_squeeze %dma_wait3A_1380 : memref<1x20000xf32, #tpu.memory_space<hbm>> -> memref<20000xf32, #tpu.memory_space<hbm>>
    tpu.wait_dma2 semaphore(%arg22 : memref<!tpu.dma_semaphore, #tpu.memory_space<semaphore_mem>>) src(%arg10 : memref<20000xf32, #tpu.memory_space<vmem>>) dst(%dma_wait3A_1381 : memref<20000xf32, #tpu.memory_space<hbm>>)
    %add3A_1382 = arith.constant 13 : i32
    %add3A_1383 = arith.addi %mul3A_2, %add3A_1382 : i32
    %dma_wait3A_1384 = arith.constant 0 : i32
    %dma_wait3A_1385 = tpu.memref_slice %arg5[%add3A_1383, %dma_wait3A_1384] : memref<512x20000xf32, #tpu.memory_space<hbm>> -> memref<1x20000xf32, #tpu.memory_space<hbm>>
    %dma_wait3A_1386 = tpu.memref_squeeze %dma_wait3A_1385 : memref<1x20000xf32, #tpu.memory_space<hbm>> -> memref<20000xf32, #tpu.memory_space<hbm>>
    %dma_wait3A_1387 = arith.constant 0 : i32
    %dma_wait3A_1388 = tpu.memref_slice %arg5[%add3A_1383, %dma_wait3A_1387] : memref<512x20000xf32, #tpu.memory_space<hbm>> -> memref<1x20000xf32, #tpu.memory_space<hbm>>
    %dma_wait3A_1389 = tpu.memref_squeeze %dma_wait3A_1388 : memref<1x20000xf32, #tpu.memory_space<hbm>> -> memref<20000xf32, #tpu.memory_space<hbm>>
    tpu.wait_dma2 semaphore(%arg23 : memref<!tpu.dma_semaphore, #tpu.memory_space<semaphore_mem>>) src(%arg11 : memref<20000xf32, #tpu.memory_space<vmem>>) dst(%dma_wait3A_1389 : memref<20000xf32, #tpu.memory_space<hbm>>)
    %add3A_1390 = arith.constant 14 : i32
    %add3A_1391 = arith.addi %mul3A_2, %add3A_1390 : i32
    %dma_wait3A_1392 = arith.constant 0 : i32
    %dma_wait3A_1393 = tpu.memref_slice %arg5[%add3A_1391, %dma_wait3A_1392] : memref<512x20000xf32, #tpu.memory_space<hbm>> -> memref<1x20000xf32, #tpu.memory_space<hbm>>
    %dma_wait3A_1394 = tpu.memref_squeeze %dma_wait3A_1393 : memref<1x20000xf32, #tpu.memory_space<hbm>> -> memref<20000xf32, #tpu.memory_space<hbm>>
    %dma_wait3A_1395 = arith.constant 0 : i32
    %dma_wait3A_1396 = tpu.memref_slice %arg5[%add3A_1391, %dma_wait3A_1395] : memref<512x20000xf32, #tpu.memory_space<hbm>> -> memref<1x20000xf32, #tpu.memory_space<hbm>>
    %dma_wait3A_1397 = tpu.memref_squeeze %dma_wait3A_1396 : memref<1x20000xf32, #tpu.memory_space<hbm>> -> memref<20000xf32, #tpu.memory_space<hbm>>
    tpu.wait_dma2 semaphore(%arg24 : memref<!tpu.dma_semaphore, #tpu.memory_space<semaphore_mem>>) src(%arg12 : memref<20000xf32, #tpu.memory_space<vmem>>) dst(%dma_wait3A_1397 : memref<20000xf32, #tpu.memory_space<hbm>>)
    %add3A_1398 = arith.constant 15 : i32
    %add3A_1399 = arith.addi %mul3A_2, %add3A_1398 : i32
    %dma_wait3A_1400 = arith.constant 0 : i32
    %dma_wait3A_1401 = tpu.memref_slice %arg5[%add3A_1399, %dma_wait3A_1400] : memref<512x20000xf32, #tpu.memory_space<hbm>> -> memref<1x20000xf32, #tpu.memory_space<hbm>>
    %dma_wait3A_1402 = tpu.memref_squeeze %dma_wait3A_1401 : memref<1x20000xf32, #tpu.memory_space<hbm>> -> memref<20000xf32, #tpu.memory_space<hbm>>
    %dma_wait3A_1403 = arith.constant 0 : i32
    %dma_wait3A_1404 = tpu.memref_slice %arg5[%add3A_1399, %dma_wait3A_1403] : memref<512x20000xf32, #tpu.memory_space<hbm>> -> memref<1x20000xf32, #tpu.memory_space<hbm>>
    %dma_wait3A_1405 = tpu.memref_squeeze %dma_wait3A_1404 : memref<1x20000xf32, #tpu.memory_space<hbm>> -> memref<20000xf32, #tpu.memory_space<hbm>>
    tpu.wait_dma2 semaphore(%arg25 : memref<!tpu.dma_semaphore, #tpu.memory_space<semaphore_mem>>) src(%arg13 : memref<20000xf32, #tpu.memory_space<vmem>>) dst(%dma_wait3A_1405 : memref<20000xf32, #tpu.memory_space<hbm>>)
    return
  }
}

#map = affine_map<(d0, d1) -> (0, 0)>
#map1 = affine_map<(d0, d1) -> (0)>
module attributes {stable_mosaic.version = 14 : i64} {
  func.func @_gather_rows(%arg0: i32, %arg1: i32, %arg2: memref<2048x20000xf32, #tpu.memory_space<hbm>>, %arg3: memref<512xi32, #tpu.memory_space<hbm>>, %arg4: memref<512x32xi32, #tpu.memory_space<hbm>>, %arg5: memref<512x20000xf32, #tpu.memory_space<hbm>>, %arg6: memref<512x32xf32, #tpu.memory_space<hbm>>, %arg7: memref<16xi32, #tpu.memory_space<vmem>>, %arg8: memref<16x32xi32, #tpu.memory_space<vmem>>, %arg9: memref<20000xf32, #tpu.memory_space<vmem>>, %arg10: memref<20000xf32, #tpu.memory_space<vmem>>, %arg11: memref<20000xf32, #tpu.memory_space<vmem>>, %arg12: memref<20000xf32, #tpu.memory_space<vmem>>, %arg13: memref<20000xf32, #tpu.memory_space<vmem>>, %arg14: memref<20000xf32, #tpu.memory_space<vmem>>, %arg15: memref<16x32xf32, #tpu.memory_space<vmem>>, %arg16: memref<!tpu.dma_semaphore, #tpu.memory_space<semaphore_mem>>, %arg17: memref<!tpu.dma_semaphore, #tpu.memory_space<semaphore_mem>>, %arg18: memref<!tpu.dma_semaphore, #tpu.memory_space<semaphore_mem>>, %arg19: memref<!tpu.dma_semaphore, #tpu.memory_space<semaphore_mem>>, %arg20: memref<!tpu.dma_semaphore, #tpu.memory_space<semaphore_mem>>, %arg21: memref<!tpu.dma_semaphore, #tpu.memory_space<semaphore_mem>>, %arg22: memref<!tpu.dma_semaphore, #tpu.memory_space<semaphore_mem>>, %arg23: memref<!tpu.dma_semaphore, #tpu.memory_space<semaphore_mem>>, %arg24: memref<!tpu.dma_semaphore, #tpu.memory_space<semaphore_mem>>, %arg25: memref<!tpu.dma_semaphore, #tpu.memory_space<semaphore_mem>>, %arg26: memref<!tpu.dma_semaphore, #tpu.memory_space<semaphore_mem>>, %arg27: memref<!tpu.dma_semaphore, #tpu.memory_space<semaphore_mem>>) attributes {dimension_semantics = [#tpu.dimension_semantics<core_parallel>, #tpu.dimension_semantics<subcore_parallel>], iteration_bounds = array<i64: 2, 16>, scalar_prefetch = 0 : i64, scratch_operands = 21 : i64, tpu.core_type = #tpu.core_type<sc_vector_subcore>, window_params = [{transform_indices = #map}, {transform_indices = #map1}, {transform_indices = #map}, {transform_indices = #map}, {transform_indices = #map}]} {
    %mul3A = arith.constant 2 : i32
    %mul3A_0 = arith.muli %arg1, %mul3A : i32
    %add3A = arith.addi %mul3A_0, %arg0 : i32
    %mul3A_1 = arith.constant 16 : i32
    %mul3A_2 = arith.muli %add3A, %mul3A_1 : i32
    "tpu.region"() ({
      %run_scoped3A = tpu.sem_alloc : memref<!tpu.dma_semaphore, #tpu.memory_space<semaphore_mem>>
      %dma_start3A_989 = tpu.memref_slice %arg3[%mul3A_2] : memref<512xi32, #tpu.memory_space<hbm>> -> memref<16xi32, #tpu.memory_space<hbm>>
      %dma_start3A_990 = tpu.memref_slice %arg3[%mul3A_2] : memref<512xi32, #tpu.memory_space<hbm>> -> memref<16xi32, #tpu.memory_space<hbm>>
      tpu.enqueue_dma source(%dma_start3A_990 : memref<16xi32, #tpu.memory_space<hbm>>) target(%arg7 : memref<16xi32, #tpu.memory_space<vmem>>) target_semaphore(%run_scoped3A : memref<!tpu.dma_semaphore, #tpu.memory_space<semaphore_mem>>)
      %dma_wait3A_991 = tpu.memref_slice %arg3[%mul3A_2] : memref<512xi32, #tpu.memory_space<hbm>> -> memref<16xi32, #tpu.memory_space<hbm>>
      %dma_wait3A_992 = tpu.memref_slice %arg3[%mul3A_2] : memref<512xi32, #tpu.memory_space<hbm>> -> memref<16xi32, #tpu.memory_space<hbm>>
      tpu.wait_dma2 semaphore(%run_scoped3A : memref<!tpu.dma_semaphore, #tpu.memory_space<semaphore_mem>>) src(%dma_wait3A_992 : memref<16xi32, #tpu.memory_space<hbm>>) dst(%arg7 : memref<16xi32, #tpu.memory_space<vmem>>)
      tpu.yield
    }) : () -> ()
    "tpu.region"() ({
      %run_scoped3A = tpu.sem_alloc : memref<!tpu.dma_semaphore, #tpu.memory_space<semaphore_mem>>
      %dma_start3A_989 = arith.constant 0 : i32
      %dma_start3A_990 = tpu.memref_slice %arg4[%mul3A_2, %dma_start3A_989] : memref<512x32xi32, #tpu.memory_space<hbm>> -> memref<16x32xi32, #tpu.memory_space<hbm>>
      %dma_start3A_991 = arith.constant 0 : i32
      %dma_start3A_992 = tpu.memref_slice %arg4[%mul3A_2, %dma_start3A_991] : memref<512x32xi32, #tpu.memory_space<hbm>> -> memref<16x32xi32, #tpu.memory_space<hbm>>
      tpu.enqueue_dma source(%dma_start3A_992 : memref<16x32xi32, #tpu.memory_space<hbm>>) target(%arg8 : memref<16x32xi32, #tpu.memory_space<vmem>>) target_semaphore(%run_scoped3A : memref<!tpu.dma_semaphore, #tpu.memory_space<semaphore_mem>>)
      %dma_wait3A_993 = arith.constant 0 : i32
      %dma_wait3A_994 = tpu.memref_slice %arg4[%mul3A_2, %dma_wait3A_993] : memref<512x32xi32, #tpu.memory_space<hbm>> -> memref<16x32xi32, #tpu.memory_space<hbm>>
      %dma_wait3A_995 = arith.constant 0 : i32
      %dma_wait3A_996 = tpu.memref_slice %arg4[%mul3A_2, %dma_wait3A_995] : memref<512x32xi32, #tpu.memory_space<hbm>> -> memref<16x32xi32, #tpu.memory_space<hbm>>
      tpu.wait_dma2 semaphore(%run_scoped3A : memref<!tpu.dma_semaphore, #tpu.memory_space<semaphore_mem>>) src(%dma_wait3A_996 : memref<16x32xi32, #tpu.memory_space<hbm>>) dst(%arg8 : memref<16x32xi32, #tpu.memory_space<vmem>>)
      tpu.yield
    }) : () -> ()
    %get3A = arith.constant 0 : index
    %get3A_3 = tpu.vector_load %arg7[%get3A] {strides = array<i32>} : memref<16xi32, #tpu.memory_space<vmem>>, vector<16xi32>,
    %slice3A = vector.extract_strided_slice %get3A_3 {offsets = [0], sizes = [1], strides = [1]} : vector<16xi32> to vector<1xi32>
    %squeeze3A = vector.extract %slice3A[0] : i32 from vector<1xi32>
    %dma_start3A = arith.constant 0 : i32
    %dma_start3A_4 = tpu.memref_slice %arg2[%squeeze3A, %dma_start3A] : memref<2048x20000xf32, #tpu.memory_space<hbm>> -> memref<1x20000xf32, #tpu.memory_space<hbm>>
    %dma_start3A_5 = tpu.memref_squeeze %dma_start3A_4 : memref<1x20000xf32, #tpu.memory_space<hbm>> -> memref<20000xf32, #tpu.memory_space<hbm>>
    %dma_start3A_6 = arith.constant 0 : i32
    %dma_start3A_7 = tpu.memref_slice %arg2[%squeeze3A, %dma_start3A_6] : memref<2048x20000xf32, #tpu.memory_space<hbm>> -> memref<1x20000xf32, #tpu.memory_space<hbm>>
    %dma_start3A_8 = tpu.memref_squeeze %dma_start3A_7 : memref<1x20000xf32, #tpu.memory_space<hbm>> -> memref<20000xf32, #tpu.memory_space<hbm>>
    tpu.enqueue_dma source(%dma_start3A_8 : memref<20000xf32, #tpu.memory_space<hbm>>) target(%arg9 : memref<20000xf32, #tpu.memory_space<vmem>>) target_semaphore(%arg16 : memref<!tpu.dma_semaphore, #tpu.memory_space<semaphore_mem>>)
    %slice3A_9 = vector.extract_strided_slice %get3A_3 {offsets = [1], sizes = [1], strides = [1]} : vector<16xi32> to vector<1xi32>
    %squeeze3A_10 = vector.extract %slice3A_9[0] : i32 from vector<1xi32>
    %dma_start3A_11 = arith.constant 0 : i32
    %dma_start3A_12 = tpu.memref_slice %arg2[%squeeze3A_10, %dma_start3A_11] : memref<2048x20000xf32, #tpu.memory_space<hbm>> -> memref<1x20000xf32, #tpu.memory_space<hbm>>
    %dma_start3A_13 = tpu.memref_squeeze %dma_start3A_12 : memref<1x20000xf32, #tpu.memory_space<hbm>> -> memref<20000xf32, #tpu.memory_space<hbm>>
    %dma_start3A_14 = arith.constant 0 : i32
    %dma_start3A_15 = tpu.memref_slice %arg2[%squeeze3A_10, %dma_start3A_14] : memref<2048x20000xf32, #tpu.memory_space<hbm>> -> memref<1x20000xf32, #tpu.memory_space<hbm>>
    %dma_start3A_16 = tpu.memref_squeeze %dma_start3A_15 : memref<1x20000xf32, #tpu.memory_space<hbm>> -> memref<20000xf32, #tpu.memory_space<hbm>>
    tpu.enqueue_dma source(%dma_start3A_16 : memref<20000xf32, #tpu.memory_space<hbm>>) target(%arg10 : memref<20000xf32, #tpu.memory_space<vmem>>) target_semaphore(%arg17 : memref<!tpu.dma_semaphore, #tpu.memory_space<semaphore_mem>>)
    %slice3A_17 = vector.extract_strided_slice %get3A_3 {offsets = [2], sizes = [1], strides = [1]} : vector<16xi32> to vector<1xi32>
    %squeeze3A_18 = vector.extract %slice3A_17[0] : i32 from vector<1xi32>
    %dma_start3A_19 = arith.constant 0 : i32
    %dma_start3A_20 = tpu.memref_slice %arg2[%squeeze3A_18, %dma_start3A_19] : memref<2048x20000xf32, #tpu.memory_space<hbm>> -> memref<1x20000xf32, #tpu.memory_space<hbm>>
    %dma_start3A_21 = tpu.memref_squeeze %dma_start3A_20 : memref<1x20000xf32, #tpu.memory_space<hbm>> -> memref<20000xf32, #tpu.memory_space<hbm>>
    %dma_start3A_22 = arith.constant 0 : i32
    %dma_start3A_23 = tpu.memref_slice %arg2[%squeeze3A_18, %dma_start3A_22] : memref<2048x20000xf32, #tpu.memory_space<hbm>> -> memref<1x20000xf32, #tpu.memory_space<hbm>>
    %dma_start3A_24 = tpu.memref_squeeze %dma_start3A_23 : memref<1x20000xf32, #tpu.memory_space<hbm>> -> memref<20000xf32, #tpu.memory_space<hbm>>
    tpu.enqueue_dma source(%dma_start3A_24 : memref<20000xf32, #tpu.memory_space<hbm>>) target(%arg11 : memref<20000xf32, #tpu.memory_space<vmem>>) target_semaphore(%arg18 : memref<!tpu.dma_semaphore, #tpu.memory_space<semaphore_mem>>)
    %slice3A_25 = vector.extract_strided_slice %get3A_3 {offsets = [3], sizes = [1], strides = [1]} : vector<16xi32> to vector<1xi32>
    %squeeze3A_26 = vector.extract %slice3A_25[0] : i32 from vector<1xi32>
    %dma_start3A_27 = arith.constant 0 : i32
    %dma_start3A_28 = tpu.memref_slice %arg2[%squeeze3A_26, %dma_start3A_27] : memref<2048x20000xf32, #tpu.memory_space<hbm>> -> memref<1x20000xf32, #tpu.memory_space<hbm>>
    %dma_start3A_29 = tpu.memref_squeeze %dma_start3A_28 : memref<1x20000xf32, #tpu.memory_space<hbm>> -> memref<20000xf32, #tpu.memory_space<hbm>>
    %dma_start3A_30 = arith.constant 0 : i32
    %dma_start3A_31 = tpu.memref_slice %arg2[%squeeze3A_26, %dma_start3A_30] : memref<2048x20000xf32, #tpu.memory_space<hbm>> -> memref<1x20000xf32, #tpu.memory_space<hbm>>
    %dma_start3A_32 = tpu.memref_squeeze %dma_start3A_31 : memref<1x20000xf32, #tpu.memory_space<hbm>> -> memref<20000xf32, #tpu.memory_space<hbm>>
    tpu.enqueue_dma source(%dma_start3A_32 : memref<20000xf32, #tpu.memory_space<hbm>>) target(%arg12 : memref<20000xf32, #tpu.memory_space<vmem>>) target_semaphore(%arg19 : memref<!tpu.dma_semaphore, #tpu.memory_space<semaphore_mem>>)
    %slice3A_33 = vector.extract_strided_slice %get3A_3 {offsets = [4], sizes = [1], strides = [1]} : vector<16xi32> to vector<1xi32>
    %squeeze3A_34 = vector.extract %slice3A_33[0] : i32 from vector<1xi32>
    %dma_start3A_35 = arith.constant 0 : i32
    %dma_start3A_36 = tpu.memref_slice %arg2[%squeeze3A_34, %dma_start3A_35] : memref<2048x20000xf32, #tpu.memory_space<hbm>> -> memref<1x20000xf32, #tpu.memory_space<hbm>>
    %dma_start3A_37 = tpu.memref_squeeze %dma_start3A_36 : memref<1x20000xf32, #tpu.memory_space<hbm>> -> memref<20000xf32, #tpu.memory_space<hbm>>
    %dma_start3A_38 = arith.constant 0 : i32
    %dma_start3A_39 = tpu.memref_slice %arg2[%squeeze3A_34, %dma_start3A_38] : memref<2048x20000xf32, #tpu.memory_space<hbm>> -> memref<1x20000xf32, #tpu.memory_space<hbm>>
    %dma_start3A_40 = tpu.memref_squeeze %dma_start3A_39 : memref<1x20000xf32, #tpu.memory_space<hbm>> -> memref<20000xf32, #tpu.memory_space<hbm>>
    tpu.enqueue_dma source(%dma_start3A_40 : memref<20000xf32, #tpu.memory_space<hbm>>) target(%arg13 : memref<20000xf32, #tpu.memory_space<vmem>>) target_semaphore(%arg20 : memref<!tpu.dma_semaphore, #tpu.memory_space<semaphore_mem>>)
    %slice3A_41 = vector.extract_strided_slice %get3A_3 {offsets = [0], sizes = [1], strides = [1]} : vector<16xi32> to vector<1xi32>
    %squeeze3A_42 = vector.extract %slice3A_41[0] : i32 from vector<1xi32>
    %dma_wait3A = arith.constant 0 : i32
    %dma_wait3A_43 = tpu.memref_slice %arg2[%squeeze3A_42, %dma_wait3A] : memref<2048x20000xf32, #tpu.memory_space<hbm>> -> memref<1x20000xf32, #tpu.memory_space<hbm>>
    %dma_wait3A_44 = tpu.memref_squeeze %dma_wait3A_43 : memref<1x20000xf32, #tpu.memory_space<hbm>> -> memref<20000xf32, #tpu.memory_space<hbm>>
    %dma_wait3A_45 = arith.constant 0 : i32
    %dma_wait3A_46 = tpu.memref_slice %arg2[%squeeze3A_42, %dma_wait3A_45] : memref<2048x20000xf32, #tpu.memory_space<hbm>> -> memref<1x20000xf32, #tpu.memory_space<hbm>>
    %dma_wait3A_47 = tpu.memref_squeeze %dma_wait3A_46 : memref<1x20000xf32, #tpu.memory_space<hbm>> -> memref<20000xf32, #tpu.memory_space<hbm>>
    tpu.wait_dma2 semaphore(%arg16 : memref<!tpu.dma_semaphore, #tpu.memory_space<semaphore_mem>>) src(%dma_wait3A_47 : memref<20000xf32, #tpu.memory_space<hbm>>) dst(%arg9 : memref<20000xf32, #tpu.memory_space<vmem>>)
    %get3A_48 = arith.constant 0 : i32
    %get3A_49 = arith.index_cast %get3A_48 : i32 to index
    %get3A_50 = arith.constant 0 : index
    %get3A_51 = tpu.vector_load %arg8[%get3A_49, %get3A_50] {strides = array<i32>} : memref<16x32xi32, #tpu.memory_space<vmem>>, vector<16xi32>,
    %gather3A = tpu.vector_load_idx %arg9[%get3A_51] : memref<20000xf32, #tpu.memory_space<vmem>>[vector<16xi32>], vector<16xf32>,
    %swap3A = arith.constant 0 : i32
    %swap3A_52 = arith.index_cast %swap3A : i32 to index
    %swap3A_53 = arith.constant 0 : index
    %swap3A_54 = tpu.vector_load %arg15[%swap3A_52, %swap3A_53] {strides = array<i32>} : memref<16x32xf32, #tpu.memory_space<vmem>>, vector<16xf32>,
    tpu.vector_store %arg15[%swap3A_52, %swap3A_53], %gather3A {strides = array<i32>} : memref<16x32xf32, #tpu.memory_space<vmem>>, vector<16xf32>,
    %get3A_55 = arith.constant 0 : i32
    %get3A_56 = arith.index_cast %get3A_55 : i32 to index
    %get3A_57 = arith.constant 16 : index
    %get3A_58 = tpu.vector_load %arg8[%get3A_56, %get3A_57] {strides = array<i32>} : memref<16x32xi32, #tpu.memory_space<vmem>>, vector<16xi32>,
    %gather3A_59 = tpu.vector_load_idx %arg9[%get3A_58] : memref<20000xf32, #tpu.memory_space<vmem>>[vector<16xi32>], vector<16xf32>,
    %swap3A_60 = arith.constant 0 : i32
    %swap3A_61 = arith.index_cast %swap3A_60 : i32 to index
    %swap3A_62 = arith.constant 16 : index
    %swap3A_63 = tpu.vector_load %arg15[%swap3A_61, %swap3A_62] {strides = array<i32>} : memref<16x32xf32, #tpu.memory_space<vmem>>, vector<16xf32>,
    tpu.vector_store %arg15[%swap3A_61, %swap3A_62], %gather3A_59 {strides = array<i32>} : memref<16x32xf32, #tpu.memory_space<vmem>>, vector<16xf32>,
    %get3A_64 = arith.constant 0 : i32
    %get3A_65 = arith.index_cast %get3A_64 : i32 to index
    %get3A_66 = arith.constant 0 : index
    %get3A_67 = tpu.vector_load %arg8[%get3A_65, %get3A_66] {strides = array<i32>} : memref<16x32xi32, #tpu.memory_space<vmem>>, vector<16xi32>,
    %broadcast_in_dim3A = arith.constant 0.000000e+00 : f32
    %broadcast_in_dim3A_68 = vector.broadcast %broadcast_in_dim3A : f32 to vector<16xf32>
    tpu.vector_store_idx %arg9[%get3A_67], %broadcast_in_dim3A_68 : memref<20000xf32, #tpu.memory_space<vmem>>[vector<16xi32>], vector<16xf32>,
    %get3A_69 = arith.constant 0 : i32
    %get3A_70 = arith.index_cast %get3A_69 : i32 to index
    %get3A_71 = arith.constant 16 : index
    %get3A_72 = tpu.vector_load %arg8[%get3A_70, %get3A_71] {strides = array<i32>} : memref<16x32xi32, #tpu.memory_space<vmem>>, vector<16xi32>,
    %broadcast_in_dim3A_73 = arith.constant 0.000000e+00 : f32
    %broadcast_in_dim3A_74 = vector.broadcast %broadcast_in_dim3A_73 : f32 to vector<16xf32>
    tpu.vector_store_idx %arg9[%get3A_72], %broadcast_in_dim3A_74 : memref<20000xf32, #tpu.memory_space<vmem>>[vector<16xi32>], vector<16xf32>,
    %add3A_75 = arith.constant 0 : i32
    %add3A_76 = arith.addi %mul3A_2, %add3A_75 : i32
    %dma_start3A_77 = arith.constant 0 : i32
    %dma_start3A_78 = tpu.memref_slice %arg5[%add3A_76, %dma_start3A_77] : memref<512x20000xf32, #tpu.memory_space<hbm>> -> memref<1x20000xf32, #tpu.memory_space<hbm>>
    %dma_start3A_79 = tpu.memref_squeeze %dma_start3A_78 : memref<1x20000xf32, #tpu.memory_space<hbm>> -> memref<20000xf32, #tpu.memory_space<hbm>>
    %dma_start3A_80 = arith.constant 0 : i32
    %dma_start3A_81 = tpu.memref_slice %arg5[%add3A_76, %dma_start3A_80] : memref<512x20000xf32, #tpu.memory_space<hbm>> -> memref<1x20000xf32, #tpu.memory_space<hbm>>
    %dma_start3A_82 = tpu.memref_squeeze %dma_start3A_81 : memref<1x20000xf32, #tpu.memory_space<hbm>> -> memref<20000xf32, #tpu.memory_space<hbm>>
    tpu.enqueue_dma source(%arg9 : memref<20000xf32, #tpu.memory_space<vmem>>) target(%dma_start3A_82 : memref<20000xf32, #tpu.memory_space<hbm>>) target_semaphore(%arg22 : memref<!tpu.dma_semaphore, #tpu.memory_space<semaphore_mem>>)
    %slice3A_83 = vector.extract_strided_slice %get3A_3 {offsets = [5], sizes = [1], strides = [1]} : vector<16xi32> to vector<1xi32>
    %squeeze3A_84 = vector.extract %slice3A_83[0] : i32 from vector<1xi32>
    %dma_start3A_85 = arith.constant 0 : i32
    %dma_start3A_86 = tpu.memref_slice %arg2[%squeeze3A_84, %dma_start3A_85] : memref<2048x20000xf32, #tpu.memory_space<hbm>> -> memref<1x20000xf32, #tpu.memory_space<hbm>>
    %dma_start3A_87 = tpu.memref_squeeze %dma_start3A_86 : memref<1x20000xf32, #tpu.memory_space<hbm>> -> memref<20000xf32, #tpu.memory_space<hbm>>
    %dma_start3A_88 = arith.constant 0 : i32
    %dma_start3A_89 = tpu.memref_slice %arg2[%squeeze3A_84, %dma_start3A_88] : memref<2048x20000xf32, #tpu.memory_space<hbm>> -> memref<1x20000xf32, #tpu.memory_space<hbm>>
    %dma_start3A_90 = tpu.memref_squeeze %dma_start3A_89 : memref<1x20000xf32, #tpu.memory_space<hbm>> -> memref<20000xf32, #tpu.memory_space<hbm>>
    tpu.enqueue_dma source(%dma_start3A_90 : memref<20000xf32, #tpu.memory_space<hbm>>) target(%arg14 : memref<20000xf32, #tpu.memory_space<vmem>>) target_semaphore(%arg21 : memref<!tpu.dma_semaphore, #tpu.memory_space<semaphore_mem>>)
    %slice3A_91 = vector.extract_strided_slice %get3A_3 {offsets = [1], sizes = [1], strides = [1]} : vector<16xi32> to vector<1xi32>
    %squeeze3A_92 = vector.extract %slice3A_91[0] : i32 from vector<1xi32>
    %dma_wait3A_93 = arith.constant 0 : i32
    %dma_wait3A_94 = tpu.memref_slice %arg2[%squeeze3A_92, %dma_wait3A_93] : memref<2048x20000xf32, #tpu.memory_space<hbm>> -> memref<1x20000xf32, #tpu.memory_space<hbm>>
    %dma_wait3A_95 = tpu.memref_squeeze %dma_wait3A_94 : memref<1x20000xf32, #tpu.memory_space<hbm>> -> memref<20000xf32, #tpu.memory_space<hbm>>
    %dma_wait3A_96 = arith.constant 0 : i32
    %dma_wait3A_97 = tpu.memref_slice %arg2[%squeeze3A_92, %dma_wait3A_96] : memref<2048x20000xf32, #tpu.memory_space<hbm>> -> memref<1x20000xf32, #tpu.memory_space<hbm>>
    %dma_wait3A_98 = tpu.memref_squeeze %dma_wait3A_97 : memref<1x20000xf32, #tpu.memory_space<hbm>> -> memref<20000xf32, #tpu.memory_space<hbm>>
    tpu.wait_dma2 semaphore(%arg17 : memref<!tpu.dma_semaphore, #tpu.memory_space<semaphore_mem>>) src(%dma_wait3A_98 : memref<20000xf32, #tpu.memory_space<hbm>>) dst(%arg10 : memref<20000xf32, #tpu.memory_space<vmem>>)
    %get3A_99 = arith.constant 1 : i32
    %get3A_100 = arith.index_cast %get3A_99 : i32 to index
    %get3A_101 = arith.constant 0 : index
    %get3A_102 = tpu.vector_load %arg8[%get3A_100, %get3A_101] {strides = array<i32>} : memref<16x32xi32, #tpu.memory_space<vmem>>, vector<16xi32>,
    %gather3A_103 = tpu.vector_load_idx %arg10[%get3A_102] : memref<20000xf32, #tpu.memory_space<vmem>>[vector<16xi32>], vector<16xf32>,
    %swap3A_104 = arith.constant 1 : i32
    %swap3A_105 = arith.index_cast %swap3A_104 : i32 to index
    %swap3A_106 = arith.constant 0 : index
    %swap3A_107 = tpu.vector_load %arg15[%swap3A_105, %swap3A_106] {strides = array<i32>} : memref<16x32xf32, #tpu.memory_space<vmem>>, vector<16xf32>,
    tpu.vector_store %arg15[%swap3A_105, %swap3A_106], %gather3A_103 {strides = array<i32>} : memref<16x32xf32, #tpu.memory_space<vmem>>, vector<16xf32>,
    %get3A_108 = arith.constant 1 : i32
    %get3A_109 = arith.index_cast %get3A_108 : i32 to index
    %get3A_110 = arith.constant 16 : index
    %get3A_111 = tpu.vector_load %arg8[%get3A_109, %get3A_110] {strides = array<i32>} : memref<16x32xi32, #tpu.memory_space<vmem>>, vector<16xi32>,
    %gather3A_112 = tpu.vector_load_idx %arg10[%get3A_111] : memref<20000xf32, #tpu.memory_space<vmem>>[vector<16xi32>], vector<16xf32>,
    %swap3A_113 = arith.constant 1 : i32
    %swap3A_114 = arith.index_cast %swap3A_113 : i32 to index
    %swap3A_115 = arith.constant 16 : index
    %swap3A_116 = tpu.vector_load %arg15[%swap3A_114, %swap3A_115] {strides = array<i32>} : memref<16x32xf32, #tpu.memory_space<vmem>>, vector<16xf32>,
    tpu.vector_store %arg15[%swap3A_114, %swap3A_115], %gather3A_112 {strides = array<i32>} : memref<16x32xf32, #tpu.memory_space<vmem>>, vector<16xf32>,
    %get3A_117 = arith.constant 1 : i32
    %get3A_118 = arith.index_cast %get3A_117 : i32 to index
    %get3A_119 = arith.constant 0 : index
    %get3A_120 = tpu.vector_load %arg8[%get3A_118, %get3A_119] {strides = array<i32>} : memref<16x32xi32, #tpu.memory_space<vmem>>, vector<16xi32>,
    %broadcast_in_dim3A_121 = arith.constant 0.000000e+00 : f32
    %broadcast_in_dim3A_122 = vector.broadcast %broadcast_in_dim3A_121 : f32 to vector<16xf32>
    tpu.vector_store_idx %arg10[%get3A_120], %broadcast_in_dim3A_122 : memref<20000xf32, #tpu.memory_space<vmem>>[vector<16xi32>], vector<16xf32>,
    %get3A_123 = arith.constant 1 : i32
    %get3A_124 = arith.index_cast %get3A_123 : i32 to index
    %get3A_125 = arith.constant 16 : index
    %get3A_126 = tpu.vector_load %arg8[%get3A_124, %get3A_125] {strides = array<i32>} : memref<16x32xi32, #tpu.memory_space<vmem>>, vector<16xi32>,
    %broadcast_in_dim3A_127 = arith.constant 0.000000e+00 : f32
    %broadcast_in_dim3A_128 = vector.broadcast %broadcast_in_dim3A_127 : f32 to vector<16xf32>
    tpu.vector_store_idx %arg10[%get3A_126], %broadcast_in_dim3A_128 : memref<20000xf32, #tpu.memory_space<vmem>>[vector<16xi32>], vector<16xf32>,
    %add3A_129 = arith.constant 1 : i32
    %add3A_130 = arith.addi %mul3A_2, %add3A_129 : i32
    %dma_start3A_131 = arith.constant 0 : i32
    %dma_start3A_132 = tpu.memref_slice %arg5[%add3A_130, %dma_start3A_131] : memref<512x20000xf32, #tpu.memory_space<hbm>> -> memref<1x20000xf32, #tpu.memory_space<hbm>>
    %dma_start3A_133 = tpu.memref_squeeze %dma_start3A_132 : memref<1x20000xf32, #tpu.memory_space<hbm>> -> memref<20000xf32, #tpu.memory_space<hbm>>
    %dma_start3A_134 = arith.constant 0 : i32
    %dma_start3A_135 = tpu.memref_slice %arg5[%add3A_130, %dma_start3A_134] : memref<512x20000xf32, #tpu.memory_space<hbm>> -> memref<1x20000xf32, #tpu.memory_space<hbm>>
    %dma_start3A_136 = tpu.memref_squeeze %dma_start3A_135 : memref<1x20000xf32, #tpu.memory_space<hbm>> -> memref<20000xf32, #tpu.memory_space<hbm>>
    tpu.enqueue_dma source(%arg10 : memref<20000xf32, #tpu.memory_space<vmem>>) target(%dma_start3A_136 : memref<20000xf32, #tpu.memory_space<hbm>>) target_semaphore(%arg23 : memref<!tpu.dma_semaphore, #tpu.memory_space<semaphore_mem>>)
    %add3A_137 = arith.constant 0 : i32
    %add3A_138 = arith.addi %mul3A_2, %add3A_137 : i32
    %dma_wait3A_139 = arith.constant 0 : i32
    %dma_wait3A_140 = tpu.memref_slice %arg5[%add3A_138, %dma_wait3A_139] : memref<512x20000xf32, #tpu.memory_space<hbm>> -> memref<1x20000xf32, #tpu.memory_space<hbm>>
    %dma_wait3A_141 = tpu.memref_squeeze %dma_wait3A_140 : memref<1x20000xf32, #tpu.memory_space<hbm>> -> memref<20000xf32, #tpu.memory_space<hbm>>
    %dma_wait3A_142 = arith.constant 0 : i32
    %dma_wait3A_143 = tpu.memref_slice %arg5[%add3A_138, %dma_wait3A_142] : memref<512x20000xf32, #tpu.memory_space<hbm>> -> memref<1x20000xf32, #tpu.memory_space<hbm>>
    %dma_wait3A_144 = tpu.memref_squeeze %dma_wait3A_143 : memref<1x20000xf32, #tpu.memory_space<hbm>> -> memref<20000xf32, #tpu.memory_space<hbm>>
    tpu.wait_dma2 semaphore(%arg22 : memref<!tpu.dma_semaphore, #tpu.memory_space<semaphore_mem>>) src(%arg9 : memref<20000xf32, #tpu.memory_space<vmem>>) dst(%dma_wait3A_144 : memref<20000xf32, #tpu.memory_space<hbm>>)
    %slice3A_145 = vector.extract_strided_slice %get3A_3 {offsets = [6], sizes = [1], strides = [1]} : vector<16xi32> to vector<1xi32>
    %squeeze3A_146 = vector.extract %slice3A_145[0] : i32 from vector<1xi32>
    %dma_start3A_147 = arith.constant 0 : i32
    %dma_start3A_148 = tpu.memref_slice %arg2[%squeeze3A_146, %dma_start3A_147] : memref<2048x20000xf32, #tpu.memory_space<hbm>> -> memref<1x20000xf32, #tpu.memory_space<hbm>>
    %dma_start3A_149 = tpu.memref_squeeze %dma_start3A_148 : memref<1x20000xf32, #tpu.memory_space<hbm>> -> memref<20000xf32, #tpu.memory_space<hbm>>
    %dma_start3A_150 = arith.constant 0 : i32
    %dma_start3A_151 = tpu.memref_slice %arg2[%squeeze3A_146, %dma_start3A_150] : memref<2048x20000xf32, #tpu.memory_space<hbm>> -> memref<1x20000xf32, #tpu.memory_space<hbm>>
    %dma_start3A_152 = tpu.memref_squeeze %dma_start3A_151 : memref<1x20000xf32, #tpu.memory_space<hbm>> -> memref<20000xf32, #tpu.memory_space<hbm>>
    tpu.enqueue_dma source(%dma_start3A_152 : memref<20000xf32, #tpu.memory_space<hbm>>) target(%arg9 : memref<20000xf32, #tpu.memory_space<vmem>>) target_semaphore(%arg16 : memref<!tpu.dma_semaphore, #tpu.memory_space<semaphore_mem>>)
    %slice3A_153 = vector.extract_strided_slice %get3A_3 {offsets = [2], sizes = [1], strides = [1]} : vector<16xi32> to vector<1xi32>
    %squeeze3A_154 = vector.extract %slice3A_153[0] : i32 from vector<1xi32>
    %dma_wait3A_155 = arith.constant 0 : i32
    %dma_wait3A_156 = tpu.memref_slice %arg2[%squeeze3A_154, %dma_wait3A_155] : memref<2048x20000xf32, #tpu.memory_space<hbm>> -> memref<1x20000xf32, #tpu.memory_space<hbm>>
    %dma_wait3A_157 = tpu.memref_squeeze %dma_wait3A_156 : memref<1x20000xf32, #tpu.memory_space<hbm>> -> memref<20000xf32, #tpu.memory_space<hbm>>
    %dma_wait3A_158 = arith.constant 0 : i32
    %dma_wait3A_159 = tpu.memref_slice %arg2[%squeeze3A_154, %dma_wait3A_158] : memref<2048x20000xf32, #tpu.memory_space<hbm>> -> memref<1x20000xf32, #tpu.memory_space<hbm>>
    %dma_wait3A_160 = tpu.memref_squeeze %dma_wait3A_159 : memref<1x20000xf32, #tpu.memory_space<hbm>> -> memref<20000xf32, #tpu.memory_space<hbm>>
    tpu.wait_dma2 semaphore(%arg18 : memref<!tpu.dma_semaphore, #tpu.memory_space<semaphore_mem>>) src(%dma_wait3A_160 : memref<20000xf32, #tpu.memory_space<hbm>>) dst(%arg11 : memref<20000xf32, #tpu.memory_space<vmem>>)
    %get3A_161 = arith.constant 2 : i32
    %get3A_162 = arith.index_cast %get3A_161 : i32 to index
    %get3A_163 = arith.constant 0 : index
    %get3A_164 = tpu.vector_load %arg8[%get3A_162, %get3A_163] {strides = array<i32>} : memref<16x32xi32, #tpu.memory_space<vmem>>, vector<16xi32>,
    %gather3A_165 = tpu.vector_load_idx %arg11[%get3A_164] : memref<20000xf32, #tpu.memory_space<vmem>>[vector<16xi32>], vector<16xf32>,
    %swap3A_166 = arith.constant 2 : i32
    %swap3A_167 = arith.index_cast %swap3A_166 : i32 to index
    %swap3A_168 = arith.constant 0 : index
    %swap3A_169 = tpu.vector_load %arg15[%swap3A_167, %swap3A_168] {strides = array<i32>} : memref<16x32xf32, #tpu.memory_space<vmem>>, vector<16xf32>,
    tpu.vector_store %arg15[%swap3A_167, %swap3A_168], %gather3A_165 {strides = array<i32>} : memref<16x32xf32, #tpu.memory_space<vmem>>, vector<16xf32>,
    %get3A_170 = arith.constant 2 : i32
    %get3A_171 = arith.index_cast %get3A_170 : i32 to index
    %get3A_172 = arith.constant 16 : index
    %get3A_173 = tpu.vector_load %arg8[%get3A_171, %get3A_172] {strides = array<i32>} : memref<16x32xi32, #tpu.memory_space<vmem>>, vector<16xi32>,
    %gather3A_174 = tpu.vector_load_idx %arg11[%get3A_173] : memref<20000xf32, #tpu.memory_space<vmem>>[vector<16xi32>], vector<16xf32>,
    %swap3A_175 = arith.constant 2 : i32
    %swap3A_176 = arith.index_cast %swap3A_175 : i32 to index
    %swap3A_177 = arith.constant 16 : index
    %swap3A_178 = tpu.vector_load %arg15[%swap3A_176, %swap3A_177] {strides = array<i32>} : memref<16x32xf32, #tpu.memory_space<vmem>>, vector<16xf32>,
    tpu.vector_store %arg15[%swap3A_176, %swap3A_177], %gather3A_174 {strides = array<i32>} : memref<16x32xf32, #tpu.memory_space<vmem>>, vector<16xf32>,
    %get3A_179 = arith.constant 2 : i32
    %get3A_180 = arith.index_cast %get3A_179 : i32 to index
    %get3A_181 = arith.constant 0 : index
    %get3A_182 = tpu.vector_load %arg8[%get3A_180, %get3A_181] {strides = array<i32>} : memref<16x32xi32, #tpu.memory_space<vmem>>, vector<16xi32>,
    %broadcast_in_dim3A_183 = arith.constant 0.000000e+00 : f32
    %broadcast_in_dim3A_184 = vector.broadcast %broadcast_in_dim3A_183 : f32 to vector<16xf32>
    tpu.vector_store_idx %arg11[%get3A_182], %broadcast_in_dim3A_184 : memref<20000xf32, #tpu.memory_space<vmem>>[vector<16xi32>], vector<16xf32>,
    %get3A_185 = arith.constant 2 : i32
    %get3A_186 = arith.index_cast %get3A_185 : i32 to index
    %get3A_187 = arith.constant 16 : index
    %get3A_188 = tpu.vector_load %arg8[%get3A_186, %get3A_187] {strides = array<i32>} : memref<16x32xi32, #tpu.memory_space<vmem>>, vector<16xi32>,
    %broadcast_in_dim3A_189 = arith.constant 0.000000e+00 : f32
    %broadcast_in_dim3A_190 = vector.broadcast %broadcast_in_dim3A_189 : f32 to vector<16xf32>
    tpu.vector_store_idx %arg11[%get3A_188], %broadcast_in_dim3A_190 : memref<20000xf32, #tpu.memory_space<vmem>>[vector<16xi32>], vector<16xf32>,
    %add3A_191 = arith.constant 2 : i32
    %add3A_192 = arith.addi %mul3A_2, %add3A_191 : i32
    %dma_start3A_193 = arith.constant 0 : i32
    %dma_start3A_194 = tpu.memref_slice %arg5[%add3A_192, %dma_start3A_193] : memref<512x20000xf32, #tpu.memory_space<hbm>> -> memref<1x20000xf32, #tpu.memory_space<hbm>>
    %dma_start3A_195 = tpu.memref_squeeze %dma_start3A_194 : memref<1x20000xf32, #tpu.memory_space<hbm>> -> memref<20000xf32, #tpu.memory_space<hbm>>
    %dma_start3A_196 = arith.constant 0 : i32
    %dma_start3A_197 = tpu.memref_slice %arg5[%add3A_192, %dma_start3A_196] : memref<512x20000xf32, #tpu.memory_space<hbm>> -> memref<1x20000xf32, #tpu.memory_space<hbm>>
    %dma_start3A_198 = tpu.memref_squeeze %dma_start3A_197 : memref<1x20000xf32, #tpu.memory_space<hbm>> -> memref<20000xf32, #tpu.memory_space<hbm>>
    tpu.enqueue_dma source(%arg11 : memref<20000xf32, #tpu.memory_space<vmem>>) target(%dma_start3A_198 : memref<20000xf32, #tpu.memory_space<hbm>>) target_semaphore(%arg24 : memref<!tpu.dma_semaphore, #tpu.memory_space<semaphore_mem>>)
    %add3A_199 = arith.constant 1 : i32
    %add3A_200 = arith.addi %mul3A_2, %add3A_199 : i32
    %dma_wait3A_201 = arith.constant 0 : i32
    %dma_wait3A_202 = tpu.memref_slice %arg5[%add3A_200, %dma_wait3A_201] : memref<512x20000xf32, #tpu.memory_space<hbm>> -> memref<1x20000xf32, #tpu.memory_space<hbm>>
    %dma_wait3A_203 = tpu.memref_squeeze %dma_wait3A_202 : memref<1x20000xf32, #tpu.memory_space<hbm>> -> memref<20000xf32, #tpu.memory_space<hbm>>
    %dma_wait3A_204 = arith.constant 0 : i32
    %dma_wait3A_205 = tpu.memref_slice %arg5[%add3A_200, %dma_wait3A_204] : memref<512x20000xf32, #tpu.memory_space<hbm>> -> memref<1x20000xf32, #tpu.memory_space<hbm>>
    %dma_wait3A_206 = tpu.memref_squeeze %dma_wait3A_205 : memref<1x20000xf32, #tpu.memory_space<hbm>> -> memref<20000xf32, #tpu.memory_space<hbm>>
    tpu.wait_dma2 semaphore(%arg23 : memref<!tpu.dma_semaphore, #tpu.memory_space<semaphore_mem>>) src(%arg10 : memref<20000xf32, #tpu.memory_space<vmem>>) dst(%dma_wait3A_206 : memref<20000xf32, #tpu.memory_space<hbm>>)
    %slice3A_207 = vector.extract_strided_slice %get3A_3 {offsets = [7], sizes = [1], strides = [1]} : vector<16xi32> to vector<1xi32>
    %squeeze3A_208 = vector.extract %slice3A_207[0] : i32 from vector<1xi32>
    %dma_start3A_209 = arith.constant 0 : i32
    %dma_start3A_210 = tpu.memref_slice %arg2[%squeeze3A_208, %dma_start3A_209] : memref<2048x20000xf32, #tpu.memory_space<hbm>> -> memref<1x20000xf32, #tpu.memory_space<hbm>>
    %dma_start3A_211 = tpu.memref_squeeze %dma_start3A_210 : memref<1x20000xf32, #tpu.memory_space<hbm>> -> memref<20000xf32, #tpu.memory_space<hbm>>
    %dma_start3A_212 = arith.constant 0 : i32
    %dma_start3A_213 = tpu.memref_slice %arg2[%squeeze3A_208, %dma_start3A_212] : memref<2048x20000xf32, #tpu.memory_space<hbm>> -> memref<1x20000xf32, #tpu.memory_space<hbm>>
    %dma_start3A_214 = tpu.memref_squeeze %dma_start3A_213 : memref<1x20000xf32, #tpu.memory_space<hbm>> -> memref<20000xf32, #tpu.memory_space<hbm>>
    tpu.enqueue_dma source(%dma_start3A_214 : memref<20000xf32, #tpu.memory_space<hbm>>) target(%arg10 : memref<20000xf32, #tpu.memory_space<vmem>>) target_semaphore(%arg17 : memref<!tpu.dma_semaphore, #tpu.memory_space<semaphore_mem>>)
    %slice3A_215 = vector.extract_strided_slice %get3A_3 {offsets = [3], sizes = [1], strides = [1]} : vector<16xi32> to vector<1xi32>
    %squeeze3A_216 = vector.extract %slice3A_215[0] : i32 from vector<1xi32>
    %dma_wait3A_217 = arith.constant 0 : i32
    %dma_wait3A_218 = tpu.memref_slice %arg2[%squeeze3A_216, %dma_wait3A_217] : memref<2048x20000xf32, #tpu.memory_space<hbm>> -> memref<1x20000xf32, #tpu.memory_space<hbm>>
    %dma_wait3A_219 = tpu.memref_squeeze %dma_wait3A_218 : memref<1x20000xf32, #tpu.memory_space<hbm>> -> memref<20000xf32, #tpu.memory_space<hbm>>
    %dma_wait3A_220 = arith.constant 0 : i32
    %dma_wait3A_221 = tpu.memref_slice %arg2[%squeeze3A_216, %dma_wait3A_220] : memref<2048x20000xf32, #tpu.memory_space<hbm>> -> memref<1x20000xf32, #tpu.memory_space<hbm>>
    %dma_wait3A_222 = tpu.memref_squeeze %dma_wait3A_221 : memref<1x20000xf32, #tpu.memory_space<hbm>> -> memref<20000xf32, #tpu.memory_space<hbm>>
    tpu.wait_dma2 semaphore(%arg19 : memref<!tpu.dma_semaphore, #tpu.memory_space<semaphore_mem>>) src(%dma_wait3A_222 : memref<20000xf32, #tpu.memory_space<hbm>>) dst(%arg12 : memref<20000xf32, #tpu.memory_space<vmem>>)
    %get3A_223 = arith.constant 3 : i32
    %get3A_224 = arith.index_cast %get3A_223 : i32 to index
    %get3A_225 = arith.constant 0 : index
    %get3A_226 = tpu.vector_load %arg8[%get3A_224, %get3A_225] {strides = array<i32>} : memref<16x32xi32, #tpu.memory_space<vmem>>, vector<16xi32>,
    %gather3A_227 = tpu.vector_load_idx %arg12[%get3A_226] : memref<20000xf32, #tpu.memory_space<vmem>>[vector<16xi32>], vector<16xf32>,
    %swap3A_228 = arith.constant 3 : i32
    %swap3A_229 = arith.index_cast %swap3A_228 : i32 to index
    %swap3A_230 = arith.constant 0 : index
    %swap3A_231 = tpu.vector_load %arg15[%swap3A_229, %swap3A_230] {strides = array<i32>} : memref<16x32xf32, #tpu.memory_space<vmem>>, vector<16xf32>,
    tpu.vector_store %arg15[%swap3A_229, %swap3A_230], %gather3A_227 {strides = array<i32>} : memref<16x32xf32, #tpu.memory_space<vmem>>, vector<16xf32>,
    %get3A_232 = arith.constant 3 : i32
    %get3A_233 = arith.index_cast %get3A_232 : i32 to index
    %get3A_234 = arith.constant 16 : index
    %get3A_235 = tpu.vector_load %arg8[%get3A_233, %get3A_234] {strides = array<i32>} : memref<16x32xi32, #tpu.memory_space<vmem>>, vector<16xi32>,
    %gather3A_236 = tpu.vector_load_idx %arg12[%get3A_235] : memref<20000xf32, #tpu.memory_space<vmem>>[vector<16xi32>], vector<16xf32>,
    %swap3A_237 = arith.constant 3 : i32
    %swap3A_238 = arith.index_cast %swap3A_237 : i32 to index
    %swap3A_239 = arith.constant 16 : index
    %swap3A_240 = tpu.vector_load %arg15[%swap3A_238, %swap3A_239] {strides = array<i32>} : memref<16x32xf32, #tpu.memory_space<vmem>>, vector<16xf32>,
    tpu.vector_store %arg15[%swap3A_238, %swap3A_239], %gather3A_236 {strides = array<i32>} : memref<16x32xf32, #tpu.memory_space<vmem>>, vector<16xf32>,
    %get3A_241 = arith.constant 3 : i32
    %get3A_242 = arith.index_cast %get3A_241 : i32 to index
    %get3A_243 = arith.constant 0 : index
    %get3A_244 = tpu.vector_load %arg8[%get3A_242, %get3A_243] {strides = array<i32>} : memref<16x32xi32, #tpu.memory_space<vmem>>, vector<16xi32>,
    %broadcast_in_dim3A_245 = arith.constant 0.000000e+00 : f32
    %broadcast_in_dim3A_246 = vector.broadcast %broadcast_in_dim3A_245 : f32 to vector<16xf32>
    tpu.vector_store_idx %arg12[%get3A_244], %broadcast_in_dim3A_246 : memref<20000xf32, #tpu.memory_space<vmem>>[vector<16xi32>], vector<16xf32>,
    %get3A_247 = arith.constant 3 : i32
    %get3A_248 = arith.index_cast %get3A_247 : i32 to index
    %get3A_249 = arith.constant 16 : index
    %get3A_250 = tpu.vector_load %arg8[%get3A_248, %get3A_249] {strides = array<i32>} : memref<16x32xi32, #tpu.memory_space<vmem>>, vector<16xi32>,
    %broadcast_in_dim3A_251 = arith.constant 0.000000e+00 : f32
    %broadcast_in_dim3A_252 = vector.broadcast %broadcast_in_dim3A_251 : f32 to vector<16xf32>
    tpu.vector_store_idx %arg12[%get3A_250], %broadcast_in_dim3A_252 : memref<20000xf32, #tpu.memory_space<vmem>>[vector<16xi32>], vector<16xf32>,
    %add3A_253 = arith.constant 3 : i32
    %add3A_254 = arith.addi %mul3A_2, %add3A_253 : i32
    %dma_start3A_255 = arith.constant 0 : i32
    %dma_start3A_256 = tpu.memref_slice %arg5[%add3A_254, %dma_start3A_255] : memref<512x20000xf32, #tpu.memory_space<hbm>> -> memref<1x20000xf32, #tpu.memory_space<hbm>>
    %dma_start3A_257 = tpu.memref_squeeze %dma_start3A_256 : memref<1x20000xf32, #tpu.memory_space<hbm>> -> memref<20000xf32, #tpu.memory_space<hbm>>
    %dma_start3A_258 = arith.constant 0 : i32
    %dma_start3A_259 = tpu.memref_slice %arg5[%add3A_254, %dma_start3A_258] : memref<512x20000xf32, #tpu.memory_space<hbm>> -> memref<1x20000xf32, #tpu.memory_space<hbm>>
    %dma_start3A_260 = tpu.memref_squeeze %dma_start3A_259 : memref<1x20000xf32, #tpu.memory_space<hbm>> -> memref<20000xf32, #tpu.memory_space<hbm>>
    tpu.enqueue_dma source(%arg12 : memref<20000xf32, #tpu.memory_space<vmem>>) target(%dma_start3A_260 : memref<20000xf32, #tpu.memory_space<hbm>>) target_semaphore(%arg25 : memref<!tpu.dma_semaphore, #tpu.memory_space<semaphore_mem>>)
    %add3A_261 = arith.constant 2 : i32
    %add3A_262 = arith.addi %mul3A_2, %add3A_261 : i32
    %dma_wait3A_263 = arith.constant 0 : i32
    %dma_wait3A_264 = tpu.memref_slice %arg5[%add3A_262, %dma_wait3A_263] : memref<512x20000xf32, #tpu.memory_space<hbm>> -> memref<1x20000xf32, #tpu.memory_space<hbm>>
    %dma_wait3A_265 = tpu.memref_squeeze %dma_wait3A_264 : memref<1x20000xf32, #tpu.memory_space<hbm>> -> memref<20000xf32, #tpu.memory_space<hbm>>
    %dma_wait3A_266 = arith.constant 0 : i32
    %dma_wait3A_267 = tpu.memref_slice %arg5[%add3A_262, %dma_wait3A_266] : memref<512x20000xf32, #tpu.memory_space<hbm>> -> memref<1x20000xf32, #tpu.memory_space<hbm>>
    %dma_wait3A_268 = tpu.memref_squeeze %dma_wait3A_267 : memref<1x20000xf32, #tpu.memory_space<hbm>> -> memref<20000xf32, #tpu.memory_space<hbm>>
    tpu.wait_dma2 semaphore(%arg24 : memref<!tpu.dma_semaphore, #tpu.memory_space<semaphore_mem>>) src(%arg11 : memref<20000xf32, #tpu.memory_space<vmem>>) dst(%dma_wait3A_268 : memref<20000xf32, #tpu.memory_space<hbm>>)
    %slice3A_269 = vector.extract_strided_slice %get3A_3 {offsets = [8], sizes = [1], strides = [1]} : vector<16xi32> to vector<1xi32>
    %squeeze3A_270 = vector.extract %slice3A_269[0] : i32 from vector<1xi32>
    %dma_start3A_271 = arith.constant 0 : i32
    %dma_start3A_272 = tpu.memref_slice %arg2[%squeeze3A_270, %dma_start3A_271] : memref<2048x20000xf32, #tpu.memory_space<hbm>> -> memref<1x20000xf32, #tpu.memory_space<hbm>>
    %dma_start3A_273 = tpu.memref_squeeze %dma_start3A_272 : memref<1x20000xf32, #tpu.memory_space<hbm>> -> memref<20000xf32, #tpu.memory_space<hbm>>
    %dma_start3A_274 = arith.constant 0 : i32
    %dma_start3A_275 = tpu.memref_slice %arg2[%squeeze3A_270, %dma_start3A_274] : memref<2048x20000xf32, #tpu.memory_space<hbm>> -> memref<1x20000xf32, #tpu.memory_space<hbm>>
    %dma_start3A_276 = tpu.memref_squeeze %dma_start3A_275 : memref<1x20000xf32, #tpu.memory_space<hbm>> -> memref<20000xf32, #tpu.memory_space<hbm>>
    tpu.enqueue_dma source(%dma_start3A_276 : memref<20000xf32, #tpu.memory_space<hbm>>) target(%arg11 : memref<20000xf32, #tpu.memory_space<vmem>>) target_semaphore(%arg18 : memref<!tpu.dma_semaphore, #tpu.memory_space<semaphore_mem>>)
    %slice3A_277 = vector.extract_strided_slice %get3A_3 {offsets = [4], sizes = [1], strides = [1]} : vector<16xi32> to vector<1xi32>
    %squeeze3A_278 = vector.extract %slice3A_277[0] : i32 from vector<1xi32>
    %dma_wait3A_279 = arith.constant 0 : i32
    %dma_wait3A_280 = tpu.memref_slice %arg2[%squeeze3A_278, %dma_wait3A_279] : memref<2048x20000xf32, #tpu.memory_space<hbm>> -> memref<1x20000xf32, #tpu.memory_space<hbm>>
    %dma_wait3A_281 = tpu.memref_squeeze %dma_wait3A_280 : memref<1x20000xf32, #tpu.memory_space<hbm>> -> memref<20000xf32, #tpu.memory_space<hbm>>
    %dma_wait3A_282 = arith.constant 0 : i32
    %dma_wait3A_283 = tpu.memref_slice %arg2[%squeeze3A_278, %dma_wait3A_282] : memref<2048x20000xf32, #tpu.memory_space<hbm>> -> memref<1x20000xf32, #tpu.memory_space<hbm>>
    %dma_wait3A_284 = tpu.memref_squeeze %dma_wait3A_283 : memref<1x20000xf32, #tpu.memory_space<hbm>> -> memref<20000xf32, #tpu.memory_space<hbm>>
    tpu.wait_dma2 semaphore(%arg20 : memref<!tpu.dma_semaphore, #tpu.memory_space<semaphore_mem>>) src(%dma_wait3A_284 : memref<20000xf32, #tpu.memory_space<hbm>>) dst(%arg13 : memref<20000xf32, #tpu.memory_space<vmem>>)
    %get3A_285 = arith.constant 4 : i32
    %get3A_286 = arith.index_cast %get3A_285 : i32 to index
    %get3A_287 = arith.constant 0 : index
    %get3A_288 = tpu.vector_load %arg8[%get3A_286, %get3A_287] {strides = array<i32>} : memref<16x32xi32, #tpu.memory_space<vmem>>, vector<16xi32>,
    %gather3A_289 = tpu.vector_load_idx %arg13[%get3A_288] : memref<20000xf32, #tpu.memory_space<vmem>>[vector<16xi32>], vector<16xf32>,
    %swap3A_290 = arith.constant 4 : i32
    %swap3A_291 = arith.index_cast %swap3A_290 : i32 to index
    %swap3A_292 = arith.constant 0 : index
    %swap3A_293 = tpu.vector_load %arg15[%swap3A_291, %swap3A_292] {strides = array<i32>} : memref<16x32xf32, #tpu.memory_space<vmem>>, vector<16xf32>,
    tpu.vector_store %arg15[%swap3A_291, %swap3A_292], %gather3A_289 {strides = array<i32>} : memref<16x32xf32, #tpu.memory_space<vmem>>, vector<16xf32>,
    %get3A_294 = arith.constant 4 : i32
    %get3A_295 = arith.index_cast %get3A_294 : i32 to index
    %get3A_296 = arith.constant 16 : index
    %get3A_297 = tpu.vector_load %arg8[%get3A_295, %get3A_296] {strides = array<i32>} : memref<16x32xi32, #tpu.memory_space<vmem>>, vector<16xi32>,
    %gather3A_298 = tpu.vector_load_idx %arg13[%get3A_297] : memref<20000xf32, #tpu.memory_space<vmem>>[vector<16xi32>], vector<16xf32>,
    %swap3A_299 = arith.constant 4 : i32
    %swap3A_300 = arith.index_cast %swap3A_299 : i32 to index
    %swap3A_301 = arith.constant 16 : index
    %swap3A_302 = tpu.vector_load %arg15[%swap3A_300, %swap3A_301] {strides = array<i32>} : memref<16x32xf32, #tpu.memory_space<vmem>>, vector<16xf32>,
    tpu.vector_store %arg15[%swap3A_300, %swap3A_301], %gather3A_298 {strides = array<i32>} : memref<16x32xf32, #tpu.memory_space<vmem>>, vector<16xf32>,
    %get3A_303 = arith.constant 4 : i32
    %get3A_304 = arith.index_cast %get3A_303 : i32 to index
    %get3A_305 = arith.constant 0 : index
    %get3A_306 = tpu.vector_load %arg8[%get3A_304, %get3A_305] {strides = array<i32>} : memref<16x32xi32, #tpu.memory_space<vmem>>, vector<16xi32>,
    %broadcast_in_dim3A_307 = arith.constant 0.000000e+00 : f32
    %broadcast_in_dim3A_308 = vector.broadcast %broadcast_in_dim3A_307 : f32 to vector<16xf32>
    tpu.vector_store_idx %arg13[%get3A_306], %broadcast_in_dim3A_308 : memref<20000xf32, #tpu.memory_space<vmem>>[vector<16xi32>], vector<16xf32>,
    %get3A_309 = arith.constant 4 : i32
    %get3A_310 = arith.index_cast %get3A_309 : i32 to index
    %get3A_311 = arith.constant 16 : index
    %get3A_312 = tpu.vector_load %arg8[%get3A_310, %get3A_311] {strides = array<i32>} : memref<16x32xi32, #tpu.memory_space<vmem>>, vector<16xi32>,
    %broadcast_in_dim3A_313 = arith.constant 0.000000e+00 : f32
    %broadcast_in_dim3A_314 = vector.broadcast %broadcast_in_dim3A_313 : f32 to vector<16xf32>
    tpu.vector_store_idx %arg13[%get3A_312], %broadcast_in_dim3A_314 : memref<20000xf32, #tpu.memory_space<vmem>>[vector<16xi32>], vector<16xf32>,
    %add3A_315 = arith.constant 4 : i32
    %add3A_316 = arith.addi %mul3A_2, %add3A_315 : i32
    %dma_start3A_317 = arith.constant 0 : i32
    %dma_start3A_318 = tpu.memref_slice %arg5[%add3A_316, %dma_start3A_317] : memref<512x20000xf32, #tpu.memory_space<hbm>> -> memref<1x20000xf32, #tpu.memory_space<hbm>>
    %dma_start3A_319 = tpu.memref_squeeze %dma_start3A_318 : memref<1x20000xf32, #tpu.memory_space<hbm>> -> memref<20000xf32, #tpu.memory_space<hbm>>
    %dma_start3A_320 = arith.constant 0 : i32
    %dma_start3A_321 = tpu.memref_slice %arg5[%add3A_316, %dma_start3A_320] : memref<512x20000xf32, #tpu.memory_space<hbm>> -> memref<1x20000xf32, #tpu.memory_space<hbm>>
    %dma_start3A_322 = tpu.memref_squeeze %dma_start3A_321 : memref<1x20000xf32, #tpu.memory_space<hbm>> -> memref<20000xf32, #tpu.memory_space<hbm>>
    tpu.enqueue_dma source(%arg13 : memref<20000xf32, #tpu.memory_space<vmem>>) target(%dma_start3A_322 : memref<20000xf32, #tpu.memory_space<hbm>>) target_semaphore(%arg26 : memref<!tpu.dma_semaphore, #tpu.memory_space<semaphore_mem>>)
    %add3A_323 = arith.constant 3 : i32
    %add3A_324 = arith.addi %mul3A_2, %add3A_323 : i32
    %dma_wait3A_325 = arith.constant 0 : i32
    %dma_wait3A_326 = tpu.memref_slice %arg5[%add3A_324, %dma_wait3A_325] : memref<512x20000xf32, #tpu.memory_space<hbm>> -> memref<1x20000xf32, #tpu.memory_space<hbm>>
    %dma_wait3A_327 = tpu.memref_squeeze %dma_wait3A_326 : memref<1x20000xf32, #tpu.memory_space<hbm>> -> memref<20000xf32, #tpu.memory_space<hbm>>
    %dma_wait3A_328 = arith.constant 0 : i32
    %dma_wait3A_329 = tpu.memref_slice %arg5[%add3A_324, %dma_wait3A_328] : memref<512x20000xf32, #tpu.memory_space<hbm>> -> memref<1x20000xf32, #tpu.memory_space<hbm>>
    %dma_wait3A_330 = tpu.memref_squeeze %dma_wait3A_329 : memref<1x20000xf32, #tpu.memory_space<hbm>> -> memref<20000xf32, #tpu.memory_space<hbm>>
    tpu.wait_dma2 semaphore(%arg25 : memref<!tpu.dma_semaphore, #tpu.memory_space<semaphore_mem>>) src(%arg12 : memref<20000xf32, #tpu.memory_space<vmem>>) dst(%dma_wait3A_330 : memref<20000xf32, #tpu.memory_space<hbm>>)
    %slice3A_331 = vector.extract_strided_slice %get3A_3 {offsets = [9], sizes = [1], strides = [1]} : vector<16xi32> to vector<1xi32>
    %squeeze3A_332 = vector.extract %slice3A_331[0] : i32 from vector<1xi32>
    %dma_start3A_333 = arith.constant 0 : i32
    %dma_start3A_334 = tpu.memref_slice %arg2[%squeeze3A_332, %dma_start3A_333] : memref<2048x20000xf32, #tpu.memory_space<hbm>> -> memref<1x20000xf32, #tpu.memory_space<hbm>>
    %dma_start3A_335 = tpu.memref_squeeze %dma_start3A_334 : memref<1x20000xf32, #tpu.memory_space<hbm>> -> memref<20000xf32, #tpu.memory_space<hbm>>
    %dma_start3A_336 = arith.constant 0 : i32
    %dma_start3A_337 = tpu.memref_slice %arg2[%squeeze3A_332, %dma_start3A_336] : memref<2048x20000xf32, #tpu.memory_space<hbm>> -> memref<1x20000xf32, #tpu.memory_space<hbm>>
    %dma_start3A_338 = tpu.memref_squeeze %dma_start3A_337 : memref<1x20000xf32, #tpu.memory_space<hbm>> -> memref<20000xf32, #tpu.memory_space<hbm>>
    tpu.enqueue_dma source(%dma_start3A_338 : memref<20000xf32, #tpu.memory_space<hbm>>) target(%arg12 : memref<20000xf32, #tpu.memory_space<vmem>>) target_semaphore(%arg19 : memref<!tpu.dma_semaphore, #tpu.memory_space<semaphore_mem>>)
    %slice3A_339 = vector.extract_strided_slice %get3A_3 {offsets = [5], sizes = [1], strides = [1]} : vector<16xi32> to vector<1xi32>
    %squeeze3A_340 = vector.extract %slice3A_339[0] : i32 from vector<1xi32>
    %dma_wait3A_341 = arith.constant 0 : i32
    %dma_wait3A_342 = tpu.memref_slice %arg2[%squeeze3A_340, %dma_wait3A_341] : memref<2048x20000xf32, #tpu.memory_space<hbm>> -> memref<1x20000xf32, #tpu.memory_space<hbm>>
    %dma_wait3A_343 = tpu.memref_squeeze %dma_wait3A_342 : memref<1x20000xf32, #tpu.memory_space<hbm>> -> memref<20000xf32, #tpu.memory_space<hbm>>
    %dma_wait3A_344 = arith.constant 0 : i32
    %dma_wait3A_345 = tpu.memref_slice %arg2[%squeeze3A_340, %dma_wait3A_344] : memref<2048x20000xf32, #tpu.memory_space<hbm>> -> memref<1x20000xf32, #tpu.memory_space<hbm>>
    %dma_wait3A_346 = tpu.memref_squeeze %dma_wait3A_345 : memref<1x20000xf32, #tpu.memory_space<hbm>> -> memref<20000xf32, #tpu.memory_space<hbm>>
    tpu.wait_dma2 semaphore(%arg21 : memref<!tpu.dma_semaphore, #tpu.memory_space<semaphore_mem>>) src(%dma_wait3A_346 : memref<20000xf32, #tpu.memory_space<hbm>>) dst(%arg14 : memref<20000xf32, #tpu.memory_space<vmem>>)
    %get3A_347 = arith.constant 5 : i32
    %get3A_348 = arith.index_cast %get3A_347 : i32 to index
    %get3A_349 = arith.constant 0 : index
    %get3A_350 = tpu.vector_load %arg8[%get3A_348, %get3A_349] {strides = array<i32>} : memref<16x32xi32, #tpu.memory_space<vmem>>, vector<16xi32>,
    %gather3A_351 = tpu.vector_load_idx %arg14[%get3A_350] : memref<20000xf32, #tpu.memory_space<vmem>>[vector<16xi32>], vector<16xf32>,
    %swap3A_352 = arith.constant 5 : i32
    %swap3A_353 = arith.index_cast %swap3A_352 : i32 to index
    %swap3A_354 = arith.constant 0 : index
    %swap3A_355 = tpu.vector_load %arg15[%swap3A_353, %swap3A_354] {strides = array<i32>} : memref<16x32xf32, #tpu.memory_space<vmem>>, vector<16xf32>,
    tpu.vector_store %arg15[%swap3A_353, %swap3A_354], %gather3A_351 {strides = array<i32>} : memref<16x32xf32, #tpu.memory_space<vmem>>, vector<16xf32>,
    %get3A_356 = arith.constant 5 : i32
    %get3A_357 = arith.index_cast %get3A_356 : i32 to index
    %get3A_358 = arith.constant 16 : index
    %get3A_359 = tpu.vector_load %arg8[%get3A_357, %get3A_358] {strides = array<i32>} : memref<16x32xi32, #tpu.memory_space<vmem>>, vector<16xi32>,
    %gather3A_360 = tpu.vector_load_idx %arg14[%get3A_359] : memref<20000xf32, #tpu.memory_space<vmem>>[vector<16xi32>], vector<16xf32>,
    %swap3A_361 = arith.constant 5 : i32
    %swap3A_362 = arith.index_cast %swap3A_361 : i32 to index
    %swap3A_363 = arith.constant 16 : index
    %swap3A_364 = tpu.vector_load %arg15[%swap3A_362, %swap3A_363] {strides = array<i32>} : memref<16x32xf32, #tpu.memory_space<vmem>>, vector<16xf32>,
    tpu.vector_store %arg15[%swap3A_362, %swap3A_363], %gather3A_360 {strides = array<i32>} : memref<16x32xf32, #tpu.memory_space<vmem>>, vector<16xf32>,
    %get3A_365 = arith.constant 5 : i32
    %get3A_366 = arith.index_cast %get3A_365 : i32 to index
    %get3A_367 = arith.constant 0 : index
    %get3A_368 = tpu.vector_load %arg8[%get3A_366, %get3A_367] {strides = array<i32>} : memref<16x32xi32, #tpu.memory_space<vmem>>, vector<16xi32>,
    %broadcast_in_dim3A_369 = arith.constant 0.000000e+00 : f32
    %broadcast_in_dim3A_370 = vector.broadcast %broadcast_in_dim3A_369 : f32 to vector<16xf32>
    tpu.vector_store_idx %arg14[%get3A_368], %broadcast_in_dim3A_370 : memref<20000xf32, #tpu.memory_space<vmem>>[vector<16xi32>], vector<16xf32>,
    %get3A_371 = arith.constant 5 : i32
    %get3A_372 = arith.index_cast %get3A_371 : i32 to index
    %get3A_373 = arith.constant 16 : index
    %get3A_374 = tpu.vector_load %arg8[%get3A_372, %get3A_373] {strides = array<i32>} : memref<16x32xi32, #tpu.memory_space<vmem>>, vector<16xi32>,
    %broadcast_in_dim3A_375 = arith.constant 0.000000e+00 : f32
    %broadcast_in_dim3A_376 = vector.broadcast %broadcast_in_dim3A_375 : f32 to vector<16xf32>
    tpu.vector_store_idx %arg14[%get3A_374], %broadcast_in_dim3A_376 : memref<20000xf32, #tpu.memory_space<vmem>>[vector<16xi32>], vector<16xf32>,
    %add3A_377 = arith.constant 5 : i32
    %add3A_378 = arith.addi %mul3A_2, %add3A_377 : i32
    %dma_start3A_379 = arith.constant 0 : i32
    %dma_start3A_380 = tpu.memref_slice %arg5[%add3A_378, %dma_start3A_379] : memref<512x20000xf32, #tpu.memory_space<hbm>> -> memref<1x20000xf32, #tpu.memory_space<hbm>>
    %dma_start3A_381 = tpu.memref_squeeze %dma_start3A_380 : memref<1x20000xf32, #tpu.memory_space<hbm>> -> memref<20000xf32, #tpu.memory_space<hbm>>
    %dma_start3A_382 = arith.constant 0 : i32
    %dma_start3A_383 = tpu.memref_slice %arg5[%add3A_378, %dma_start3A_382] : memref<512x20000xf32, #tpu.memory_space<hbm>> -> memref<1x20000xf32, #tpu.memory_space<hbm>>
    %dma_start3A_384 = tpu.memref_squeeze %dma_start3A_383 : memref<1x20000xf32, #tpu.memory_space<hbm>> -> memref<20000xf32, #tpu.memory_space<hbm>>
    tpu.enqueue_dma source(%arg14 : memref<20000xf32, #tpu.memory_space<vmem>>) target(%dma_start3A_384 : memref<20000xf32, #tpu.memory_space<hbm>>) target_semaphore(%arg27 : memref<!tpu.dma_semaphore, #tpu.memory_space<semaphore_mem>>)
    %add3A_385 = arith.constant 4 : i32
    %add3A_386 = arith.addi %mul3A_2, %add3A_385 : i32
    %dma_wait3A_387 = arith.constant 0 : i32
    %dma_wait3A_388 = tpu.memref_slice %arg5[%add3A_386, %dma_wait3A_387] : memref<512x20000xf32, #tpu.memory_space<hbm>> -> memref<1x20000xf32, #tpu.memory_space<hbm>>
    %dma_wait3A_389 = tpu.memref_squeeze %dma_wait3A_388 : memref<1x20000xf32, #tpu.memory_space<hbm>> -> memref<20000xf32, #tpu.memory_space<hbm>>
    %dma_wait3A_390 = arith.constant 0 : i32
    %dma_wait3A_391 = tpu.memref_slice %arg5[%add3A_386, %dma_wait3A_390] : memref<512x20000xf32, #tpu.memory_space<hbm>> -> memref<1x20000xf32, #tpu.memory_space<hbm>>
    %dma_wait3A_392 = tpu.memref_squeeze %dma_wait3A_391 : memref<1x20000xf32, #tpu.memory_space<hbm>> -> memref<20000xf32, #tpu.memory_space<hbm>>
    tpu.wait_dma2 semaphore(%arg26 : memref<!tpu.dma_semaphore, #tpu.memory_space<semaphore_mem>>) src(%arg13 : memref<20000xf32, #tpu.memory_space<vmem>>) dst(%dma_wait3A_392 : memref<20000xf32, #tpu.memory_space<hbm>>)
    %slice3A_393 = vector.extract_strided_slice %get3A_3 {offsets = [10], sizes = [1], strides = [1]} : vector<16xi32> to vector<1xi32>
    %squeeze3A_394 = vector.extract %slice3A_393[0] : i32 from vector<1xi32>
    %dma_start3A_395 = arith.constant 0 : i32
    %dma_start3A_396 = tpu.memref_slice %arg2[%squeeze3A_394, %dma_start3A_395] : memref<2048x20000xf32, #tpu.memory_space<hbm>> -> memref<1x20000xf32, #tpu.memory_space<hbm>>
    %dma_start3A_397 = tpu.memref_squeeze %dma_start3A_396 : memref<1x20000xf32, #tpu.memory_space<hbm>> -> memref<20000xf32, #tpu.memory_space<hbm>>
    %dma_start3A_398 = arith.constant 0 : i32
    %dma_start3A_399 = tpu.memref_slice %arg2[%squeeze3A_394, %dma_start3A_398] : memref<2048x20000xf32, #tpu.memory_space<hbm>> -> memref<1x20000xf32, #tpu.memory_space<hbm>>
    %dma_start3A_400 = tpu.memref_squeeze %dma_start3A_399 : memref<1x20000xf32, #tpu.memory_space<hbm>> -> memref<20000xf32, #tpu.memory_space<hbm>>
    tpu.enqueue_dma source(%dma_start3A_400 : memref<20000xf32, #tpu.memory_space<hbm>>) target(%arg13 : memref<20000xf32, #tpu.memory_space<vmem>>) target_semaphore(%arg20 : memref<!tpu.dma_semaphore, #tpu.memory_space<semaphore_mem>>)
    %slice3A_401 = vector.extract_strided_slice %get3A_3 {offsets = [6], sizes = [1], strides = [1]} : vector<16xi32> to vector<1xi32>
    %squeeze3A_402 = vector.extract %slice3A_401[0] : i32 from vector<1xi32>
    %dma_wait3A_403 = arith.constant 0 : i32
    %dma_wait3A_404 = tpu.memref_slice %arg2[%squeeze3A_402, %dma_wait3A_403] : memref<2048x20000xf32, #tpu.memory_space<hbm>> -> memref<1x20000xf32, #tpu.memory_space<hbm>>
    %dma_wait3A_405 = tpu.memref_squeeze %dma_wait3A_404 : memref<1x20000xf32, #tpu.memory_space<hbm>> -> memref<20000xf32, #tpu.memory_space<hbm>>
    %dma_wait3A_406 = arith.constant 0 : i32
    %dma_wait3A_407 = tpu.memref_slice %arg2[%squeeze3A_402, %dma_wait3A_406] : memref<2048x20000xf32, #tpu.memory_space<hbm>> -> memref<1x20000xf32, #tpu.memory_space<hbm>>
    %dma_wait3A_408 = tpu.memref_squeeze %dma_wait3A_407 : memref<1x20000xf32, #tpu.memory_space<hbm>> -> memref<20000xf32, #tpu.memory_space<hbm>>
    tpu.wait_dma2 semaphore(%arg16 : memref<!tpu.dma_semaphore, #tpu.memory_space<semaphore_mem>>) src(%dma_wait3A_408 : memref<20000xf32, #tpu.memory_space<hbm>>) dst(%arg9 : memref<20000xf32, #tpu.memory_space<vmem>>)
    %get3A_409 = arith.constant 6 : i32
    %get3A_410 = arith.index_cast %get3A_409 : i32 to index
    %get3A_411 = arith.constant 0 : index
    %get3A_412 = tpu.vector_load %arg8[%get3A_410, %get3A_411] {strides = array<i32>} : memref<16x32xi32, #tpu.memory_space<vmem>>, vector<16xi32>,
    %gather3A_413 = tpu.vector_load_idx %arg9[%get3A_412] : memref<20000xf32, #tpu.memory_space<vmem>>[vector<16xi32>], vector<16xf32>,
    %swap3A_414 = arith.constant 6 : i32
    %swap3A_415 = arith.index_cast %swap3A_414 : i32 to index
    %swap3A_416 = arith.constant 0 : index
    %swap3A_417 = tpu.vector_load %arg15[%swap3A_415, %swap3A_416] {strides = array<i32>} : memref<16x32xf32, #tpu.memory_space<vmem>>, vector<16xf32>,
    tpu.vector_store %arg15[%swap3A_415, %swap3A_416], %gather3A_413 {strides = array<i32>} : memref<16x32xf32, #tpu.memory_space<vmem>>, vector<16xf32>,
    %get3A_418 = arith.constant 6 : i32
    %get3A_419 = arith.index_cast %get3A_418 : i32 to index
    %get3A_420 = arith.constant 16 : index
    %get3A_421 = tpu.vector_load %arg8[%get3A_419, %get3A_420] {strides = array<i32>} : memref<16x32xi32, #tpu.memory_space<vmem>>, vector<16xi32>,
    %gather3A_422 = tpu.vector_load_idx %arg9[%get3A_421] : memref<20000xf32, #tpu.memory_space<vmem>>[vector<16xi32>], vector<16xf32>,
    %swap3A_423 = arith.constant 6 : i32
    %swap3A_424 = arith.index_cast %swap3A_423 : i32 to index
    %swap3A_425 = arith.constant 16 : index
    %swap3A_426 = tpu.vector_load %arg15[%swap3A_424, %swap3A_425] {strides = array<i32>} : memref<16x32xf32, #tpu.memory_space<vmem>>, vector<16xf32>,
    tpu.vector_store %arg15[%swap3A_424, %swap3A_425], %gather3A_422 {strides = array<i32>} : memref<16x32xf32, #tpu.memory_space<vmem>>, vector<16xf32>,
    %get3A_427 = arith.constant 6 : i32
    %get3A_428 = arith.index_cast %get3A_427 : i32 to index
    %get3A_429 = arith.constant 0 : index
    %get3A_430 = tpu.vector_load %arg8[%get3A_428, %get3A_429] {strides = array<i32>} : memref<16x32xi32, #tpu.memory_space<vmem>>, vector<16xi32>,
    %broadcast_in_dim3A_431 = arith.constant 0.000000e+00 : f32
    %broadcast_in_dim3A_432 = vector.broadcast %broadcast_in_dim3A_431 : f32 to vector<16xf32>
    tpu.vector_store_idx %arg9[%get3A_430], %broadcast_in_dim3A_432 : memref<20000xf32, #tpu.memory_space<vmem>>[vector<16xi32>], vector<16xf32>,
    %get3A_433 = arith.constant 6 : i32
    %get3A_434 = arith.index_cast %get3A_433 : i32 to index
    %get3A_435 = arith.constant 16 : index
    %get3A_436 = tpu.vector_load %arg8[%get3A_434, %get3A_435] {strides = array<i32>} : memref<16x32xi32, #tpu.memory_space<vmem>>, vector<16xi32>,
    %broadcast_in_dim3A_437 = arith.constant 0.000000e+00 : f32
    %broadcast_in_dim3A_438 = vector.broadcast %broadcast_in_dim3A_437 : f32 to vector<16xf32>
    tpu.vector_store_idx %arg9[%get3A_436], %broadcast_in_dim3A_438 : memref<20000xf32, #tpu.memory_space<vmem>>[vector<16xi32>], vector<16xf32>,
    %add3A_439 = arith.constant 6 : i32
    %add3A_440 = arith.addi %mul3A_2, %add3A_439 : i32
    %dma_start3A_441 = arith.constant 0 : i32
    %dma_start3A_442 = tpu.memref_slice %arg5[%add3A_440, %dma_start3A_441] : memref<512x20000xf32, #tpu.memory_space<hbm>> -> memref<1x20000xf32, #tpu.memory_space<hbm>>
    %dma_start3A_443 = tpu.memref_squeeze %dma_start3A_442 : memref<1x20000xf32, #tpu.memory_space<hbm>> -> memref<20000xf32, #tpu.memory_space<hbm>>
    %dma_start3A_444 = arith.constant 0 : i32
    %dma_start3A_445 = tpu.memref_slice %arg5[%add3A_440, %dma_start3A_444] : memref<512x20000xf32, #tpu.memory_space<hbm>> -> memref<1x20000xf32, #tpu.memory_space<hbm>>
    %dma_start3A_446 = tpu.memref_squeeze %dma_start3A_445 : memref<1x20000xf32, #tpu.memory_space<hbm>> -> memref<20000xf32, #tpu.memory_space<hbm>>
    tpu.enqueue_dma source(%arg9 : memref<20000xf32, #tpu.memory_space<vmem>>) target(%dma_start3A_446 : memref<20000xf32, #tpu.memory_space<hbm>>) target_semaphore(%arg22 : memref<!tpu.dma_semaphore, #tpu.memory_space<semaphore_mem>>)
    %add3A_447 = arith.constant 5 : i32
    %add3A_448 = arith.addi %mul3A_2, %add3A_447 : i32
    %dma_wait3A_449 = arith.constant 0 : i32
    %dma_wait3A_450 = tpu.memref_slice %arg5[%add3A_448, %dma_wait3A_449] : memref<512x20000xf32, #tpu.memory_space<hbm>> -> memref<1x20000xf32, #tpu.memory_space<hbm>>
    %dma_wait3A_451 = tpu.memref_squeeze %dma_wait3A_450 : memref<1x20000xf32, #tpu.memory_space<hbm>> -> memref<20000xf32, #tpu.memory_space<hbm>>
    %dma_wait3A_452 = arith.constant 0 : i32
    %dma_wait3A_453 = tpu.memref_slice %arg5[%add3A_448, %dma_wait3A_452] : memref<512x20000xf32, #tpu.memory_space<hbm>> -> memref<1x20000xf32, #tpu.memory_space<hbm>>
    %dma_wait3A_454 = tpu.memref_squeeze %dma_wait3A_453 : memref<1x20000xf32, #tpu.memory_space<hbm>> -> memref<20000xf32, #tpu.memory_space<hbm>>
    tpu.wait_dma2 semaphore(%arg27 : memref<!tpu.dma_semaphore, #tpu.memory_space<semaphore_mem>>) src(%arg14 : memref<20000xf32, #tpu.memory_space<vmem>>) dst(%dma_wait3A_454 : memref<20000xf32, #tpu.memory_space<hbm>>)
    %slice3A_455 = vector.extract_strided_slice %get3A_3 {offsets = [11], sizes = [1], strides = [1]} : vector<16xi32> to vector<1xi32>
    %squeeze3A_456 = vector.extract %slice3A_455[0] : i32 from vector<1xi32>
    %dma_start3A_457 = arith.constant 0 : i32
    %dma_start3A_458 = tpu.memref_slice %arg2[%squeeze3A_456, %dma_start3A_457] : memref<2048x20000xf32, #tpu.memory_space<hbm>> -> memref<1x20000xf32, #tpu.memory_space<hbm>>
    %dma_start3A_459 = tpu.memref_squeeze %dma_start3A_458 : memref<1x20000xf32, #tpu.memory_space<hbm>> -> memref<20000xf32, #tpu.memory_space<hbm>>
    %dma_start3A_460 = arith.constant 0 : i32
    %dma_start3A_461 = tpu.memref_slice %arg2[%squeeze3A_456, %dma_start3A_460] : memref<2048x20000xf32, #tpu.memory_space<hbm>> -> memref<1x20000xf32, #tpu.memory_space<hbm>>
    %dma_start3A_462 = tpu.memref_squeeze %dma_start3A_461 : memref<1x20000xf32, #tpu.memory_space<hbm>> -> memref<20000xf32, #tpu.memory_space<hbm>>
    tpu.enqueue_dma source(%dma_start3A_462 : memref<20000xf32, #tpu.memory_space<hbm>>) target(%arg14 : memref<20000xf32, #tpu.memory_space<vmem>>) target_semaphore(%arg21 : memref<!tpu.dma_semaphore, #tpu.memory_space<semaphore_mem>>)
    %slice3A_463 = vector.extract_strided_slice %get3A_3 {offsets = [7], sizes = [1], strides = [1]} : vector<16xi32> to vector<1xi32>
    %squeeze3A_464 = vector.extract %slice3A_463[0] : i32 from vector<1xi32>
    %dma_wait3A_465 = arith.constant 0 : i32
    %dma_wait3A_466 = tpu.memref_slice %arg2[%squeeze3A_464, %dma_wait3A_465] : memref<2048x20000xf32, #tpu.memory_space<hbm>> -> memref<1x20000xf32, #tpu.memory_space<hbm>>
    %dma_wait3A_467 = tpu.memref_squeeze %dma_wait3A_466 : memref<1x20000xf32, #tpu.memory_space<hbm>> -> memref<20000xf32, #tpu.memory_space<hbm>>
    %dma_wait3A_468 = arith.constant 0 : i32
    %dma_wait3A_469 = tpu.memref_slice %arg2[%squeeze3A_464, %dma_wait3A_468] : memref<2048x20000xf32, #tpu.memory_space<hbm>> -> memref<1x20000xf32, #tpu.memory_space<hbm>>
    %dma_wait3A_470 = tpu.memref_squeeze %dma_wait3A_469 : memref<1x20000xf32, #tpu.memory_space<hbm>> -> memref<20000xf32, #tpu.memory_space<hbm>>
    tpu.wait_dma2 semaphore(%arg17 : memref<!tpu.dma_semaphore, #tpu.memory_space<semaphore_mem>>) src(%dma_wait3A_470 : memref<20000xf32, #tpu.memory_space<hbm>>) dst(%arg10 : memref<20000xf32, #tpu.memory_space<vmem>>)
    %get3A_471 = arith.constant 7 : i32
    %get3A_472 = arith.index_cast %get3A_471 : i32 to index
    %get3A_473 = arith.constant 0 : index
    %get3A_474 = tpu.vector_load %arg8[%get3A_472, %get3A_473] {strides = array<i32>} : memref<16x32xi32, #tpu.memory_space<vmem>>, vector<16xi32>,
    %gather3A_475 = tpu.vector_load_idx %arg10[%get3A_474] : memref<20000xf32, #tpu.memory_space<vmem>>[vector<16xi32>], vector<16xf32>,
    %swap3A_476 = arith.constant 7 : i32
    %swap3A_477 = arith.index_cast %swap3A_476 : i32 to index
    %swap3A_478 = arith.constant 0 : index
    %swap3A_479 = tpu.vector_load %arg15[%swap3A_477, %swap3A_478] {strides = array<i32>} : memref<16x32xf32, #tpu.memory_space<vmem>>, vector<16xf32>,
    tpu.vector_store %arg15[%swap3A_477, %swap3A_478], %gather3A_475 {strides = array<i32>} : memref<16x32xf32, #tpu.memory_space<vmem>>, vector<16xf32>,
    %get3A_480 = arith.constant 7 : i32
    %get3A_481 = arith.index_cast %get3A_480 : i32 to index
    %get3A_482 = arith.constant 16 : index
    %get3A_483 = tpu.vector_load %arg8[%get3A_481, %get3A_482] {strides = array<i32>} : memref<16x32xi32, #tpu.memory_space<vmem>>, vector<16xi32>,
    %gather3A_484 = tpu.vector_load_idx %arg10[%get3A_483] : memref<20000xf32, #tpu.memory_space<vmem>>[vector<16xi32>], vector<16xf32>,
    %swap3A_485 = arith.constant 7 : i32
    %swap3A_486 = arith.index_cast %swap3A_485 : i32 to index
    %swap3A_487 = arith.constant 16 : index
    %swap3A_488 = tpu.vector_load %arg15[%swap3A_486, %swap3A_487] {strides = array<i32>} : memref<16x32xf32, #tpu.memory_space<vmem>>, vector<16xf32>,
    tpu.vector_store %arg15[%swap3A_486, %swap3A_487], %gather3A_484 {strides = array<i32>} : memref<16x32xf32, #tpu.memory_space<vmem>>, vector<16xf32>,
    %get3A_489 = arith.constant 7 : i32
    %get3A_490 = arith.index_cast %get3A_489 : i32 to index
    %get3A_491 = arith.constant 0 : index
    %get3A_492 = tpu.vector_load %arg8[%get3A_490, %get3A_491] {strides = array<i32>} : memref<16x32xi32, #tpu.memory_space<vmem>>, vector<16xi32>,
    %broadcast_in_dim3A_493 = arith.constant 0.000000e+00 : f32
    %broadcast_in_dim3A_494 = vector.broadcast %broadcast_in_dim3A_493 : f32 to vector<16xf32>
    tpu.vector_store_idx %arg10[%get3A_492], %broadcast_in_dim3A_494 : memref<20000xf32, #tpu.memory_space<vmem>>[vector<16xi32>], vector<16xf32>,
    %get3A_495 = arith.constant 7 : i32
    %get3A_496 = arith.index_cast %get3A_495 : i32 to index
    %get3A_497 = arith.constant 16 : index
    %get3A_498 = tpu.vector_load %arg8[%get3A_496, %get3A_497] {strides = array<i32>} : memref<16x32xi32, #tpu.memory_space<vmem>>, vector<16xi32>,
    %broadcast_in_dim3A_499 = arith.constant 0.000000e+00 : f32
    %broadcast_in_dim3A_500 = vector.broadcast %broadcast_in_dim3A_499 : f32 to vector<16xf32>
    tpu.vector_store_idx %arg10[%get3A_498], %broadcast_in_dim3A_500 : memref<20000xf32, #tpu.memory_space<vmem>>[vector<16xi32>], vector<16xf32>,
    %add3A_501 = arith.constant 7 : i32
    %add3A_502 = arith.addi %mul3A_2, %add3A_501 : i32
    %dma_start3A_503 = arith.constant 0 : i32
    %dma_start3A_504 = tpu.memref_slice %arg5[%add3A_502, %dma_start3A_503] : memref<512x20000xf32, #tpu.memory_space<hbm>> -> memref<1x20000xf32, #tpu.memory_space<hbm>>
    %dma_start3A_505 = tpu.memref_squeeze %dma_start3A_504 : memref<1x20000xf32, #tpu.memory_space<hbm>> -> memref<20000xf32, #tpu.memory_space<hbm>>
    %dma_start3A_506 = arith.constant 0 : i32
    %dma_start3A_507 = tpu.memref_slice %arg5[%add3A_502, %dma_start3A_506] : memref<512x20000xf32, #tpu.memory_space<hbm>> -> memref<1x20000xf32, #tpu.memory_space<hbm>>
    %dma_start3A_508 = tpu.memref_squeeze %dma_start3A_507 : memref<1x20000xf32, #tpu.memory_space<hbm>> -> memref<20000xf32, #tpu.memory_space<hbm>>
    tpu.enqueue_dma source(%arg10 : memref<20000xf32, #tpu.memory_space<vmem>>) target(%dma_start3A_508 : memref<20000xf32, #tpu.memory_space<hbm>>) target_semaphore(%arg23 : memref<!tpu.dma_semaphore, #tpu.memory_space<semaphore_mem>>)
    %add3A_509 = arith.constant 6 : i32
    %add3A_510 = arith.addi %mul3A_2, %add3A_509 : i32
    %dma_wait3A_511 = arith.constant 0 : i32
    %dma_wait3A_512 = tpu.memref_slice %arg5[%add3A_510, %dma_wait3A_511] : memref<512x20000xf32, #tpu.memory_space<hbm>> -> memref<1x20000xf32, #tpu.memory_space<hbm>>
    %dma_wait3A_513 = tpu.memref_squeeze %dma_wait3A_512 : memref<1x20000xf32, #tpu.memory_space<hbm>> -> memref<20000xf32, #tpu.memory_space<hbm>>
    %dma_wait3A_514 = arith.constant 0 : i32
    %dma_wait3A_515 = tpu.memref_slice %arg5[%add3A_510, %dma_wait3A_514] : memref<512x20000xf32, #tpu.memory_space<hbm>> -> memref<1x20000xf32, #tpu.memory_space<hbm>>
    %dma_wait3A_516 = tpu.memref_squeeze %dma_wait3A_515 : memref<1x20000xf32, #tpu.memory_space<hbm>> -> memref<20000xf32, #tpu.memory_space<hbm>>
    tpu.wait_dma2 semaphore(%arg22 : memref<!tpu.dma_semaphore, #tpu.memory_space<semaphore_mem>>) src(%arg9 : memref<20000xf32, #tpu.memory_space<vmem>>) dst(%dma_wait3A_516 : memref<20000xf32, #tpu.memory_space<hbm>>)
    %slice3A_517 = vector.extract_strided_slice %get3A_3 {offsets = [12], sizes = [1], strides = [1]} : vector<16xi32> to vector<1xi32>
    %squeeze3A_518 = vector.extract %slice3A_517[0] : i32 from vector<1xi32>
    %dma_start3A_519 = arith.constant 0 : i32
    %dma_start3A_520 = tpu.memref_slice %arg2[%squeeze3A_518, %dma_start3A_519] : memref<2048x20000xf32, #tpu.memory_space<hbm>> -> memref<1x20000xf32, #tpu.memory_space<hbm>>
    %dma_start3A_521 = tpu.memref_squeeze %dma_start3A_520 : memref<1x20000xf32, #tpu.memory_space<hbm>> -> memref<20000xf32, #tpu.memory_space<hbm>>
    %dma_start3A_522 = arith.constant 0 : i32
    %dma_start3A_523 = tpu.memref_slice %arg2[%squeeze3A_518, %dma_start3A_522] : memref<2048x20000xf32, #tpu.memory_space<hbm>> -> memref<1x20000xf32, #tpu.memory_space<hbm>>
    %dma_start3A_524 = tpu.memref_squeeze %dma_start3A_523 : memref<1x20000xf32, #tpu.memory_space<hbm>> -> memref<20000xf32, #tpu.memory_space<hbm>>
    tpu.enqueue_dma source(%dma_start3A_524 : memref<20000xf32, #tpu.memory_space<hbm>>) target(%arg9 : memref<20000xf32, #tpu.memory_space<vmem>>) target_semaphore(%arg16 : memref<!tpu.dma_semaphore, #tpu.memory_space<semaphore_mem>>)
    %slice3A_525 = vector.extract_strided_slice %get3A_3 {offsets = [8], sizes = [1], strides = [1]} : vector<16xi32> to vector<1xi32>
    %squeeze3A_526 = vector.extract %slice3A_525[0] : i32 from vector<1xi32>
    %dma_wait3A_527 = arith.constant 0 : i32
    %dma_wait3A_528 = tpu.memref_slice %arg2[%squeeze3A_526, %dma_wait3A_527] : memref<2048x20000xf32, #tpu.memory_space<hbm>> -> memref<1x20000xf32, #tpu.memory_space<hbm>>
    %dma_wait3A_529 = tpu.memref_squeeze %dma_wait3A_528 : memref<1x20000xf32, #tpu.memory_space<hbm>> -> memref<20000xf32, #tpu.memory_space<hbm>>
    %dma_wait3A_530 = arith.constant 0 : i32
    %dma_wait3A_531 = tpu.memref_slice %arg2[%squeeze3A_526, %dma_wait3A_530] : memref<2048x20000xf32, #tpu.memory_space<hbm>> -> memref<1x20000xf32, #tpu.memory_space<hbm>>
    %dma_wait3A_532 = tpu.memref_squeeze %dma_wait3A_531 : memref<1x20000xf32, #tpu.memory_space<hbm>> -> memref<20000xf32, #tpu.memory_space<hbm>>
    tpu.wait_dma2 semaphore(%arg18 : memref<!tpu.dma_semaphore, #tpu.memory_space<semaphore_mem>>) src(%dma_wait3A_532 : memref<20000xf32, #tpu.memory_space<hbm>>) dst(%arg11 : memref<20000xf32, #tpu.memory_space<vmem>>)
    %get3A_533 = arith.constant 8 : i32
    %get3A_534 = arith.index_cast %get3A_533 : i32 to index
    %get3A_535 = arith.constant 0 : index
    %get3A_536 = tpu.vector_load %arg8[%get3A_534, %get3A_535] {strides = array<i32>} : memref<16x32xi32, #tpu.memory_space<vmem>>, vector<16xi32>,
    %gather3A_537 = tpu.vector_load_idx %arg11[%get3A_536] : memref<20000xf32, #tpu.memory_space<vmem>>[vector<16xi32>], vector<16xf32>,
    %swap3A_538 = arith.constant 8 : i32
    %swap3A_539 = arith.index_cast %swap3A_538 : i32 to index
    %swap3A_540 = arith.constant 0 : index
    %swap3A_541 = tpu.vector_load %arg15[%swap3A_539, %swap3A_540] {strides = array<i32>} : memref<16x32xf32, #tpu.memory_space<vmem>>, vector<16xf32>,
    tpu.vector_store %arg15[%swap3A_539, %swap3A_540], %gather3A_537 {strides = array<i32>} : memref<16x32xf32, #tpu.memory_space<vmem>>, vector<16xf32>,
    %get3A_542 = arith.constant 8 : i32
    %get3A_543 = arith.index_cast %get3A_542 : i32 to index
    %get3A_544 = arith.constant 16 : index
    %get3A_545 = tpu.vector_load %arg8[%get3A_543, %get3A_544] {strides = array<i32>} : memref<16x32xi32, #tpu.memory_space<vmem>>, vector<16xi32>,
    %gather3A_546 = tpu.vector_load_idx %arg11[%get3A_545] : memref<20000xf32, #tpu.memory_space<vmem>>[vector<16xi32>], vector<16xf32>,
    %swap3A_547 = arith.constant 8 : i32
    %swap3A_548 = arith.index_cast %swap3A_547 : i32 to index
    %swap3A_549 = arith.constant 16 : index
    %swap3A_550 = tpu.vector_load %arg15[%swap3A_548, %swap3A_549] {strides = array<i32>} : memref<16x32xf32, #tpu.memory_space<vmem>>, vector<16xf32>,
    tpu.vector_store %arg15[%swap3A_548, %swap3A_549], %gather3A_546 {strides = array<i32>} : memref<16x32xf32, #tpu.memory_space<vmem>>, vector<16xf32>,
    %get3A_551 = arith.constant 8 : i32
    %get3A_552 = arith.index_cast %get3A_551 : i32 to index
    %get3A_553 = arith.constant 0 : index
    %get3A_554 = tpu.vector_load %arg8[%get3A_552, %get3A_553] {strides = array<i32>} : memref<16x32xi32, #tpu.memory_space<vmem>>, vector<16xi32>,
    %broadcast_in_dim3A_555 = arith.constant 0.000000e+00 : f32
    %broadcast_in_dim3A_556 = vector.broadcast %broadcast_in_dim3A_555 : f32 to vector<16xf32>
    tpu.vector_store_idx %arg11[%get3A_554], %broadcast_in_dim3A_556 : memref<20000xf32, #tpu.memory_space<vmem>>[vector<16xi32>], vector<16xf32>,
    %get3A_557 = arith.constant 8 : i32
    %get3A_558 = arith.index_cast %get3A_557 : i32 to index
    %get3A_559 = arith.constant 16 : index
    %get3A_560 = tpu.vector_load %arg8[%get3A_558, %get3A_559] {strides = array<i32>} : memref<16x32xi32, #tpu.memory_space<vmem>>, vector<16xi32>,
    %broadcast_in_dim3A_561 = arith.constant 0.000000e+00 : f32
    %broadcast_in_dim3A_562 = vector.broadcast %broadcast_in_dim3A_561 : f32 to vector<16xf32>
    tpu.vector_store_idx %arg11[%get3A_560], %broadcast_in_dim3A_562 : memref<20000xf32, #tpu.memory_space<vmem>>[vector<16xi32>], vector<16xf32>,
    %add3A_563 = arith.constant 8 : i32
    %add3A_564 = arith.addi %mul3A_2, %add3A_563 : i32
    %dma_start3A_565 = arith.constant 0 : i32
    %dma_start3A_566 = tpu.memref_slice %arg5[%add3A_564, %dma_start3A_565] : memref<512x20000xf32, #tpu.memory_space<hbm>> -> memref<1x20000xf32, #tpu.memory_space<hbm>>
    %dma_start3A_567 = tpu.memref_squeeze %dma_start3A_566 : memref<1x20000xf32, #tpu.memory_space<hbm>> -> memref<20000xf32, #tpu.memory_space<hbm>>
    %dma_start3A_568 = arith.constant 0 : i32
    %dma_start3A_569 = tpu.memref_slice %arg5[%add3A_564, %dma_start3A_568] : memref<512x20000xf32, #tpu.memory_space<hbm>> -> memref<1x20000xf32, #tpu.memory_space<hbm>>
    %dma_start3A_570 = tpu.memref_squeeze %dma_start3A_569 : memref<1x20000xf32, #tpu.memory_space<hbm>> -> memref<20000xf32, #tpu.memory_space<hbm>>
    tpu.enqueue_dma source(%arg11 : memref<20000xf32, #tpu.memory_space<vmem>>) target(%dma_start3A_570 : memref<20000xf32, #tpu.memory_space<hbm>>) target_semaphore(%arg24 : memref<!tpu.dma_semaphore, #tpu.memory_space<semaphore_mem>>)
    %add3A_571 = arith.constant 7 : i32
    %add3A_572 = arith.addi %mul3A_2, %add3A_571 : i32
    %dma_wait3A_573 = arith.constant 0 : i32
    %dma_wait3A_574 = tpu.memref_slice %arg5[%add3A_572, %dma_wait3A_573] : memref<512x20000xf32, #tpu.memory_space<hbm>> -> memref<1x20000xf32, #tpu.memory_space<hbm>>
    %dma_wait3A_575 = tpu.memref_squeeze %dma_wait3A_574 : memref<1x20000xf32, #tpu.memory_space<hbm>> -> memref<20000xf32, #tpu.memory_space<hbm>>
    %dma_wait3A_576 = arith.constant 0 : i32
    %dma_wait3A_577 = tpu.memref_slice %arg5[%add3A_572, %dma_wait3A_576] : memref<512x20000xf32, #tpu.memory_space<hbm>> -> memref<1x20000xf32, #tpu.memory_space<hbm>>
    %dma_wait3A_578 = tpu.memref_squeeze %dma_wait3A_577 : memref<1x20000xf32, #tpu.memory_space<hbm>> -> memref<20000xf32, #tpu.memory_space<hbm>>
    tpu.wait_dma2 semaphore(%arg23 : memref<!tpu.dma_semaphore, #tpu.memory_space<semaphore_mem>>) src(%arg10 : memref<20000xf32, #tpu.memory_space<vmem>>) dst(%dma_wait3A_578 : memref<20000xf32, #tpu.memory_space<hbm>>)
    %slice3A_579 = vector.extract_strided_slice %get3A_3 {offsets = [13], sizes = [1], strides = [1]} : vector<16xi32> to vector<1xi32>
    %squeeze3A_580 = vector.extract %slice3A_579[0] : i32 from vector<1xi32>
    %dma_start3A_581 = arith.constant 0 : i32
    %dma_start3A_582 = tpu.memref_slice %arg2[%squeeze3A_580, %dma_start3A_581] : memref<2048x20000xf32, #tpu.memory_space<hbm>> -> memref<1x20000xf32, #tpu.memory_space<hbm>>
    %dma_start3A_583 = tpu.memref_squeeze %dma_start3A_582 : memref<1x20000xf32, #tpu.memory_space<hbm>> -> memref<20000xf32, #tpu.memory_space<hbm>>
    %dma_start3A_584 = arith.constant 0 : i32
    %dma_start3A_585 = tpu.memref_slice %arg2[%squeeze3A_580, %dma_start3A_584] : memref<2048x20000xf32, #tpu.memory_space<hbm>> -> memref<1x20000xf32, #tpu.memory_space<hbm>>
    %dma_start3A_586 = tpu.memref_squeeze %dma_start3A_585 : memref<1x20000xf32, #tpu.memory_space<hbm>> -> memref<20000xf32, #tpu.memory_space<hbm>>
    tpu.enqueue_dma source(%dma_start3A_586 : memref<20000xf32, #tpu.memory_space<hbm>>) target(%arg10 : memref<20000xf32, #tpu.memory_space<vmem>>) target_semaphore(%arg17 : memref<!tpu.dma_semaphore, #tpu.memory_space<semaphore_mem>>)
    %slice3A_587 = vector.extract_strided_slice %get3A_3 {offsets = [9], sizes = [1], strides = [1]} : vector<16xi32> to vector<1xi32>
    %squeeze3A_588 = vector.extract %slice3A_587[0] : i32 from vector<1xi32>
    %dma_wait3A_589 = arith.constant 0 : i32
    %dma_wait3A_590 = tpu.memref_slice %arg2[%squeeze3A_588, %dma_wait3A_589] : memref<2048x20000xf32, #tpu.memory_space<hbm>> -> memref<1x20000xf32, #tpu.memory_space<hbm>>
    %dma_wait3A_591 = tpu.memref_squeeze %dma_wait3A_590 : memref<1x20000xf32, #tpu.memory_space<hbm>> -> memref<20000xf32, #tpu.memory_space<hbm>>
    %dma_wait3A_592 = arith.constant 0 : i32
    %dma_wait3A_593 = tpu.memref_slice %arg2[%squeeze3A_588, %dma_wait3A_592] : memref<2048x20000xf32, #tpu.memory_space<hbm>> -> memref<1x20000xf32, #tpu.memory_space<hbm>>
    %dma_wait3A_594 = tpu.memref_squeeze %dma_wait3A_593 : memref<1x20000xf32, #tpu.memory_space<hbm>> -> memref<20000xf32, #tpu.memory_space<hbm>>
    tpu.wait_dma2 semaphore(%arg19 : memref<!tpu.dma_semaphore, #tpu.memory_space<semaphore_mem>>) src(%dma_wait3A_594 : memref<20000xf32, #tpu.memory_space<hbm>>) dst(%arg12 : memref<20000xf32, #tpu.memory_space<vmem>>)
    %get3A_595 = arith.constant 9 : i32
    %get3A_596 = arith.index_cast %get3A_595 : i32 to index
    %get3A_597 = arith.constant 0 : index
    %get3A_598 = tpu.vector_load %arg8[%get3A_596, %get3A_597] {strides = array<i32>} : memref<16x32xi32, #tpu.memory_space<vmem>>, vector<16xi32>,
    %gather3A_599 = tpu.vector_load_idx %arg12[%get3A_598] : memref<20000xf32, #tpu.memory_space<vmem>>[vector<16xi32>], vector<16xf32>,
    %swap3A_600 = arith.constant 9 : i32
    %swap3A_601 = arith.index_cast %swap3A_600 : i32 to index
    %swap3A_602 = arith.constant 0 : index
    %swap3A_603 = tpu.vector_load %arg15[%swap3A_601, %swap3A_602] {strides = array<i32>} : memref<16x32xf32, #tpu.memory_space<vmem>>, vector<16xf32>,
    tpu.vector_store %arg15[%swap3A_601, %swap3A_602], %gather3A_599 {strides = array<i32>} : memref<16x32xf32, #tpu.memory_space<vmem>>, vector<16xf32>,
    %get3A_604 = arith.constant 9 : i32
    %get3A_605 = arith.index_cast %get3A_604 : i32 to index
    %get3A_606 = arith.constant 16 : index
    %get3A_607 = tpu.vector_load %arg8[%get3A_605, %get3A_606] {strides = array<i32>} : memref<16x32xi32, #tpu.memory_space<vmem>>, vector<16xi32>,
    %gather3A_608 = tpu.vector_load_idx %arg12[%get3A_607] : memref<20000xf32, #tpu.memory_space<vmem>>[vector<16xi32>], vector<16xf32>,
    %swap3A_609 = arith.constant 9 : i32
    %swap3A_610 = arith.index_cast %swap3A_609 : i32 to index
    %swap3A_611 = arith.constant 16 : index
    %swap3A_612 = tpu.vector_load %arg15[%swap3A_610, %swap3A_611] {strides = array<i32>} : memref<16x32xf32, #tpu.memory_space<vmem>>, vector<16xf32>,
    tpu.vector_store %arg15[%swap3A_610, %swap3A_611], %gather3A_608 {strides = array<i32>} : memref<16x32xf32, #tpu.memory_space<vmem>>, vector<16xf32>,
    %get3A_613 = arith.constant 9 : i32
    %get3A_614 = arith.index_cast %get3A_613 : i32 to index
    %get3A_615 = arith.constant 0 : index
    %get3A_616 = tpu.vector_load %arg8[%get3A_614, %get3A_615] {strides = array<i32>} : memref<16x32xi32, #tpu.memory_space<vmem>>, vector<16xi32>,
    %broadcast_in_dim3A_617 = arith.constant 0.000000e+00 : f32
    %broadcast_in_dim3A_618 = vector.broadcast %broadcast_in_dim3A_617 : f32 to vector<16xf32>
    tpu.vector_store_idx %arg12[%get3A_616], %broadcast_in_dim3A_618 : memref<20000xf32, #tpu.memory_space<vmem>>[vector<16xi32>], vector<16xf32>,
    %get3A_619 = arith.constant 9 : i32
    %get3A_620 = arith.index_cast %get3A_619 : i32 to index
    %get3A_621 = arith.constant 16 : index
    %get3A_622 = tpu.vector_load %arg8[%get3A_620, %get3A_621] {strides = array<i32>} : memref<16x32xi32, #tpu.memory_space<vmem>>, vector<16xi32>,
    %broadcast_in_dim3A_623 = arith.constant 0.000000e+00 : f32
    %broadcast_in_dim3A_624 = vector.broadcast %broadcast_in_dim3A_623 : f32 to vector<16xf32>
    tpu.vector_store_idx %arg12[%get3A_622], %broadcast_in_dim3A_624 : memref<20000xf32, #tpu.memory_space<vmem>>[vector<16xi32>], vector<16xf32>,
    %add3A_625 = arith.constant 9 : i32
    %add3A_626 = arith.addi %mul3A_2, %add3A_625 : i32
    %dma_start3A_627 = arith.constant 0 : i32
    %dma_start3A_628 = tpu.memref_slice %arg5[%add3A_626, %dma_start3A_627] : memref<512x20000xf32, #tpu.memory_space<hbm>> -> memref<1x20000xf32, #tpu.memory_space<hbm>>
    %dma_start3A_629 = tpu.memref_squeeze %dma_start3A_628 : memref<1x20000xf32, #tpu.memory_space<hbm>> -> memref<20000xf32, #tpu.memory_space<hbm>>
    %dma_start3A_630 = arith.constant 0 : i32
    %dma_start3A_631 = tpu.memref_slice %arg5[%add3A_626, %dma_start3A_630] : memref<512x20000xf32, #tpu.memory_space<hbm>> -> memref<1x20000xf32, #tpu.memory_space<hbm>>
    %dma_start3A_632 = tpu.memref_squeeze %dma_start3A_631 : memref<1x20000xf32, #tpu.memory_space<hbm>> -> memref<20000xf32, #tpu.memory_space<hbm>>
    tpu.enqueue_dma source(%arg12 : memref<20000xf32, #tpu.memory_space<vmem>>) target(%dma_start3A_632 : memref<20000xf32, #tpu.memory_space<hbm>>) target_semaphore(%arg25 : memref<!tpu.dma_semaphore, #tpu.memory_space<semaphore_mem>>)
    %add3A_633 = arith.constant 8 : i32
    %add3A_634 = arith.addi %mul3A_2, %add3A_633 : i32
    %dma_wait3A_635 = arith.constant 0 : i32
    %dma_wait3A_636 = tpu.memref_slice %arg5[%add3A_634, %dma_wait3A_635] : memref<512x20000xf32, #tpu.memory_space<hbm>> -> memref<1x20000xf32, #tpu.memory_space<hbm>>
    %dma_wait3A_637 = tpu.memref_squeeze %dma_wait3A_636 : memref<1x20000xf32, #tpu.memory_space<hbm>> -> memref<20000xf32, #tpu.memory_space<hbm>>
    %dma_wait3A_638 = arith.constant 0 : i32
    %dma_wait3A_639 = tpu.memref_slice %arg5[%add3A_634, %dma_wait3A_638] : memref<512x20000xf32, #tpu.memory_space<hbm>> -> memref<1x20000xf32, #tpu.memory_space<hbm>>
    %dma_wait3A_640 = tpu.memref_squeeze %dma_wait3A_639 : memref<1x20000xf32, #tpu.memory_space<hbm>> -> memref<20000xf32, #tpu.memory_space<hbm>>
    tpu.wait_dma2 semaphore(%arg24 : memref<!tpu.dma_semaphore, #tpu.memory_space<semaphore_mem>>) src(%arg11 : memref<20000xf32, #tpu.memory_space<vmem>>) dst(%dma_wait3A_640 : memref<20000xf32, #tpu.memory_space<hbm>>)
    %slice3A_641 = vector.extract_strided_slice %get3A_3 {offsets = [14], sizes = [1], strides = [1]} : vector<16xi32> to vector<1xi32>
    %squeeze3A_642 = vector.extract %slice3A_641[0] : i32 from vector<1xi32>
    %dma_start3A_643 = arith.constant 0 : i32
    %dma_start3A_644 = tpu.memref_slice %arg2[%squeeze3A_642, %dma_start3A_643] : memref<2048x20000xf32, #tpu.memory_space<hbm>> -> memref<1x20000xf32, #tpu.memory_space<hbm>>
    %dma_start3A_645 = tpu.memref_squeeze %dma_start3A_644 : memref<1x20000xf32, #tpu.memory_space<hbm>> -> memref<20000xf32, #tpu.memory_space<hbm>>
    %dma_start3A_646 = arith.constant 0 : i32
    %dma_start3A_647 = tpu.memref_slice %arg2[%squeeze3A_642, %dma_start3A_646] : memref<2048x20000xf32, #tpu.memory_space<hbm>> -> memref<1x20000xf32, #tpu.memory_space<hbm>>
    %dma_start3A_648 = tpu.memref_squeeze %dma_start3A_647 : memref<1x20000xf32, #tpu.memory_space<hbm>> -> memref<20000xf32, #tpu.memory_space<hbm>>
    tpu.enqueue_dma source(%dma_start3A_648 : memref<20000xf32, #tpu.memory_space<hbm>>) target(%arg11 : memref<20000xf32, #tpu.memory_space<vmem>>) target_semaphore(%arg18 : memref<!tpu.dma_semaphore, #tpu.memory_space<semaphore_mem>>)
    %slice3A_649 = vector.extract_strided_slice %get3A_3 {offsets = [10], sizes = [1], strides = [1]} : vector<16xi32> to vector<1xi32>
    %squeeze3A_650 = vector.extract %slice3A_649[0] : i32 from vector<1xi32>
    %dma_wait3A_651 = arith.constant 0 : i32
    %dma_wait3A_652 = tpu.memref_slice %arg2[%squeeze3A_650, %dma_wait3A_651] : memref<2048x20000xf32, #tpu.memory_space<hbm>> -> memref<1x20000xf32, #tpu.memory_space<hbm>>
    %dma_wait3A_653 = tpu.memref_squeeze %dma_wait3A_652 : memref<1x20000xf32, #tpu.memory_space<hbm>> -> memref<20000xf32, #tpu.memory_space<hbm>>
    %dma_wait3A_654 = arith.constant 0 : i32
    %dma_wait3A_655 = tpu.memref_slice %arg2[%squeeze3A_650, %dma_wait3A_654] : memref<2048x20000xf32, #tpu.memory_space<hbm>> -> memref<1x20000xf32, #tpu.memory_space<hbm>>
    %dma_wait3A_656 = tpu.memref_squeeze %dma_wait3A_655 : memref<1x20000xf32, #tpu.memory_space<hbm>> -> memref<20000xf32, #tpu.memory_space<hbm>>
    tpu.wait_dma2 semaphore(%arg20 : memref<!tpu.dma_semaphore, #tpu.memory_space<semaphore_mem>>) src(%dma_wait3A_656 : memref<20000xf32, #tpu.memory_space<hbm>>) dst(%arg13 : memref<20000xf32, #tpu.memory_space<vmem>>)
    %get3A_657 = arith.constant 10 : i32
    %get3A_658 = arith.index_cast %get3A_657 : i32 to index
    %get3A_659 = arith.constant 0 : index
    %get3A_660 = tpu.vector_load %arg8[%get3A_658, %get3A_659] {strides = array<i32>} : memref<16x32xi32, #tpu.memory_space<vmem>>, vector<16xi32>,
    %gather3A_661 = tpu.vector_load_idx %arg13[%get3A_660] : memref<20000xf32, #tpu.memory_space<vmem>>[vector<16xi32>], vector<16xf32>,
    %swap3A_662 = arith.constant 10 : i32
    %swap3A_663 = arith.index_cast %swap3A_662 : i32 to index
    %swap3A_664 = arith.constant 0 : index
    %swap3A_665 = tpu.vector_load %arg15[%swap3A_663, %swap3A_664] {strides = array<i32>} : memref<16x32xf32, #tpu.memory_space<vmem>>, vector<16xf32>,
    tpu.vector_store %arg15[%swap3A_663, %swap3A_664], %gather3A_661 {strides = array<i32>} : memref<16x32xf32, #tpu.memory_space<vmem>>, vector<16xf32>,
    %get3A_666 = arith.constant 10 : i32
    %get3A_667 = arith.index_cast %get3A_666 : i32 to index
    %get3A_668 = arith.constant 16 : index
    %get3A_669 = tpu.vector_load %arg8[%get3A_667, %get3A_668] {strides = array<i32>} : memref<16x32xi32, #tpu.memory_space<vmem>>, vector<16xi32>,
    %gather3A_670 = tpu.vector_load_idx %arg13[%get3A_669] : memref<20000xf32, #tpu.memory_space<vmem>>[vector<16xi32>], vector<16xf32>,
    %swap3A_671 = arith.constant 10 : i32
    %swap3A_672 = arith.index_cast %swap3A_671 : i32 to index
    %swap3A_673 = arith.constant 16 : index
    %swap3A_674 = tpu.vector_load %arg15[%swap3A_672, %swap3A_673] {strides = array<i32>} : memref<16x32xf32, #tpu.memory_space<vmem>>, vector<16xf32>,
    tpu.vector_store %arg15[%swap3A_672, %swap3A_673], %gather3A_670 {strides = array<i32>} : memref<16x32xf32, #tpu.memory_space<vmem>>, vector<16xf32>,
    %get3A_675 = arith.constant 10 : i32
    %get3A_676 = arith.index_cast %get3A_675 : i32 to index
    %get3A_677 = arith.constant 0 : index
    %get3A_678 = tpu.vector_load %arg8[%get3A_676, %get3A_677] {strides = array<i32>} : memref<16x32xi32, #tpu.memory_space<vmem>>, vector<16xi32>,
    %broadcast_in_dim3A_679 = arith.constant 0.000000e+00 : f32
    %broadcast_in_dim3A_680 = vector.broadcast %broadcast_in_dim3A_679 : f32 to vector<16xf32>
    tpu.vector_store_idx %arg13[%get3A_678], %broadcast_in_dim3A_680 : memref<20000xf32, #tpu.memory_space<vmem>>[vector<16xi32>], vector<16xf32>,
    %get3A_681 = arith.constant 10 : i32
    %get3A_682 = arith.index_cast %get3A_681 : i32 to index
    %get3A_683 = arith.constant 16 : index
    %get3A_684 = tpu.vector_load %arg8[%get3A_682, %get3A_683] {strides = array<i32>} : memref<16x32xi32, #tpu.memory_space<vmem>>, vector<16xi32>,
    %broadcast_in_dim3A_685 = arith.constant 0.000000e+00 : f32
    %broadcast_in_dim3A_686 = vector.broadcast %broadcast_in_dim3A_685 : f32 to vector<16xf32>
    tpu.vector_store_idx %arg13[%get3A_684], %broadcast_in_dim3A_686 : memref<20000xf32, #tpu.memory_space<vmem>>[vector<16xi32>], vector<16xf32>,
    %add3A_687 = arith.constant 10 : i32
    %add3A_688 = arith.addi %mul3A_2, %add3A_687 : i32
    %dma_start3A_689 = arith.constant 0 : i32
    %dma_start3A_690 = tpu.memref_slice %arg5[%add3A_688, %dma_start3A_689] : memref<512x20000xf32, #tpu.memory_space<hbm>> -> memref<1x20000xf32, #tpu.memory_space<hbm>>
    %dma_start3A_691 = tpu.memref_squeeze %dma_start3A_690 : memref<1x20000xf32, #tpu.memory_space<hbm>> -> memref<20000xf32, #tpu.memory_space<hbm>>
    %dma_start3A_692 = arith.constant 0 : i32
    %dma_start3A_693 = tpu.memref_slice %arg5[%add3A_688, %dma_start3A_692] : memref<512x20000xf32, #tpu.memory_space<hbm>> -> memref<1x20000xf32, #tpu.memory_space<hbm>>
    %dma_start3A_694 = tpu.memref_squeeze %dma_start3A_693 : memref<1x20000xf32, #tpu.memory_space<hbm>> -> memref<20000xf32, #tpu.memory_space<hbm>>
    tpu.enqueue_dma source(%arg13 : memref<20000xf32, #tpu.memory_space<vmem>>) target(%dma_start3A_694 : memref<20000xf32, #tpu.memory_space<hbm>>) target_semaphore(%arg26 : memref<!tpu.dma_semaphore, #tpu.memory_space<semaphore_mem>>)
    %add3A_695 = arith.constant 9 : i32
    %add3A_696 = arith.addi %mul3A_2, %add3A_695 : i32
    %dma_wait3A_697 = arith.constant 0 : i32
    %dma_wait3A_698 = tpu.memref_slice %arg5[%add3A_696, %dma_wait3A_697] : memref<512x20000xf32, #tpu.memory_space<hbm>> -> memref<1x20000xf32, #tpu.memory_space<hbm>>
    %dma_wait3A_699 = tpu.memref_squeeze %dma_wait3A_698 : memref<1x20000xf32, #tpu.memory_space<hbm>> -> memref<20000xf32, #tpu.memory_space<hbm>>
    %dma_wait3A_700 = arith.constant 0 : i32
    %dma_wait3A_701 = tpu.memref_slice %arg5[%add3A_696, %dma_wait3A_700] : memref<512x20000xf32, #tpu.memory_space<hbm>> -> memref<1x20000xf32, #tpu.memory_space<hbm>>
    %dma_wait3A_702 = tpu.memref_squeeze %dma_wait3A_701 : memref<1x20000xf32, #tpu.memory_space<hbm>> -> memref<20000xf32, #tpu.memory_space<hbm>>
    tpu.wait_dma2 semaphore(%arg25 : memref<!tpu.dma_semaphore, #tpu.memory_space<semaphore_mem>>) src(%arg12 : memref<20000xf32, #tpu.memory_space<vmem>>) dst(%dma_wait3A_702 : memref<20000xf32, #tpu.memory_space<hbm>>)
    %slice3A_703 = vector.extract_strided_slice %get3A_3 {offsets = [15], sizes = [1], strides = [1]} : vector<16xi32> to vector<1xi32>
    %squeeze3A_704 = vector.extract %slice3A_703[0] : i32 from vector<1xi32>
    %dma_start3A_705 = arith.constant 0 : i32
    %dma_start3A_706 = tpu.memref_slice %arg2[%squeeze3A_704, %dma_start3A_705] : memref<2048x20000xf32, #tpu.memory_space<hbm>> -> memref<1x20000xf32, #tpu.memory_space<hbm>>
    %dma_start3A_707 = tpu.memref_squeeze %dma_start3A_706 : memref<1x20000xf32, #tpu.memory_space<hbm>> -> memref<20000xf32, #tpu.memory_space<hbm>>
    %dma_start3A_708 = arith.constant 0 : i32
    %dma_start3A_709 = tpu.memref_slice %arg2[%squeeze3A_704, %dma_start3A_708] : memref<2048x20000xf32, #tpu.memory_space<hbm>> -> memref<1x20000xf32, #tpu.memory_space<hbm>>
    %dma_start3A_710 = tpu.memref_squeeze %dma_start3A_709 : memref<1x20000xf32, #tpu.memory_space<hbm>> -> memref<20000xf32, #tpu.memory_space<hbm>>
    tpu.enqueue_dma source(%dma_start3A_710 : memref<20000xf32, #tpu.memory_space<hbm>>) target(%arg12 : memref<20000xf32, #tpu.memory_space<vmem>>) target_semaphore(%arg19 : memref<!tpu.dma_semaphore, #tpu.memory_space<semaphore_mem>>)
    %slice3A_711 = vector.extract_strided_slice %get3A_3 {offsets = [11], sizes = [1], strides = [1]} : vector<16xi32> to vector<1xi32>
    %squeeze3A_712 = vector.extract %slice3A_711[0] : i32 from vector<1xi32>
    %dma_wait3A_713 = arith.constant 0 : i32
    %dma_wait3A_714 = tpu.memref_slice %arg2[%squeeze3A_712, %dma_wait3A_713] : memref<2048x20000xf32, #tpu.memory_space<hbm>> -> memref<1x20000xf32, #tpu.memory_space<hbm>>
    %dma_wait3A_715 = tpu.memref_squeeze %dma_wait3A_714 : memref<1x20000xf32, #tpu.memory_space<hbm>> -> memref<20000xf32, #tpu.memory_space<hbm>>
    %dma_wait3A_716 = arith.constant 0 : i32
    %dma_wait3A_717 = tpu.memref_slice %arg2[%squeeze3A_712, %dma_wait3A_716] : memref<2048x20000xf32, #tpu.memory_space<hbm>> -> memref<1x20000xf32, #tpu.memory_space<hbm>>
    %dma_wait3A_718 = tpu.memref_squeeze %dma_wait3A_717 : memref<1x20000xf32, #tpu.memory_space<hbm>> -> memref<20000xf32, #tpu.memory_space<hbm>>
    tpu.wait_dma2 semaphore(%arg21 : memref<!tpu.dma_semaphore, #tpu.memory_space<semaphore_mem>>) src(%dma_wait3A_718 : memref<20000xf32, #tpu.memory_space<hbm>>) dst(%arg14 : memref<20000xf32, #tpu.memory_space<vmem>>)
    %get3A_719 = arith.constant 11 : i32
    %get3A_720 = arith.index_cast %get3A_719 : i32 to index
    %get3A_721 = arith.constant 0 : index
    %get3A_722 = tpu.vector_load %arg8[%get3A_720, %get3A_721] {strides = array<i32>} : memref<16x32xi32, #tpu.memory_space<vmem>>, vector<16xi32>,
    %gather3A_723 = tpu.vector_load_idx %arg14[%get3A_722] : memref<20000xf32, #tpu.memory_space<vmem>>[vector<16xi32>], vector<16xf32>,
    %swap3A_724 = arith.constant 11 : i32
    %swap3A_725 = arith.index_cast %swap3A_724 : i32 to index
    %swap3A_726 = arith.constant 0 : index
    %swap3A_727 = tpu.vector_load %arg15[%swap3A_725, %swap3A_726] {strides = array<i32>} : memref<16x32xf32, #tpu.memory_space<vmem>>, vector<16xf32>,
    tpu.vector_store %arg15[%swap3A_725, %swap3A_726], %gather3A_723 {strides = array<i32>} : memref<16x32xf32, #tpu.memory_space<vmem>>, vector<16xf32>,
    %get3A_728 = arith.constant 11 : i32
    %get3A_729 = arith.index_cast %get3A_728 : i32 to index
    %get3A_730 = arith.constant 16 : index
    %get3A_731 = tpu.vector_load %arg8[%get3A_729, %get3A_730] {strides = array<i32>} : memref<16x32xi32, #tpu.memory_space<vmem>>, vector<16xi32>,
    %gather3A_732 = tpu.vector_load_idx %arg14[%get3A_731] : memref<20000xf32, #tpu.memory_space<vmem>>[vector<16xi32>], vector<16xf32>,
    %swap3A_733 = arith.constant 11 : i32
    %swap3A_734 = arith.index_cast %swap3A_733 : i32 to index
    %swap3A_735 = arith.constant 16 : index
    %swap3A_736 = tpu.vector_load %arg15[%swap3A_734, %swap3A_735] {strides = array<i32>} : memref<16x32xf32, #tpu.memory_space<vmem>>, vector<16xf32>,
    tpu.vector_store %arg15[%swap3A_734, %swap3A_735], %gather3A_732 {strides = array<i32>} : memref<16x32xf32, #tpu.memory_space<vmem>>, vector<16xf32>,
    %get3A_737 = arith.constant 11 : i32
    %get3A_738 = arith.index_cast %get3A_737 : i32 to index
    %get3A_739 = arith.constant 0 : index
    %get3A_740 = tpu.vector_load %arg8[%get3A_738, %get3A_739] {strides = array<i32>} : memref<16x32xi32, #tpu.memory_space<vmem>>, vector<16xi32>,
    %broadcast_in_dim3A_741 = arith.constant 0.000000e+00 : f32
    %broadcast_in_dim3A_742 = vector.broadcast %broadcast_in_dim3A_741 : f32 to vector<16xf32>
    tpu.vector_store_idx %arg14[%get3A_740], %broadcast_in_dim3A_742 : memref<20000xf32, #tpu.memory_space<vmem>>[vector<16xi32>], vector<16xf32>,
    %get3A_743 = arith.constant 11 : i32
    %get3A_744 = arith.index_cast %get3A_743 : i32 to index
    %get3A_745 = arith.constant 16 : index
    %get3A_746 = tpu.vector_load %arg8[%get3A_744, %get3A_745] {strides = array<i32>} : memref<16x32xi32, #tpu.memory_space<vmem>>, vector<16xi32>,
    %broadcast_in_dim3A_747 = arith.constant 0.000000e+00 : f32
    %broadcast_in_dim3A_748 = vector.broadcast %broadcast_in_dim3A_747 : f32 to vector<16xf32>
    tpu.vector_store_idx %arg14[%get3A_746], %broadcast_in_dim3A_748 : memref<20000xf32, #tpu.memory_space<vmem>>[vector<16xi32>], vector<16xf32>,
    %add3A_749 = arith.constant 11 : i32
    %add3A_750 = arith.addi %mul3A_2, %add3A_749 : i32
    %dma_start3A_751 = arith.constant 0 : i32
    %dma_start3A_752 = tpu.memref_slice %arg5[%add3A_750, %dma_start3A_751] : memref<512x20000xf32, #tpu.memory_space<hbm>> -> memref<1x20000xf32, #tpu.memory_space<hbm>>
    %dma_start3A_753 = tpu.memref_squeeze %dma_start3A_752 : memref<1x20000xf32, #tpu.memory_space<hbm>> -> memref<20000xf32, #tpu.memory_space<hbm>>
    %dma_start3A_754 = arith.constant 0 : i32
    %dma_start3A_755 = tpu.memref_slice %arg5[%add3A_750, %dma_start3A_754] : memref<512x20000xf32, #tpu.memory_space<hbm>> -> memref<1x20000xf32, #tpu.memory_space<hbm>>
    %dma_start3A_756 = tpu.memref_squeeze %dma_start3A_755 : memref<1x20000xf32, #tpu.memory_space<hbm>> -> memref<20000xf32, #tpu.memory_space<hbm>>
    tpu.enqueue_dma source(%arg14 : memref<20000xf32, #tpu.memory_space<vmem>>) target(%dma_start3A_756 : memref<20000xf32, #tpu.memory_space<hbm>>) target_semaphore(%arg27 : memref<!tpu.dma_semaphore, #tpu.memory_space<semaphore_mem>>)
    %slice3A_757 = vector.extract_strided_slice %get3A_3 {offsets = [12], sizes = [1], strides = [1]} : vector<16xi32> to vector<1xi32>
    %squeeze3A_758 = vector.extract %slice3A_757[0] : i32 from vector<1xi32>
    %dma_wait3A_759 = arith.constant 0 : i32
    %dma_wait3A_760 = tpu.memref_slice %arg2[%squeeze3A_758, %dma_wait3A_759] : memref<2048x20000xf32, #tpu.memory_space<hbm>> -> memref<1x20000xf32, #tpu.memory_space<hbm>>
    %dma_wait3A_761 = tpu.memref_squeeze %dma_wait3A_760 : memref<1x20000xf32, #tpu.memory_space<hbm>> -> memref<20000xf32, #tpu.memory_space<hbm>>
    %dma_wait3A_762 = arith.constant 0 : i32
    %dma_wait3A_763 = tpu.memref_slice %arg2[%squeeze3A_758, %dma_wait3A_762] : memref<2048x20000xf32, #tpu.memory_space<hbm>> -> memref<1x20000xf32, #tpu.memory_space<hbm>>
    %dma_wait3A_764 = tpu.memref_squeeze %dma_wait3A_763 : memref<1x20000xf32, #tpu.memory_space<hbm>> -> memref<20000xf32, #tpu.memory_space<hbm>>
    tpu.wait_dma2 semaphore(%arg16 : memref<!tpu.dma_semaphore, #tpu.memory_space<semaphore_mem>>) src(%dma_wait3A_764 : memref<20000xf32, #tpu.memory_space<hbm>>) dst(%arg9 : memref<20000xf32, #tpu.memory_space<vmem>>)
    %get3A_765 = arith.constant 12 : i32
    %get3A_766 = arith.index_cast %get3A_765 : i32 to index
    %get3A_767 = arith.constant 0 : index
    %get3A_768 = tpu.vector_load %arg8[%get3A_766, %get3A_767] {strides = array<i32>} : memref<16x32xi32, #tpu.memory_space<vmem>>, vector<16xi32>,
    %gather3A_769 = tpu.vector_load_idx %arg9[%get3A_768] : memref<20000xf32, #tpu.memory_space<vmem>>[vector<16xi32>], vector<16xf32>,
    %swap3A_770 = arith.constant 12 : i32
    %swap3A_771 = arith.index_cast %swap3A_770 : i32 to index
    %swap3A_772 = arith.constant 0 : index
    %swap3A_773 = tpu.vector_load %arg15[%swap3A_771, %swap3A_772] {strides = array<i32>} : memref<16x32xf32, #tpu.memory_space<vmem>>, vector<16xf32>,
    tpu.vector_store %arg15[%swap3A_771, %swap3A_772], %gather3A_769 {strides = array<i32>} : memref<16x32xf32, #tpu.memory_space<vmem>>, vector<16xf32>,
    %get3A_774 = arith.constant 12 : i32
    %get3A_775 = arith.index_cast %get3A_774 : i32 to index
    %get3A_776 = arith.constant 16 : index
    %get3A_777 = tpu.vector_load %arg8[%get3A_775, %get3A_776] {strides = array<i32>} : memref<16x32xi32, #tpu.memory_space<vmem>>, vector<16xi32>,
    %gather3A_778 = tpu.vector_load_idx %arg9[%get3A_777] : memref<20000xf32, #tpu.memory_space<vmem>>[vector<16xi32>], vector<16xf32>,
    %swap3A_779 = arith.constant 12 : i32
    %swap3A_780 = arith.index_cast %swap3A_779 : i32 to index
    %swap3A_781 = arith.constant 16 : index
    %swap3A_782 = tpu.vector_load %arg15[%swap3A_780, %swap3A_781] {strides = array<i32>} : memref<16x32xf32, #tpu.memory_space<vmem>>, vector<16xf32>,
    tpu.vector_store %arg15[%swap3A_780, %swap3A_781], %gather3A_778 {strides = array<i32>} : memref<16x32xf32, #tpu.memory_space<vmem>>, vector<16xf32>,
    %get3A_783 = arith.constant 12 : i32
    %get3A_784 = arith.index_cast %get3A_783 : i32 to index
    %get3A_785 = arith.constant 0 : index
    %get3A_786 = tpu.vector_load %arg8[%get3A_784, %get3A_785] {strides = array<i32>} : memref<16x32xi32, #tpu.memory_space<vmem>>, vector<16xi32>,
    %broadcast_in_dim3A_787 = arith.constant 0.000000e+00 : f32
    %broadcast_in_dim3A_788 = vector.broadcast %broadcast_in_dim3A_787 : f32 to vector<16xf32>
    tpu.vector_store_idx %arg9[%get3A_786], %broadcast_in_dim3A_788 : memref<20000xf32, #tpu.memory_space<vmem>>[vector<16xi32>], vector<16xf32>,
    %get3A_789 = arith.constant 12 : i32
    %get3A_790 = arith.index_cast %get3A_789 : i32 to index
    %get3A_791 = arith.constant 16 : index
    %get3A_792 = tpu.vector_load %arg8[%get3A_790, %get3A_791] {strides = array<i32>} : memref<16x32xi32, #tpu.memory_space<vmem>>, vector<16xi32>,
    %broadcast_in_dim3A_793 = arith.constant 0.000000e+00 : f32
    %broadcast_in_dim3A_794 = vector.broadcast %broadcast_in_dim3A_793 : f32 to vector<16xf32>
    tpu.vector_store_idx %arg9[%get3A_792], %broadcast_in_dim3A_794 : memref<20000xf32, #tpu.memory_space<vmem>>[vector<16xi32>], vector<16xf32>,
    %add3A_795 = arith.constant 12 : i32
    %add3A_796 = arith.addi %mul3A_2, %add3A_795 : i32
    %dma_start3A_797 = arith.constant 0 : i32
    %dma_start3A_798 = tpu.memref_slice %arg5[%add3A_796, %dma_start3A_797] : memref<512x20000xf32, #tpu.memory_space<hbm>> -> memref<1x20000xf32, #tpu.memory_space<hbm>>
    %dma_start3A_799 = tpu.memref_squeeze %dma_start3A_798 : memref<1x20000xf32, #tpu.memory_space<hbm>> -> memref<20000xf32, #tpu.memory_space<hbm>>
    %dma_start3A_800 = arith.constant 0 : i32
    %dma_start3A_801 = tpu.memref_slice %arg5[%add3A_796, %dma_start3A_800] : memref<512x20000xf32, #tpu.memory_space<hbm>> -> memref<1x20000xf32, #tpu.memory_space<hbm>>
    %dma_start3A_802 = tpu.memref_squeeze %dma_start3A_801 : memref<1x20000xf32, #tpu.memory_space<hbm>> -> memref<20000xf32, #tpu.memory_space<hbm>>
    tpu.enqueue_dma source(%arg9 : memref<20000xf32, #tpu.memory_space<vmem>>) target(%dma_start3A_802 : memref<20000xf32, #tpu.memory_space<hbm>>) target_semaphore(%arg22 : memref<!tpu.dma_semaphore, #tpu.memory_space<semaphore_mem>>)
    %slice3A_803 = vector.extract_strided_slice %get3A_3 {offsets = [13], sizes = [1], strides = [1]} : vector<16xi32> to vector<1xi32>
    %squeeze3A_804 = vector.extract %slice3A_803[0] : i32 from vector<1xi32>
    %dma_wait3A_805 = arith.constant 0 : i32
    %dma_wait3A_806 = tpu.memref_slice %arg2[%squeeze3A_804, %dma_wait3A_805] : memref<2048x20000xf32, #tpu.memory_space<hbm>> -> memref<1x20000xf32, #tpu.memory_space<hbm>>
    %dma_wait3A_807 = tpu.memref_squeeze %dma_wait3A_806 : memref<1x20000xf32, #tpu.memory_space<hbm>> -> memref<20000xf32, #tpu.memory_space<hbm>>
    %dma_wait3A_808 = arith.constant 0 : i32
    %dma_wait3A_809 = tpu.memref_slice %arg2[%squeeze3A_804, %dma_wait3A_808] : memref<2048x20000xf32, #tpu.memory_space<hbm>> -> memref<1x20000xf32, #tpu.memory_space<hbm>>
    %dma_wait3A_810 = tpu.memref_squeeze %dma_wait3A_809 : memref<1x20000xf32, #tpu.memory_space<hbm>> -> memref<20000xf32, #tpu.memory_space<hbm>>
    tpu.wait_dma2 semaphore(%arg17 : memref<!tpu.dma_semaphore, #tpu.memory_space<semaphore_mem>>) src(%dma_wait3A_810 : memref<20000xf32, #tpu.memory_space<hbm>>) dst(%arg10 : memref<20000xf32, #tpu.memory_space<vmem>>)
    %get3A_811 = arith.constant 13 : i32
    %get3A_812 = arith.index_cast %get3A_811 : i32 to index
    %get3A_813 = arith.constant 0 : index
    %get3A_814 = tpu.vector_load %arg8[%get3A_812, %get3A_813] {strides = array<i32>} : memref<16x32xi32, #tpu.memory_space<vmem>>, vector<16xi32>,
    %gather3A_815 = tpu.vector_load_idx %arg10[%get3A_814] : memref<20000xf32, #tpu.memory_space<vmem>>[vector<16xi32>], vector<16xf32>,
    %swap3A_816 = arith.constant 13 : i32
    %swap3A_817 = arith.index_cast %swap3A_816 : i32 to index
    %swap3A_818 = arith.constant 0 : index
    %swap3A_819 = tpu.vector_load %arg15[%swap3A_817, %swap3A_818] {strides = array<i32>} : memref<16x32xf32, #tpu.memory_space<vmem>>, vector<16xf32>,
    tpu.vector_store %arg15[%swap3A_817, %swap3A_818], %gather3A_815 {strides = array<i32>} : memref<16x32xf32, #tpu.memory_space<vmem>>, vector<16xf32>,
    %get3A_820 = arith.constant 13 : i32
    %get3A_821 = arith.index_cast %get3A_820 : i32 to index
    %get3A_822 = arith.constant 16 : index
    %get3A_823 = tpu.vector_load %arg8[%get3A_821, %get3A_822] {strides = array<i32>} : memref<16x32xi32, #tpu.memory_space<vmem>>, vector<16xi32>,
    %gather3A_824 = tpu.vector_load_idx %arg10[%get3A_823] : memref<20000xf32, #tpu.memory_space<vmem>>[vector<16xi32>], vector<16xf32>,
    %swap3A_825 = arith.constant 13 : i32
    %swap3A_826 = arith.index_cast %swap3A_825 : i32 to index
    %swap3A_827 = arith.constant 16 : index
    %swap3A_828 = tpu.vector_load %arg15[%swap3A_826, %swap3A_827] {strides = array<i32>} : memref<16x32xf32, #tpu.memory_space<vmem>>, vector<16xf32>,
    tpu.vector_store %arg15[%swap3A_826, %swap3A_827], %gather3A_824 {strides = array<i32>} : memref<16x32xf32, #tpu.memory_space<vmem>>, vector<16xf32>,
    %get3A_829 = arith.constant 13 : i32
    %get3A_830 = arith.index_cast %get3A_829 : i32 to index
    %get3A_831 = arith.constant 0 : index
    %get3A_832 = tpu.vector_load %arg8[%get3A_830, %get3A_831] {strides = array<i32>} : memref<16x32xi32, #tpu.memory_space<vmem>>, vector<16xi32>,
    %broadcast_in_dim3A_833 = arith.constant 0.000000e+00 : f32
    %broadcast_in_dim3A_834 = vector.broadcast %broadcast_in_dim3A_833 : f32 to vector<16xf32>
    tpu.vector_store_idx %arg10[%get3A_832], %broadcast_in_dim3A_834 : memref<20000xf32, #tpu.memory_space<vmem>>[vector<16xi32>], vector<16xf32>,
    %get3A_835 = arith.constant 13 : i32
    %get3A_836 = arith.index_cast %get3A_835 : i32 to index
    %get3A_837 = arith.constant 16 : index
    %get3A_838 = tpu.vector_load %arg8[%get3A_836, %get3A_837] {strides = array<i32>} : memref<16x32xi32, #tpu.memory_space<vmem>>, vector<16xi32>,
    %broadcast_in_dim3A_839 = arith.constant 0.000000e+00 : f32
    %broadcast_in_dim3A_840 = vector.broadcast %broadcast_in_dim3A_839 : f32 to vector<16xf32>
    tpu.vector_store_idx %arg10[%get3A_838], %broadcast_in_dim3A_840 : memref<20000xf32, #tpu.memory_space<vmem>>[vector<16xi32>], vector<16xf32>,
    %add3A_841 = arith.constant 13 : i32
    %add3A_842 = arith.addi %mul3A_2, %add3A_841 : i32
    %dma_start3A_843 = arith.constant 0 : i32
    %dma_start3A_844 = tpu.memref_slice %arg5[%add3A_842, %dma_start3A_843] : memref<512x20000xf32, #tpu.memory_space<hbm>> -> memref<1x20000xf32, #tpu.memory_space<hbm>>
    %dma_start3A_845 = tpu.memref_squeeze %dma_start3A_844 : memref<1x20000xf32, #tpu.memory_space<hbm>> -> memref<20000xf32, #tpu.memory_space<hbm>>
    %dma_start3A_846 = arith.constant 0 : i32
    %dma_start3A_847 = tpu.memref_slice %arg5[%add3A_842, %dma_start3A_846] : memref<512x20000xf32, #tpu.memory_space<hbm>> -> memref<1x20000xf32, #tpu.memory_space<hbm>>
    %dma_start3A_848 = tpu.memref_squeeze %dma_start3A_847 : memref<1x20000xf32, #tpu.memory_space<hbm>> -> memref<20000xf32, #tpu.memory_space<hbm>>
    tpu.enqueue_dma source(%arg10 : memref<20000xf32, #tpu.memory_space<vmem>>) target(%dma_start3A_848 : memref<20000xf32, #tpu.memory_space<hbm>>) target_semaphore(%arg23 : memref<!tpu.dma_semaphore, #tpu.memory_space<semaphore_mem>>)
    %slice3A_849 = vector.extract_strided_slice %get3A_3 {offsets = [14], sizes = [1], strides = [1]} : vector<16xi32> to vector<1xi32>
    %squeeze3A_850 = vector.extract %slice3A_849[0] : i32 from vector<1xi32>
    %dma_wait3A_851 = arith.constant 0 : i32
    %dma_wait3A_852 = tpu.memref_slice %arg2[%squeeze3A_850, %dma_wait3A_851] : memref<2048x20000xf32, #tpu.memory_space<hbm>> -> memref<1x20000xf32, #tpu.memory_space<hbm>>
    %dma_wait3A_853 = tpu.memref_squeeze %dma_wait3A_852 : memref<1x20000xf32, #tpu.memory_space<hbm>> -> memref<20000xf32, #tpu.memory_space<hbm>>
    %dma_wait3A_854 = arith.constant 0 : i32
    %dma_wait3A_855 = tpu.memref_slice %arg2[%squeeze3A_850, %dma_wait3A_854] : memref<2048x20000xf32, #tpu.memory_space<hbm>> -> memref<1x20000xf32, #tpu.memory_space<hbm>>
    %dma_wait3A_856 = tpu.memref_squeeze %dma_wait3A_855 : memref<1x20000xf32, #tpu.memory_space<hbm>> -> memref<20000xf32, #tpu.memory_space<hbm>>
    tpu.wait_dma2 semaphore(%arg18 : memref<!tpu.dma_semaphore, #tpu.memory_space<semaphore_mem>>) src(%dma_wait3A_856 : memref<20000xf32, #tpu.memory_space<hbm>>) dst(%arg11 : memref<20000xf32, #tpu.memory_space<vmem>>)
    %get3A_857 = arith.constant 14 : i32
    %get3A_858 = arith.index_cast %get3A_857 : i32 to index
    %get3A_859 = arith.constant 0 : index
    %get3A_860 = tpu.vector_load %arg8[%get3A_858, %get3A_859] {strides = array<i32>} : memref<16x32xi32, #tpu.memory_space<vmem>>, vector<16xi32>,
    %gather3A_861 = tpu.vector_load_idx %arg11[%get3A_860] : memref<20000xf32, #tpu.memory_space<vmem>>[vector<16xi32>], vector<16xf32>,
    %swap3A_862 = arith.constant 14 : i32
    %swap3A_863 = arith.index_cast %swap3A_862 : i32 to index
    %swap3A_864 = arith.constant 0 : index
    %swap3A_865 = tpu.vector_load %arg15[%swap3A_863, %swap3A_864] {strides = array<i32>} : memref<16x32xf32, #tpu.memory_space<vmem>>, vector<16xf32>,
    tpu.vector_store %arg15[%swap3A_863, %swap3A_864], %gather3A_861 {strides = array<i32>} : memref<16x32xf32, #tpu.memory_space<vmem>>, vector<16xf32>,
    %get3A_866 = arith.constant 14 : i32
    %get3A_867 = arith.index_cast %get3A_866 : i32 to index
    %get3A_868 = arith.constant 16 : index
    %get3A_869 = tpu.vector_load %arg8[%get3A_867, %get3A_868] {strides = array<i32>} : memref<16x32xi32, #tpu.memory_space<vmem>>, vector<16xi32>,
    %gather3A_870 = tpu.vector_load_idx %arg11[%get3A_869] : memref<20000xf32, #tpu.memory_space<vmem>>[vector<16xi32>], vector<16xf32>,
    %swap3A_871 = arith.constant 14 : i32
    %swap3A_872 = arith.index_cast %swap3A_871 : i32 to index
    %swap3A_873 = arith.constant 16 : index
    %swap3A_874 = tpu.vector_load %arg15[%swap3A_872, %swap3A_873] {strides = array<i32>} : memref<16x32xf32, #tpu.memory_space<vmem>>, vector<16xf32>,
    tpu.vector_store %arg15[%swap3A_872, %swap3A_873], %gather3A_870 {strides = array<i32>} : memref<16x32xf32, #tpu.memory_space<vmem>>, vector<16xf32>,
    %get3A_875 = arith.constant 14 : i32
    %get3A_876 = arith.index_cast %get3A_875 : i32 to index
    %get3A_877 = arith.constant 0 : index
    %get3A_878 = tpu.vector_load %arg8[%get3A_876, %get3A_877] {strides = array<i32>} : memref<16x32xi32, #tpu.memory_space<vmem>>, vector<16xi32>,
    %broadcast_in_dim3A_879 = arith.constant 0.000000e+00 : f32
    %broadcast_in_dim3A_880 = vector.broadcast %broadcast_in_dim3A_879 : f32 to vector<16xf32>
    tpu.vector_store_idx %arg11[%get3A_878], %broadcast_in_dim3A_880 : memref<20000xf32, #tpu.memory_space<vmem>>[vector<16xi32>], vector<16xf32>,
    %get3A_881 = arith.constant 14 : i32
    %get3A_882 = arith.index_cast %get3A_881 : i32 to index
    %get3A_883 = arith.constant 16 : index
    %get3A_884 = tpu.vector_load %arg8[%get3A_882, %get3A_883] {strides = array<i32>} : memref<16x32xi32, #tpu.memory_space<vmem>>, vector<16xi32>,
    %broadcast_in_dim3A_885 = arith.constant 0.000000e+00 : f32
    %broadcast_in_dim3A_886 = vector.broadcast %broadcast_in_dim3A_885 : f32 to vector<16xf32>
    tpu.vector_store_idx %arg11[%get3A_884], %broadcast_in_dim3A_886 : memref<20000xf32, #tpu.memory_space<vmem>>[vector<16xi32>], vector<16xf32>,
    %add3A_887 = arith.constant 14 : i32
    %add3A_888 = arith.addi %mul3A_2, %add3A_887 : i32
    %dma_start3A_889 = arith.constant 0 : i32
    %dma_start3A_890 = tpu.memref_slice %arg5[%add3A_888, %dma_start3A_889] : memref<512x20000xf32, #tpu.memory_space<hbm>> -> memref<1x20000xf32, #tpu.memory_space<hbm>>
    %dma_start3A_891 = tpu.memref_squeeze %dma_start3A_890 : memref<1x20000xf32, #tpu.memory_space<hbm>> -> memref<20000xf32, #tpu.memory_space<hbm>>
    %dma_start3A_892 = arith.constant 0 : i32
    %dma_start3A_893 = tpu.memref_slice %arg5[%add3A_888, %dma_start3A_892] : memref<512x20000xf32, #tpu.memory_space<hbm>> -> memref<1x20000xf32, #tpu.memory_space<hbm>>
    %dma_start3A_894 = tpu.memref_squeeze %dma_start3A_893 : memref<1x20000xf32, #tpu.memory_space<hbm>> -> memref<20000xf32, #tpu.memory_space<hbm>>
    tpu.enqueue_dma source(%arg11 : memref<20000xf32, #tpu.memory_space<vmem>>) target(%dma_start3A_894 : memref<20000xf32, #tpu.memory_space<hbm>>) target_semaphore(%arg24 : memref<!tpu.dma_semaphore, #tpu.memory_space<semaphore_mem>>)
    %slice3A_895 = vector.extract_strided_slice %get3A_3 {offsets = [15], sizes = [1], strides = [1]} : vector<16xi32> to vector<1xi32>
    %squeeze3A_896 = vector.extract %slice3A_895[0] : i32 from vector<1xi32>
    %dma_wait3A_897 = arith.constant 0 : i32
    %dma_wait3A_898 = tpu.memref_slice %arg2[%squeeze3A_896, %dma_wait3A_897] : memref<2048x20000xf32, #tpu.memory_space<hbm>> -> memref<1x20000xf32, #tpu.memory_space<hbm>>
    %dma_wait3A_899 = tpu.memref_squeeze %dma_wait3A_898 : memref<1x20000xf32, #tpu.memory_space<hbm>> -> memref<20000xf32, #tpu.memory_space<hbm>>
    %dma_wait3A_900 = arith.constant 0 : i32
    %dma_wait3A_901 = tpu.memref_slice %arg2[%squeeze3A_896, %dma_wait3A_900] : memref<2048x20000xf32, #tpu.memory_space<hbm>> -> memref<1x20000xf32, #tpu.memory_space<hbm>>
    %dma_wait3A_902 = tpu.memref_squeeze %dma_wait3A_901 : memref<1x20000xf32, #tpu.memory_space<hbm>> -> memref<20000xf32, #tpu.memory_space<hbm>>
    tpu.wait_dma2 semaphore(%arg19 : memref<!tpu.dma_semaphore, #tpu.memory_space<semaphore_mem>>) src(%dma_wait3A_902 : memref<20000xf32, #tpu.memory_space<hbm>>) dst(%arg12 : memref<20000xf32, #tpu.memory_space<vmem>>)
    %get3A_903 = arith.constant 15 : i32
    %get3A_904 = arith.index_cast %get3A_903 : i32 to index
    %get3A_905 = arith.constant 0 : index
    %get3A_906 = tpu.vector_load %arg8[%get3A_904, %get3A_905] {strides = array<i32>} : memref<16x32xi32, #tpu.memory_space<vmem>>, vector<16xi32>,
    %gather3A_907 = tpu.vector_load_idx %arg12[%get3A_906] : memref<20000xf32, #tpu.memory_space<vmem>>[vector<16xi32>], vector<16xf32>,
    %swap3A_908 = arith.constant 15 : i32
    %swap3A_909 = arith.index_cast %swap3A_908 : i32 to index
    %swap3A_910 = arith.constant 0 : index
    %swap3A_911 = tpu.vector_load %arg15[%swap3A_909, %swap3A_910] {strides = array<i32>} : memref<16x32xf32, #tpu.memory_space<vmem>>, vector<16xf32>,
    tpu.vector_store %arg15[%swap3A_909, %swap3A_910], %gather3A_907 {strides = array<i32>} : memref<16x32xf32, #tpu.memory_space<vmem>>, vector<16xf32>,
    %get3A_912 = arith.constant 15 : i32
    %get3A_913 = arith.index_cast %get3A_912 : i32 to index
    %get3A_914 = arith.constant 16 : index
    %get3A_915 = tpu.vector_load %arg8[%get3A_913, %get3A_914] {strides = array<i32>} : memref<16x32xi32, #tpu.memory_space<vmem>>, vector<16xi32>,
    %gather3A_916 = tpu.vector_load_idx %arg12[%get3A_915] : memref<20000xf32, #tpu.memory_space<vmem>>[vector<16xi32>], vector<16xf32>,
    %swap3A_917 = arith.constant 15 : i32
    %swap3A_918 = arith.index_cast %swap3A_917 : i32 to index
    %swap3A_919 = arith.constant 16 : index
    %swap3A_920 = tpu.vector_load %arg15[%swap3A_918, %swap3A_919] {strides = array<i32>} : memref<16x32xf32, #tpu.memory_space<vmem>>, vector<16xf32>,
    tpu.vector_store %arg15[%swap3A_918, %swap3A_919], %gather3A_916 {strides = array<i32>} : memref<16x32xf32, #tpu.memory_space<vmem>>, vector<16xf32>,
    %get3A_921 = arith.constant 15 : i32
    %get3A_922 = arith.index_cast %get3A_921 : i32 to index
    %get3A_923 = arith.constant 0 : index
    %get3A_924 = tpu.vector_load %arg8[%get3A_922, %get3A_923] {strides = array<i32>} : memref<16x32xi32, #tpu.memory_space<vmem>>, vector<16xi32>,
    %broadcast_in_dim3A_925 = arith.constant 0.000000e+00 : f32
    %broadcast_in_dim3A_926 = vector.broadcast %broadcast_in_dim3A_925 : f32 to vector<16xf32>
    tpu.vector_store_idx %arg12[%get3A_924], %broadcast_in_dim3A_926 : memref<20000xf32, #tpu.memory_space<vmem>>[vector<16xi32>], vector<16xf32>,
    %get3A_927 = arith.constant 15 : i32
    %get3A_928 = arith.index_cast %get3A_927 : i32 to index
    %get3A_929 = arith.constant 16 : index
    %get3A_930 = tpu.vector_load %arg8[%get3A_928, %get3A_929] {strides = array<i32>} : memref<16x32xi32, #tpu.memory_space<vmem>>, vector<16xi32>,
    %broadcast_in_dim3A_931 = arith.constant 0.000000e+00 : f32
    %broadcast_in_dim3A_932 = vector.broadcast %broadcast_in_dim3A_931 : f32 to vector<16xf32>
    tpu.vector_store_idx %arg12[%get3A_930], %broadcast_in_dim3A_932 : memref<20000xf32, #tpu.memory_space<vmem>>[vector<16xi32>], vector<16xf32>,
    %add3A_933 = arith.constant 15 : i32
    %add3A_934 = arith.addi %mul3A_2, %add3A_933 : i32
    %dma_start3A_935 = arith.constant 0 : i32
    %dma_start3A_936 = tpu.memref_slice %arg5[%add3A_934, %dma_start3A_935] : memref<512x20000xf32, #tpu.memory_space<hbm>> -> memref<1x20000xf32, #tpu.memory_space<hbm>>
    %dma_start3A_937 = tpu.memref_squeeze %dma_start3A_936 : memref<1x20000xf32, #tpu.memory_space<hbm>> -> memref<20000xf32, #tpu.memory_space<hbm>>
    %dma_start3A_938 = arith.constant 0 : i32
    %dma_start3A_939 = tpu.memref_slice %arg5[%add3A_934, %dma_start3A_938] : memref<512x20000xf32, #tpu.memory_space<hbm>> -> memref<1x20000xf32, #tpu.memory_space<hbm>>
    %dma_start3A_940 = tpu.memref_squeeze %dma_start3A_939 : memref<1x20000xf32, #tpu.memory_space<hbm>> -> memref<20000xf32, #tpu.memory_space<hbm>>
    tpu.enqueue_dma source(%arg12 : memref<20000xf32, #tpu.memory_space<vmem>>) target(%dma_start3A_940 : memref<20000xf32, #tpu.memory_space<hbm>>) target_semaphore(%arg25 : memref<!tpu.dma_semaphore, #tpu.memory_space<semaphore_mem>>)
    %add3A_941 = arith.constant 10 : i32
    %add3A_942 = arith.addi %mul3A_2, %add3A_941 : i32
    %dma_wait3A_943 = arith.constant 0 : i32
    %dma_wait3A_944 = tpu.memref_slice %arg5[%add3A_942, %dma_wait3A_943] : memref<512x20000xf32, #tpu.memory_space<hbm>> -> memref<1x20000xf32, #tpu.memory_space<hbm>>
    %dma_wait3A_945 = tpu.memref_squeeze %dma_wait3A_944 : memref<1x20000xf32, #tpu.memory_space<hbm>> -> memref<20000xf32, #tpu.memory_space<hbm>>
    %dma_wait3A_946 = arith.constant 0 : i32
    %dma_wait3A_947 = tpu.memref_slice %arg5[%add3A_942, %dma_wait3A_946] : memref<512x20000xf32, #tpu.memory_space<hbm>> -> memref<1x20000xf32, #tpu.memory_space<hbm>>
    %dma_wait3A_948 = tpu.memref_squeeze %dma_wait3A_947 : memref<1x20000xf32, #tpu.memory_space<hbm>> -> memref<20000xf32, #tpu.memory_space<hbm>>
    tpu.wait_dma2 semaphore(%arg26 : memref<!tpu.dma_semaphore, #tpu.memory_space<semaphore_mem>>) src(%arg13 : memref<20000xf32, #tpu.memory_space<vmem>>) dst(%dma_wait3A_948 : memref<20000xf32, #tpu.memory_space<hbm>>)
    %add3A_949 = arith.constant 11 : i32
    %add3A_950 = arith.addi %mul3A_2, %add3A_949 : i32
    %dma_wait3A_951 = arith.constant 0 : i32
    %dma_wait3A_952 = tpu.memref_slice %arg5[%add3A_950, %dma_wait3A_951] : memref<512x20000xf32, #tpu.memory_space<hbm>> -> memref<1x20000xf32, #tpu.memory_space<hbm>>
    %dma_wait3A_953 = tpu.memref_squeeze %dma_wait3A_952 : memref<1x20000xf32, #tpu.memory_space<hbm>> -> memref<20000xf32, #tpu.memory_space<hbm>>
    %dma_wait3A_954 = arith.constant 0 : i32
    %dma_wait3A_955 = tpu.memref_slice %arg5[%add3A_950, %dma_wait3A_954] : memref<512x20000xf32, #tpu.memory_space<hbm>> -> memref<1x20000xf32, #tpu.memory_space<hbm>>
    %dma_wait3A_956 = tpu.memref_squeeze %dma_wait3A_955 : memref<1x20000xf32, #tpu.memory_space<hbm>> -> memref<20000xf32, #tpu.memory_space<hbm>>
    tpu.wait_dma2 semaphore(%arg27 : memref<!tpu.dma_semaphore, #tpu.memory_space<semaphore_mem>>) src(%arg14 : memref<20000xf32, #tpu.memory_space<vmem>>) dst(%dma_wait3A_956 : memref<20000xf32, #tpu.memory_space<hbm>>)
    %add3A_957 = arith.constant 12 : i32
    %add3A_958 = arith.addi %mul3A_2, %add3A_957 : i32
    %dma_wait3A_959 = arith.constant 0 : i32
    %dma_wait3A_960 = tpu.memref_slice %arg5[%add3A_958, %dma_wait3A_959] : memref<512x20000xf32, #tpu.memory_space<hbm>> -> memref<1x20000xf32, #tpu.memory_space<hbm>>
    %dma_wait3A_961 = tpu.memref_squeeze %dma_wait3A_960 : memref<1x20000xf32, #tpu.memory_space<hbm>> -> memref<20000xf32, #tpu.memory_space<hbm>>
    %dma_wait3A_962 = arith.constant 0 : i32
    %dma_wait3A_963 = tpu.memref_slice %arg5[%add3A_958, %dma_wait3A_962] : memref<512x20000xf32, #tpu.memory_space<hbm>> -> memref<1x20000xf32, #tpu.memory_space<hbm>>
    %dma_wait3A_964 = tpu.memref_squeeze %dma_wait3A_963 : memref<1x20000xf32, #tpu.memory_space<hbm>> -> memref<20000xf32, #tpu.memory_space<hbm>>
    tpu.wait_dma2 semaphore(%arg22 : memref<!tpu.dma_semaphore, #tpu.memory_space<semaphore_mem>>) src(%arg9 : memref<20000xf32, #tpu.memory_space<vmem>>) dst(%dma_wait3A_964 : memref<20000xf32, #tpu.memory_space<hbm>>)
    %add3A_965 = arith.constant 13 : i32
    %add3A_966 = arith.addi %mul3A_2, %add3A_965 : i32
    %dma_wait3A_967 = arith.constant 0 : i32
    %dma_wait3A_968 = tpu.memref_slice %arg5[%add3A_966, %dma_wait3A_967] : memref<512x20000xf32, #tpu.memory_space<hbm>> -> memref<1x20000xf32, #tpu.memory_space<hbm>>
    %dma_wait3A_969 = tpu.memref_squeeze %dma_wait3A_968 : memref<1x20000xf32, #tpu.memory_space<hbm>> -> memref<20000xf32, #tpu.memory_space<hbm>>
    %dma_wait3A_970 = arith.constant 0 : i32
    %dma_wait3A_971 = tpu.memref_slice %arg5[%add3A_966, %dma_wait3A_970] : memref<512x20000xf32, #tpu.memory_space<hbm>> -> memref<1x20000xf32, #tpu.memory_space<hbm>>
    %dma_wait3A_972 = tpu.memref_squeeze %dma_wait3A_971 : memref<1x20000xf32, #tpu.memory_space<hbm>> -> memref<20000xf32, #tpu.memory_space<hbm>>
    tpu.wait_dma2 semaphore(%arg23 : memref<!tpu.dma_semaphore, #tpu.memory_space<semaphore_mem>>) src(%arg10 : memref<20000xf32, #tpu.memory_space<vmem>>) dst(%dma_wait3A_972 : memref<20000xf32, #tpu.memory_space<hbm>>)
    %add3A_973 = arith.constant 14 : i32
    %add3A_974 = arith.addi %mul3A_2, %add3A_973 : i32
    %dma_wait3A_975 = arith.constant 0 : i32
    %dma_wait3A_976 = tpu.memref_slice %arg5[%add3A_974, %dma_wait3A_975] : memref<512x20000xf32, #tpu.memory_space<hbm>> -> memref<1x20000xf32, #tpu.memory_space<hbm>>
    %dma_wait3A_977 = tpu.memref_squeeze %dma_wait3A_976 : memref<1x20000xf32, #tpu.memory_space<hbm>> -> memref<20000xf32, #tpu.memory_space<hbm>>
    %dma_wait3A_978 = arith.constant 0 : i32
    %dma_wait3A_979 = tpu.memref_slice %arg5[%add3A_974, %dma_wait3A_978] : memref<512x20000xf32, #tpu.memory_space<hbm>> -> memref<1x20000xf32, #tpu.memory_space<hbm>>
    %dma_wait3A_980 = tpu.memref_squeeze %dma_wait3A_979 : memref<1x20000xf32, #tpu.memory_space<hbm>> -> memref<20000xf32, #tpu.memory_space<hbm>>
    tpu.wait_dma2 semaphore(%arg24 : memref<!tpu.dma_semaphore, #tpu.memory_space<semaphore_mem>>) src(%arg11 : memref<20000xf32, #tpu.memory_space<vmem>>) dst(%dma_wait3A_980 : memref<20000xf32, #tpu.memory_space<hbm>>)
    %add3A_981 = arith.constant 15 : i32
    %add3A_982 = arith.addi %mul3A_2, %add3A_981 : i32
    %dma_wait3A_983 = arith.constant 0 : i32
    %dma_wait3A_984 = tpu.memref_slice %arg5[%add3A_982, %dma_wait3A_983] : memref<512x20000xf32, #tpu.memory_space<hbm>> -> memref<1x20000xf32, #tpu.memory_space<hbm>>
    %dma_wait3A_985 = tpu.memref_squeeze %dma_wait3A_984 : memref<1x20000xf32, #tpu.memory_space<hbm>> -> memref<20000xf32, #tpu.memory_space<hbm>>
    %dma_wait3A_986 = arith.constant 0 : i32
    %dma_wait3A_987 = tpu.memref_slice %arg5[%add3A_982, %dma_wait3A_986] : memref<512x20000xf32, #tpu.memory_space<hbm>> -> memref<1x20000xf32, #tpu.memory_space<hbm>>
    %dma_wait3A_988 = tpu.memref_squeeze %dma_wait3A_987 : memref<1x20000xf32, #tpu.memory_space<hbm>> -> memref<20000xf32, #tpu.memory_space<hbm>>
    tpu.wait_dma2 semaphore(%arg25 : memref<!tpu.dma_semaphore, #tpu.memory_space<semaphore_mem>>) src(%arg12 : memref<20000xf32, #tpu.memory_space<vmem>>) dst(%dma_wait3A_988 : memref<20000xf32, #tpu.memory_space<hbm>>)
    "tpu.region"() ({
      %run_scoped3A = tpu.sem_alloc : memref<!tpu.dma_semaphore, #tpu.memory_space<semaphore_mem>>
      %dma_start3A_989 = arith.constant 0 : i32
      %dma_start3A_990 = tpu.memref_slice %arg6[%mul3A_2, %dma_start3A_989] : memref<512x32xf32, #tpu.memory_space<hbm>> -> memref<16x32xf32, #tpu.memory_space<hbm>>
      %dma_start3A_991 = arith.constant 0 : i32
      %dma_start3A_992 = tpu.memref_slice %arg6[%mul3A_2, %dma_start3A_991] : memref<512x32xf32, #tpu.memory_space<hbm>> -> memref<16x32xf32, #tpu.memory_space<hbm>>
      tpu.enqueue_dma source(%arg15 : memref<16x32xf32, #tpu.memory_space<vmem>>) target(%dma_start3A_992 : memref<16x32xf32, #tpu.memory_space<hbm>>) target_semaphore(%run_scoped3A : memref<!tpu.dma_semaphore, #tpu.memory_space<semaphore_mem>>)
      %dma_wait3A_993 = arith.constant 0 : i32
      %dma_wait3A_994 = tpu.memref_slice %arg6[%mul3A_2, %dma_wait3A_993] : memref<512x32xf32, #tpu.memory_space<hbm>> -> memref<16x32xf32, #tpu.memory_space<hbm>>
      %dma_wait3A_995 = arith.constant 0 : i32
      %dma_wait3A_996 = tpu.memref_slice %arg6[%mul3A_2, %dma_wait3A_995] : memref<512x32xf32, #tpu.memory_space<hbm>> -> memref<16x32xf32, #tpu.memory_space<hbm>>
      tpu.wait_dma2 semaphore(%run_scoped3A : memref<!tpu.dma_semaphore, #tpu.memory_space<semaphore_mem>>) src(%arg15 : memref<16x32xf32, #tpu.memory_space<vmem>>) dst(%dma_wait3A_996 : memref<16x32xf32, #tpu.memory_space<hbm>>)
      tpu.yield
    }) : () -> ()
    return
  }
}

module attributes {stable_mosaic.version = 14 : i64} {
  func.func @_dense_body(%arg0: i32, %arg1: memref<64x20000xf32, #tpu.memory_space<vmem>>, %arg2: memref<64x20000xf32, #tpu.memory_space<vmem>>, %arg3: memref<64x20000xbf16, #tpu.memory_space<vmem>>, %arg4: memref<64x64xf32, #tpu.memory_space<vmem>>, %arg5: memref<64x64xf32, #tpu.memory_space<vmem>>, %arg6: memref<1x64xf32, #tpu.memory_space<vmem>>, %arg7: memref<64x20x64xf32, #tpu.memory_space<vmem>>, %arg8: memref<64x20xf32, #tpu.memory_space<vmem>>, %arg9: memref<64x20000xf32, #tpu.memory_space<vmem>>, %arg10: memref<64x20xf32, #tpu.memory_space<vmem>>) attributes {dimension_semantics = [#tpu.dimension_semantics<arbitrary>], iteration_bounds = array<i64: 8>, scalar_prefetch = 0 : i64, scratch_operands = 0 : i64, tpu.core_type = #tpu.core_type<tc>, window_params = [{transform_indices = @transform_0, window_bounds = array<i64: 64, 20000>}, {transform_indices = @transform_1, window_bounds = array<i64: 64, 20000>}, {pipeline_mode = #tpu.pipeline_mode<synchronous>, transform_indices = @transform_2, window_bounds = array<i64: 64, 20000>}, {transform_indices = @transform_3, window_bounds = array<i64: 64, 64>}, {pipeline_mode = #tpu.pipeline_mode<synchronous>, transform_indices = @transform_4, window_bounds = array<i64: 64, 64>}, {pipeline_mode = #tpu.pipeline_mode<synchronous>, transform_indices = @transform_5, window_bounds = array<i64: 1, 64>}, {transform_indices = @transform_6, window_bounds = array<i64: 64, 20, 64>}, {transform_indices = @transform_7, window_bounds = array<i64: 64, 20>}, {transform_indices = @transform_8, window_bounds = array<i64: 64, 20000>}, {transform_indices = @transform_9, window_bounds = array<i64: 64, 20>}]} {
    %get3A = arith.constant 0 : index
    %get3A_0 = arith.constant 0 : index
    %get3A_1 = vector.load %arg4[%get3A, %get3A_0] : memref<64x64xf32, #tpu.memory_space<vmem>>, vector<64x64xf32>
    %get3A_2 = arith.constant 0 : index
    %get3A_3 = arith.constant 0 : index
    %get3A_4 = vector.load %arg5[%get3A_2, %get3A_3] : memref<64x64xf32, #tpu.memory_space<vmem>>, vector<64x64xf32>
    %dot_general3A = arith.constant dense<0.000000e+00> : vector<64x64xf32>
    %dot_general3A_5 = tpu.matmul %get3A_1, %get3A_4, %dot_general3A {dimension_numbers = #tpu.dot_dimension_numbers<[1], [0], [0], [1], [0, 0, 1, 1], [], []>, transpose_lhs_hint = false} : vector<64x64xf32>, vector<64x64xf32>, vector<64x64xf32> -> vector<64x64xf32>
    %get3A_6 = arith.constant 0 : index
    %get3A_7 = arith.constant 0 : index
    %get3A_8 = vector.load %arg6[%get3A_6, %get3A_7] : memref<1x64xf32, #tpu.memory_space<vmem>>, vector<1x64xf32>
    %dot_general3A_9 = arith.constant dense<0.000000e+00> : vector<64x1xf32>
    %dot_general3A_10 = tpu.matmul %get3A_1, %get3A_8, %dot_general3A_9 {dimension_numbers = #tpu.dot_dimension_numbers<[1], [1], [0], [0], [0, 0, 1, 0], [], []>, transpose_lhs_hint = false} : vector<64x64xf32>, vector<1x64xf32>, vector<64x1xf32> -> vector<64x1xf32>
    %convert_element_type3A = arith.truncf %dot_general3A_5 : vector<64x64xf32> to vector<64x64xbf16>
    %get3A_11 = arith.constant 0 : index
    %get3A_12 = arith.constant 0 : index
    %get3A_13 = vector.load %arg3[%get3A_11, %get3A_12] : memref<64x20000xbf16, #tpu.memory_space<vmem>>, vector<64x20000xbf16>
    %dot_general3A_14 = arith.constant dense<0.000000e+00> : vector<64x20000xf32>
    %dot_general3A_15 = tpu.matmul %convert_element_type3A, %get3A_13, %dot_general3A_14 {dimension_numbers = #tpu.dot_dimension_numbers<[1], [0], [0], [1], [0, 0, 1, 1], [], []>, transpose_lhs_hint = false} : vector<64x64xbf16>, vector<64x20000xbf16>, vector<64x20000xf32> -> vector<64x20000xf32>
    %add3A = vector.broadcast %dot_general3A_10 : vector<64x1xf32> to vector<64x20000xf32>
    %add3A_16 = arith.addf %dot_general3A_15, %add3A : vector<64x20000xf32>
    %get3A_17 = arith.constant 0 : index
    %get3A_18 = arith.constant 0 : index
    %get3A_19 = vector.load %arg1[%get3A_17, %get3A_18] : memref<64x20000xf32, #tpu.memory_space<vmem>>, vector<64x20000xf32>
    %mul3A = arith.constant 5.000000e-01 : f32
    %mul3A_20 = vector.broadcast %mul3A : f32 to vector<64x20000xf32>
    %mul3A_21 = arith.mulf %mul3A_20, %get3A_19 : vector<64x20000xf32>
    %sub3A = arith.constant 1.000000e+00 : f32
    %sub3A_22 = vector.broadcast %sub3A : f32 to vector<64x20000xf32>
    %sub3A_23 = arith.subf %sub3A_22, %mul3A_21 : vector<64x20000xf32>
    %get3A_24 = arith.constant 0 : index
    %get3A_25 = arith.constant 0 : index
    %get3A_26 = vector.load %arg2[%get3A_24, %get3A_25] : memref<64x20000xf32, #tpu.memory_space<vmem>>, vector<64x20000xf32>
    %mul3A_27 = arith.mulf %sub3A_23, %get3A_26 : vector<64x20000xf32>
    %mul3A_28 = arith.mulf %mul3A_21, %add3A_16 : vector<64x20000xf32>
    %add3A_29 = arith.addf %mul3A_27, %mul3A_28 : vector<64x20000xf32>
    %swap3A = arith.constant 0 : index
    %swap3A_30 = arith.constant 0 : index
    %swap3A_31 = vector.load %arg9[%swap3A, %swap3A_30] : memref<64x20000xf32, #tpu.memory_space<vmem>>, vector<64x20000xf32>
    tpu.vector_store %arg9[%swap3A, %swap3A_30], %add3A_29 {strides = array<i32>} : memref<64x20000xf32, #tpu.memory_space<vmem>>, vector<64x20000xf32>,
    %get3A_32 = arith.constant 0 : index
    %get3A_33 = arith.constant 0 : index
    %get3A_34 = arith.constant 0 : index
    %get3A_35 = vector.load %arg7[%get3A_32, %get3A_33, %get3A_34] : memref<64x20x64xf32, #tpu.memory_space<vmem>>, vector<64x20x64xf32>
    %broadcast_in_dim3A = vector.shape_cast %get3A_1 : vector<64x64xf32> to vector<64x1x64xf32>
    %mul3A_36 = vector.broadcast %broadcast_in_dim3A : vector<64x1x64xf32> to vector<64x20x64xf32>
    %mul3A_37 = arith.mulf %get3A_35, %mul3A_36 : vector<64x20x64xf32>
    %reduce_sum3A = arith.constant dense<0.000000e+00> : vector<64x20xf32>
    %reduce_sum3A_38 = vector.multi_reduction <add>, %mul3A_37, %reduce_sum3A [2] : vector<64x20x64xf32> to vector<64x20xf32>
    %get3A_39 = arith.constant 0 : index
    %get3A_40 = arith.constant 0 : index
    %get3A_41 = vector.load %arg8[%get3A_39, %get3A_40] : memref<64x20xf32, #tpu.memory_space<vmem>>, vector<64x20xf32>
    %mul3A_42 = arith.mulf %get3A_41, %reduce_sum3A_38 : vector<64x20xf32>
    %sub3A_43 = arith.constant 1.000000e+00 : f32
    %sub3A_44 = vector.broadcast %sub3A_43 : f32 to vector<64x20xf32>
    %sub3A_45 = arith.subf %sub3A_44, %get3A_41 : vector<64x20xf32>
    %slice3A = vector.extract_strided_slice %reduce_sum3A_38 {offsets = [0, 0], sizes = [64, 1], strides = [1, 1]} : vector<64x20xf32> to vector<64x1xf32>
    %mul3A_46 = vector.broadcast %slice3A : vector<64x1xf32> to vector<64x20xf32>
    %mul3A_47 = arith.mulf %sub3A_45, %mul3A_46 : vector<64x20xf32>
    %add3A_48 = arith.addf %mul3A_42, %mul3A_47 : vector<64x20xf32>
    %swap3A_49 = arith.constant 0 : index
    %swap3A_50 = arith.constant 0 : index
    %swap3A_51 = vector.load %arg10[%swap3A_49, %swap3A_50] : memref<64x20xf32, #tpu.memory_space<vmem>>, vector<64x20xf32>
    tpu.vector_store %arg10[%swap3A_49, %swap3A_50], %add3A_48 {strides = array<i32>} : memref<64x20xf32, #tpu.memory_space<vmem>>, vector<64x20xf32>,
    return
  }
  func.func @transform_0(%arg0: i32) -> (i32, i32) {
    %c0_i32 = arith.constant 0 : i32
    %c0_i32_0 = arith.constant 0 : i32
    return %arg0, %c0_i32 : i32, i32
  }
  func.func @transform_1(%arg0: i32) -> (i32, i32) {
    %c0_i32 = arith.constant 0 : i32
    %c0_i32_0 = arith.constant 0 : i32
    return %arg0, %c0_i32 : i32, i32
  }
  func.func @transform_2(%arg0: i32) -> (i32, i32) {
    %c0_i32 = arith.constant 0 : i32
    %c0_i32_0 = arith.constant 0 : i32
    %c0_i32_1 = arith.constant 0 : i32
    return %c0_i32, %c0_i32_0 : i32, i32
  }
  func.func @transform_3(%arg0: i32) -> (i32, i32) {
    %c0_i32 = arith.constant 0 : i32
    %c0_i32_0 = arith.constant 0 : i32
    return %arg0, %c0_i32 : i32, i32
  }
  func.func @transform_4(%arg0: i32) -> (i32, i32) {
    %c0_i32 = arith.constant 0 : i32
    %c0_i32_0 = arith.constant 0 : i32
    %c0_i32_1 = arith.constant 0 : i32
    return %c0_i32, %c0_i32_0 : i32, i32
  }
  func.func @transform_5(%arg0: i32) -> (i32, i32) {
    %c0_i32 = arith.constant 0 : i32
    %c0_i32_0 = arith.constant 0 : i32
    %c0_i32_1 = arith.constant 0 : i32
    return %c0_i32, %c0_i32_0 : i32, i32
  }
  func.func @transform_6(%arg0: i32) -> (i32, i32, i32) {
    %c0_i32 = arith.constant 0 : i32
    %c0_i32_0 = arith.constant 0 : i32
    %c0_i32_1 = arith.constant 0 : i32
    return %arg0, %c0_i32, %c0_i32_0 : i32, i32, i32
  }
  func.func @transform_7(%arg0: i32) -> (i32, i32) {
    %c0_i32 = arith.constant 0 : i32
    %c0_i32_0 = arith.constant 0 : i32
    return %arg0, %c0_i32 : i32, i32
  }
  func.func @transform_8(%arg0: i32) -> (i32, i32) {
    %c0_i32 = arith.constant 0 : i32
    %c0_i32_0 = arith.constant 0 : i32
    return %arg0, %c0_i32 : i32, i32
  }
  func.func @transform_9(%arg0: i32) -> (i32, i32) {
    %c0_i32 = arith.constant 0 : i32
    %c0_i32_0 = arith.constant 0 : i32
    return %arg0, %c0_i32 : i32, i32
  }
}

</mosaic_0001>

<sc_bundles>
// kernel: kernel.5.cloned.1.call-start
scs
__scs_entry_jumppad:
0x0: {  	(pc) =	sbr.rel $0x88, $3  }
0x1: {  	(tag) =	ssettag $0x0;
	lr =	simm.s32 $0x1  }
0x2: {  	[smem:$0x3F97] =	sst lr;
	_ =	strace $0xD0000000  }
0x3: {  	_ = 	snop  }
0x4: {  	_ = 	snop  }
0x5: {  	_ = 	snop  }
0x6: {  	_ = 	snop  }
0x7: {  	_ = 	snop  }
__scs_overlays_trampoline_lowered:
0x8: {  	[smem:$0x3FA6] =	sst s0  }
0x9: {  	[smem:$0x3FA7] =	sst s1  }
0xa: {  	[smem:$0x3FA8] =	sst s2  }
0xb: {  	[smem:$0x3FA9] =	sst s3  }
0xc: {  	[smem:$0x3FAA] =	sst s4  }
0xd: {  	[smem:$0x3FAB] =	sst s5  }
0xe: {  	[smem:$0x3FAC] =	sst s6  }
0xf: {  	[smem:$0x3FAD] =	sst s7  }
0x10: {  	[smem:$0x3FAE] =	sst s8  }
0x11: {  	[smem:$0x3FAF] =	sst s9;
	s0 =	simm.s32 @!p0 $0x0  }
0x12: {  	s1 =	sld [smem:$0x3F95];
	s0 =	simm.s32 @p0 $0x1  }
0x13: {  	[smem:$0x3FB0] =	sst s0;
	s0 =	simm.s32 @!p1 $0x0  }
0x14: {  	s2 =	sld [smem:$0x3F94];
	s0 =	simm.s32 @p1 $0x1  }
0x15: {  	[smem:$0x3FB1] =	sst s0;
	s0 =	simm.s32 @!p2 $0x0  }
0x16: {  	s3 =	sld [smem:$0x3FDB];
	s0 =	simm.s32 @p2 $0x1  }
0x17: {  	s4 =	simm.s32 $0x1BF5;
	[smem:$0x3FB3] =	sst s0  }
0x18: {  	s0 =	sld [smem:$0x3F96];
	_ =	swait.ge [sflag:s4], $0x0  }
0x19: {  	s7 =	sld [smem:$0x3F97]  }
0x1a: {  	s8 =	sadd.s32 $0xFFFFE003, lr  }
0x1b: {  	s9 =	sadd.s32 $0xFFFFFEF7, lr;
	s5 =	simm.s32 $0xFFFFFFFF;
	p2 =	slt.u32 s8, $0xFFFFF086  }
0x1c: {  	p1 =	slt.u32 s9, $0xF7A;
	s5 =	simm.s32 @!p2 $0x0  }
0x1d: {  	s5 =	simm.s32 @p1 $0x1;
	p0 =	seq.s32 s7, s2  }
0x1e: {  	s7 =	smul.u32 @!p0 $0xF7A, s2;
	p2 =	seq.s32 @!p0 s5, $0x0  }
0x1f: {  	s9 =	smul.u32 $0xF7A, s1;
	s8 =	simm.s32 @!p0 $0x1BF5;
	p2 =	por !p2, p0  }
0x20: {  	[sflag:s8] =	ssyncset.s32 @!p0 $0xFFFFF086;
	s6 =	sadd.s32 @!p0 s3, s7;
	s7 =	simm.s32 @!p0 $0x108  }
0x21: {  	s3 =	sadd.s32 s3, s9;
	s6 =	sadd.s32 @!p0 $0x88, s6;
	s7 =	simm.s32 @p2 $0x1082  }
0x22: {  	[simem:s7], [sflag:s8] =	dma.local @!p0 [hbm:s6], $0xF7A  }
0x23: {  	s9 =	sor.u32 $0xD0000000, s2;
	s6 =	simm.s32 $0x108;
	_ =	swait.ge @!p0 [sflag:s8], $0x0  }
0x24: {  	s3 =	sadd.s32 $0x88, s3;
	s6 =	simm.s32 @!p1 $0x1082;
	[sflag:s4] =	ssyncset.s32 $0xFFFFF086  }
0x25: {  	[simem:s6], [sflag:s4] =	dma.local [hbm:s3], $0xF7A  }
0x26: {  	[smem:$0x3F97] =	sst s1;
	(tag) =	ssettag s2;
	_ =	strace s9  }
0x27: {  	s1 =	sld [smem:$0x3FA7]  }
0x28: {  	s2 =	sld [smem:$0x3FA8]  }
0x29: {  	s4 =	sld [smem:$0x3FAA]  }
0x2a: {  	p0 =	seq.s32 s5, $0x0;
	s5 =	sld [smem:$0x3FAB]  }
0x2b: {  	s6 =	sld [smem:$0x3FAC]  }
0x2c: {  	s7 =	sld [smem:$0x3FAD]  }
0x2d: {  	s3 =	simm.s32 $0x108;
	s8 =	sld [smem:$0x3FAE]  }
0x2e: {  	s3 =	simm.s32 @!p0 $0x1082;
	s9 =	sld [smem:$0x3FAF]  }
0x2f: {  	lr =	sadd.s32 s0, s3;
	s0 =	sld [smem:$0x3FA6]  }
0x30: {  	s3 =	sld [smem:$0x3FA9]  }
0x31: {  	[smem:$0x3FB2] =	sst s10  }
0x32: {  	s10 =	sld [smem:$0x3FB0];
	_ =	sdelay $0x3  }
0x33: {  	p0 =	seq.s32 s10, $0x1;
	s10 =	sld [smem:$0x3FB2];
	_ =	sdelay $0x3  }
0x34: {  	[smem:$0x3FB2] =	sst s10  }
0x35: {  	s10 =	sld [smem:$0x3FB1];
	_ =	sdelay $0x3  }
0x36: {  	p1 =	seq.s32 s10, $0x1;
	s10 =	sld [smem:$0x3FB2];
	_ =	sdelay $0x3  }
0x37: {  	[smem:$0x3FB2] =	sst s10  }
0x38: {  	s10 =	sld [smem:$0x3FB3]  }
0x39: {  	_ = 	snop;
	(pc) =	sbr.ind lr, $3  }
0x3a: {  	_ = 	snop  }
0x3b: {  	_ = 	snop  }
0x3c: {  	p2 =	seq.s32 s10, $0x1;
	s10 =	sld [smem:$0x3FB2]  }
0x3d: {  	_ =	shalt  }
0x3e: {  	_ =	shalt  }
0x3f: {  	_ =	shalt  }
0x40: {  	_ =	shalt  }
0x41: {  	_ =	shalt  }
0x42: {  	_ =	shalt  }
0x43: {  	_ =	shalt  }
0x44: {  	_ =	shalt  }
0x45: {  	_ =	shalt  }
0x46: {  	_ =	shalt  }
0x47: {  	_ =	shalt  }
0x48: {  	_ =	shalt  }
0x49: {  	_ =	shalt  }
0x4a: {  	_ =	shalt  }
0x4b: {  	_ =	shalt  }
0x4c: {  	_ =	shalt  }
0x4d: {  	_ =	shalt  }
0x4e: {  	_ =	shalt  }
0x4f: {  	_ =	shalt  }
0x50: {  	_ =	shalt  }
0x51: {  	_ =	shalt  }
0x52: {  	_ =	shalt  }
0x53: {  	_ =	shalt  }
0x54: {  	_ =	shalt  }
0x55: {  	_ =	shalt  }
0x56: {  	_ =	shalt  }
0x57: {  	_ =	shalt  }
0x58: {  	_ =	shalt  }
0x59: {  	_ =	shalt  }
0x5a: {  	_ =	shalt  }
0x5b: {  	_ =	shalt  }
0x5c: {  	_ =	shalt  }
0x5d: {  	_ =	shalt  }
0x5e: {  	_ =	shalt  }
0x5f: {  	_ =	shalt  }
0x60: {  	_ =	shalt  }
0x61: {  	_ =	shalt  }
0x62: {  	_ =	shalt  }
0x63: {  	_ =	shalt  }
0x64: {  	_ =	shalt  }
0x65: {  	_ =	shalt  }
0x66: {  	_ =	shalt  }
0x67: {  	_ =	shalt  }
0x68: {  	_ =	shalt  }
0x69: {  	_ =	shalt  }
0x6a: {  	_ =	shalt  }
0x6b: {  	_ =	shalt  }
0x6c: {  	_ =	shalt  }
0x6d: {  	_ =	shalt  }
0x6e: {  	_ =	shalt  }
0x6f: {  	_ =	shalt  }
0x70: {  	_ =	shalt  }
0x71: {  	_ =	shalt  }
0x72: {  	_ =	shalt  }
0x73: {  	_ =	shalt  }
0x74: {  	_ =	shalt  }
0x75: {  	_ =	shalt  }
0x76: {  	_ =	shalt  }
0x77: {  	_ =	shalt  }
0x78: {  	_ =	shalt  }
0x79: {  	_ =	shalt  }
0x7a: {  	_ =	shalt  }
0x7b: {  	_ =	shalt  }
0x7c: {  	_ =	shalt  }
0x7d: {  	_ =	shalt  }
0x7e: {  	_ =	shalt  }
0x7f: {  	_ =	shalt  }
0x80: {  	_ =	shalt  }
0x81: {  	_ =	shalt  }
0x82: {  	_ =	shalt  }
0x83: {  	_ =	shalt  }
0x84: {  	_ =	shalt  }
0x85: {  	_ =	shalt  }
0x86: {  	_ =	shalt  }
0x87: {  	_ =	shalt  }
.Lfunc_end0:
.L_simem_size_0:
called_computation_lowered:
.L_overlay_start_0:
0x88: {  	s2 =	sld [smem:$0x3FD9]  }
0x89: {  	s3 =	sld [smem:$0x3FFE];
	_ =	sdelay $0x1  }
0x8a: {  	s1 =	srdreg.scid  }
0x8b: {  	s0 =	sand.u32 $0x1, s1  }
0x8c: {  	s17 =	sshll.u32 s0, $0xA;
	s2 =	sadd.s32 s3, s2  }
0x8d: {  	s2 =	sadd.s32 s2, s17  }
0x8e: {  	[smem:$0x3FBE] =	sst s2  }
0x8f: {  	_ = 	snop  }
0x90: {  	s2 =	sld [smem:$0x3FC7]  }
0x91: {  	s18 =	sld [smem:$0x3FD0];
	(tm) =	ssettm $0x1  }
0x92: {  	s4 =	sld [smem:$0x3FFB];
	_ =	sdelay $0x3  }
0x93: {  	_ =	strace s4  }
0x94: {  	s4 =	sld [smem:$0x3FFC];
	_ =	sdelay $0x3  }
0x95: {  	_ =	strace s4  }
0x96: {  	s4 =	sld [smem:$0x3FFD];
	_ =	sdelay $0x3  }
0x97: {  	_ =	strace s4  }
0x98: {  	_ =	strace $0x8FFFFFFF  }
0x99: {  	s19 =	sld [smem:$0x3FDB];
	_ =	sdelay $0x1  }
0x9a: {  	s5 =	simm.s32 $_scs_section_size  }
0x9b: {  	s6 =	simm.s32 $_size__tile_overlayer_lowered;
	s7 =	simm.s32 $_tile_overlayer_lowered  }
0x9c: {  	s22 =	simm.s32 $0x1BFF;
	s21 =	sshll.u32 s7, $0x1;
	s4 =	sadd.s32 s5, s19  }
0x9d: {  	s8 =	simm.s32 $0x0;
	s20 =	sshll.u32 s6, $0x1;
	s6 =	sadd.s32 s21, s4  }
0x9e: {  	[timem:s8], [sflag:s22] =	dma.local [hbm:s6], s20  }
0x9f: {  	_ =	swait.ge [sflag:s22], s20  }
0xa0: {  	s5 =	ssub.s32 $0x0, s20;
	[sflag:s22] =	ssyncset.done $0x0  }
0xa1: {  	[sflag:s22] =	ssyncadd.s32 s5;
	_ =	sdelay $0x1  }
0xa2: {  	s23 =	simm.s32 $0x1B8B  }
0xa3: {  	_ =	swait.ge [sflag:s23], $0x1  }
0xa4: {  	[sflag:s23] =	ssyncset.done $0x0  }
0xa5: {  	s25 =	simm.s32 $0x1B8E;
	s24 =	sld [smem:$0x3FFE];
	[sflag:s23] =	ssyncadd.s32 $0xFFFFFFFF  }
0xa6: {  	s26 =	simm.s32 $execute0_lowered;
	[smem:$0x3FD2] =	sst s25  }
0xa7: {  	s6 =	sshll.u32 s26, $0x1;
	_ =	strace $0x80000046;
	[dreg:$0x1] =	wrdreg $0xFFFFFFFF  }
0xa8: {  	s28 =	simm.s32 $_size_execute0_lowered;
	s4 =	sadd.s32 s4, s6;
	[dreg:$0x0] =	wrdreg $0x0  }
0xa9: {  	s6 =	sshll.u32 s28, $0x1;
	[dreg:$0x2] =	wrdreg s4  }
0xaa: {  	[dreg:$0x3] =	wrdreg s6  }
0xab: {  	[dreg:$0x4] =	wrdreg $0xC0  }
0xac: {  	_ =	task [dreg:s8], $0x5FFFF  }
0xad: {  	[dreg:$0x1] =	wrdreg $0xFFFFFFFF  }
0xae: {  	[dreg:$0x0] =	wrdreg $0x60  }
0xaf: {  	[dreg:$0x2] =	wrdreg s24  }
0xb0: {  	[dreg:$0x3] =	wrdreg s2  }
0xb1: {  	[dreg:$0x4] =	wrdreg s18  }
0xb2: {  	[dreg:$0x5] =	wrdreg $0x9  }
0xb3: {  	_ =	task.clear_ibuf [dreg:s8], $0x6FFFF;
	_ =	strace $0x90000046  }
0xb4: {  	s29 =	simm.s32 $0x9;
	_ =	strace $0x80000048  }
0xb5: {  	_ =	swait.ge [sflag:s29], $0x1  }
0xb6: {  	[sflag:s29] =	ssyncadd.s32 $0xFFFFFFFF  }
0xb7: {  	_ =	strace $0x90000048  }
0xb8: {  	_ =	sfence  }
0xb9: {  	s30 =	sld [smem:$0x0];
	_ =	sdelay $0x2  }
0xba: {  	s31 =	sshll.u32 s1, $0xD;
	s1 =	sshrl.u32 s1, $0x2  }
0xbb: {  	s3 =	sand.u32 $0x4000, s31;
	s1 =	sadd.s32 s1, s30  }
0xbc: {  	s0 =	sor.u32 s3, s0;
	s1 =	sshll.u32 s1, $0x11  }
0xbd: {  	s0 =	sor.u32 s1, s0  }
0xbe: {  	s0 =	sadd.s32 $0x8F2B, s0  }
0xbf: {  	[sflag:s0] =	ssyncadd.remote.s32 $0x1  }
0xc0: {  	_ =	sfence.sel $0xFFFF  }
0xc1: {  	[dreg:$0x0] =	wrdreg $0xFFFFFFFF;
	(pc) =	sbr.abs _section_cstart, $3  }
0xc2: {  	[dreg:$0x1] =	wrdreg $0xFFFFFFFF  }
0xc3: {  	_ =	task.clear_ibuf [dreg:s8], $0x2FFFF;
	_ =	strace $0x9FFFFFFF  }
0xc4: {  	(tm) =	ssettm $0x7FFFFFFF  }
0xc5: {  	_ =	shalt  }
tec
execute0_lowered:
.L_overlay_start_1:
0x0: {  	(tag) =	ssettag $0x1  }
0x1: {  	s4 =	rddreg [dreg:$0x0]  }
0x2: {  	s1 =	srdreg.scid;
	s3 =	rddreg [dreg:$0x1]  }
0x3: {  	s0 =	stileid.u32;
	s6 =	rddreg [dreg:$0x2]  }
0x4: {  	s2 =	simm.s32 $0x0;
	s11 =	simm.s32 $0xA580;
	s12 =	simm.s32 $0xF400  }
0x5: {  	s13 =	simm.s32 $0x14280;
	s5 =	sand.u32 $0x1, s1;
	s1 =	rddreg [dreg:$0x3]  }
0x6: {  	s7 =	sshll.u32 s0, $0x5;
	[smem:$0x7FF] =	sst s2;
	s8 =	sshll.u32 s5, $0x4  }
0x7: {  	s10 =	sadd.s32 $0x4E9000, s4;
	s5 =	ssub.s32 $0x2, s5;
	s7 =	sor.u32 s8, s7  }
0x8: {  	_ =	strace $0x80000047;
	s30 =	sshrl.u32 s5, $0x1;
	s8 =	sshrl.u32 s7, $0x3  }
0x9: {  	s7 =	sshll.u32 s7, $0x4;
	s5 =	ssub.s32 s5, s30;
	s9 =	smul.u32 $0x4E80, s8  }
0xa: {  	s3 =	sadd.s32 s3, s8;
	s6 =	sadd.s32 s6, s7;
	s8 =	smul.u32 $0x27400, s8  }
0xb: {  	s7 =	sadd.s32 s7, s4;
	s4 =	sadd.s32 $0x1000, s4;
	[dreg:$0x4] =	wrdreg s3  }
0xc: {  	[dreg:$0x5] =	wrdreg s6;
	s31 =	sadd.s32 $0x623000, s7;
	s3 =	sadd.s32 s10, s9  }
0xd: {  	s5 =	smax.u32 s5, $0x1;
	[dreg:$0x15] =	wrdreg s31;
	s14 =	sadd.s32 $0x10, s3  }
0xe: {  	s6 =	simm.s32 $0xD;
	s15 =	sadd.s32 $0x20, s3;
	[dreg:$0x6] =	wrdreg s14  }
0xf: {  	s7 =	simm.s32 $0x80;
	s16 =	sadd.s32 $0x30, s3;
	[dreg:$0x7] =	wrdreg s15  }
0x10: {  	s8 =	sshrl.u32 s8, $0x3;
	s17 =	sadd.s32 $0x40, s3;
	[dreg:$0x8] =	wrdreg s16  }
0x11: {  	s9 =	simm.s32 $0x880;
	s18 =	sadd.s32 $0x50, s3;
	[dreg:$0x9] =	wrdreg s17  }
0x12: {  	s19 =	sadd.s32 $0x60, s3;
	s20 =	sadd.s32 $0x70, s3;
	[dreg:$0xa] =	wrdreg s18  }
0x13: {  	s8 =	sadd.s32 s10, s8;
	s10 =	simm.s32 $0x5700;
	[dreg:$0xb] =	wrdreg s19  }
0x14: {  	[dreg:$0xc] =	wrdreg s20;
	s21 =	sadd.s32 $0x4E80, s8;
	s22 =	sadd.s32 $0x4E90, s8  }
0x15: {  	s23 =	sadd.s32 $0x4EA0, s8;
	s24 =	sadd.s32 $0x4EB0, s8;
	[dreg:$0xd] =	wrdreg s21  }
0x16: {  	s25 =	sadd.s32 $0x4EC0, s8;
	s26 =	sadd.s32 $0x4ED0, s8;
	[dreg:$0xe] =	wrdreg s22  }
0x17: {  	s28 =	sadd.s32 $0x4EE0, s8;
	s29 =	sadd.s32 $0x4EF0, s8;
	[dreg:$0xf] =	wrdreg s23  }
0x18: {  	s8 =	simm.s32 $0x400;
	s14 =	simm.s32 $0x1;
	[dreg:$0x10] =	wrdreg s24  }
0x19: {  	s15 =	simm.s32 $0x19100;
	s16 =	simm.s32 $0x2;
	[dreg:$0x11] =	wrdreg s25  }
0x1a: {  	s17 =	simm.s32 $0x7;
	s18 =	simm.s32 $0x3;
	[dreg:$0x12] =	wrdreg s26  }
0x1b: {  	s19 =	simm.s32 $0x8;
	s20 =	simm.s32 $0x4;
	[dreg:$0x13] =	wrdreg s28  }
0x1c: {  	[dreg:$0x14] =	wrdreg s29;
	s21 =	simm.s32 $0x9;
	s22 =	simm.s32 $0x5  }
0x1d: {  	s23 =	simm.s32 $0xA;
	s24 =	simm.s32 $0x6;
	s25 =	simm.s32 $0x1DF80  }
0x1e: {  	v0 =	vimm.f32 $0.0e+00;
	s26 =	simm.s32 $0xC;
	[dreg:$0x16] =	wrdreg s25;
	s25 =	simm.s32 $0xB  }
.LBB2_1:
0x1f: {  	s28 =	rddreg [dreg:$0x4]  }
0x20: {  	[tilespmem:s2], [sflag:$0xD] =	stream.linear.gather [hbm4b:s28+s2], $0x10, $0x38;
	[tilespmem:$0x1E780] =	vst v63  }
0x21: {  	_ =	swait.ge [sflag:s6], $0x10  }
0x22: {  	[sflag:s6] =	ssyncset.done $0x0  }
0x23: {  	s30 =	rddreg [dreg:$0x5];
	[sflag:s6] =	ssyncadd.s32 $0xFFFFFFF0  }
0x24: {  	[tilespmem:s7], [sflag:$0xD] =	stream.linear.gather [hbm4b:s30+s2], $0x800, $0x38;
	[tilespmem:$0x1E780] =	vst v63  }
0x25: {  	_ =	swait.ge [sflag:s6], $0x800  }
0x26: {  	[sflag:s6] =	ssyncset.done $0x0  }
0x27: {  	[sflag:s6] =	ssyncadd.s32 $0xFFFFF800  }
0x28: {  	v1 =	vld [tilespmem:$0x0];
	_ =	sdelay $0x4  }
0x29: {  	(v2sf) =	vpush v1, $0x0;
	_ =	sdelay $0x5  }
0x2a: {  	(v2sf) =	vpush v1, $0x1;
	_ =	sdelay $0x8  }
0x2b: {  	s31 =	spop (v2sf);
	(v2sf) =	vpush v1, $0x2;
	_ =	sdelay $0x3  }
0x2c: {  	s29 =	sshrl.u32 s31, $0x3  }
0x2d: {  	s28 =	sshll.u32 s31, $0x7;
	s29 =	smul.u32 $0x27400, s29  }
0x2e: {  	s30 =	spop (v2sf);
	(v2sf) =	vpush v1, $0x3;
	s28 =	sand.u32 $0x380, s28  }
0x2f: {  	s28 =	sor.u32 s28, s29  }
0x30: {  	s28 =	sshrl.u32 s28, $0x3  }
0x31: {  	s31 =	sshrl.u32 s30, $0x3;
	s28 =	sadd.s32 s4, s28  }
0x32: {  	[tilespmem:s9], [sflag:$0x1] =	stream.strided.gather [hbm4b:s28+s7], $0x4E80, s8, s7, $0x38;
	[tilespmem:$0x1E780] =	vst v63  }
0x33: {  	s29 =	sshll.u32 s30, $0x7;
	s28 =	smul.u32 $0x27400, s31  }
0x34: {  	s29 =	sand.u32 $0x380, s29  }
0x35: {  	s28 =	sor.u32 s29, s28  }
0x36: {  	s28 =	sshrl.u32 s28, $0x3  }
0x37: {  	s28 =	sadd.s32 s4, s28;
	s30 =	spop (v2sf);
	(v2sf) =	vpush v1, $0x4  }
0x38: {  	[tilespmem:s10], [sflag:$0x2] =	stream.strided.gather [hbm4b:s28+s7], $0x4E80, s8, s7, $0x38;
	[tilespmem:$0x1E780] =	vst v63  }
0x39: {  	s31 =	sshrl.u32 s30, $0x3  }
0x3a: {  	s28 =	sshll.u32 s30, $0x7;
	s29 =	smul.u32 $0x27400, s31  }
0x3b: {  	s28 =	sand.u32 $0x380, s28  }
0x3c: {  	s28 =	sor.u32 s28, s29  }
0x3d: {  	s30 =	spop (v2sf);
	s28 =	sshrl.u32 s28, $0x3  }
0x3e: {  	s31 =	sshrl.u32 s30, $0x3;
	s28 =	sadd.s32 s4, s28  }
0x3f: {  	[tilespmem:s11], [sflag:$0x3] =	stream.strided.gather [hbm4b:s28+s7], $0x4E80, s8, s7, $0x38;
	[tilespmem:$0x1E780] =	vst v63  }
0x40: {  	s29 =	sshll.u32 s30, $0x7;
	s28 =	smul.u32 $0x27400, s31  }
0x41: {  	s29 =	sand.u32 $0x380, s29  }
0x42: {  	s28 =	sor.u32 s29, s28  }
0x43: {  	s28 =	sshrl.u32 s28, $0x3  }
0x44: {  	s28 =	sadd.s32 s4, s28  }
0x45: {  	[tilespmem:s12], [sflag:$0x4] =	stream.strided.gather [hbm4b:s28+s7], $0x4E80, s8, s7, $0x38;
	[tilespmem:$0x1E780] =	vst v63  }
0x46: {  	s30 =	spop (v2sf)  }
0x47: {  	s31 =	sshrl.u32 s30, $0x3  }
0x48: {  	s28 =	sshll.u32 s30, $0x7;
	s29 =	smul.u32 $0x27400, s31  }
0x49: {  	s28 =	sand.u32 $0x380, s28  }
0x4a: {  	s28 =	sor.u32 s28, s29  }
0x4b: {  	s28 =	sshrl.u32 s28, $0x3  }
0x4c: {  	s28 =	sadd.s32 s4, s28  }
0x4d: {  	[tilespmem:s13], [sflag:$0x5] =	stream.strided.gather [hbm4b:s28+s7], $0x4E80, s8, s7, $0x38;
	[tilespmem:$0x1E780] =	vst v63  }
0x4e: {  	_ =	swait.ge [sflag:s14], $0x4E80  }
0x4f: {  	[sflag:s14] =	ssyncset.done $0x0  }
0x50: {  	[sflag:s14] =	ssyncadd.s32 $0xFFFFB180  }
0x51: {  	v2 =	vld [tilespmem:$0x80];
	_ =	sdelay $0x5  }
0x52: {  	v3 =	vld [tilespmem:$0x90];
	_ =	sdelay $0x1  }
0x53: {  	v2 =	vld.idx.msk [tilespmem:v2+s9+$0x0], $0xffff  }
0x54: {  	(v2sf) =	vpush v1, $0x5;
	_ =	sdelay $0x2  }
0x55: {  	v4 =	vld [tilespmem:$0x80]  }
0x56: {  	[tilespmem:$0x1DF80] =	vst v2  }
0x57: {  	v2 =	vld.idx.msk [tilespmem:v3+s9+$0x0], $0xffff;
	_ =	sdelay $0x4  }
0x58: {  	[tilespmem:$0x1DF90] =	vst v2  }
0x59: {  	[tilespmem:v4+s9+$0x0] =	vst.idx.msk $0xffff, v0  }
0x5a: {  	v2 =	vld [tilespmem:$0x90];
	_ =	sdelay $0x2  }
0x5b: {  	s30 =	spop (v2sf)  }
0x5c: {  	s31 =	sshrl.u32 s30, $0x3  }
0x5d: {  	s28 =	sshll.u32 s30, $0x7;
	s29 =	smul.u32 $0x27400, s31  }
0x5e: {  	s28 =	sand.u32 $0x380, s28  }
0x5f: {  	s28 =	sor.u32 s28, s29  }
0x60: {  	s28 =	sshrl.u32 s28, $0x3;
	[tilespmem:v2+s9+$0x0] =	vst.idx.msk $0xffff, v0  }
0x61: {  	[hbm4b:s3+s7] =	stream.strided.scatter [tilespmem:s9], [sflag:$0x7], $0x4E80, s8, s7, $0x38;
	[tilespmem:$0x1E780] =	vst v63  }
0x62: {  	s28 =	sadd.s32 s4, s28  }
0x63: {  	[tilespmem:s15], [sflag:$0x6] =	stream.strided.gather [hbm4b:s28+s7], $0x4E80, s8, s7, $0x38;
	[tilespmem:$0x1E780] =	vst v63  }
0x64: {  	_ =	swait.ge [sflag:s16], $0x4E80  }
0x65: {  	[sflag:s16] =	ssyncset.done $0x0  }
0x66: {  	[sflag:s16] =	ssyncadd.s32 $0xFFFFB180  }
0x67: {  	v2 =	vld [tilespmem:$0x100];
	_ =	sdelay $0x5  }
0x68: {  	v3 =	vld [tilespmem:$0x110];
	_ =	sdelay $0x1  }
0x69: {  	v2 =	vld.idx.msk [tilespmem:v2+s10+$0x0], $0xffff;
	_ =	sdelay $0x3  }
0x6a: {  	v54 =	vld [tilespmem:$0x100]  }
0x6b: {  	[tilespmem:$0x1E000] =	vst v2  }
0x6c: {  	v2 =	vld.idx.msk [tilespmem:v3+s10+$0x0], $0xffff;
	_ =	sdelay $0x4  }
0x6d: {  	[tilespmem:$0x1E010] =	vst v2  }
0x6e: {  	[tilespmem:v54+s10+$0x0] =	vst.idx.msk $0xffff, v0  }
0x6f: {  	v2 =	vld [tilespmem:$0x110];
	_ =	sdelay $0x7  }
0x70: {  	s29 =	rddreg [dreg:$0x6];
	[tilespmem:v2+s10+$0x0] =	vst.idx.msk $0xffff, v0  }
0x71: {  	[hbm4b:s29+s7] =	stream.strided.scatter [tilespmem:s10], [sflag:$0x8], $0x4E80, s8, s7, $0x38;
	[tilespmem:$0x1E780] =	vst v63  }
0x72: {  	_ =	swait.ge [sflag:s17], $0x4E80  }
0x73: {  	(v2sf) =	vpush v1, $0x6;
	_ =	sdelay $0xe  }
0x74: {  	s30 =	spop (v2sf)  }
0x75: {  	s31 =	sshrl.u32 s30, $0x3  }
0x76: {  	s28 =	sshll.u32 s30, $0x7;
	s29 =	smul.u32 $0x27400, s31  }
0x77: {  	s28 =	sand.u32 $0x380, s28  }
0x78: {  	s28 =	sor.u32 s28, s29  }
0x79: {  	[sflag:s17] =	ssyncset.done $0x0;
	s28 =	sshrl.u32 s28, $0x3  }
0x7a: {  	[sflag:s17] =	ssyncadd.s32 $0xFFFFB180;
	s28 =	sadd.s32 s4, s28  }
0x7b: {  	[tilespmem:s9], [sflag:$0x1] =	stream.strided.gather [hbm4b:s28+s7], $0x4E80, s8, s7, $0x38;
	[tilespmem:$0x1E780] =	vst v63  }
0x7c: {  	_ =	swait.ge [sflag:s18], $0x4E80  }
0x7d: {  	[sflag:s18] =	ssyncset.done $0x0  }
0x7e: {  	[sflag:s18] =	ssyncadd.s32 $0xFFFFB180  }
0x7f: {  	v2 =	vld [tilespmem:$0x180];
	_ =	sdelay $0x5  }
0x80: {  	v3 =	vld [tilespmem:$0x190];
	_ =	sdelay $0x1  }
0x81: {  	v2 =	vld.idx.msk [tilespmem:v2+s11+$0x0], $0xffff;
	_ =	sdelay $0x3  }
0x82: {  	v55 =	vld [tilespmem:$0x180]  }
0x83: {  	[tilespmem:$0x1E080] =	vst v2  }
0x84: {  	v2 =	vld.idx.msk [tilespmem:v3+s11+$0x0], $0xffff;
	_ =	sdelay $0x4  }
0x85: {  	[tilespmem:$0x1E090] =	vst v2  }
0x86: {  	[tilespmem:v55+s11+$0x0] =	vst.idx.msk $0xffff, v0  }
0x87: {  	v2 =	vld [tilespmem:$0x190];
	_ =	sdelay $0x7  }
0x88: {  	s29 =	rddreg [dreg:$0x7];
	[tilespmem:v2+s11+$0x0] =	vst.idx.msk $0xffff, v0  }
0x89: {  	[hbm4b:s29+s7] =	stream.strided.scatter [tilespmem:s11], [sflag:$0x9], $0x4E80, s8, s7, $0x38;
	[tilespmem:$0x1E780] =	vst v63  }
0x8a: {  	_ =	swait.ge [sflag:s19], $0x4E80  }
0x8b: {  	(v2sf) =	vpush v1, $0x7;
	_ =	sdelay $0xe  }
0x8c: {  	s30 =	spop (v2sf)  }
0x8d: {  	s31 =	sshrl.u32 s30, $0x3  }
0x8e: {  	s28 =	sshll.u32 s30, $0x7;
	s29 =	smul.u32 $0x27400, s31  }
0x8f: {  	s28 =	sand.u32 $0x380, s28  }
0x90: {  	s28 =	sor.u32 s28, s29  }
0x91: {  	[sflag:s19] =	ssyncset.done $0x0;
	s28 =	sshrl.u32 s28, $0x3  }
0x92: {  	[sflag:s19] =	ssyncadd.s32 $0xFFFFB180;
	s28 =	sadd.s32 s4, s28  }
0x93: {  	[tilespmem:s10], [sflag:$0x2] =	stream.strided.gather [hbm4b:s28+s7], $0x4E80, s8, s7, $0x38;
	[tilespmem:$0x1E780] =	vst v63  }
0x94: {  	_ =	swait.ge [sflag:s20], $0x4E80  }
0x95: {  	[sflag:s20] =	ssyncset.done $0x0  }
0x96: {  	[sflag:s20] =	ssyncadd.s32 $0xFFFFB180  }
0x97: {  	v2 =	vld [tilespmem:$0x200];
	_ =	sdelay $0x5  }
0x98: {  	v3 =	vld [tilespmem:$0x210];
	_ =	sdelay $0x1  }
0x99: {  	v2 =	vld.idx.msk [tilespmem:v2+s12+$0x0], $0xffff;
	_ =	sdelay $0x3  }
0x9a: {  	v56 =	vld [tilespmem:$0x200]  }
0x9b: {  	[tilespmem:$0x1E100] =	vst v2  }
0x9c: {  	v2 =	vld.idx.msk [tilespmem:v3+s12+$0x0], $0xffff;
	_ =	sdelay $0x4  }
0x9d: {  	[tilespmem:$0x1E110] =	vst v2  }
0x9e: {  	[tilespmem:v56+s12+$0x0] =	vst.idx.msk $0xffff, v0  }
0x9f: {  	v2 =	vld [tilespmem:$0x210];
	_ =	sdelay $0x7  }
0xa0: {  	s29 =	rddreg [dreg:$0x8];
	[tilespmem:v2+s12+$0x0] =	vst.idx.msk $0xffff, v0  }
0xa1: {  	[hbm4b:s29+s7] =	stream.strided.scatter [tilespmem:s12], [sflag:$0xA], $0x4E80, s8, s7, $0x38;
	[tilespmem:$0x1E780] =	vst v63  }
0xa2: {  	_ =	swait.ge [sflag:s21], $0x4E80  }
0xa3: {  	(v2sf) =	vpush v1, $0x8;
	_ =	sdelay $0xe  }
0xa4: {  	s30 =	spop (v2sf)  }
0xa5: {  	s31 =	sshrl.u32 s30, $0x3  }
0xa6: {  	s28 =	sshll.u32 s30, $0x7;
	s29 =	smul.u32 $0x27400, s31  }
0xa7: {  	s28 =	sand.u32 $0x380, s28  }
0xa8: {  	s28 =	sor.u32 s28, s29  }
0xa9: {  	[sflag:s21] =	ssyncset.done $0x0;
	s28 =	sshrl.u32 s28, $0x3  }
0xaa: {  	[sflag:s21] =	ssyncadd.s32 $0xFFFFB180;
	s28 =	sadd.s32 s4, s28  }
0xab: {  	[tilespmem:s11], [sflag:$0x3] =	stream.strided.gather [hbm4b:s28+s7], $0x4E80, s8, s7, $0x38;
	[tilespmem:$0x1E780] =	vst v63  }
0xac: {  	_ =	swait.ge [sflag:s22], $0x4E80  }
0xad: {  	[sflag:s22] =	ssyncset.done $0x0  }
0xae: {  	[sflag:s22] =	ssyncadd.s32 $0xFFFFB180  }
0xaf: {  	v2 =	vld [tilespmem:$0x280];
	_ =	sdelay $0x5  }
0xb0: {  	v3 =	vld [tilespmem:$0x290];
	_ =	sdelay $0x1  }
0xb1: {  	v2 =	vld.idx.msk [tilespmem:v2+s13+$0x0], $0xffff;
	_ =	sdelay $0x3  }
0xb2: {  	v57 =	vld [tilespmem:$0x280]  }
0xb3: {  	[tilespmem:$0x1E180] =	vst v2  }
0xb4: {  	v2 =	vld.idx.msk [tilespmem:v3+s13+$0x0], $0xffff;
	_ =	sdelay $0x4  }
0xb5: {  	[tilespmem:$0x1E190] =	vst v2  }
0xb6: {  	[tilespmem:v57+s13+$0x0] =	vst.idx.msk $0xffff, v0  }
0xb7: {  	v2 =	vld [tilespmem:$0x290];
	_ =	sdelay $0x7  }
0xb8: {  	s29 =	rddreg [dreg:$0x9];
	[tilespmem:v2+s13+$0x0] =	vst.idx.msk $0xffff, v0  }
0xb9: {  	[hbm4b:s29+s7] =	stream.strided.scatter [tilespmem:s13], [sflag:$0xB], $0x4E80, s8, s7, $0x38;
	[tilespmem:$0x1E780] =	vst v63  }
0xba: {  	_ =	swait.ge [sflag:s23], $0x4E80  }
0xbb: {  	(v2sf) =	vpush v1, $0x9;
	_ =	sdelay $0xe  }
0xbc: {  	s30 =	spop (v2sf)  }
0xbd: {  	s31 =	sshrl.u32 s30, $0x3  }
0xbe: {  	s28 =	sshll.u32 s30, $0x7;
	s29 =	smul.u32 $0x27400, s31  }
0xbf: {  	s28 =	sand.u32 $0x380, s28  }
0xc0: {  	s28 =	sor.u32 s28, s29  }
0xc1: {  	[sflag:s23] =	ssyncset.done $0x0;
	s28 =	sshrl.u32 s28, $0x3  }
0xc2: {  	[sflag:s23] =	ssyncadd.s32 $0xFFFFB180;
	s28 =	sadd.s32 s4, s28  }
0xc3: {  	[tilespmem:s12], [sflag:$0x4] =	stream.strided.gather [hbm4b:s28+s7], $0x4E80, s8, s7, $0x38;
	[tilespmem:$0x1E780] =	vst v63  }
0xc4: {  	_ =	swait.ge [sflag:s24], $0x4E80  }
0xc5: {  	[sflag:s24] =	ssyncset.done $0x0  }
0xc6: {  	[sflag:s24] =	ssyncadd.s32 $0xFFFFB180  }
0xc7: {  	v2 =	vld [tilespmem:$0x300];
	_ =	sdelay $0x5  }
0xc8: {  	v3 =	vld [tilespmem:$0x310];
	_ =	sdelay $0x1  }
0xc9: {  	v2 =	vld.idx.msk [tilespmem:v2+s15+$0x0], $0xffff;
	_ =	sdelay $0x3  }
0xca: {  	v58 =	vld [tilespmem:$0x300]  }
0xcb: {  	[tilespmem:$0x1E200] =	vst v2  }
0xcc: {  	v2 =	vld.idx.msk [tilespmem:v3+s15+$0x0], $0xffff;
	_ =	sdelay $0x4  }
0xcd: {  	[tilespmem:$0x1E210] =	vst v2  }
0xce: {  	[tilespmem:v58+s15+$0x0] =	vst.idx.msk $0xffff, v0  }
0xcf: {  	v2 =	vld [tilespmem:$0x310];
	_ =	sdelay $0x7  }
0xd0: {  	s29 =	rddreg [dreg:$0xa];
	[tilespmem:v2+s15+$0x0] =	vst.idx.msk $0xffff, v0  }
0xd1: {  	[hbm4b:s29+s7] =	stream.strided.scatter [tilespmem:s15], [sflag:$0xC], $0x4E80, s8, s7, $0x38;
	[tilespmem:$0x1E780] =	vst v63  }
0xd2: {  	_ =	swait.ge [sflag:s25], $0x4E80  }
0xd3: {  	(v2sf) =	vpush v1, $0xA;
	_ =	sdelay $0xe  }
0xd4: {  	s30 =	spop (v2sf)  }
0xd5: {  	s31 =	sshrl.u32 s30, $0x3  }
0xd6: {  	s28 =	sshll.u32 s30, $0x7;
	s29 =	smul.u32 $0x27400, s31  }
0xd7: {  	s28 =	sand.u32 $0x380, s28  }
0xd8: {  	s28 =	sor.u32 s28, s29  }
0xd9: {  	[sflag:s25] =	ssyncset.done $0x0;
	s28 =	sshrl.u32 s28, $0x3  }
0xda: {  	[sflag:s25] =	ssyncadd.s32 $0xFFFFB180;
	s28 =	sadd.s32 s4, s28  }
0xdb: {  	[tilespmem:s13], [sflag:$0x5] =	stream.strided.gather [hbm4b:s28+s7], $0x4E80, s8, s7, $0x38;
	[tilespmem:$0x1E780] =	vst v63  }
0xdc: {  	_ =	swait.ge [sflag:s14], $0x4E80  }
0xdd: {  	[sflag:s14] =	ssyncset.done $0x0  }
0xde: {  	[sflag:s14] =	ssyncadd.s32 $0xFFFFB180  }
0xdf: {  	v2 =	vld [tilespmem:$0x380];
	_ =	sdelay $0x5  }
0xe0: {  	v3 =	vld [tilespmem:$0x390];
	_ =	sdelay $0x1  }
0xe1: {  	v2 =	vld.idx.msk [tilespmem:v2+s9+$0x0], $0xffff;
	_ =	sdelay $0x3  }
0xe2: {  	v59 =	vld [tilespmem:$0x380]  }
0xe3: {  	[tilespmem:$0x1E280] =	vst v2  }
0xe4: {  	v2 =	vld.idx.msk [tilespmem:v3+s9+$0x0], $0xffff;
	_ =	sdelay $0x4  }
0xe5: {  	[tilespmem:$0x1E290] =	vst v2  }
0xe6: {  	[tilespmem:v59+s9+$0x0] =	vst.idx.msk $0xffff, v0  }
0xe7: {  	v2 =	vld [tilespmem:$0x390];
	_ =	sdelay $0x7  }
0xe8: {  	s29 =	rddreg [dreg:$0xb];
	[tilespmem:v2+s9+$0x0] =	vst.idx.msk $0xffff, v0  }
0xe9: {  	[hbm4b:s29+s7] =	stream.strided.scatter [tilespmem:s9], [sflag:$0x7], $0x4E80, s8, s7, $0x38;
	[tilespmem:$0x1E780] =	vst v63  }
0xea: {  	_ =	swait.ge [sflag:s26], $0x4E80  }
0xeb: {  	(v2sf) =	vpush v1, $0xB;
	_ =	sdelay $0xe  }
0xec: {  	s30 =	spop (v2sf)  }
0xed: {  	s31 =	sshrl.u32 s30, $0x3  }
0xee: {  	s28 =	sshll.u32 s30, $0x7;
	s29 =	smul.u32 $0x27400, s31  }
0xef: {  	s28 =	sand.u32 $0x380, s28  }
0xf0: {  	s28 =	sor.u32 s28, s29  }
0xf1: {  	[sflag:s26] =	ssyncset.done $0x0;
	s28 =	sshrl.u32 s28, $0x3  }
0xf2: {  	[sflag:s26] =	ssyncadd.s32 $0xFFFFB180;
	s28 =	sadd.s32 s4, s28  }
0xf3: {  	[tilespmem:s15], [sflag:$0x6] =	stream.strided.gather [hbm4b:s28+s7], $0x4E80, s8, s7, $0x38;
	[tilespmem:$0x1E780] =	vst v63  }
0xf4: {  	_ =	swait.ge [sflag:s16], $0x4E80  }
0xf5: {  	[sflag:s16] =	ssyncset.done $0x0  }
0xf6: {  	[sflag:s16] =	ssyncadd.s32 $0xFFFFB180  }
0xf7: {  	v2 =	vld [tilespmem:$0x400];
	_ =	sdelay $0x5  }
0xf8: {  	v3 =	vld [tilespmem:$0x410];
	_ =	sdelay $0x1  }
0xf9: {  	v2 =	vld.idx.msk [tilespmem:v2+s10+$0x0], $0xffff;
	_ =	sdelay $0x3  }
0xfa: {  	v60 =	vld [tilespmem:$0x400]  }
0xfb: {  	[tilespmem:$0x1E300] =	vst v2  }
0xfc: {  	v2 =	vld.idx.msk [tilespmem:v3+s10+$0x0], $0xffff;
	_ =	sdelay $0x4  }
0xfd: {  	[tilespmem:$0x1E310] =	vst v2  }
0xfe: {  	[tilespmem:v60+s10+$0x0] =	vst.idx.msk $0xffff, v0  }
0xff: {  	v2 =	vld [tilespmem:$0x410];
	_ =	sdelay $0x7  }
0x100: {  	s29 =	rddreg [dreg:$0xc];
	[tilespmem:v2+s10+$0x0] =	vst.idx.msk $0xffff, v0  }
0x101: {  	[hbm4b:s29+s7] =	stream.strided.scatter [tilespmem:s10], [sflag:$0x8], $0x4E80, s8, s7, $0x38;
	[tilespmem:$0x1E780] =	vst v63  }
0x102: {  	_ =	swait.ge [sflag:s17], $0x4E80  }
0x103: {  	(v2sf) =	vpush v1, $0xC;
	_ =	sdelay $0xe  }
0x104: {  	s30 =	spop (v2sf)  }
0x105: {  	s31 =	sshrl.u32 s30, $0x3  }
0x106: {  	s28 =	sshll.u32 s30, $0x7;
	s29 =	smul.u32 $0x27400, s31  }
0x107: {  	s28 =	sand.u32 $0x380, s28  }
0x108: {  	s28 =	sor.u32 s28, s29  }
0x109: {  	[sflag:s17] =	ssyncset.done $0x0;
	s28 =	sshrl.u32 s28, $0x3  }
0x10a: {  	[sflag:s17] =	ssyncadd.s32 $0xFFFFB180;
	s28 =	sadd.s32 s4, s28  }
0x10b: {  	[tilespmem:s9], [sflag:$0x1] =	stream.strided.gather [hbm4b:s28+s7], $0x4E80, s8, s7, $0x38;
	[tilespmem:$0x1E780] =	vst v63  }
0x10c: {  	_ =	swait.ge [sflag:s18], $0x4E80  }
0x10d: {  	[sflag:s18] =	ssyncset.done $0x0  }
0x10e: {  	[sflag:s18] =	ssyncadd.s32 $0xFFFFB180  }
0x10f: {  	v2 =	vld [tilespmem:$0x480];
	_ =	sdelay $0x5  }
0x110: {  	v3 =	vld [tilespmem:$0x490];
	_ =	sdelay $0x1  }
0x111: {  	v2 =	vld.idx.msk [tilespmem:v2+s11+$0x0], $0xffff;
	_ =	sdelay $0x3  }
0x112: {  	v61 =	vld [tilespmem:$0x480]  }
0x113: {  	[tilespmem:$0x1E380] =	vst v2  }
0x114: {  	v2 =	vld.idx.msk [tilespmem:v3+s11+$0x0], $0xffff;
	_ =	sdelay $0x4  }
0x115: {  	[tilespmem:$0x1E390] =	vst v2  }
0x116: {  	[tilespmem:v61+s11+$0x0] =	vst.idx.msk $0xffff, v0  }
0x117: {  	v2 =	vld [tilespmem:$0x490];
	_ =	sdelay $0x7  }
0x118: {  	s29 =	rddreg [dreg:$0xd];
	[tilespmem:v2+s11+$0x0] =	vst.idx.msk $0xffff, v0  }
0x119: {  	[hbm4b:s29+s7] =	stream.strided.scatter [tilespmem:s11], [sflag:$0x9], $0x4E80, s8, s7, $0x38;
	[tilespmem:$0x1E780] =	vst v63  }
0x11a: {  	_ =	swait.ge [sflag:s19], $0x4E80  }
0x11b: {  	(v2sf) =	vpush v1, $0xD;
	_ =	sdelay $0xe  }
0x11c: {  	s30 =	spop (v2sf)  }
0x11d: {  	s31 =	sshrl.u32 s30, $0x3  }
0x11e: {  	s28 =	sshll.u32 s30, $0x7;
	s29 =	smul.u32 $0x27400, s31  }
0x11f: {  	s28 =	sand.u32 $0x380, s28  }
0x120: {  	s28 =	sor.u32 s28, s29  }
0x121: {  	[sflag:s19] =	ssyncset.done $0x0;
	s28 =	sshrl.u32 s28, $0x3  }
0x122: {  	[sflag:s19] =	ssyncadd.s32 $0xFFFFB180;
	s28 =	sadd.s32 s4, s28  }
0x123: {  	[tilespmem:s10], [sflag:$0x2] =	stream.strided.gather [hbm4b:s28+s7], $0x4E80, s8, s7, $0x38;
	[tilespmem:$0x1E780] =	vst v63  }
0x124: {  	_ =	swait.ge [sflag:s20], $0x4E80  }
0x125: {  	[sflag:s20] =	ssyncset.done $0x0  }
0x126: {  	[sflag:s20] =	ssyncadd.s32 $0xFFFFB180  }
0x127: {  	v2 =	vld [tilespmem:$0x500];
	_ =	sdelay $0x5  }
0x128: {  	v3 =	vld [tilespmem:$0x510];
	_ =	sdelay $0x1  }
0x129: {  	v2 =	vld.idx.msk [tilespmem:v2+s12+$0x0], $0xffff;
	_ =	sdelay $0x3  }
0x12a: {  	v62 =	vld [tilespmem:$0x500]  }
0x12b: {  	[tilespmem:$0x1E400] =	vst v2  }
0x12c: {  	v2 =	vld.idx.msk [tilespmem:v3+s12+$0x0], $0xffff;
	_ =	sdelay $0x4  }
0x12d: {  	[tilespmem:$0x1E410] =	vst v2  }
0x12e: {  	[tilespmem:v62+s12+$0x0] =	vst.idx.msk $0xffff, v0  }
0x12f: {  	v2 =	vld [tilespmem:$0x510];
	_ =	sdelay $0x7  }
0x130: {  	s29 =	rddreg [dreg:$0xe];
	[tilespmem:v2+s12+$0x0] =	vst.idx.msk $0xffff, v0  }
0x131: {  	[hbm4b:s29+s7] =	stream.strided.scatter [tilespmem:s12], [sflag:$0xA], $0x4E80, s8, s7, $0x38;
	[tilespmem:$0x1E780] =	vst v63  }
0x132: {  	_ =	swait.ge [sflag:s21], $0x4E80  }
0x133: {  	(v2sf) =	vpush v1, $0xE;
	_ =	sdelay $0xe  }
0x134: {  	s30 =	spop (v2sf)  }
0x135: {  	s31 =	sshrl.u32 s30, $0x3  }
0x136: {  	s28 =	sshll.u32 s30, $0x7;
	s29 =	smul.u32 $0x27400, s31  }
0x137: {  	s28 =	sand.u32 $0x380, s28  }
0x138: {  	s28 =	sor.u32 s28, s29  }
0x139: {  	[sflag:s21] =	ssyncset.done $0x0;
	s28 =	sshrl.u32 s28, $0x3  }
0x13a: {  	[sflag:s21] =	ssyncadd.s32 $0xFFFFB180;
	s28 =	sadd.s32 s4, s28  }
0x13b: {  	[tilespmem:s11], [sflag:$0x3] =	stream.strided.gather [hbm4b:s28+s7], $0x4E80, s8, s7, $0x38;
	[tilespmem:$0x1E780] =	vst v63  }
0x13c: {  	_ =	swait.ge [sflag:s22], $0x4E80  }
0x13d: {  	[sflag:s22] =	ssyncset.done $0x0  }
0x13e: {  	[sflag:s22] =	ssyncadd.s32 $0xFFFFB180  }
0x13f: {  	v2 =	vld [tilespmem:$0x580];
	_ =	sdelay $0x5  }
0x140: {  	v3 =	vld [tilespmem:$0x590];
	_ =	sdelay $0x1  }
0x141: {  	v2 =	vld.idx.msk [tilespmem:v2+s13+$0x0], $0xffff;
	_ =	sdelay $0x3  }
0x142: {  	v63 =	vld [tilespmem:$0x580]  }
0x143: {  	[tilespmem:$0x1E480] =	vst v2  }
0x144: {  	v2 =	vld.idx.msk [tilespmem:v3+s13+$0x0], $0xffff;
	_ =	sdelay $0x4  }
0x145: {  	[tilespmem:$0x1E490] =	vst v2  }
0x146: {  	[tilespmem:v63+s13+$0x0] =	vst.idx.msk $0xffff, v0  }
0x147: {  	v2 =	vld [tilespmem:$0x590];
	_ =	sdelay $0x7  }
0x148: {  	s30 =	rddreg [dreg:$0xf];
	[tilespmem:v2+s13+$0x0] =	vst.idx.msk $0xffff, v0  }
0x149: {  	[hbm4b:s30+s7] =	stream.strided.scatter [tilespmem:s13], [sflag:$0xB], $0x4E80, s8, s7, $0x38;
	[tilespmem:$0x1E780] =	vst v63  }
0x14a: {  	_ =	swait.ge [sflag:s23], $0x4E80  }
0x14b: {  	(v2sf) =	vpush v1, $0xF;
	_ =	sdelay $0xe  }
0x14c: {  	s31 =	spop (v2sf)  }
0x14d: {  	s30 =	sshrl.u32 s31, $0x3  }
0x14e: {  	s28 =	sshll.u32 s31, $0x7;
	s29 =	smul.u32 $0x27400, s30  }
0x14f: {  	s28 =	sand.u32 $0x380, s28  }
0x150: {  	s28 =	sor.u32 s28, s29  }
0x151: {  	[sflag:s23] =	ssyncset.done $0x0;
	s28 =	sshrl.u32 s28, $0x3  }
0x152: {  	[sflag:s23] =	ssyncadd.s32 $0xFFFFB180;
	s28 =	sadd.s32 s4, s28  }
0x153: {  	[tilespmem:s12], [sflag:$0x4] =	stream.strided.gather [hbm4b:s28+s7], $0x4E80, s8, s7, $0x38;
	[tilespmem:$0x1E780] =	vst v63  }
0x154: {  	_ =	swait.ge [sflag:s24], $0x4E80  }
0x155: {  	[sflag:s24] =	ssyncset.done $0x0  }
0x156: {  	[sflag:s24] =	ssyncadd.s32 $0xFFFFB180  }
0x157: {  	v1 =	vld [tilespmem:$0x600];
	_ =	sdelay $0x5  }
0x158: {  	v2 =	vld [tilespmem:$0x610];
	_ =	sdelay $0x1  }
0x159: {  	v1 =	vld.idx.msk [tilespmem:v1+s15+$0x0], $0xffff;
	_ =	sdelay $0x3  }
0x15a: {  	v3 =	vld [tilespmem:$0x600]  }
0x15b: {  	[tilespmem:$0x1E500] =	vst v1  }
0x15c: {  	v1 =	vld.idx.msk [tilespmem:v2+s15+$0x0], $0xffff;
	_ =	sdelay $0x4  }
0x15d: {  	[tilespmem:$0x1E510] =	vst v1  }
0x15e: {  	[tilespmem:v3+s15+$0x0] =	vst.idx.msk $0xffff, v0  }
0x15f: {  	v1 =	vld [tilespmem:$0x610];
	_ =	sdelay $0x7  }
0x160: {  	s31 =	rddreg [dreg:$0x10];
	[tilespmem:v1+s15+$0x0] =	vst.idx.msk $0xffff, v0  }
0x161: {  	[hbm4b:s31+s7] =	stream.strided.scatter [tilespmem:s15], [sflag:$0xC], $0x4E80, s8, s7, $0x38;
	[tilespmem:$0x1E780] =	vst v63  }
0x162: {  	_ =	swait.ge [sflag:s14], $0x4E80  }
0x163: {  	[sflag:s14] =	ssyncset.done $0x0  }
0x164: {  	[sflag:s14] =	ssyncadd.s32 $0xFFFFB180  }
0x165: {  	v1 =	vld [tilespmem:$0x680];
	_ =	sdelay $0x5  }
0x166: {  	v2 =	vld [tilespmem:$0x690];
	_ =	sdelay $0x1  }
0x167: {  	v1 =	vld.idx.msk [tilespmem:v1+s9+$0x0], $0xffff;
	_ =	sdelay $0x3  }
0x168: {  	v3 =	vld [tilespmem:$0x680]  }
0x169: {  	[tilespmem:$0x1E580] =	vst v1  }
0x16a: {  	v1 =	vld.idx.msk [tilespmem:v2+s9+$0x0], $0xffff;
	_ =	sdelay $0x4  }
0x16b: {  	[tilespmem:$0x1E590] =	vst v1  }
0x16c: {  	[tilespmem:v3+s9+$0x0] =	vst.idx.msk $0xffff, v0  }
0x16d: {  	v1 =	vld [tilespmem:$0x690];
	_ =	sdelay $0x7  }
0x16e: {  	s29 =	rddreg [dreg:$0x11];
	[tilespmem:v1+s9+$0x0] =	vst.idx.msk $0xffff, v0  }
0x16f: {  	[hbm4b:s29+s7] =	stream.strided.scatter [tilespmem:s9], [sflag:$0x7], $0x4E80, s8, s7, $0x38;
	[tilespmem:$0x1E780] =	vst v63  }
0x170: {  	_ =	swait.ge [sflag:s16], $0x4E80  }
0x171: {  	[sflag:s16] =	ssyncset.done $0x0  }
0x172: {  	[sflag:s16] =	ssyncadd.s32 $0xFFFFB180  }
0x173: {  	v1 =	vld [tilespmem:$0x700];
	_ =	sdelay $0x5  }
0x174: {  	v2 =	vld [tilespmem:$0x710];
	_ =	sdelay $0x1  }
0x175: {  	v1 =	vld.idx.msk [tilespmem:v1+s10+$0x0], $0xffff;
	_ =	sdelay $0x3  }
0x176: {  	v3 =	vld [tilespmem:$0x700]  }
0x177: {  	[tilespmem:$0x1E600] =	vst v1  }
0x178: {  	v1 =	vld.idx.msk [tilespmem:v2+s10+$0x0], $0xffff;
	_ =	sdelay $0x4  }
0x179: {  	[tilespmem:$0x1E610] =	vst v1  }
0x17a: {  	[tilespmem:v3+s10+$0x0] =	vst.idx.msk $0xffff, v0  }
0x17b: {  	v1 =	vld [tilespmem:$0x710];
	_ =	sdelay $0x7  }
0x17c: {  	s30 =	rddreg [dreg:$0x12];
	[tilespmem:v1+s10+$0x0] =	vst.idx.msk $0xffff, v0  }
0x17d: {  	[hbm4b:s30+s7] =	stream.strided.scatter [tilespmem:s10], [sflag:$0x8], $0x4E80, s8, s7, $0x38;
	[tilespmem:$0x1E780] =	vst v63  }
0x17e: {  	_ =	swait.ge [sflag:s18], $0x4E80  }
0x17f: {  	[sflag:s18] =	ssyncset.done $0x0  }
0x180: {  	[sflag:s18] =	ssyncadd.s32 $0xFFFFB180  }
0x181: {  	v1 =	vld [tilespmem:$0x780];
	_ =	sdelay $0x5  }
0x182: {  	v2 =	vld [tilespmem:$0x790];
	_ =	sdelay $0x1  }
0x183: {  	v1 =	vld.idx.msk [tilespmem:v1+s11+$0x0], $0xffff;
	_ =	sdelay $0x3  }
0x184: {  	v3 =	vld [tilespmem:$0x780]  }
0x185: {  	[tilespmem:$0x1E680] =	vst v1  }
0x186: {  	v1 =	vld.idx.msk [tilespmem:v2+s11+$0x0], $0xffff;
	_ =	sdelay $0x4  }
0x187: {  	[tilespmem:$0x1E690] =	vst v1  }
0x188: {  	[tilespmem:v3+s11+$0x0] =	vst.idx.msk $0xffff, v0  }
0x189: {  	v1 =	vld [tilespmem:$0x790];
	_ =	sdelay $0x7  }
0x18a: {  	s31 =	rddreg [dreg:$0x13];
	[tilespmem:v1+s11+$0x0] =	vst.idx.msk $0xffff, v0  }
0x18b: {  	[hbm4b:s31+s7] =	stream.strided.scatter [tilespmem:s11], [sflag:$0x9], $0x4E80, s8, s7, $0x38;
	[tilespmem:$0x1E780] =	vst v63  }
0x18c: {  	_ =	swait.ge [sflag:s20], $0x4E80  }
0x18d: {  	[sflag:s20] =	ssyncset.done $0x0  }
0x18e: {  	[sflag:s20] =	ssyncadd.s32 $0xFFFFB180  }
0x18f: {  	v1 =	vld [tilespmem:$0x800];
	_ =	sdelay $0x5  }
0x190: {  	v2 =	vld [tilespmem:$0x810];
	_ =	sdelay $0x1  }
0x191: {  	v1 =	vld.idx.msk [tilespmem:v1+s12+$0x0], $0xffff;
	_ =	sdelay $0x3  }
0x192: {  	v3 =	vld [tilespmem:$0x800]  }
0x193: {  	[tilespmem:$0x1E700] =	vst v1  }
0x194: {  	v1 =	vld.idx.msk [tilespmem:v2+s12+$0x0], $0xffff;
	_ =	sdelay $0x4  }
0x195: {  	[tilespmem:$0x1E710] =	vst v1  }
0x196: {  	[tilespmem:v3+s12+$0x0] =	vst.idx.msk $0xffff, v0  }
0x197: {  	v1 =	vld [tilespmem:$0x810];
	_ =	sdelay $0x7  }
0x198: {  	s29 =	rddreg [dreg:$0x14];
	[tilespmem:v1+s12+$0x0] =	vst.idx.msk $0xffff, v0  }
0x199: {  	[hbm4b:s29+s7] =	stream.strided.scatter [tilespmem:s12], [sflag:$0xA], $0x4E80, s8, s7, $0x38;
	[tilespmem:$0x1E780] =	vst v63  }
0x19a: {  	_ =	swait.ge [sflag:s25], $0x4E80  }
0x19b: {  	[sflag:s25] =	ssyncset.done $0x0  }
0x19c: {  	[sflag:s25] =	ssyncadd.s32 $0xFFFFB180  }
0x19d: {  	_ =	swait.ge [sflag:s26], $0x4E80  }
0x19e: {  	[sflag:s26] =	ssyncset.done $0x0  }
0x19f: {  	[sflag:s26] =	ssyncadd.s32 $0xFFFFB180  }
0x1a0: {  	_ =	swait.ge [sflag:s17], $0x4E80  }
0x1a1: {  	[sflag:s17] =	ssyncset.done $0x0  }
0x1a2: {  	[sflag:s17] =	ssyncadd.s32 $0xFFFFB180  }
0x1a3: {  	_ =	swait.ge [sflag:s19], $0x4E80  }
0x1a4: {  	[sflag:s19] =	ssyncset.done $0x0  }
0x1a5: {  	[sflag:s19] =	ssyncadd.s32 $0xFFFFB180  }
0x1a6: {  	_ =	swait.ge [sflag:s21], $0x4E80  }
0x1a7: {  	[sflag:s21] =	ssyncset.done $0x0  }
0x1a8: {  	[sflag:s21] =	ssyncadd.s32 $0xFFFFB180  }
0x1a9: {  	_ =	swait.ge [sflag:s23], $0x4E80  }
0x1aa: {  	p0 =	sne.s32 s5, $0x1;
	s30 =	rddreg [dreg:$0x15];
	[sflag:s23] =	ssyncset.done $0x0  }
.Ltmp0:
0x1ab: {  	s31 =	rddreg [dreg:$0x16];
	[sflag:s23] =	ssyncadd.s32 $0xFFFFB180;
	(pc) =	sbr.rel @p0 .LBB2_1-.Ltmp0, $4  }
0x1ac: {  	[hbm4b:s30+s2] =	stream.linear.scatter [tilespmem:s31], [sflag:$0xD], $0x800, $0x38;
	[tilespmem:$0x1E780] =	vst v63  }
0x1ad: {  	_ =	swait.ge [sflag:s6], $0x800  }
0x1ae: {  	[sflag:s6] =	ssyncset.done $0x0  }
0x1af: {  	s5 =	sadd.s32 $0xFFFFFFFF, s5;
	[sflag:s6] =	ssyncadd.s32 $0xFFFFF800  }
0x1b0: {  	_ =	sfence.sel $0x180000  }
0x1b1: {  	[bflag:$0x0] =	sbarrier.arrive $0xFFFF  }
0x1b2: {  	p0 =	sne.s32 s0, $0x0;
	_ =	strace $0x90000047  }
0x1b3: {  	s0 =	sadd.s32 @!p0 $0x100000, s1;
	[bflag:$0x2] =	sbarrier.arrive $0xFFFF  }
0x1b4: {  	[sflag:s0] =	ssyncadd.tile.s32 @!p0 $0x1;
	_ =	shalt  }
.Lfunc_end2:
_tile_overlayer_lowered:
.L_overlay_start_2:
0x1b5: {  	(tag) =	ssettag $0x2  }
0x1b6: {  	s0 =	rddreg [dreg:$0x0];
	s2 =	stileid.u32  }
0x1b7: {  	s1 =	rddreg [dreg:$0x1];
	p0 =	sne.s32 s2, $0x0  }
0x1b8: {  	s3 =	rddreg [dreg:$0x2];
	[bflag:$0x3] =	sbarrier.arrive $0xFFFF;
	s2 =	simm.s32 @!p0 $0x1C0D  }
0x1b9: {  	[timem:s3], [sflag:s2] =	dma.local @!p0 [hbm:s0], s1  }
0x1ba: {  	s0 =	simm.s32 @!p0 $0xD  }
0x1bb: {  	_ =	swait.ge @!p0 [sflag:s0], s1  }
0x1bc: {  	s1 =	ssub.s32 @!p0 $0x0, s1;
	[sflag:s0] =	ssyncset.done @!p0 $0x0  }
0x1bd: {  	[sflag:s0] =	ssyncadd.s32 @!p0 s1  }
0x1be: {  	[bflag:$0x3] =	sbarrier.arrive $0xFFFF  }
0x1bf: {  	_ =	shalt  }

// kernel: kernel.8.cloned.1.call-start
scs
__scs_entry_jumppad:
0x0: {  	(pc) =	sbr.rel $0x88, $3  }
0x1: {  	(tag) =	ssettag $0x0;
	lr =	simm.s32 $0x1  }
0x2: {  	[smem:$0x3F97] =	sst lr;
	_ =	strace $0xD0000000  }
0x3: {  	_ = 	snop  }
0x4: {  	_ = 	snop  }
0x5: {  	_ = 	snop  }
0x6: {  	_ = 	snop  }
0x7: {  	_ = 	snop  }
__scs_overlays_trampoline_lowered:
0x8: {  	[smem:$0x3FA6] =	sst s0  }
0x9: {  	[smem:$0x3FA7] =	sst s1  }
0xa: {  	[smem:$0x3FA8] =	sst s2  }
0xb: {  	[smem:$0x3FA9] =	sst s3  }
0xc: {  	[smem:$0x3FAA] =	sst s4  }
0xd: {  	[smem:$0x3FAB] =	sst s5  }
0xe: {  	[smem:$0x3FAC] =	sst s6  }
0xf: {  	[smem:$0x3FAD] =	sst s7  }
0x10: {  	[smem:$0x3FAE] =	sst s8  }
0x11: {  	[smem:$0x3FAF] =	sst s9;
	s0 =	simm.s32 @!p0 $0x0  }
0x12: {  	s1 =	sld [smem:$0x3F95];
	s0 =	simm.s32 @p0 $0x1  }
0x13: {  	[smem:$0x3FB0] =	sst s0;
	s0 =	simm.s32 @!p1 $0x0  }
0x14: {  	s2 =	sld [smem:$0x3F94];
	s0 =	simm.s32 @p1 $0x1  }
0x15: {  	[smem:$0x3FB1] =	sst s0;
	s0 =	simm.s32 @!p2 $0x0  }
0x16: {  	s3 =	sld [smem:$0x3FDB];
	s0 =	simm.s32 @p2 $0x1  }
0x17: {  	s4 =	simm.s32 $0x1BF5;
	[smem:$0x3FB3] =	sst s0  }
0x18: {  	s0 =	sld [smem:$0x3F96];
	_ =	swait.ge [sflag:s4], $0x0  }
0x19: {  	s7 =	sld [smem:$0x3F97]  }
0x1a: {  	s8 =	sadd.s32 $0xFFFFE003, lr  }
0x1b: {  	s9 =	sadd.s32 $0xFFFFFEF7, lr;
	s5 =	simm.s32 $0xFFFFFFFF;
	p2 =	slt.u32 s8, $0xFFFFF086  }
0x1c: {  	p1 =	slt.u32 s9, $0xF7A;
	s5 =	simm.s32 @!p2 $0x0  }
0x1d: {  	s5 =	simm.s32 @p1 $0x1;
	p0 =	seq.s32 s7, s2  }
0x1e: {  	s7 =	smul.u32 @!p0 $0xF7A, s2;
	p2 =	seq.s32 @!p0 s5, $0x0  }
0x1f: {  	s9 =	smul.u32 $0xF7A, s1;
	s8 =	simm.s32 @!p0 $0x1BF5;
	p2 =	por !p2, p0  }
0x20: {  	[sflag:s8] =	ssyncset.s32 @!p0 $0xFFFFF086;
	s6 =	sadd.s32 @!p0 s3, s7;
	s7 =	simm.s32 @!p0 $0x108  }
0x21: {  	s3 =	sadd.s32 s3, s9;
	s6 =	sadd.s32 @!p0 $0x88, s6;
	s7 =	simm.s32 @p2 $0x1082  }
0x22: {  	[simem:s7], [sflag:s8] =	dma.local @!p0 [hbm:s6], $0xF7A  }
0x23: {  	s9 =	sor.u32 $0xD0000000, s2;
	s6 =	simm.s32 $0x108;
	_ =	swait.ge @!p0 [sflag:s8], $0x0  }
0x24: {  	s3 =	sadd.s32 $0x88, s3;
	s6 =	simm.s32 @!p1 $0x1082;
	[sflag:s4] =	ssyncset.s32 $0xFFFFF086  }
0x25: {  	[simem:s6], [sflag:s4] =	dma.local [hbm:s3], $0xF7A  }
0x26: {  	[smem:$0x3F97] =	sst s1;
	(tag) =	ssettag s2;
	_ =	strace s9  }
0x27: {  	s1 =	sld [smem:$0x3FA7]  }
0x28: {  	s2 =	sld [smem:$0x3FA8]  }
0x29: {  	s4 =	sld [smem:$0x3FAA]  }
0x2a: {  	p0 =	seq.s32 s5, $0x0;
	s5 =	sld [smem:$0x3FAB]  }
0x2b: {  	s6 =	sld [smem:$0x3FAC]  }
0x2c: {  	s7 =	sld [smem:$0x3FAD]  }
0x2d: {  	s3 =	simm.s32 $0x108;
	s8 =	sld [smem:$0x3FAE]  }
0x2e: {  	s3 =	simm.s32 @!p0 $0x1082;
	s9 =	sld [smem:$0x3FAF]  }
0x2f: {  	lr =	sadd.s32 s0, s3;
	s0 =	sld [smem:$0x3FA6]  }
0x30: {  	s3 =	sld [smem:$0x3FA9]  }
0x31: {  	[smem:$0x3FB2] =	sst s10  }
0x32: {  	s10 =	sld [smem:$0x3FB0];
	_ =	sdelay $0x3  }
0x33: {  	p0 =	seq.s32 s10, $0x1;
	s10 =	sld [smem:$0x3FB2];
	_ =	sdelay $0x3  }
0x34: {  	[smem:$0x3FB2] =	sst s10  }
0x35: {  	s10 =	sld [smem:$0x3FB1];
	_ =	sdelay $0x3  }
0x36: {  	p1 =	seq.s32 s10, $0x1;
	s10 =	sld [smem:$0x3FB2];
	_ =	sdelay $0x3  }
0x37: {  	[smem:$0x3FB2] =	sst s10  }
0x38: {  	s10 =	sld [smem:$0x3FB3]  }
0x39: {  	_ = 	snop;
	(pc) =	sbr.ind lr, $3  }
0x3a: {  	_ = 	snop  }
0x3b: {  	_ = 	snop  }
0x3c: {  	p2 =	seq.s32 s10, $0x1;
	s10 =	sld [smem:$0x3FB2]  }
0x3d: {  	_ =	shalt  }
0x3e: {  	_ =	shalt  }
0x3f: {  	_ =	shalt  }
0x40: {  	_ =	shalt  }
0x41: {  	_ =	shalt  }
0x42: {  	_ =	shalt  }
0x43: {  	_ =	shalt  }
0x44: {  	_ =	shalt  }
0x45: {  	_ =	shalt  }
0x46: {  	_ =	shalt  }
0x47: {  	_ =	shalt  }
0x48: {  	_ =	shalt  }
0x49: {  	_ =	shalt  }
0x4a: {  	_ =	shalt  }
0x4b: {  	_ =	shalt  }
0x4c: {  	_ =	shalt  }
0x4d: {  	_ =	shalt  }
0x4e: {  	_ =	shalt  }
0x4f: {  	_ =	shalt  }
0x50: {  	_ =	shalt  }
0x51: {  	_ =	shalt  }
0x52: {  	_ =	shalt  }
0x53: {  	_ =	shalt  }
0x54: {  	_ =	shalt  }
0x55: {  	_ =	shalt  }
0x56: {  	_ =	shalt  }
0x57: {  	_ =	shalt  }
0x58: {  	_ =	shalt  }
0x59: {  	_ =	shalt  }
0x5a: {  	_ =	shalt  }
0x5b: {  	_ =	shalt  }
0x5c: {  	_ =	shalt  }
0x5d: {  	_ =	shalt  }
0x5e: {  	_ =	shalt  }
0x5f: {  	_ =	shalt  }
0x60: {  	_ =	shalt  }
0x61: {  	_ =	shalt  }
0x62: {  	_ =	shalt  }
0x63: {  	_ =	shalt  }
0x64: {  	_ =	shalt  }
0x65: {  	_ =	shalt  }
0x66: {  	_ =	shalt  }
0x67: {  	_ =	shalt  }
0x68: {  	_ =	shalt  }
0x69: {  	_ =	shalt  }
0x6a: {  	_ =	shalt  }
0x6b: {  	_ =	shalt  }
0x6c: {  	_ =	shalt  }
0x6d: {  	_ =	shalt  }
0x6e: {  	_ =	shalt  }
0x6f: {  	_ =	shalt  }
0x70: {  	_ =	shalt  }
0x71: {  	_ =	shalt  }
0x72: {  	_ =	shalt  }
0x73: {  	_ =	shalt  }
0x74: {  	_ =	shalt  }
0x75: {  	_ =	shalt  }
0x76: {  	_ =	shalt  }
0x77: {  	_ =	shalt  }
0x78: {  	_ =	shalt  }
0x79: {  	_ =	shalt  }
0x7a: {  	_ =	shalt  }
0x7b: {  	_ =	shalt  }
0x7c: {  	_ =	shalt  }
0x7d: {  	_ =	shalt  }
0x7e: {  	_ =	shalt  }
0x7f: {  	_ =	shalt  }
0x80: {  	_ =	shalt  }
0x81: {  	_ =	shalt  }
0x82: {  	_ =	shalt  }
0x83: {  	_ =	shalt  }
0x84: {  	_ =	shalt  }
0x85: {  	_ =	shalt  }
0x86: {  	_ =	shalt  }
0x87: {  	_ =	shalt  }
.Lfunc_end0:
.L_simem_size_0:
called_computation.1_lowered:
.L_overlay_start_0:
0x88: {  	s2 =	sld [smem:$0x3FD9]  }
0x89: {  	s3 =	sld [smem:$0x3FFE];
	_ =	sdelay $0x1  }
0x8a: {  	s1 =	srdreg.scid  }
0x8b: {  	s0 =	sand.u32 $0x1, s1  }
0x8c: {  	s17 =	sshll.u32 s0, $0xA;
	s2 =	sadd.s32 s3, s2  }
0x8d: {  	s2 =	sadd.s32 s2, s17  }
0x8e: {  	[smem:$0x3FBE] =	sst s2  }
0x8f: {  	_ = 	snop  }
0x90: {  	s2 =	sld [smem:$0x3FD0];
	(tm) =	ssettm $0x1  }
0x91: {  	s18 =	sld [smem:$0x3FFB];
	_ =	sdelay $0x3  }
0x92: {  	_ =	strace s18  }
0x93: {  	s3 =	sld [smem:$0x3FFC];
	_ =	sdelay $0x3  }
0x94: {  	_ =	strace s3  }
0x95: {  	s3 =	sld [smem:$0x3FFD];
	_ =	sdelay $0x3  }
0x96: {  	_ =	strace s3  }
0x97: {  	_ =	strace $0x8FFFFFFF  }
0x98: {  	s19 =	sld [smem:$0x3FDB];
	_ =	sdelay $0x1  }
0x99: {  	s4 =	simm.s32 $_scs_section_size  }
0x9a: {  	s5 =	simm.s32 $_size__tile_overlayer_lowered;
	s6 =	simm.s32 $_tile_overlayer_lowered  }
0x9b: {  	s22 =	simm.s32 $0x1BFF;
	s21 =	sshll.u32 s6, $0x1;
	s3 =	sadd.s32 s4, s19  }
0x9c: {  	s7 =	simm.s32 $0x0;
	s20 =	sshll.u32 s5, $0x1;
	s5 =	sadd.s32 s21, s3  }
0x9d: {  	[timem:s7], [sflag:s22] =	dma.local [hbm:s5], s20  }
0x9e: {  	_ =	swait.ge [sflag:s22], s20  }
0x9f: {  	s4 =	ssub.s32 $0x0, s20;
	[sflag:s22] =	ssyncset.done $0x0  }
0xa0: {  	[sflag:s22] =	ssyncadd.s32 s4;
	_ =	sdelay $0x1  }
0xa1: {  	s23 =	simm.s32 $0x1B8B  }
0xa2: {  	_ =	swait.ge [sflag:s23], $0x1  }
0xa3: {  	[sflag:s23] =	ssyncset.done $0x0  }
0xa4: {  	s25 =	simm.s32 $0x1B8E;
	s24 =	sld [smem:$0x3FFE];
	[sflag:s23] =	ssyncadd.s32 $0xFFFFFFFF  }
0xa5: {  	s26 =	simm.s32 $execute0_lowered;
	[smem:$0x3FD2] =	sst s25  }
0xa6: {  	s5 =	sshll.u32 s26, $0x1;
	_ =	strace $0x80000049;
	[dreg:$0x1] =	wrdreg $0xFFFFFFFF  }
0xa7: {  	s28 =	simm.s32 $_size_execute0_lowered;
	s3 =	sadd.s32 s3, s5;
	[dreg:$0x0] =	wrdreg $0x0  }
0xa8: {  	s5 =	sshll.u32 s28, $0x1;
	[dreg:$0x2] =	wrdreg s3  }
0xa9: {  	[dreg:$0x3] =	wrdreg s5  }
0xaa: {  	[dreg:$0x4] =	wrdreg $0xC0  }
0xab: {  	_ =	task [dreg:s7], $0x5FFFF  }
0xac: {  	[dreg:$0x1] =	wrdreg $0xFFFFFFFF  }
0xad: {  	[dreg:$0x0] =	wrdreg $0x60  }
0xae: {  	[dreg:$0x2] =	wrdreg s2  }
0xaf: {  	[dreg:$0x3] =	wrdreg s24  }
0xb0: {  	[dreg:$0x4] =	wrdreg $0x9  }
0xb1: {  	_ =	task.clear_ibuf [dreg:s7], $0x5FFFF;
	_ =	strace $0x90000049  }
0xb2: {  	s29 =	simm.s32 $0x9;
	_ =	strace $0x8000004B  }
0xb3: {  	_ =	swait.ge [sflag:s29], $0x1  }
0xb4: {  	[sflag:s29] =	ssyncadd.s32 $0xFFFFFFFF  }
0xb5: {  	_ =	strace $0x9000004B  }
0xb6: {  	_ =	sfence  }
0xb7: {  	s30 =	sld [smem:$0x0];
	_ =	sdelay $0x2  }
0xb8: {  	s31 =	sshll.u32 s1, $0xD;
	s1 =	sshrl.u32 s1, $0x2  }
0xb9: {  	s3 =	sand.u32 $0x4000, s31;
	s1 =	sadd.s32 s1, s30  }
0xba: {  	s0 =	sor.u32 s3, s0;
	s1 =	sshll.u32 s1, $0x11  }
0xbb: {  	s0 =	sor.u32 s1, s0  }
0xbc: {  	s0 =	sadd.s32 $0x8F2B, s0  }
0xbd: {  	[sflag:s0] =	ssyncadd.remote.s32 $0x1  }
0xbe: {  	_ =	sfence.sel $0xFFFF  }
0xbf: {  	[dreg:$0x0] =	wrdreg $0xFFFFFFFF;
	(pc) =	sbr.abs _section_cstart, $3  }
0xc0: {  	[dreg:$0x1] =	wrdreg $0xFFFFFFFF  }
0xc1: {  	_ =	task.clear_ibuf [dreg:s7], $0x2FFFF;
	_ =	strace $0x9FFFFFFF  }
0xc2: {  	(tm) =	ssettm $0x7FFFFFFF  }
0xc3: {  	_ =	shalt  }
tec
execute0_lowered:
.L_overlay_start_1:
0x0: {  	(tag) =	ssettag $0x1  }
0x1: {  	s0 =	srdreg.scid;
	s1 =	rddreg [dreg:$0x0]  }
0x2: {  	s3 =	stileid.u32;
	s2 =	rddreg [dreg:$0x1]  }
0x3: {  	s5 =	simm.s32 $0x0;
	s25 =	simm.s32 $0x800;
	s26 =	simm.s32 $0x1000  }
0x4: {  	s28 =	simm.s32 $0x15200;
	s29 =	simm.s32 $0x1;
	s30 =	simm.s32 $0x1A080  }
0x5: {  	s31 =	simm.s32 $0x2;
	s0 =	sand.u32 $0x1, s0;
	s3 =	sshll.u32 s3, $0x5  }
0x6: {  	[smem:$0x7FF] =	sst s5;
	s5 =	simm.s32 $0x9;
	s4 =	sshll.u32 s0, $0x4  }
0x7: {  	_ =	strace $0x8000004A;
	s0 =	ssub.s32 $0x2, s0;
	[dreg:$0x6] =	wrdreg s25  }
0x8: {  	[dreg:$0x7] =	wrdreg s26;
	s25 =	simm.s32 $0xB500;
	s3 =	sor.u32 s4, s3  }
0x9: {  	s26 =	simm.s32 $0x10380;
	s9 =	sshrl.u32 s0, $0x1;
	s4 =	sshll.u32 s3, $0x4  }
0xa: {  	s6 =	sshrl.u32 s3, $0x3;
	s0 =	ssub.s32 s0, s9;
	s9 =	simm.s32 $0xB  }
0xb: {  	s7 =	sadd.s32 s4, s2;
	s1 =	sadd.s32 s1, s4;
	s3 =	smul.u32 $0x4E80, s6  }
0xc: {  	s2 =	sadd.s32 $0x1000, s2;
	[dreg:$0x3] =	wrdreg s1;
	s8 =	sadd.s32 $0x623000, s7  }
0xd: {  	s10 =	sadd.s32 $0x13B000, s7;
	[dreg:$0x4] =	wrdreg s8;
	s3 =	sadd.s32 s2, s3  }
0xe: {  	s11 =	smul.u32 $0x27400, s6;
	[dreg:$0x5] =	wrdreg s10;
	s12 =	sadd.s32 $0x10, s3  }
0xf: {  	s4 =	simm.s32 $0x4;
	s13 =	sadd.s32 $0x20, s3;
	[dreg:$0x8] =	wrdreg s12  }
0x10: {  	s6 =	simm.s32 $0x5;
	s14 =	sadd.s32 $0x30, s3;
	[dreg:$0x9] =	wrdreg s13  }
0x11: {  	s7 =	simm.s32 $0xA;
	s16 =	sadd.s32 $0x40, s3;
	[dreg:$0xa] =	wrdreg s14  }
0x12: {  	s15 =	sshrl.u32 s11, $0x3;
	s17 =	sadd.s32 $0x50, s3;
	[dreg:$0xb] =	wrdreg s16  }
0x13: {  	s8 =	simm.s32 $0x6;
	s18 =	sadd.s32 $0x60, s3;
	[dreg:$0xc] =	wrdreg s17  }
0x14: {  	s10 =	simm.s32 $0xC;
	s19 =	sadd.s32 $0x70, s3;
	[dreg:$0xd] =	wrdreg s18  }
0x15: {  	s1 =	sadd.s32 s2, s15;
	s2 =	simm.s32 $0x8;
	[dreg:$0xe] =	wrdreg s19  }
0x16: {  	s20 =	sadd.s32 $0x4E80, s1;
	s21 =	sadd.s32 $0x4E90, s1;
	s22 =	sadd.s32 $0x4EA0, s1  }
0x17: {  	s23 =	sadd.s32 $0x4EB0, s1;
	s24 =	sadd.s32 $0x4EC0, s1;
	[dreg:$0xf] =	wrdreg s20  }
0x18: {  	s16 =	sadd.s32 $0x4ED0, s1;
	s17 =	sadd.s32 $0x4EE0, s1;
	[dreg:$0x10] =	wrdreg s21  }
0x19: {  	s18 =	sadd.s32 $0x4EF0, s1;
	s19 =	smax.u32 s0, $0x1;
	[dreg:$0x11] =	wrdreg s22  }
0x1a: {  	s1 =	simm.s32 $0x7;
	s0 =	simm.s32 $0x3;
	[dreg:$0x12] =	wrdreg s23  }
0x1b: {  	[dreg:$0x13] =	wrdreg s24;
	s20 =	simm.s32 $0xD;
	s21 =	simm.s32 $0x80  }
0x1c: {  	s22 =	simm.s32 $0x400;
	s23 =	simm.s32 $0x1800;
	s24 =	simm.s32 $0x6680  }
.LBB2_1:
0x1d: {  	s11 =	rddreg [dreg:$0x3];
	s13 =	simm.s32 $0x0  }
0x1e: {  	[tilespmem:s13], [sflag:$0xD] =	stream.linear.gather [hbm4b:s11+s13], $0x800, $0x38;
	[tilespmem:$0x1EF00] =	vst v63  }
0x1f: {  	_ =	swait.ge [sflag:s20], $0x800  }
0x20: {  	s15 =	rddreg [dreg:$0x4];
	[sflag:s20] =	ssyncset.done $0x0  }
0x21: {  	s12 =	rddreg [dreg:$0x6];
	[sflag:s20] =	ssyncadd.s32 $0xFFFFF800  }
0x22: {  	[tilespmem:s12], [sflag:$0xD] =	stream.linear.gather [hbm4b:s15+s13], $0x800, $0x38;
	[tilespmem:$0x1EF00] =	vst v63  }
0x23: {  	_ =	swait.ge [sflag:s20], $0x800  }
0x24: {  	s14 =	rddreg [dreg:$0x5];
	[sflag:s20] =	ssyncset.done $0x0  }
0x25: {  	s15 =	rddreg [dreg:$0x7];
	[sflag:s20] =	ssyncadd.s32 $0xFFFFF800  }
0x26: {  	[tilespmem:s15], [sflag:$0xD] =	stream.linear.gather [hbm4b:s14+s13], $0x800, $0x38;
	[tilespmem:$0x1EF00] =	vst v63  }
0x27: {  	_ =	swait.ge [sflag:s20], $0x800  }
0x28: {  	[sflag:s20] =	ssyncset.done $0x0  }
0x29: {  	[sflag:s20] =	ssyncadd.s32 $0xFFFFF800  }
0x2a: {  	[tilespmem:s23], [sflag:$0x1] =	stream.strided.gather [hbm4b:s3+s21], $0x4E80, s22, s21, $0x38;
	[tilespmem:$0x1EF00] =	vst v63  }
0x2b: {  	s11 =	rddreg [dreg:$0x8]  }
0x2c: {  	[tilespmem:s24], [sflag:$0x2] =	stream.strided.gather [hbm4b:s11+s21], $0x4E80, s22, s21, $0x38;
	[tilespmem:$0x1EF00] =	vst v63  }
0x2d: {  	s12 =	rddreg [dreg:$0x9]  }
0x2e: {  	[tilespmem:s25], [sflag:$0x3] =	stream.strided.gather [hbm4b:s12+s21], $0x4E80, s22, s21, $0x38;
	[tilespmem:$0x1EF00] =	vst v63  }
0x2f: {  	s13 =	rddreg [dreg:$0xa]  }
0x30: {  	[tilespmem:s26], [sflag:$0x4] =	stream.strided.gather [hbm4b:s13+s21], $0x4E80, s22, s21, $0x38;
	[tilespmem:$0x1EF00] =	vst v63  }
0x31: {  	s14 =	rddreg [dreg:$0xb]  }
0x32: {  	[tilespmem:s28], [sflag:$0x5] =	stream.strided.gather [hbm4b:s14+s21], $0x4E80, s22, s21, $0x38;
	[tilespmem:$0x1EF00] =	vst v63  }
0x33: {  	_ =	swait.ge [sflag:s29], $0x4E80  }
0x34: {  	[sflag:s29] =	ssyncset.done $0x0  }
0x35: {  	[sflag:s29] =	ssyncadd.s32 $0xFFFFB180  }
0x36: {  	v0 =	vld [tilespmem:$0x0];
	_ =	sdelay $0x3  }
0x37: {  	v1 =	vld [tilespmem:$0x800];
	_ =	sdelay $0x2  }
0x38: {  	v4 =	vld [tilespmem:$0x1000]  }
0x39: {  	v2 =	vld.idx.msk [tilespmem:v0+s23+$0x0], $0xffff  }
0x3a: {  	v3 =	vld [tilespmem:$0x10];
	v1 =	vmul.f32 $5.000000000e-01, v1;
	_ =	sdelay $0x1  }
0x3b: {  	v1 =	vsub.f32 $1.000000000e+00, v1;
	_ =	sdelay $0x1  }
0x3c: {  	v56 =	vmul.f32 $5.000000000e-01, v4;
	v1 =	vmul.f32 v1, v2;
	_ =	sdelay $0x1  }
0x3d: {  	v1 =	vadd.f32 v1, v56;
	_ =	sdelay $0x1  }
0x3e: {  	v57 =	vld.idx.msk [tilespmem:v3+s23+$0x0], $0xffff;
	[tilespmem:v0+s23+$0x0] =	vst.idx.msk $0xffff, v1  }
0x3f: {  	v0 =	vld [tilespmem:$0x810];
	_ =	sdelay $0x3  }
0x40: {  	v1 =	vld [tilespmem:$0x1010]  }
0x41: {  	v58 =	vld [tilespmem:$0x10];
	v0 =	vmul.f32 $5.000000000e-01, v0;
	_ =	sdelay $0x1  }
0x42: {  	v0 =	vsub.f32 $1.000000000e+00, v0;
	_ =	sdelay $0x1  }
0x43: {  	v1 =	vmul.f32 $5.000000000e-01, v1;
	v0 =	vmul.f32 v0, v57;
	_ =	sdelay $0x1  }
0x44: {  	v0 =	vadd.f32 v0, v1;
	_ =	sdelay $0x1  }
0x45: {  	[tilespmem:v58+s23+$0x0] =	vst.idx.msk $0xffff, v0  }
0x46: {  	[hbm4b:s3+s21] =	stream.strided.scatter [tilespmem:s23], [sflag:$0x7], $0x4E80, s22, s21, $0x38;
	[tilespmem:$0x1EF00] =	vst v63  }
0x47: {  	s15 =	rddreg [dreg:$0xc]  }
0x48: {  	[tilespmem:s30], [sflag:$0x6] =	stream.strided.gather [hbm4b:s15+s21], $0x4E80, s22, s21, $0x38;
	[tilespmem:$0x1EF00] =	vst v63  }
0x49: {  	_ =	swait.ge [sflag:s31], $0x4E80  }
0x4a: {  	[sflag:s31] =	ssyncset.done $0x0  }
0x4b: {  	[sflag:s31] =	ssyncadd.s32 $0xFFFFB180  }
0x4c: {  	v59 =	vld [tilespmem:$0x80];
	_ =	sdelay $0x3  }
0x4d: {  	v60 =	vld [tilespmem:$0x880];
	_ =	sdelay $0x2  }
0x4e: {  	v63 =	vld [tilespmem:$0x1080]  }
0x4f: {  	v61 =	vld.idx.msk [tilespmem:v59+s24+$0x0], $0xffff  }
0x50: {  	v62 =	vld [tilespmem:$0x90];
	v1 =	vmul.f32 $5.000000000e-01, v60;
	_ =	sdelay $0x1  }
0x51: {  	v1 =	vsub.f32 $1.000000000e+00, v1;
	_ =	sdelay $0x1  }
0x52: {  	v8 =	vmul.f32 $5.000000000e-01, v63;
	v1 =	vmul.f32 v1, v61;
	_ =	sdelay $0x1  }
0x53: {  	v1 =	vadd.f32 v1, v8;
	_ =	sdelay $0x1  }
0x54: {  	v9 =	vld.idx.msk [tilespmem:v62+s24+$0x0], $0xffff;
	[tilespmem:v59+s24+$0x0] =	vst.idx.msk $0xffff, v1  }
0x55: {  	v0 =	vld [tilespmem:$0x890];
	_ =	sdelay $0x3  }
0x56: {  	v1 =	vld [tilespmem:$0x1090]  }
0x57: {  	v10 =	vld [tilespmem:$0x90];
	v0 =	vmul.f32 $5.000000000e-01, v0;
	_ =	sdelay $0x1  }
0x58: {  	v0 =	vsub.f32 $1.000000000e+00, v0;
	_ =	sdelay $0x1  }
0x59: {  	v1 =	vmul.f32 $5.000000000e-01, v1;
	v0 =	vmul.f32 v0, v9;
	_ =	sdelay $0x1  }
0x5a: {  	v0 =	vadd.f32 v0, v1;
	_ =	sdelay $0x1  }
0x5b: {  	[tilespmem:v10+s24+$0x0] =	vst.idx.msk $0xffff, v0  }
0x5c: {  	[hbm4b:s11+s21] =	stream.strided.scatter [tilespmem:s24], [sflag:$0x8], $0x4E80, s22, s21, $0x38;
	[tilespmem:$0x1EF00] =	vst v63  }
0x5d: {  	_ =	swait.ge [sflag:s1], $0x4E80  }
0x5e: {  	[sflag:s1] =	ssyncset.done $0x0  }
0x5f: {  	s11 =	rddreg [dreg:$0xd];
	[sflag:s1] =	ssyncadd.s32 $0xFFFFB180  }
0x60: {  	[tilespmem:s23], [sflag:$0x1] =	stream.strided.gather [hbm4b:s11+s21], $0x4E80, s22, s21, $0x38;
	[tilespmem:$0x1EF00] =	vst v63  }
0x61: {  	_ =	swait.ge [sflag:s0], $0x4E80  }
0x62: {  	[sflag:s0] =	ssyncset.done $0x0  }
0x63: {  	[sflag:s0] =	ssyncadd.s32 $0xFFFFB180  }
0x64: {  	v11 =	vld [tilespmem:$0x100];
	_ =	sdelay $0x3  }
0x65: {  	v12 =	vld [tilespmem:$0x900];
	_ =	sdelay $0x2  }
0x66: {  	v15 =	vld [tilespmem:$0x1100]  }
0x67: {  	v13 =	vld.idx.msk [tilespmem:v11+s25+$0x0], $0xffff  }
0x68: {  	v14 =	vld [tilespmem:$0x110];
	v1 =	vmul.f32 $5.000000000e-01, v12;
	_ =	sdelay $0x1  }
0x69: {  	v1 =	vsub.f32 $1.000000000e+00, v1;
	_ =	sdelay $0x1  }
0x6a: {  	v16 =	vmul.f32 $5.000000000e-01, v15;
	v1 =	vmul.f32 v1, v13;
	_ =	sdelay $0x1  }
0x6b: {  	v1 =	vadd.f32 v1, v16;
	_ =	sdelay $0x1  }
0x6c: {  	v17 =	vld.idx.msk [tilespmem:v14+s25+$0x0], $0xffff;
	[tilespmem:v11+s25+$0x0] =	vst.idx.msk $0xffff, v1  }
0x6d: {  	v0 =	vld [tilespmem:$0x910];
	_ =	sdelay $0x3  }
0x6e: {  	v1 =	vld [tilespmem:$0x1110]  }
0x6f: {  	v18 =	vld [tilespmem:$0x110];
	v0 =	vmul.f32 $5.000000000e-01, v0;
	_ =	sdelay $0x1  }
0x70: {  	v0 =	vsub.f32 $1.000000000e+00, v0;
	_ =	sdelay $0x1  }
0x71: {  	v1 =	vmul.f32 $5.000000000e-01, v1;
	v0 =	vmul.f32 v0, v17;
	_ =	sdelay $0x1  }
0x72: {  	v0 =	vadd.f32 v0, v1;
	_ =	sdelay $0x1  }
0x73: {  	[tilespmem:v18+s25+$0x0] =	vst.idx.msk $0xffff, v0  }
0x74: {  	[hbm4b:s12+s21] =	stream.strided.scatter [tilespmem:s25], [sflag:$0x9], $0x4E80, s22, s21, $0x38;
	[tilespmem:$0x1EF00] =	vst v63  }
0x75: {  	_ =	swait.ge [sflag:s2], $0x4E80  }
0x76: {  	[sflag:s2] =	ssyncset.done $0x0  }
0x77: {  	s12 =	rddreg [dreg:$0xe];
	[sflag:s2] =	ssyncadd.s32 $0xFFFFB180  }
0x78: {  	[tilespmem:s24], [sflag:$0x2] =	stream.strided.gather [hbm4b:s12+s21], $0x4E80, s22, s21, $0x38;
	[tilespmem:$0x1EF00] =	vst v63  }
0x79: {  	_ =	swait.ge [sflag:s4], $0x4E80  }
0x7a: {  	[sflag:s4] =	ssyncset.done $0x0  }
0x7b: {  	[sflag:s4] =	ssyncadd.s32 $0xFFFFB180  }
0x7c: {  	v19 =	vld [tilespmem:$0x180];
	_ =	sdelay $0x3  }
0x7d: {  	v20 =	vld [tilespmem:$0x980];
	_ =	sdelay $0x2  }
0x7e: {  	v23 =	vld [tilespmem:$0x1180]  }
0x7f: {  	v21 =	vld.idx.msk [tilespmem:v19+s26+$0x0], $0xffff  }
0x80: {  	v22 =	vld [tilespmem:$0x190];
	v1 =	vmul.f32 $5.000000000e-01, v20;
	_ =	sdelay $0x1  }
0x81: {  	v1 =	vsub.f32 $1.000000000e+00, v1;
	_ =	sdelay $0x1  }
0x82: {  	v24 =	vmul.f32 $5.000000000e-01, v23;
	v1 =	vmul.f32 v1, v21;
	_ =	sdelay $0x1  }
0x83: {  	v1 =	vadd.f32 v1, v24;
	_ =	sdelay $0x1  }
0x84: {  	v25 =	vld.idx.msk [tilespmem:v22+s26+$0x0], $0xffff;
	[tilespmem:v19+s26+$0x0] =	vst.idx.msk $0xffff, v1  }
0x85: {  	v0 =	vld [tilespmem:$0x990];
	_ =	sdelay $0x3  }
0x86: {  	v1 =	vld [tilespmem:$0x1190]  }
0x87: {  	v26 =	vld [tilespmem:$0x190];
	v0 =	vmul.f32 $5.000000000e-01, v0;
	_ =	sdelay $0x1  }
0x88: {  	v0 =	vsub.f32 $1.000000000e+00, v0;
	_ =	sdelay $0x1  }
0x89: {  	v1 =	vmul.f32 $5.000000000e-01, v1;
	v0 =	vmul.f32 v0, v25;
	_ =	sdelay $0x1  }
0x8a: {  	v0 =	vadd.f32 v0, v1;
	_ =	sdelay $0x1  }
0x8b: {  	[tilespmem:v26+s26+$0x0] =	vst.idx.msk $0xffff, v0  }
0x8c: {  	[hbm4b:s13+s21] =	stream.strided.scatter [tilespmem:s26], [sflag:$0xA], $0x4E80, s22, s21, $0x38;
	[tilespmem:$0x1EF00] =	vst v63  }
0x8d: {  	_ =	swait.ge [sflag:s5], $0x4E80  }
0x8e: {  	[sflag:s5] =	ssyncset.done $0x0  }
0x8f: {  	s13 =	rddreg [dreg:$0xf];
	[sflag:s5] =	ssyncadd.s32 $0xFFFFB180  }
0x90: {  	[tilespmem:s25], [sflag:$0x3] =	stream.strided.gather [hbm4b:s13+s21], $0x4E80, s22, s21, $0x38;
	[tilespmem:$0x1EF00] =	vst v63  }
0x91: {  	_ =	swait.ge [sflag:s6], $0x4E80  }
0x92: {  	[sflag:s6] =	ssyncset.done $0x0  }
0x93: {  	[sflag:s6] =	ssyncadd.s32 $0xFFFFB180  }
0x94: {  	v27 =	vld [tilespmem:$0x200];
	_ =	sdelay $0x3  }
0x95: {  	v28 =	vld [tilespmem:$0xA00];
	_ =	sdelay $0x2  }
0x96: {  	v31 =	vld [tilespmem:$0x1200]  }
0x97: {  	v29 =	vld.idx.msk [tilespmem:v27+s28+$0x0], $0xffff  }
0x98: {  	v30 =	vld [tilespmem:$0x210];
	v1 =	vmul.f32 $5.000000000e-01, v28;
	_ =	sdelay $0x1  }
0x99: {  	v1 =	vsub.f32 $1.000000000e+00, v1;
	_ =	sdelay $0x1  }
0x9a: {  	v32 =	vmul.f32 $5.000000000e-01, v31;
	v1 =	vmul.f32 v1, v29;
	_ =	sdelay $0x1  }
0x9b: {  	v1 =	vadd.f32 v1, v32;
	_ =	sdelay $0x1  }
0x9c: {  	v33 =	vld.idx.msk [tilespmem:v30+s28+$0x0], $0xffff;
	[tilespmem:v27+s28+$0x0] =	vst.idx.msk $0xffff, v1  }
0x9d: {  	v0 =	vld [tilespmem:$0xA10];
	_ =	sdelay $0x3  }
0x9e: {  	v1 =	vld [tilespmem:$0x1210]  }
0x9f: {  	v34 =	vld [tilespmem:$0x210];
	v0 =	vmul.f32 $5.000000000e-01, v0;
	_ =	sdelay $0x1  }
0xa0: {  	v0 =	vsub.f32 $1.000000000e+00, v0;
	_ =	sdelay $0x1  }
0xa1: {  	v1 =	vmul.f32 $5.000000000e-01, v1;
	v0 =	vmul.f32 v0, v33;
	_ =	sdelay $0x1  }
0xa2: {  	v0 =	vadd.f32 v0, v1;
	_ =	sdelay $0x1  }
0xa3: {  	[tilespmem:v34+s28+$0x0] =	vst.idx.msk $0xffff, v0  }
0xa4: {  	[hbm4b:s14+s21] =	stream.strided.scatter [tilespmem:s28], [sflag:$0xB], $0x4E80, s22, s21, $0x38;
	[tilespmem:$0x1EF00] =	vst v63  }
0xa5: {  	_ =	swait.ge [sflag:s7], $0x4E80  }
0xa6: {  	[sflag:s7] =	ssyncset.done $0x0  }
0xa7: {  	s14 =	rddreg [dreg:$0x10];
	[sflag:s7] =	ssyncadd.s32 $0xFFFFB180  }
0xa8: {  	[tilespmem:s26], [sflag:$0x4] =	stream.strided.gather [hbm4b:s14+s21], $0x4E80, s22, s21, $0x38;
	[tilespmem:$0x1EF00] =	vst v63  }
0xa9: {  	_ =	swait.ge [sflag:s8], $0x4E80  }
0xaa: {  	[sflag:s8] =	ssyncset.done $0x0  }
0xab: {  	[sflag:s8] =	ssyncadd.s32 $0xFFFFB180  }
0xac: {  	v35 =	vld [tilespmem:$0x280];
	_ =	sdelay $0x3  }
0xad: {  	v36 =	vld [tilespmem:$0xA80];
	_ =	sdelay $0x2  }
0xae: {  	v39 =	vld [tilespmem:$0x1280]  }
0xaf: {  	v37 =	vld.idx.msk [tilespmem:v35+s30+$0x0], $0xffff  }
0xb0: {  	v38 =	vld [tilespmem:$0x290];
	v1 =	vmul.f32 $5.000000000e-01, v36;
	_ =	sdelay $0x1  }
0xb1: {  	v1 =	vsub.f32 $1.000000000e+00, v1;
	_ =	sdelay $0x1  }
0xb2: {  	v40 =	vmul.f32 $5.000000000e-01, v39;
	v1 =	vmul.f32 v1, v37;
	_ =	sdelay $0x1  }
0xb3: {  	v1 =	vadd.f32 v1, v40;
	_ =	sdelay $0x1  }
0xb4: {  	v41 =	vld.idx.msk [tilespmem:v38+s30+$0x0], $0xffff;
	[tilespmem:v35+s30+$0x0] =	vst.idx.msk $0xffff, v1  }
0xb5: {  	v0 =	vld [tilespmem:$0xA90];
	_ =	sdelay $0x3  }
0xb6: {  	v1 =	vld [tilespmem:$0x1290]  }
0xb7: {  	v42 =	vld [tilespmem:$0x290];
	v0 =	vmul.f32 $5.000000000e-01, v0;
	_ =	sdelay $0x1  }
0xb8: {  	v0 =	vsub.f32 $1.000000000e+00, v0;
	_ =	sdelay $0x1  }
0xb9: {  	v1 =	vmul.f32 $5.000000000e-01, v1;
	v0 =	vmul.f32 v0, v41;
	_ =	sdelay $0x1  }
0xba: {  	v0 =	vadd.f32 v0, v1;
	_ =	sdelay $0x1  }
0xbb: {  	[tilespmem:v42+s30+$0x0] =	vst.idx.msk $0xffff, v0  }
0xbc: {  	[hbm4b:s15+s21] =	stream.strided.scatter [tilespmem:s30], [sflag:$0xC], $0x4E80, s22, s21, $0x38;
	[tilespmem:$0x1EF00] =	vst v63  }
0xbd: {  	_ =	swait.ge [sflag:s9], $0x4E80  }
0xbe: {  	[sflag:s9] =	ssyncset.done $0x0  }
0xbf: {  	s15 =	rddreg [dreg:$0x11];
	[sflag:s9] =	ssyncadd.s32 $0xFFFFB180  }
0xc0: {  	[tilespmem:s28], [sflag:$0x5] =	stream.strided.gather [hbm4b:s15+s21], $0x4E80, s22, s21, $0x38;
	[tilespmem:$0x1EF00] =	vst v63  }
0xc1: {  	_ =	swait.ge [sflag:s29], $0x4E80  }
0xc2: {  	[sflag:s29] =	ssyncset.done $0x0  }
0xc3: {  	[sflag:s29] =	ssyncadd.s32 $0xFFFFB180  }
0xc4: {  	v43 =	vld [tilespmem:$0x300];
	_ =	sdelay $0x3  }
0xc5: {  	v44 =	vld [tilespmem:$0xB00];
	_ =	sdelay $0x2  }
0xc6: {  	v47 =	vld [tilespmem:$0x1300]  }
0xc7: {  	v45 =	vld.idx.msk [tilespmem:v43+s23+$0x0], $0xffff  }
0xc8: {  	v46 =	vld [tilespmem:$0x310];
	v1 =	vmul.f32 $5.000000000e-01, v44;
	_ =	sdelay $0x1  }
0xc9: {  	v1 =	vsub.f32 $1.000000000e+00, v1;
	_ =	sdelay $0x1  }
0xca: {  	v48 =	vmul.f32 $5.000000000e-01, v47;
	v1 =	vmul.f32 v1, v45;
	_ =	sdelay $0x1  }
0xcb: {  	v1 =	vadd.f32 v1, v48;
	_ =	sdelay $0x1  }
0xcc: {  	v49 =	vld.idx.msk [tilespmem:v46+s23+$0x0], $0xffff;
	[tilespmem:v43+s23+$0x0] =	vst.idx.msk $0xffff, v1  }
0xcd: {  	v0 =	vld [tilespmem:$0xB10];
	_ =	sdelay $0x3  }
0xce: {  	v1 =	vld [tilespmem:$0x1310]  }
0xcf: {  	v50 =	vld [tilespmem:$0x310];
	v0 =	vmul.f32 $5.000000000e-01, v0;
	_ =	sdelay $0x1  }
0xd0: {  	v0 =	vsub.f32 $1.000000000e+00, v0;
	_ =	sdelay $0x1  }
0xd1: {  	v1 =	vmul.f32 $5.000000000e-01, v1;
	v0 =	vmul.f32 v0, v49;
	_ =	sdelay $0x1  }
0xd2: {  	v0 =	vadd.f32 v0, v1;
	_ =	sdelay $0x1  }
0xd3: {  	[tilespmem:v50+s23+$0x0] =	vst.idx.msk $0xffff, v0  }
0xd4: {  	[hbm4b:s11+s21] =	stream.strided.scatter [tilespmem:s23], [sflag:$0x7], $0x4E80, s22, s21, $0x38;
	[tilespmem:$0x1EF00] =	vst v63  }
0xd5: {  	_ =	swait.ge [sflag:s10], $0x4E80  }
0xd6: {  	[sflag:s10] =	ssyncset.done $0x0  }
0xd7: {  	s11 =	rddreg [dreg:$0x12];
	[sflag:s10] =	ssyncadd.s32 $0xFFFFB180  }
0xd8: {  	[tilespmem:s30], [sflag:$0x6] =	stream.strided.gather [hbm4b:s11+s21], $0x4E80, s22, s21, $0x38;
	[tilespmem:$0x1EF00] =	vst v63  }
0xd9: {  	_ =	swait.ge [sflag:s31], $0x4E80  }
0xda: {  	[sflag:s31] =	ssyncset.done $0x0  }
0xdb: {  	[sflag:s31] =	ssyncadd.s32 $0xFFFFB180  }
0xdc: {  	v51 =	vld [tilespmem:$0x380];
	_ =	sdelay $0x3  }
0xdd: {  	v52 =	vld [tilespmem:$0xB80];
	_ =	sdelay $0x2  }
0xde: {  	v55 =	vld [tilespmem:$0x1380]  }
0xdf: {  	v53 =	vld.idx.msk [tilespmem:v51+s24+$0x0], $0xffff  }
0xe0: {  	v54 =	vld [tilespmem:$0x390];
	v1 =	vmul.f32 $5.000000000e-01, v52;
	_ =	sdelay $0x1  }
0xe1: {  	v1 =	vsub.f32 $1.000000000e+00, v1;
	_ =	sdelay $0x1  }
0xe2: {  	v56 =	vmul.f32 $5.000000000e-01, v55;
	v1 =	vmul.f32 v1, v53;
	_ =	sdelay $0x1  }
0xe3: {  	v1 =	vadd.f32 v1, v56;
	_ =	sdelay $0x1  }
0xe4: {  	v57 =	vld.idx.msk [tilespmem:v54+s24+$0x0], $0xffff;
	[tilespmem:v51+s24+$0x0] =	vst.idx.msk $0xffff, v1  }
0xe5: {  	v0 =	vld [tilespmem:$0xB90];
	_ =	sdelay $0x3  }
0xe6: {  	v1 =	vld [tilespmem:$0x1390]  }
0xe7: {  	v58 =	vld [tilespmem:$0x390];
	v0 =	vmul.f32 $5.000000000e-01, v0;
	_ =	sdelay $0x1  }
0xe8: {  	v0 =	vsub.f32 $1.000000000e+00, v0;
	_ =	sdelay $0x1  }
0xe9: {  	v1 =	vmul.f32 $5.000000000e-01, v1;
	v0 =	vmul.f32 v0, v57;
	_ =	sdelay $0x1  }
0xea: {  	v0 =	vadd.f32 v0, v1;
	_ =	sdelay $0x1  }
0xeb: {  	[tilespmem:v58+s24+$0x0] =	vst.idx.msk $0xffff, v0  }
0xec: {  	[hbm4b:s12+s21] =	stream.strided.scatter [tilespmem:s24], [sflag:$0x8], $0x4E80, s22, s21, $0x38;
	[tilespmem:$0x1EF00] =	vst v63  }
0xed: {  	_ =	swait.ge [sflag:s1], $0x4E80  }
0xee: {  	[sflag:s1] =	ssyncset.done $0x0  }
0xef: {  	s12 =	rddreg [dreg:$0x13];
	[sflag:s1] =	ssyncadd.s32 $0xFFFFB180  }
0xf0: {  	[tilespmem:s23], [sflag:$0x1] =	stream.strided.gather [hbm4b:s12+s21], $0x4E80, s22, s21, $0x38;
	[tilespmem:$0x1EF00] =	vst v63  }
0xf1: {  	_ =	swait.ge [sflag:s0], $0x4E80  }
0xf2: {  	[sflag:s0] =	ssyncset.done $0x0  }
0xf3: {  	[sflag:s0] =	ssyncadd.s32 $0xFFFFB180  }
0xf4: {  	v59 =	vld [tilespmem:$0x400];
	_ =	sdelay $0x3  }
0xf5: {  	v60 =	vld [tilespmem:$0xC00];
	_ =	sdelay $0x2  }
0xf6: {  	v63 =	vld [tilespmem:$0x1400]  }
0xf7: {  	v61 =	vld.idx.msk [tilespmem:v59+s25+$0x0], $0xffff  }
0xf8: {  	v62 =	vld [tilespmem:$0x410];
	v1 =	vmul.f32 $5.000000000e-01, v60;
	_ =	sdelay $0x1  }
0xf9: {  	v1 =	vsub.f32 $1.000000000e+00, v1;
	_ =	sdelay $0x1  }
0xfa: {  	v5 =	vmul.f32 $5.000000000e-01, v63;
	v1 =	vmul.f32 v1, v61;
	_ =	sdelay $0x1  }
0xfb: {  	v1 =	vadd.f32 v1, v5;
	_ =	sdelay $0x1  }
0xfc: {  	v6 =	vld.idx.msk [tilespmem:v62+s25+$0x0], $0xffff;
	[tilespmem:v59+s25+$0x0] =	vst.idx.msk $0xffff, v1  }
0xfd: {  	v0 =	vld [tilespmem:$0xC10];
	_ =	sdelay $0x3  }
0xfe: {  	v1 =	vld [tilespmem:$0x1410]  }
0xff: {  	v7 =	vld [tilespmem:$0x410];
	v0 =	vmul.f32 $5.000000000e-01, v0;
	_ =	sdelay $0x1  }
0x100: {  	v0 =	vsub.f32 $1.000000000e+00, v0;
	_ =	sdelay $0x1  }
0x101: {  	v1 =	vmul.f32 $5.000000000e-01, v1;
	v0 =	vmul.f32 v0, v6;
	_ =	sdelay $0x1  }
0x102: {  	v0 =	vadd.f32 v0, v1;
	_ =	sdelay $0x1  }
0x103: {  	[tilespmem:v7+s25+$0x0] =	vst.idx.msk $0xffff, v0  }
0x104: {  	[hbm4b:s13+s21] =	stream.strided.scatter [tilespmem:s25], [sflag:$0x9], $0x4E80, s22, s21, $0x38;
	[tilespmem:$0x1EF00] =	vst v63  }
0x105: {  	_ =	swait.ge [sflag:s2], $0x4E80  }
0x106: {  	[sflag:s2] =	ssyncset.done $0x0  }
0x107: {  	[sflag:s2] =	ssyncadd.s32 $0xFFFFB180  }
0x108: {  	[tilespmem:s24], [sflag:$0x2] =	stream.strided.gather [hbm4b:s16+s21], $0x4E80, s22, s21, $0x38;
	[tilespmem:$0x1EF00] =	vst v63  }
0x109: {  	_ =	swait.ge [sflag:s4], $0x4E80  }
0x10a: {  	[sflag:s4] =	ssyncset.done $0x0  }
0x10b: {  	[sflag:s4] =	ssyncadd.s32 $0xFFFFB180  }
0x10c: {  	v8 =	vld [tilespmem:$0x480];
	_ =	sdelay $0x3  }
0x10d: {  	v9 =	vld [tilespmem:$0xC80];
	_ =	sdelay $0x2  }
0x10e: {  	v12 =	vld [tilespmem:$0x1480]  }
0x10f: {  	v10 =	vld.idx.msk [tilespmem:v8+s26+$0x0], $0xffff  }
0x110: {  	v11 =	vld [tilespmem:$0x490];
	v1 =	vmul.f32 $5.000000000e-01, v9;
	_ =	sdelay $0x1  }
0x111: {  	v1 =	vsub.f32 $1.000000000e+00, v1;
	_ =	sdelay $0x1  }
0x112: {  	v13 =	vmul.f32 $5.000000000e-01, v12;
	v1 =	vmul.f32 v1, v10;
	_ =	sdelay $0x1  }
0x113: {  	v1 =	vadd.f32 v1, v13;
	_ =	sdelay $0x1  }
0x114: {  	v14 =	vld.idx.msk [tilespmem:v11+s26+$0x0], $0xffff;
	[tilespmem:v8+s26+$0x0] =	vst.idx.msk $0xffff, v1  }
0x115: {  	v0 =	vld [tilespmem:$0xC90];
	_ =	sdelay $0x3  }
0x116: {  	v1 =	vld [tilespmem:$0x1490]  }
0x117: {  	v15 =	vld [tilespmem:$0x490];
	v0 =	vmul.f32 $5.000000000e-01, v0;
	_ =	sdelay $0x1  }
0x118: {  	v0 =	vsub.f32 $1.000000000e+00, v0;
	_ =	sdelay $0x1  }
0x119: {  	v1 =	vmul.f32 $5.000000000e-01, v1;
	v0 =	vmul.f32 v0, v14;
	_ =	sdelay $0x1  }
0x11a: {  	v0 =	vadd.f32 v0, v1;
	_ =	sdelay $0x1  }
0x11b: {  	[tilespmem:v15+s26+$0x0] =	vst.idx.msk $0xffff, v0  }
0x11c: {  	[hbm4b:s14+s21] =	stream.strided.scatter [tilespmem:s26], [sflag:$0xA], $0x4E80, s22, s21, $0x38;
	[tilespmem:$0x1EF00] =	vst v63  }
0x11d: {  	_ =	swait.ge [sflag:s5], $0x4E80  }
0x11e: {  	[sflag:s5] =	ssyncset.done $0x0  }
0x11f: {  	[sflag:s5] =	ssyncadd.s32 $0xFFFFB180  }
0x120: {  	[tilespmem:s25], [sflag:$0x3] =	stream.strided.gather [hbm4b:s17+s21], $0x4E80, s22, s21, $0x38;
	[tilespmem:$0x1EF00] =	vst v63  }
0x121: {  	_ =	swait.ge [sflag:s6], $0x4E80  }
0x122: {  	[sflag:s6] =	ssyncset.done $0x0  }
0x123: {  	[sflag:s6] =	ssyncadd.s32 $0xFFFFB180  }
0x124: {  	v16 =	vld [tilespmem:$0x500];
	_ =	sdelay $0x3  }
0x125: {  	v17 =	vld [tilespmem:$0xD00];
	_ =	sdelay $0x2  }
0x126: {  	v20 =	vld [tilespmem:$0x1500]  }
0x127: {  	v18 =	vld.idx.msk [tilespmem:v16+s28+$0x0], $0xffff  }
0x128: {  	v19 =	vld [tilespmem:$0x510];
	v1 =	vmul.f32 $5.000000000e-01, v17;
	_ =	sdelay $0x1  }
0x129: {  	v1 =	vsub.f32 $1.000000000e+00, v1;
	_ =	sdelay $0x1  }
0x12a: {  	v21 =	vmul.f32 $5.000000000e-01, v20;
	v1 =	vmul.f32 v1, v18;
	_ =	sdelay $0x1  }
0x12b: {  	v1 =	vadd.f32 v1, v21;
	_ =	sdelay $0x1  }
0x12c: {  	v22 =	vld.idx.msk [tilespmem:v19+s28+$0x0], $0xffff;
	[tilespmem:v16+s28+$0x0] =	vst.idx.msk $0xffff, v1  }
0x12d: {  	v0 =	vld [tilespmem:$0xD10];
	_ =	sdelay $0x3  }
0x12e: {  	v1 =	vld [tilespmem:$0x1510]  }
0x12f: {  	v23 =	vld [tilespmem:$0x510];
	v0 =	vmul.f32 $5.000000000e-01, v0;
	_ =	sdelay $0x1  }
0x130: {  	v0 =	vsub.f32 $1.000000000e+00, v0;
	_ =	sdelay $0x1  }
0x131: {  	v1 =	vmul.f32 $5.000000000e-01, v1;
	v0 =	vmul.f32 v0, v22;
	_ =	sdelay $0x1  }
0x132: {  	v0 =	vadd.f32 v0, v1;
	_ =	sdelay $0x1  }
0x133: {  	[tilespmem:v23+s28+$0x0] =	vst.idx.msk $0xffff, v0  }
0x134: {  	[hbm4b:s15+s21] =	stream.strided.scatter [tilespmem:s28], [sflag:$0xB], $0x4E80, s22, s21, $0x38;
	[tilespmem:$0x1EF00] =	vst v63  }
0x135: {  	_ =	swait.ge [sflag:s7], $0x4E80  }
0x136: {  	[sflag:s7] =	ssyncset.done $0x0  }
0x137: {  	[sflag:s7] =	ssyncadd.s32 $0xFFFFB180  }
0x138: {  	[tilespmem:s26], [sflag:$0x4] =	stream.strided.gather [hbm4b:s18+s21], $0x4E80, s22, s21, $0x38;
	[tilespmem:$0x1EF00] =	vst v63  }
0x139: {  	_ =	swait.ge [sflag:s8], $0x4E80  }
0x13a: {  	[sflag:s8] =	ssyncset.done $0x0  }
0x13b: {  	[sflag:s8] =	ssyncadd.s32 $0xFFFFB180  }
0x13c: {  	v24 =	vld [tilespmem:$0x580];
	_ =	sdelay $0x3  }
0x13d: {  	v25 =	vld [tilespmem:$0xD80];
	_ =	sdelay $0x2  }
0x13e: {  	v28 =	vld [tilespmem:$0x1580]  }
0x13f: {  	v26 =	vld.idx.msk [tilespmem:v24+s30+$0x0], $0xffff  }
0x140: {  	v27 =	vld [tilespmem:$0x590];
	v1 =	vmul.f32 $5.000000000e-01, v25;
	_ =	sdelay $0x1  }
0x141: {  	v1 =	vsub.f32 $1.000000000e+00, v1;
	_ =	sdelay $0x1  }
0x142: {  	v29 =	vmul.f32 $5.000000000e-01, v28;
	v1 =	vmul.f32 v1, v26;
	_ =	sdelay $0x1  }
0x143: {  	v1 =	vadd.f32 v1, v29;
	_ =	sdelay $0x1  }
0x144: {  	v30 =	vld.idx.msk [tilespmem:v27+s30+$0x0], $0xffff;
	[tilespmem:v24+s30+$0x0] =	vst.idx.msk $0xffff, v1  }
0x145: {  	v0 =	vld [tilespmem:$0xD90];
	_ =	sdelay $0x3  }
0x146: {  	v1 =	vld [tilespmem:$0x1590]  }
0x147: {  	v31 =	vld [tilespmem:$0x590];
	v0 =	vmul.f32 $5.000000000e-01, v0;
	_ =	sdelay $0x1  }
0x148: {  	v0 =	vsub.f32 $1.000000000e+00, v0;
	_ =	sdelay $0x1  }
0x149: {  	v1 =	vmul.f32 $5.000000000e-01, v1;
	v0 =	vmul.f32 v0, v30;
	_ =	sdelay $0x1  }
0x14a: {  	v0 =	vadd.f32 v0, v1;
	_ =	sdelay $0x1  }
0x14b: {  	[tilespmem:v31+s30+$0x0] =	vst.idx.msk $0xffff, v0  }
0x14c: {  	[hbm4b:s11+s21] =	stream.strided.scatter [tilespmem:s30], [sflag:$0xC], $0x4E80, s22, s21, $0x38;
	[tilespmem:$0x1EF00] =	vst v63  }
0x14d: {  	_ =	swait.ge [sflag:s29], $0x4E80  }
0x14e: {  	[sflag:s29] =	ssyncset.done $0x0  }
0x14f: {  	[sflag:s29] =	ssyncadd.s32 $0xFFFFB180  }
0x150: {  	v32 =	vld [tilespmem:$0x600];
	_ =	sdelay $0x3  }
0x151: {  	v33 =	vld [tilespmem:$0xE00];
	_ =	sdelay $0x2  }
0x152: {  	v36 =	vld [tilespmem:$0x1600]  }
0x153: {  	v34 =	vld.idx.msk [tilespmem:v32+s23+$0x0], $0xffff  }
0x154: {  	v35 =	vld [tilespmem:$0x610];
	v1 =	vmul.f32 $5.000000000e-01, v33;
	_ =	sdelay $0x1  }
0x155: {  	v1 =	vsub.f32 $1.000000000e+00, v1;
	_ =	sdelay $0x1  }
0x156: {  	v37 =	vmul.f32 $5.000000000e-01, v36;
	v1 =	vmul.f32 v1, v34;
	_ =	sdelay $0x1  }
0x157: {  	v1 =	vadd.f32 v1, v37;
	_ =	sdelay $0x1  }
0x158: {  	v38 =	vld.idx.msk [tilespmem:v35+s23+$0x0], $0xffff;
	[tilespmem:v32+s23+$0x0] =	vst.idx.msk $0xffff, v1  }
0x159: {  	v0 =	vld [tilespmem:$0xE10];
	_ =	sdelay $0x3  }
0x15a: {  	v1 =	vld [tilespmem:$0x1610]  }
0x15b: {  	v39 =	vld [tilespmem:$0x610];
	v0 =	vmul.f32 $5.000000000e-01, v0;
	_ =	sdelay $0x1  }
0x15c: {  	v0 =	vsub.f32 $1.000000000e+00, v0;
	_ =	sdelay $0x1  }
0x15d: {  	v1 =	vmul.f32 $5.000000000e-01, v1;
	v0 =	vmul.f32 v0, v38;
	_ =	sdelay $0x1  }
0x15e: {  	v0 =	vadd.f32 v0, v1;
	_ =	sdelay $0x1  }
0x15f: {  	[tilespmem:v39+s23+$0x0] =	vst.idx.msk $0xffff, v0  }
0x160: {  	[hbm4b:s12+s21] =	stream.strided.scatter [tilespmem:s23], [sflag:$0x7], $0x4E80, s22, s21, $0x38;
	[tilespmem:$0x1EF00] =	vst v63  }
0x161: {  	_ =	swait.ge [sflag:s31], $0x4E80  }
0x162: {  	[sflag:s31] =	ssyncset.done $0x0  }
0x163: {  	[sflag:s31] =	ssyncadd.s32 $0xFFFFB180  }
0x164: {  	v40 =	vld [tilespmem:$0x680];
	_ =	sdelay $0x3  }
0x165: {  	v41 =	vld [tilespmem:$0xE80];
	_ =	sdelay $0x2  }
0x166: {  	v44 =	vld [tilespmem:$0x1680]  }
0x167: {  	v42 =	vld.idx.msk [tilespmem:v40+s24+$0x0], $0xffff  }
0x168: {  	v43 =	vld [tilespmem:$0x690];
	v1 =	vmul.f32 $5.000000000e-01, v41;
	_ =	sdelay $0x1  }
0x169: {  	v1 =	vsub.f32 $1.000000000e+00, v1;
	_ =	sdelay $0x1  }
0x16a: {  	v45 =	vmul.f32 $5.000000000e-01, v44;
	v1 =	vmul.f32 v1, v42;
	_ =	sdelay $0x1  }
0x16b: {  	v1 =	vadd.f32 v1, v45;
	_ =	sdelay $0x1  }
0x16c: {  	v46 =	vld.idx.msk [tilespmem:v43+s24+$0x0], $0xffff;
	[tilespmem:v40+s24+$0x0] =	vst.idx.msk $0xffff, v1  }
0x16d: {  	v0 =	vld [tilespmem:$0xE90];
	_ =	sdelay $0x3  }
0x16e: {  	v1 =	vld [tilespmem:$0x1690]  }
0x16f: {  	v47 =	vld [tilespmem:$0x690];
	v0 =	vmul.f32 $5.000000000e-01, v0;
	_ =	sdelay $0x1  }
0x170: {  	v0 =	vsub.f32 $1.000000000e+00, v0;
	_ =	sdelay $0x1  }
0x171: {  	v1 =	vmul.f32 $5.000000000e-01, v1;
	v0 =	vmul.f32 v0, v46;
	_ =	sdelay $0x1  }
0x172: {  	v0 =	vadd.f32 v0, v1;
	_ =	sdelay $0x1  }
0x173: {  	[tilespmem:v47+s24+$0x0] =	vst.idx.msk $0xffff, v0  }
0x174: {  	[hbm4b:s16+s21] =	stream.strided.scatter [tilespmem:s24], [sflag:$0x8], $0x4E80, s22, s21, $0x38;
	[tilespmem:$0x1EF00] =	vst v63  }
0x175: {  	_ =	swait.ge [sflag:s0], $0x4E80  }
0x176: {  	[sflag:s0] =	ssyncset.done $0x0  }
0x177: {  	[sflag:s0] =	ssyncadd.s32 $0xFFFFB180  }
0x178: {  	v48 =	vld [tilespmem:$0x700];
	_ =	sdelay $0x3  }
0x179: {  	v49 =	vld [tilespmem:$0xF00];
	_ =	sdelay $0x2  }
0x17a: {  	v52 =	vld [tilespmem:$0x1700]  }
0x17b: {  	v50 =	vld.idx.msk [tilespmem:v48+s25+$0x0], $0xffff  }
0x17c: {  	v51 =	vld [tilespmem:$0x710];
	v1 =	vmul.f32 $5.000000000e-01, v49;
	_ =	sdelay $0x1  }
0x17d: {  	v1 =	vsub.f32 $1.000000000e+00, v1;
	_ =	sdelay $0x1  }
0x17e: {  	v53 =	vmul.f32 $5.000000000e-01, v52;
	v1 =	vmul.f32 v1, v50;
	_ =	sdelay $0x1  }
0x17f: {  	v1 =	vadd.f32 v1, v53;
	_ =	sdelay $0x1  }
0x180: {  	v54 =	vld.idx.msk [tilespmem:v51+s25+$0x0], $0xffff;
	[tilespmem:v48+s25+$0x0] =	vst.idx.msk $0xffff, v1  }
0x181: {  	v0 =	vld [tilespmem:$0xF10];
	_ =	sdelay $0x3  }
0x182: {  	v1 =	vld [tilespmem:$0x1710]  }
0x183: {  	v55 =	vld [tilespmem:$0x710];
	v0 =	vmul.f32 $5.000000000e-01, v0;
	_ =	sdelay $0x1  }
0x184: {  	v0 =	vsub.f32 $1.000000000e+00, v0;
	_ =	sdelay $0x1  }
0x185: {  	v1 =	vmul.f32 $5.000000000e-01, v1;
	v0 =	vmul.f32 v0, v54;
	_ =	sdelay $0x1  }
0x186: {  	v0 =	vadd.f32 v0, v1;
	_ =	sdelay $0x1  }
0x187: {  	[tilespmem:v55+s25+$0x0] =	vst.idx.msk $0xffff, v0  }
0x188: {  	[hbm4b:s17+s21] =	stream.strided.scatter [tilespmem:s25], [sflag:$0x9], $0x4E80, s22, s21, $0x38;
	[tilespmem:$0x1EF00] =	vst v63  }
0x189: {  	_ =	swait.ge [sflag:s4], $0x4E80  }
0x18a: {  	[sflag:s4] =	ssyncset.done $0x0  }
0x18b: {  	[sflag:s4] =	ssyncadd.s32 $0xFFFFB180  }
0x18c: {  	v56 =	vld [tilespmem:$0x780];
	_ =	sdelay $0x3  }
0x18d: {  	v57 =	vld [tilespmem:$0xF80];
	_ =	sdelay $0x2  }
0x18e: {  	v60 =	vld [tilespmem:$0x1780]  }
0x18f: {  	v58 =	vld.idx.msk [tilespmem:v56+s26+$0x0], $0xffff  }
0x190: {  	v59 =	vld [tilespmem:$0x790];
	v1 =	vmul.f32 $5.000000000e-01, v57;
	_ =	sdelay $0x1  }
0x191: {  	v1 =	vsub.f32 $1.000000000e+00, v1;
	_ =	sdelay $0x1  }
0x192: {  	v61 =	vmul.f32 $5.000000000e-01, v60;
	v1 =	vmul.f32 v1, v58;
	_ =	sdelay $0x1  }
0x193: {  	v1 =	vadd.f32 v1, v61;
	_ =	sdelay $0x1  }
0x194: {  	v62 =	vld.idx.msk [tilespmem:v59+s26+$0x0], $0xffff;
	[tilespmem:v56+s26+$0x0] =	vst.idx.msk $0xffff, v1  }
0x195: {  	v0 =	vld [tilespmem:$0xF90];
	_ =	sdelay $0x3  }
0x196: {  	v1 =	vld [tilespmem:$0x1790]  }
0x197: {  	v63 =	vld [tilespmem:$0x790];
	v0 =	vmul.f32 $5.000000000e-01, v0;
	_ =	sdelay $0x1  }
0x198: {  	v0 =	vsub.f32 $1.000000000e+00, v0;
	_ =	sdelay $0x1  }
0x199: {  	v1 =	vmul.f32 $5.000000000e-01, v1;
	v0 =	vmul.f32 v0, v62;
	_ =	sdelay $0x1  }
0x19a: {  	v0 =	vadd.f32 v0, v1;
	_ =	sdelay $0x1  }
0x19b: {  	[tilespmem:v63+s26+$0x0] =	vst.idx.msk $0xffff, v0  }
0x19c: {  	[hbm4b:s18+s21] =	stream.strided.scatter [tilespmem:s26], [sflag:$0xA], $0x4E80, s22, s21, $0x38;
	[tilespmem:$0x1EF00] =	vst v63  }
0x19d: {  	_ =	swait.ge [sflag:s9], $0x4E80  }
0x19e: {  	[sflag:s9] =	ssyncset.done $0x0  }
0x19f: {  	[sflag:s9] =	ssyncadd.s32 $0xFFFFB180  }
0x1a0: {  	_ =	swait.ge [sflag:s10], $0x4E80  }
0x1a1: {  	[sflag:s10] =	ssyncset.done $0x0  }
0x1a2: {  	[sflag:s10] =	ssyncadd.s32 $0xFFFFB180  }
0x1a3: {  	_ =	swait.ge [sflag:s1], $0x4E80  }
0x1a4: {  	[sflag:s1] =	ssyncset.done $0x0  }
0x1a5: {  	[sflag:s1] =	ssyncadd.s32 $0xFFFFB180  }
0x1a6: {  	_ =	swait.ge [sflag:s2], $0x4E80  }
0x1a7: {  	[sflag:s2] =	ssyncset.done $0x0  }
0x1a8: {  	[sflag:s2] =	ssyncadd.s32 $0xFFFFB180  }
0x1a9: {  	p0 =	sne.s32 s19, $0x1;
	_ =	swait.ge [sflag:s5], $0x4E80  }
.Ltmp0:
0x1aa: {  	[sflag:s5] =	ssyncset.done $0x0;
	(pc) =	sbr.rel @p0 .LBB2_1-.Ltmp0, $4  }
0x1ab: {  	[sflag:s5] =	ssyncadd.s32 $0xFFFFB180  }
0x1ac: {  	_ =	swait.ge [sflag:s7], $0x4E80  }
0x1ad: {  	[sflag:s7] =	ssyncset.done $0x0  }
0x1ae: {  	s19 =	sadd.s32 $0xFFFFFFFF, s19;
	[sflag:s7] =	ssyncadd.s32 $0xFFFFB180  }
0x1af: {  	_ =	sfence.sel $0x180000  }
0x1b0: {  	[bflag:$0x0] =	sbarrier.arrive $0xFFFF  }
0x1b1: {  	_ =	strace $0x9000004A  }
0x1b2: {  	s0 =	stileid.u32;
	[bflag:$0x2] =	sbarrier.arrive $0xFFFF  }
0x1b3: {  	p0 =	sne.s32 s0, $0x0;
	s0 =	rddreg [dreg:$0x2]  }
0x1b4: {  	s0 =	sadd.s32 @!p0 $0x100000, s0  }
0x1b5: {  	[sflag:s0] =	ssyncadd.tile.s32 @!p0 $0x1;
	_ =	shalt  }
.Lfunc_end2:
_tile_overlayer_lowered:
.L_overlay_start_2:
0x1b6: {  	(tag) =	ssettag $0x2  }
0x1b7: {  	s0 =	rddreg [dreg:$0x0];
	s2 =	stileid.u32  }
0x1b8: {  	s1 =	rddreg [dreg:$0x1];
	p0 =	sne.s32 s2, $0x0  }
0x1b9: {  	s3 =	rddreg [dreg:$0x2];
	[bflag:$0x3] =	sbarrier.arrive $0xFFFF;
	s2 =	simm.s32 @!p0 $0x1C0D  }
0x1ba: {  	[timem:s3], [sflag:s2] =	dma.local @!p0 [hbm:s0], s1  }
0x1bb: {  	s0 =	simm.s32 @!p0 $0xD  }
0x1bc: {  	_ =	swait.ge @!p0 [sflag:s0], s1  }
0x1bd: {  	s1 =	ssub.s32 @!p0 $0x0, s1;
	[sflag:s0] =	ssyncset.done @!p0 $0x0  }
0x1be: {  	[sflag:s0] =	ssyncadd.s32 @!p0 s1  }
0x1bf: {  	[bflag:$0x3] =	sbarrier.arrive $0xFFFF  }
0x1c0: {  	_ =	shalt  }

</sc_bundles>
